<compile_context>
chip_gen: v7x
topology: tpu7x:2x2x1
jax: 0.10.2.dev20260603
libtpu: 0.0.44.dev20260713+nightly
codegen_flags: <defaults>
</compile_context>

<pallas_src>
import functools

import jax
import jax.numpy as jnp
from jax import lax
from jax.experimental import pallas as pl
from jax.experimental.pallas import tpu as pltpu
from jax.experimental.pallas import tpu_sc as plsc

N = 10000
E = 320000
D_IN = 128
D_E = 16
H = 64
C = 3
G = 64

NC = 2
NS = 16
NW = NC * NS
EPW = E // NW
CHUNK = 80
NCHUNK = EPW // CHUNK
NP = 10240
RPS = NP // NS

ROW_BLK = 1000
N_BLKS = N // ROW_BLK



NB = 5
AHEAD = 2


def _ring(phase_fn, drain_fn):
    for j in range(NB):
        phase_fn(j, j, j >= NB - AHEAD, True)

    def lap(k, _):
        j0 = NB * k
        for b in range(NB):
            phase_fn(j0 + b, b, True, True)
        return 0

    lax.fori_loop(1, NCHUNK // NB - 1, lap, 0)
    j0 = NCHUNK - NB
    for b in range(NB):
        phase_fn(j0 + b, b, True, j0 + b + AHEAD < NCHUNK)
    for b in range(AHEAD, NB):
        drain_fn(b)


def _msg_body(xw_hbm, src_hbm, dst_hbm, z64_hbm, out_m,
              src_v, dst_v, acc_m, gb, sem_g, sem_s):
    c = lax.axis_index("c")
    s = lax.axis_index("s")
    w = c * NS + s
    r0 = s * RPS

    pltpu.sync_copy(z64_hbm.at[pl.ds(r0, RPS)], acc_m.at[pl.ds(r0, RPS)])
    pltpu.sync_copy(src_hbm.at[w], src_v)
    pltpu.sync_copy(dst_hbm.at[w], dst_v)
    plsc.subcore_barrier()

    def g_fire(j, b):
        pltpu.async_copy(xw_hbm.at[src_v.at[j]], gb.at[b], sem_g[b])

    def g_wait(b):
        pltpu.make_async_copy(xw_hbm.at[src_v.at[0]], gb.at[b], sem_g[b]).wait()

    def s_fire(j, b):
        pltpu.async_copy(gb.at[b], acc_m.at[dst_v.at[j]], sem_s[b], add=True)

    def s_wait(b):
        pltpu.make_async_copy(gb.at[b], acc_m.at[dst_v.at[0]], sem_s[b]).wait()

    def phase(j, b, drain, fire):
        b2 = (b + AHEAD) % NB
        g_wait(b)
        if drain:
            s_wait(b2)
        if fire:
            g_fire(j + AHEAD, b2)
        s_fire(j, b)

    for j in range(AHEAD):
        g_fire(j, j)
    _ring(phase, s_wait)

    plsc.subcore_barrier()
    pltpu.sync_copy(acc_m.at[pl.ds(r0, RPS)], out_m.at[c, pl.ds(r0, RPS)])


def _attr_body(dst_hbm, ea_hbm, z16f_hbm, ones_hbm, out_e, out_d,
               dst_v, ab, ones_v, acc_e, acc_d, sem_al, sem_as, sem_o):
    c = lax.axis_index("c")
    s = lax.axis_index("s")
    w = c * NS + s
    r0 = s * RPS
    ebase = w * EPW

    pltpu.sync_copy(z16f_hbm.at[pl.ds(r0, RPS)], acc_e.at[pl.ds(r0, RPS)])
    pltpu.sync_copy(z16f_hbm.at[pl.ds(r0, RPS)], acc_d.at[pl.ds(r0, RPS)])
    pltpu.sync_copy(ones_hbm, ones_v)
    pltpu.sync_copy(dst_hbm.at[w], dst_v)
    plsc.subcore_barrier()

    def al_fire(j, b):
        pltpu.async_copy(ea_hbm.at[pl.ds(ebase + j * CHUNK, CHUNK)],
                         ab.at[b], sem_al[b])

    def al_wait(b):
        pltpu.make_async_copy(ea_hbm.at[pl.ds(ebase, CHUNK)],
                              ab.at[b], sem_al[b]).wait()

    def as_fire(j, b):
        pltpu.async_copy(ab.at[b], acc_e.at[dst_v.at[j]], sem_as[b], add=True)

    def as_wait(b):
        pltpu.make_async_copy(ab.at[b], acc_e.at[dst_v.at[0]], sem_as[b]).wait()

    def o_fire(j, b):
        pltpu.async_copy(ones_v, acc_d.at[dst_v.at[j]], sem_o[b], add=True)

    def o_wait(b):
        pltpu.make_async_copy(ones_v, acc_d.at[dst_v.at[0]], sem_o[b]).wait()

    def phase(j, b, drain, fire):
        b2 = (b + AHEAD) % NB
        al_wait(b)
        if drain:
            as_wait(b2)
            o_wait(b2)
        if fire:
            al_fire(j + AHEAD, b2)
        as_fire(j, b)
        o_fire(j, b)

    def drain(b):
        as_wait(b)
        o_wait(b)

    for j in range(AHEAD):
        al_fire(j, j)
    _ring(phase, drain)

    plsc.subcore_barrier()
    pltpu.sync_copy(acc_e.at[pl.ds(r0, RPS)], out_e.at[c, pl.ds(r0, RPS)])
    pltpu.sync_copy(acc_d.at[pl.ds(r0, RPS)], out_d.at[c, pl.ds(r0, RPS)])


def _make_msg_pass():
    mesh = plsc.VectorSubcoreMesh(core_axis_name="c", subcore_axis_name="s")
    bf16 = jnp.bfloat16
    return pl.kernel(
        _msg_body,
        out_type=jax.ShapeDtypeStruct((NC, NP, H), bf16),
        mesh=mesh,
        scratch_types=(
            pltpu.VMEM((NCHUNK, CHUNK), jnp.int32),
            pltpu.VMEM((NCHUNK, CHUNK), jnp.int32),
            pltpu.VMEM_SHARED((NP, H), bf16),
            pltpu.VMEM((NB, CHUNK, H), bf16),
            [pltpu.SemaphoreType.DMA] * NB,
            [pltpu.SemaphoreType.DMA] * NB,
        ),
        compiler_params=pltpu.CompilerParams(use_tc_tiling_on_sc=False),
    )


def _make_attr_pass():
    mesh = plsc.VectorSubcoreMesh(core_axis_name="c", subcore_axis_name="s")
    f32 = jnp.float32
    return pl.kernel(
        _attr_body,
        out_type=(jax.ShapeDtypeStruct((NC, NP, D_E), f32),
                  jax.ShapeDtypeStruct((NC, NP, 16), f32)),
        mesh=mesh,
        scratch_types=(
            pltpu.VMEM((NCHUNK, CHUNK), jnp.int32),
            pltpu.VMEM((NB, CHUNK, D_E), f32),
            pltpu.VMEM((CHUNK, 16), f32),
            pltpu.VMEM_SHARED((NP, D_E), f32),
            pltpu.VMEM_SHARED((NP, 16), f32),
            [pltpu.SemaphoreType.DMA] * NB,
            [pltpu.SemaphoreType.DMA] * NB,
            [pltpu.SemaphoreType.DMA] * NB,
        ),
        compiler_params=pltpu.CompilerParams(use_tc_tiling_on_sc=False),
    )



def _tc0_body(x_ref, wx_ref, ws_ref, bs_ref, xw_out, selfx_out):
    x = x_ref[...]
    xw_out[...] = jnp.dot(
        x, wx_ref[...], preferred_element_type=jnp.float32
    ).astype(jnp.bfloat16)
    selfx_out[...] = (
        jnp.dot(x, ws_ref[...], preferred_element_type=jnp.float32) + bs_ref[...]
    )


def _tc_mid_body(selfx_ref, accm_ref, acce_ref, accd_ref,
                 we_ref, bm_ref, wh2_ref, ws2_ref, bs2_ref,
                 hw2_out, self2_out):
    am = accm_ref[0].astype(jnp.float32) + accm_ref[1].astype(jnp.float32)
    ae = acce_ref[0] + acce_ref[1]
    deg = accd_ref[0, :, 0:1] + accd_ref[1, :, 0:1]
    dc = jnp.maximum(deg, 1.0)
    ind = jnp.minimum(deg, 1.0)
    agg = (am + jnp.dot(ae, we_ref[...], preferred_element_type=jnp.float32)) / dc
    h1 = jnp.maximum(selfx_ref[...] + agg + ind * bm_ref[...], 0.0)
    hw2_out[...] = jnp.dot(
        h1, wh2_ref[...], preferred_element_type=jnp.float32
    ).astype(jnp.bfloat16)
    self2_out[...] = (
        jnp.dot(h1, ws2_ref[...], preferred_element_type=jnp.float32) + bs2_ref[...]
    )


def _tc_final_body(self2_ref, accm_ref, acce_ref, accd_ref, batch_ref,
                   we_ref, bm_ref, wfc_ref, bfc_ref,
                   out_ref, pooled_acc, cnt_acc):
    i = pl.program_id(0)

    am = accm_ref[0].astype(jnp.float32) + accm_ref[1].astype(jnp.float32)
    ae = acce_ref[0] + acce_ref[1]
    deg = accd_ref[0, :, 0:1] + accd_ref[1, :, 0:1]
    dc = jnp.maximum(deg, 1.0)
    ind = jnp.minimum(deg, 1.0)
    agg = (am + jnp.dot(ae, we_ref[...], preferred_element_type=jnp.float32)) / dc
    h2 = jnp.maximum(self2_ref[...] + agg + ind * bm_ref[...], 0.0)

    gids = lax.broadcasted_iota(jnp.int32, (ROW_BLK, G), 1)
    onehot = (batch_ref[...] == gids).astype(jnp.float32)
    pooled = lax.dot_general(onehot, h2, (((0,), (0,)), ((), ())),
                             preferred_element_type=jnp.float32)
    cnt = lax.dot_general(onehot, jnp.ones((ROW_BLK, 1), jnp.float32),
                          (((0,), (0,)), ((), ())),
                          preferred_element_type=jnp.float32)

    @pl.when(i == 0)
    def _():
        pooled_acc[...] = jnp.zeros_like(pooled_acc)
        cnt_acc[...] = jnp.zeros_like(cnt_acc)

    pooled_acc[...] += pooled
    cnt_acc[...] += cnt

    @pl.when(i == N_BLKS - 1)
    def _():
        mean = pooled_acc[...] / jnp.maximum(cnt_acc[...], 1.0)
        out_ref[...] = (
            jnp.dot(mean, wfc_ref[...], preferred_element_type=jnp.float32)
            + bfc_ref[...]
        )


def _row_spec(width):
    return pl.BlockSpec((ROW_BLK, width), lambda i: (i, 0))


def _part_spec(width):
    return pl.BlockSpec((NC, ROW_BLK, width), lambda i: (0, i, 0))


def _full_spec(shape):
    return pl.BlockSpec(shape, lambda i: tuple(0 for _ in shape))



@jax.jit
def kernel(x, edge_index, edge_attr, batch, W_msg1, b_msg1, W_self1, b_self1,
           W_msg2, b_msg2, W_self2, b_self2, W_fc, b_fc):
    f32 = jnp.float32
    src = edge_index[0].reshape(NW, NCHUNK, CHUNK)
    dst = edge_index[1].reshape(NW, NCHUNK, CHUNK)
    Wx1 = W_msg1[:D_IN]
    We1 = W_msg1[D_IN:]
    Wh2 = W_msg2[:H]
    We2 = W_msg2[H:]
    z64bf = jnp.zeros((NP, H), jnp.bfloat16)
    z16f = jnp.zeros((NP, 16), f32)
    ones_col = jnp.zeros((CHUNK, 16), f32).at[:, 0].set(1.0)
    batch2d = batch.reshape(N, 1)

    xw1, selfx = pl.pallas_call(
        _tc0_body,
        grid=(N_BLKS,),
        in_specs=[_row_spec(D_IN), _full_spec((D_IN, H)), _full_spec((D_IN, H)),
                  _full_spec((1, H))],
        out_specs=[_row_spec(H), _row_spec(H)],
        out_shape=[jax.ShapeDtypeStruct((N, H), jnp.bfloat16),
                   jax.ShapeDtypeStruct((N, H), f32)],
    )(x, Wx1, W_self1, b_self1.reshape(1, H))

    accm1 = _make_msg_pass()(xw1, src, dst, z64bf)
    acce, accd = _make_attr_pass()(dst, edge_attr, z16f, ones_col)

    hw2, self2 = pl.pallas_call(
        _tc_mid_body,
        grid=(N_BLKS,),
        in_specs=[_row_spec(H), _part_spec(H), _part_spec(D_E), _part_spec(16),
                  _full_spec((D_E, H)), _full_spec((1, H)),
                  _full_spec((H, H)), _full_spec((H, H)), _full_spec((1, H))],
        out_specs=[_row_spec(H), _row_spec(H)],
        out_shape=[jax.ShapeDtypeStruct((N, H), jnp.bfloat16),
                   jax.ShapeDtypeStruct((N, H), f32)],
    )(selfx, accm1, acce, accd, We1, b_msg1.reshape(1, H),
      Wh2, W_self2, b_self2.reshape(1, H))

    accm2 = _make_msg_pass()(hw2, src, dst, z64bf)

    out = pl.pallas_call(
        _tc_final_body,
        grid=(N_BLKS,),
        in_specs=[_row_spec(H), _part_spec(H), _part_spec(D_E), _part_spec(16),
                  pl.BlockSpec((ROW_BLK, 1), lambda i: (i, 0)),
                  _full_spec((D_E, H)), _full_spec((1, H)),
                  _full_spec((H, C)), _full_spec((1, C))],
        out_specs=pl.BlockSpec((G, C), lambda i: (0, 0)),
        out_shape=jax.ShapeDtypeStruct((G, C), f32),
        scratch_shapes=[pltpu.VMEM((G, H), f32), pltpu.VMEM((G, 1), f32)],
    )(self2, accm2, acce, accd, batch2d, We2, b_msg2.reshape(1, H),
      W_fc, b_fc.reshape(1, C))

    return out

# --- scband reference (transcript-rebuilt; emitter-appended) ---
"""Pipeline reference for scband-tgnmodel-29901562315330 (READ-ONLY COPY).

The authoritative reference and input builder live on the scoring server;
editing this copy changes nothing except your own understanding.
"""

import jax, jax.numpy as jnp
import numpy as np

N = 10000
E = 320000
D_IN = 128
D_E = 16
H = 64
C = 3
G = 64


def _tg_conv(x, src, dst, edge_attr, W_msg, b_msg, W_self, b_self, n_nodes):
    # TemporalGraphConv: message = Linear([x_src || edge_attr]); mean-aggregate to dst; plus self transform
    msg_in = jnp.concatenate([x[src], edge_attr], axis=1)
    msg = msg_in @ W_msg + b_msg
    agg = jax.ops.segment_sum(msg, dst, num_segments=n_nodes)
    deg = jax.ops.segment_sum(jnp.ones((src.shape[0],), dtype=x.dtype), dst, num_segments=n_nodes)
    agg = agg / jnp.clip(deg, 1.0)[:, None]
    return x @ W_self + b_self + agg


def setup_inputs(seed: int = 0) -> dict:
    key = jax.random.key(seed)
    ks = jax.random.split(key, 16)
    x = jax.random.normal(ks[0], (N, D_IN), dtype=jnp.float32)
    edge_index = jax.random.randint(ks[1], (2, E), 0, N, dtype=jnp.int32)
    edge_attr = jax.random.normal(ks[2], (E, D_E), dtype=jnp.float32)
    batch = jnp.sort(jax.random.randint(ks[3], (N,), 0, G, dtype=jnp.int32))
    s1 = 1.0 / np.sqrt(D_IN + D_E)
    s1s = 1.0 / np.sqrt(D_IN)
    s2 = 1.0 / np.sqrt(H + D_E)
    s2s = 1.0 / np.sqrt(H)
    W_msg1 = jax.random.uniform(ks[4], (D_IN + D_E, H), jnp.float32, -s1, s1)
    b_msg1 = jax.random.uniform(ks[5], (H,), jnp.float32, -s1, s1)
    W_self1 = jax.random.uniform(ks[6], (D_IN, H), jnp.float32, -s1s, s1s)
    b_self1 = jax.random.uniform(ks[7], (H,), jnp.float32, -s1s, s1s)
    W_msg2 = jax.random.uniform(ks[8], (H + D_E, H), jnp.float32, -s2, s2)
    b_msg2 = jax.random.uniform(ks[9], (H,), jnp.float32, -s2, s2)
    W_self2 = jax.random.uniform(ks[10], (H, H), jnp.float32, -s2s, s2s)
    b_self2 = jax.random.uniform(ks[11], (H,), jnp.float32, -s2s, s2s)
    W_fc = jax.random.uniform(ks[12], (H, C), jnp.float32, -s2s, s2s)
    b_fc = jax.random.uniform(ks[13], (C,), jnp.float32, -s2s, s2s)
    return {"x": x, "edge_index": edge_index, "edge_attr": edge_attr, "batch": batch,
            "W_msg1": W_msg1, "b_msg1": b_msg1, "W_self1": W_self1, "b_self1": b_self1,
            "W_msg2": W_msg2, "b_msg2": b_msg2, "W_self2": W_self2, "b_self2": b_self2,
            "W_fc": W_fc, "b_fc": b_fc}


def reference(x, edge_index, edge_attr, batch, W_msg1, b_msg1, W_self1, b_self1,
              W_msg2, b_msg2, W_self2, b_self2, W_fc, b_fc):
    src = edge_index[0]
    dst = edge_index[1]
    h = jax.nn.relu(_tg_conv(x, src, dst, edge_attr, W_msg1, b_msg1, W_self1, b_self1, N))
    h = jax.nn.relu(_tg_conv(h, src, dst, edge_attr, W_msg2, b_msg2, W_self2, b_self2, N))
    # global_mean_pool over batch assignment
    pooled = jax.ops.segment_sum(h, batch, num_segments=G)
    cnt = jax.ops.segment_sum(jnp.ones((N,), dtype=h.dtype), batch, num_segments=G)
    pooled = pooled / jnp.clip(cnt, 1.0)[:, None]
    return pooled @ W_fc + b_fc

if __name__ == "__main__":
    import jax
    _d = setup_inputs()
    print(jax.jit(kernel)(*tuple(_d.values())))

</pallas_src>

<mosaic_0001>
#map = affine_map<(d0, d1) -> (0, 0)>
#map1 = affine_map<(d0, d1) -> (0, 0, 0)>
module attributes {stable_mosaic.version = 14 : i64} {
  func.func @_msg_body(%arg0: i32, %arg1: i32, %arg2: memref<10000x64xbf16, #tpu.memory_space<hbm>>, %arg3: memref<32x125x80xi32, #tpu.memory_space<hbm>>, %arg4: memref<32x125x80xi32, #tpu.memory_space<hbm>>, %arg5: memref<10240x64xbf16, #tpu.memory_space<hbm>>, %arg6: memref<2x10240x64xbf16, #tpu.memory_space<hbm>>, %arg7: memref<125x80xi32, #tpu.memory_space<vmem>>, %arg8: memref<125x80xi32, #tpu.memory_space<vmem>>, %arg9: memref<10240x64xbf16, #tpu.memory_space<vmem_shared>>, %arg10: memref<5x80x64xbf16, #tpu.memory_space<vmem>>, %arg11: memref<!tpu.dma_semaphore, #tpu.memory_space<semaphore_mem>>, %arg12: memref<!tpu.dma_semaphore, #tpu.memory_space<semaphore_mem>>, %arg13: memref<!tpu.dma_semaphore, #tpu.memory_space<semaphore_mem>>, %arg14: memref<!tpu.dma_semaphore, #tpu.memory_space<semaphore_mem>>, %arg15: memref<!tpu.dma_semaphore, #tpu.memory_space<semaphore_mem>>, %arg16: memref<!tpu.dma_semaphore, #tpu.memory_space<semaphore_mem>>, %arg17: memref<!tpu.dma_semaphore, #tpu.memory_space<semaphore_mem>>, %arg18: memref<!tpu.dma_semaphore, #tpu.memory_space<semaphore_mem>>, %arg19: memref<!tpu.dma_semaphore, #tpu.memory_space<semaphore_mem>>, %arg20: memref<!tpu.dma_semaphore, #tpu.memory_space<semaphore_mem>>) attributes {dimension_semantics = [#tpu.dimension_semantics<core_parallel>, #tpu.dimension_semantics<subcore_parallel>], iteration_bounds = array<i64: 2, 16>, scalar_prefetch = 0 : i64, scratch_operands = 14 : i64, tpu.core_type = #tpu.core_type<sc_vector_subcore>, window_params = [{transform_indices = #map}, {transform_indices = #map1}, {transform_indices = #map1}, {transform_indices = #map}, {transform_indices = #map1}]} {
    %mul3A = arith.constant 16 : i32
    %mul3A_0 = arith.muli %arg0, %mul3A : i32
    %add3A = arith.addi %mul3A_0, %arg1 : i32
    %mul3A_1 = arith.constant 640 : i32
    %mul3A_2 = arith.muli %arg1, %mul3A_1 : i32
    "tpu.region"() ({
      %run_scoped3A = tpu.sem_alloc : memref<!tpu.dma_semaphore, #tpu.memory_space<semaphore_mem>>
      %dma_start3A_488 = arith.constant 0 : i32
      %dma_start3A_489 = tpu.memref_slice %arg9[%mul3A_2, %dma_start3A_488] : memref<10240x64xbf16, #tpu.memory_space<vmem_shared>> -> memref<640x64xbf16, #tpu.memory_space<vmem_shared>>
      %dma_start3A_490 = arith.constant 0 : i32
      %dma_start3A_491 = tpu.memref_slice %arg5[%mul3A_2, %dma_start3A_490] : memref<10240x64xbf16, #tpu.memory_space<hbm>> -> memref<640x64xbf16, #tpu.memory_space<hbm>>
      tpu.enqueue_dma source(%dma_start3A_491 : memref<640x64xbf16, #tpu.memory_space<hbm>>) target(%dma_start3A_489 : memref<640x64xbf16, #tpu.memory_space<vmem_shared>>) target_semaphore(%run_scoped3A : memref<!tpu.dma_semaphore, #tpu.memory_space<semaphore_mem>>)
      %dma_wait3A_492 = arith.constant 0 : i32
      %dma_wait3A_493 = tpu.memref_slice %arg9[%mul3A_2, %dma_wait3A_492] : memref<10240x64xbf16, #tpu.memory_space<vmem_shared>> -> memref<640x64xbf16, #tpu.memory_space<vmem_shared>>
      %dma_wait3A_494 = arith.constant 0 : i32
      %dma_wait3A_495 = tpu.memref_slice %arg5[%mul3A_2, %dma_wait3A_494] : memref<10240x64xbf16, #tpu.memory_space<hbm>> -> memref<640x64xbf16, #tpu.memory_space<hbm>>
      tpu.wait_dma2 semaphore(%run_scoped3A : memref<!tpu.dma_semaphore, #tpu.memory_space<semaphore_mem>>) src(%dma_wait3A_495 : memref<640x64xbf16, #tpu.memory_space<hbm>>) dst(%dma_wait3A_493 : memref<640x64xbf16, #tpu.memory_space<vmem_shared>>)
      tpu.yield
    }) : () -> ()
    "tpu.region"() ({
      %run_scoped3A = tpu.sem_alloc : memref<!tpu.dma_semaphore, #tpu.memory_space<semaphore_mem>>
      %dma_start3A_488 = arith.constant 0 : i32
      %dma_start3A_489 = arith.constant 0 : i32
      %dma_start3A_490 = tpu.memref_slice %arg3[%add3A, %dma_start3A_488, %dma_start3A_489] : memref<32x125x80xi32, #tpu.memory_space<hbm>> -> memref<1x125x80xi32, #tpu.memory_space<hbm>>
      %dma_start3A_491 = tpu.memref_squeeze %dma_start3A_490 : memref<1x125x80xi32, #tpu.memory_space<hbm>> -> memref<125x80xi32, #tpu.memory_space<hbm>>
      %dma_start3A_492 = arith.constant 0 : i32
      %dma_start3A_493 = arith.constant 0 : i32
      %dma_start3A_494 = tpu.memref_slice %arg3[%add3A, %dma_start3A_492, %dma_start3A_493] : memref<32x125x80xi32, #tpu.memory_space<hbm>> -> memref<1x125x80xi32, #tpu.memory_space<hbm>>
      %dma_start3A_495 = tpu.memref_squeeze %dma_start3A_494 : memref<1x125x80xi32, #tpu.memory_space<hbm>> -> memref<125x80xi32, #tpu.memory_space<hbm>>
      tpu.enqueue_dma source(%dma_start3A_495 : memref<125x80xi32, #tpu.memory_space<hbm>>) target(%arg7 : memref<125x80xi32, #tpu.memory_space<vmem>>) target_semaphore(%run_scoped3A : memref<!tpu.dma_semaphore, #tpu.memory_space<semaphore_mem>>)
      %dma_wait3A_496 = arith.constant 0 : i32
      %dma_wait3A_497 = arith.constant 0 : i32
      %dma_wait3A_498 = tpu.memref_slice %arg3[%add3A, %dma_wait3A_496, %dma_wait3A_497] : memref<32x125x80xi32, #tpu.memory_space<hbm>> -> memref<1x125x80xi32, #tpu.memory_space<hbm>>
      %dma_wait3A_499 = tpu.memref_squeeze %dma_wait3A_498 : memref<1x125x80xi32, #tpu.memory_space<hbm>> -> memref<125x80xi32, #tpu.memory_space<hbm>>
      %dma_wait3A_500 = arith.constant 0 : i32
      %dma_wait3A_501 = arith.constant 0 : i32
      %dma_wait3A_502 = tpu.memref_slice %arg3[%add3A, %dma_wait3A_500, %dma_wait3A_501] : memref<32x125x80xi32, #tpu.memory_space<hbm>> -> memref<1x125x80xi32, #tpu.memory_space<hbm>>
      %dma_wait3A_503 = tpu.memref_squeeze %dma_wait3A_502 : memref<1x125x80xi32, #tpu.memory_space<hbm>> -> memref<125x80xi32, #tpu.memory_space<hbm>>
      tpu.wait_dma2 semaphore(%run_scoped3A : memref<!tpu.dma_semaphore, #tpu.memory_space<semaphore_mem>>) src(%dma_wait3A_503 : memref<125x80xi32, #tpu.memory_space<hbm>>) dst(%arg7 : memref<125x80xi32, #tpu.memory_space<vmem>>)
      tpu.yield
    }) : () -> ()
    "tpu.region"() ({
      %run_scoped3A = tpu.sem_alloc : memref<!tpu.dma_semaphore, #tpu.memory_space<semaphore_mem>>
      %dma_start3A_488 = arith.constant 0 : i32
      %dma_start3A_489 = arith.constant 0 : i32
      %dma_start3A_490 = tpu.memref_slice %arg4[%add3A, %dma_start3A_488, %dma_start3A_489] : memref<32x125x80xi32, #tpu.memory_space<hbm>> -> memref<1x125x80xi32, #tpu.memory_space<hbm>>
      %dma_start3A_491 = tpu.memref_squeeze %dma_start3A_490 : memref<1x125x80xi32, #tpu.memory_space<hbm>> -> memref<125x80xi32, #tpu.memory_space<hbm>>
      %dma_start3A_492 = arith.constant 0 : i32
      %dma_start3A_493 = arith.constant 0 : i32
      %dma_start3A_494 = tpu.memref_slice %arg4[%add3A, %dma_start3A_492, %dma_start3A_493] : memref<32x125x80xi32, #tpu.memory_space<hbm>> -> memref<1x125x80xi32, #tpu.memory_space<hbm>>
      %dma_start3A_495 = tpu.memref_squeeze %dma_start3A_494 : memref<1x125x80xi32, #tpu.memory_space<hbm>> -> memref<125x80xi32, #tpu.memory_space<hbm>>
      tpu.enqueue_dma source(%dma_start3A_495 : memref<125x80xi32, #tpu.memory_space<hbm>>) target(%arg8 : memref<125x80xi32, #tpu.memory_space<vmem>>) target_semaphore(%run_scoped3A : memref<!tpu.dma_semaphore, #tpu.memory_space<semaphore_mem>>)
      %dma_wait3A_496 = arith.constant 0 : i32
      %dma_wait3A_497 = arith.constant 0 : i32
      %dma_wait3A_498 = tpu.memref_slice %arg4[%add3A, %dma_wait3A_496, %dma_wait3A_497] : memref<32x125x80xi32, #tpu.memory_space<hbm>> -> memref<1x125x80xi32, #tpu.memory_space<hbm>>
      %dma_wait3A_499 = tpu.memref_squeeze %dma_wait3A_498 : memref<1x125x80xi32, #tpu.memory_space<hbm>> -> memref<125x80xi32, #tpu.memory_space<hbm>>
      %dma_wait3A_500 = arith.constant 0 : i32
      %dma_wait3A_501 = arith.constant 0 : i32
      %dma_wait3A_502 = tpu.memref_slice %arg4[%add3A, %dma_wait3A_500, %dma_wait3A_501] : memref<32x125x80xi32, #tpu.memory_space<hbm>> -> memref<1x125x80xi32, #tpu.memory_space<hbm>>
      %dma_wait3A_503 = tpu.memref_squeeze %dma_wait3A_502 : memref<1x125x80xi32, #tpu.memory_space<hbm>> -> memref<125x80xi32, #tpu.memory_space<hbm>>
      tpu.wait_dma2 semaphore(%run_scoped3A : memref<!tpu.dma_semaphore, #tpu.memory_space<semaphore_mem>>) src(%dma_wait3A_503 : memref<125x80xi32, #tpu.memory_space<hbm>>) dst(%arg8 : memref<125x80xi32, #tpu.memory_space<vmem>>)
      tpu.yield
    }) : () -> ()
    %barrier3A = arith.constant 0 : index
    tpu.barrier barrier_id(%barrier3A)
    %dma_start3A = arith.constant 0 : i32
    %dma_start3A_3 = arith.constant 0 : i32
    %dma_start3A_4 = arith.constant 0 : i32
    %dma_start3A_5 = arith.constant 0 : i32
    %dma_start3A_6 = tpu.memref_slice %arg10[%dma_start3A_3, %dma_start3A_4, %dma_start3A_5] : memref<5x80x64xbf16, #tpu.memory_space<vmem>> -> memref<1x80x64xbf16, #tpu.memory_space<vmem>>
    %dma_start3A_7 = tpu.memref_squeeze %dma_start3A_6 : memref<1x80x64xbf16, #tpu.memory_space<vmem>> -> memref<80x64xbf16, #tpu.memory_space<vmem>>
    %dma_start3A_8 = arith.constant 0 : i32
    %dma_start3A_9 = tpu.memref_slice %arg7[%dma_start3A, %dma_start3A_8] : memref<125x80xi32, #tpu.memory_space<vmem>> -> memref<1x80xi32, #tpu.memory_space<vmem>>
    %dma_start3A_10 = tpu.memref_squeeze %dma_start3A_9 : memref<1x80xi32, #tpu.memory_space<vmem>> -> memref<80xi32, #tpu.memory_space<vmem>>
    %dma_start3A_11 = arith.constant 0 : i32
    %dma_start3A_12 = arith.constant 0 : i32
    %dma_start3A_13 = tpu.memref_slice %arg2[%dma_start3A_11, %dma_start3A_12] : memref<10000x64xbf16, #tpu.memory_space<hbm>> -> memref<10000x64xbf16, #tpu.memory_space<hbm>>
    tpu.enqueue_indirect_dma source(%dma_start3A_13 : memref<10000x64xbf16, #tpu.memory_space<hbm>>) target(%dma_start3A_7 : memref<80x64xbf16, #tpu.memory_space<vmem>>) offsets(%dma_start3A_10 : memref<80xi32, #tpu.memory_space<vmem>>) semaphore(%arg11 : memref<!tpu.dma_semaphore, #tpu.memory_space<semaphore_mem>>)
    %dma_start3A_14 = arith.constant 1 : i32
    %dma_start3A_15 = arith.constant 1 : i32
    %dma_start3A_16 = arith.constant 0 : i32
    %dma_start3A_17 = arith.constant 0 : i32
    %dma_start3A_18 = tpu.memref_slice %arg10[%dma_start3A_15, %dma_start3A_16, %dma_start3A_17] : memref<5x80x64xbf16, #tpu.memory_space<vmem>> -> memref<1x80x64xbf16, #tpu.memory_space<vmem>>
    %dma_start3A_19 = tpu.memref_squeeze %dma_start3A_18 : memref<1x80x64xbf16, #tpu.memory_space<vmem>> -> memref<80x64xbf16, #tpu.memory_space<vmem>>
    %dma_start3A_20 = arith.constant 0 : i32
    %dma_start3A_21 = tpu.memref_slice %arg7[%dma_start3A_14, %dma_start3A_20] : memref<125x80xi32, #tpu.memory_space<vmem>> -> memref<1x80xi32, #tpu.memory_space<vmem>>
    %dma_start3A_22 = tpu.memref_squeeze %dma_start3A_21 : memref<1x80xi32, #tpu.memory_space<vmem>> -> memref<80xi32, #tpu.memory_space<vmem>>
    %dma_start3A_23 = arith.constant 0 : i32
    %dma_start3A_24 = arith.constant 0 : i32
    %dma_start3A_25 = tpu.memref_slice %arg2[%dma_start3A_23, %dma_start3A_24] : memref<10000x64xbf16, #tpu.memory_space<hbm>> -> memref<10000x64xbf16, #tpu.memory_space<hbm>>
    tpu.enqueue_indirect_dma source(%dma_start3A_25 : memref<10000x64xbf16, #tpu.memory_space<hbm>>) target(%dma_start3A_19 : memref<80x64xbf16, #tpu.memory_space<vmem>>) offsets(%dma_start3A_22 : memref<80xi32, #tpu.memory_space<vmem>>) semaphore(%arg12 : memref<!tpu.dma_semaphore, #tpu.memory_space<semaphore_mem>>)
    %dma_wait3A = arith.constant 0 : i32
    %dma_wait3A_26 = arith.constant 0 : i32
    %dma_wait3A_27 = arith.constant 0 : i32
    %dma_wait3A_28 = arith.constant 0 : i32
    %dma_wait3A_29 = tpu.memref_slice %arg10[%dma_wait3A_26, %dma_wait3A_27, %dma_wait3A_28] : memref<5x80x64xbf16, #tpu.memory_space<vmem>> -> memref<1x80x64xbf16, #tpu.memory_space<vmem>>
    %dma_wait3A_30 = tpu.memref_squeeze %dma_wait3A_29 : memref<1x80x64xbf16, #tpu.memory_space<vmem>> -> memref<80x64xbf16, #tpu.memory_space<vmem>>
    %dma_wait3A_31 = arith.constant 0 : i32
    %dma_wait3A_32 = tpu.memref_slice %arg7[%dma_wait3A, %dma_wait3A_31] : memref<125x80xi32, #tpu.memory_space<vmem>> -> memref<1x80xi32, #tpu.memory_space<vmem>>
    %dma_wait3A_33 = tpu.memref_squeeze %dma_wait3A_32 : memref<1x80xi32, #tpu.memory_space<vmem>> -> memref<80xi32, #tpu.memory_space<vmem>>
    %dma_wait3A_34 = arith.constant 0 : i32
    %dma_wait3A_35 = arith.constant 0 : i32
    %dma_wait3A_36 = tpu.memref_slice %arg2[%dma_wait3A_34, %dma_wait3A_35] : memref<10000x64xbf16, #tpu.memory_space<hbm>> -> memref<10000x64xbf16, #tpu.memory_space<hbm>>
    tpu.wait_indirect_dma semaphore(%arg11 : memref<!tpu.dma_semaphore, #tpu.memory_space<semaphore_mem>>) src(%dma_wait3A_36 : memref<10000x64xbf16, #tpu.memory_space<hbm>>) dst(%dma_wait3A_30 : memref<80x64xbf16, #tpu.memory_space<vmem>>)
    %dma_start3A_37 = arith.constant 2 : i32
    %dma_start3A_38 = arith.constant 2 : i32
    %dma_start3A_39 = arith.constant 0 : i32
    %dma_start3A_40 = arith.constant 0 : i32
    %dma_start3A_41 = tpu.memref_slice %arg10[%dma_start3A_38, %dma_start3A_39, %dma_start3A_40] : memref<5x80x64xbf16, #tpu.memory_space<vmem>> -> memref<1x80x64xbf16, #tpu.memory_space<vmem>>
    %dma_start3A_42 = tpu.memref_squeeze %dma_start3A_41 : memref<1x80x64xbf16, #tpu.memory_space<vmem>> -> memref<80x64xbf16, #tpu.memory_space<vmem>>
    %dma_start3A_43 = arith.constant 0 : i32
    %dma_start3A_44 = tpu.memref_slice %arg7[%dma_start3A_37, %dma_start3A_43] : memref<125x80xi32, #tpu.memory_space<vmem>> -> memref<1x80xi32, #tpu.memory_space<vmem>>
    %dma_start3A_45 = tpu.memref_squeeze %dma_start3A_44 : memref<1x80xi32, #tpu.memory_space<vmem>> -> memref<80xi32, #tpu.memory_space<vmem>>
    %dma_start3A_46 = arith.constant 0 : i32
    %dma_start3A_47 = arith.constant 0 : i32
    %dma_start3A_48 = tpu.memref_slice %arg2[%dma_start3A_46, %dma_start3A_47] : memref<10000x64xbf16, #tpu.memory_space<hbm>> -> memref<10000x64xbf16, #tpu.memory_space<hbm>>
    tpu.enqueue_indirect_dma source(%dma_start3A_48 : memref<10000x64xbf16, #tpu.memory_space<hbm>>) target(%dma_start3A_42 : memref<80x64xbf16, #tpu.memory_space<vmem>>) offsets(%dma_start3A_45 : memref<80xi32, #tpu.memory_space<vmem>>) semaphore(%arg13 : memref<!tpu.dma_semaphore, #tpu.memory_space<semaphore_mem>>)
    %dma_start3A_49 = arith.constant 0 : i32
    %dma_start3A_50 = arith.constant 0 : i32
    %dma_start3A_51 = arith.constant 0 : i32
    %dma_start3A_52 = arith.constant 0 : i32
    %dma_start3A_53 = tpu.memref_slice %arg10[%dma_start3A_49, %dma_start3A_51, %dma_start3A_52] : memref<5x80x64xbf16, #tpu.memory_space<vmem>> -> memref<1x80x64xbf16, #tpu.memory_space<vmem>>
    %dma_start3A_54 = tpu.memref_squeeze %dma_start3A_53 : memref<1x80x64xbf16, #tpu.memory_space<vmem>> -> memref<80x64xbf16, #tpu.memory_space<vmem>>
    %dma_start3A_55 = arith.constant 0 : i32
    %dma_start3A_56 = tpu.memref_slice %arg8[%dma_start3A_50, %dma_start3A_55] : memref<125x80xi32, #tpu.memory_space<vmem>> -> memref<1x80xi32, #tpu.memory_space<vmem>>
    %dma_start3A_57 = tpu.memref_squeeze %dma_start3A_56 : memref<1x80xi32, #tpu.memory_space<vmem>> -> memref<80xi32, #tpu.memory_space<vmem>>
    %dma_start3A_58 = arith.constant 0 : i32
    %dma_start3A_59 = arith.constant 0 : i32
    %dma_start3A_60 = tpu.memref_slice %arg9[%dma_start3A_58, %dma_start3A_59] : memref<10240x64xbf16, #tpu.memory_space<vmem_shared>> -> memref<10240x64xbf16, #tpu.memory_space<vmem_shared>>
    tpu.enqueue_indirect_dma source(%dma_start3A_54 : memref<80x64xbf16, #tpu.memory_space<vmem>>) target(%dma_start3A_60 : memref<10240x64xbf16, #tpu.memory_space<vmem_shared>>) offsets(%dma_start3A_57 : memref<80xi32, #tpu.memory_space<vmem>>) semaphore(%arg16 : memref<!tpu.dma_semaphore, #tpu.memory_space<semaphore_mem>>) {add = true}
    %dma_wait3A_61 = arith.constant 0 : i32
    %dma_wait3A_62 = arith.constant 1 : i32
    %dma_wait3A_63 = arith.constant 0 : i32
    %dma_wait3A_64 = arith.constant 0 : i32
    %dma_wait3A_65 = tpu.memref_slice %arg10[%dma_wait3A_62, %dma_wait3A_63, %dma_wait3A_64] : memref<5x80x64xbf16, #tpu.memory_space<vmem>> -> memref<1x80x64xbf16, #tpu.memory_space<vmem>>
    %dma_wait3A_66 = tpu.memref_squeeze %dma_wait3A_65 : memref<1x80x64xbf16, #tpu.memory_space<vmem>> -> memref<80x64xbf16, #tpu.memory_space<vmem>>
    %dma_wait3A_67 = arith.constant 0 : i32
    %dma_wait3A_68 = tpu.memref_slice %arg7[%dma_wait3A_61, %dma_wait3A_67] : memref<125x80xi32, #tpu.memory_space<vmem>> -> memref<1x80xi32, #tpu.memory_space<vmem>>
    %dma_wait3A_69 = tpu.memref_squeeze %dma_wait3A_68 : memref<1x80xi32, #tpu.memory_space<vmem>> -> memref<80xi32, #tpu.memory_space<vmem>>
    %dma_wait3A_70 = arith.constant 0 : i32
    %dma_wait3A_71 = arith.constant 0 : i32
    %dma_wait3A_72 = tpu.memref_slice %arg2[%dma_wait3A_70, %dma_wait3A_71] : memref<10000x64xbf16, #tpu.memory_space<hbm>> -> memref<10000x64xbf16, #tpu.memory_space<hbm>>
    tpu.wait_indirect_dma semaphore(%arg12 : memref<!tpu.dma_semaphore, #tpu.memory_space<semaphore_mem>>) src(%dma_wait3A_72 : memref<10000x64xbf16, #tpu.memory_space<hbm>>) dst(%dma_wait3A_66 : memref<80x64xbf16, #tpu.memory_space<vmem>>)
    %dma_start3A_73 = arith.constant 3 : i32
    %dma_start3A_74 = arith.constant 3 : i32
    %dma_start3A_75 = arith.constant 0 : i32
    %dma_start3A_76 = arith.constant 0 : i32
    %dma_start3A_77 = tpu.memref_slice %arg10[%dma_start3A_74, %dma_start3A_75, %dma_start3A_76] : memref<5x80x64xbf16, #tpu.memory_space<vmem>> -> memref<1x80x64xbf16, #tpu.memory_space<vmem>>
    %dma_start3A_78 = tpu.memref_squeeze %dma_start3A_77 : memref<1x80x64xbf16, #tpu.memory_space<vmem>> -> memref<80x64xbf16, #tpu.memory_space<vmem>>
    %dma_start3A_79 = arith.constant 0 : i32
    %dma_start3A_80 = tpu.memref_slice %arg7[%dma_start3A_73, %dma_start3A_79] : memref<125x80xi32, #tpu.memory_space<vmem>> -> memref<1x80xi32, #tpu.memory_space<vmem>>
    %dma_start3A_81 = tpu.memref_squeeze %dma_start3A_80 : memref<1x80xi32, #tpu.memory_space<vmem>> -> memref<80xi32, #tpu.memory_space<vmem>>
    %dma_start3A_82 = arith.constant 0 : i32
    %dma_start3A_83 = arith.constant 0 : i32
    %dma_start3A_84 = tpu.memref_slice %arg2[%dma_start3A_82, %dma_start3A_83] : memref<10000x64xbf16, #tpu.memory_space<hbm>> -> memref<10000x64xbf16, #tpu.memory_space<hbm>>
    tpu.enqueue_indirect_dma source(%dma_start3A_84 : memref<10000x64xbf16, #tpu.memory_space<hbm>>) target(%dma_start3A_78 : memref<80x64xbf16, #tpu.memory_space<vmem>>) offsets(%dma_start3A_81 : memref<80xi32, #tpu.memory_space<vmem>>) semaphore(%arg14 : memref<!tpu.dma_semaphore, #tpu.memory_space<semaphore_mem>>)
    %dma_start3A_85 = arith.constant 1 : i32
    %dma_start3A_86 = arith.constant 1 : i32
    %dma_start3A_87 = arith.constant 0 : i32
    %dma_start3A_88 = arith.constant 0 : i32
    %dma_start3A_89 = tpu.memref_slice %arg10[%dma_start3A_85, %dma_start3A_87, %dma_start3A_88] : memref<5x80x64xbf16, #tpu.memory_space<vmem>> -> memref<1x80x64xbf16, #tpu.memory_space<vmem>>
    %dma_start3A_90 = tpu.memref_squeeze %dma_start3A_89 : memref<1x80x64xbf16, #tpu.memory_space<vmem>> -> memref<80x64xbf16, #tpu.memory_space<vmem>>
    %dma_start3A_91 = arith.constant 0 : i32
    %dma_start3A_92 = tpu.memref_slice %arg8[%dma_start3A_86, %dma_start3A_91] : memref<125x80xi32, #tpu.memory_space<vmem>> -> memref<1x80xi32, #tpu.memory_space<vmem>>
    %dma_start3A_93 = tpu.memref_squeeze %dma_start3A_92 : memref<1x80xi32, #tpu.memory_space<vmem>> -> memref<80xi32, #tpu.memory_space<vmem>>
    %dma_start3A_94 = arith.constant 0 : i32
    %dma_start3A_95 = arith.constant 0 : i32
    %dma_start3A_96 = tpu.memref_slice %arg9[%dma_start3A_94, %dma_start3A_95] : memref<10240x64xbf16, #tpu.memory_space<vmem_shared>> -> memref<10240x64xbf16, #tpu.memory_space<vmem_shared>>
    tpu.enqueue_indirect_dma source(%dma_start3A_90 : memref<80x64xbf16, #tpu.memory_space<vmem>>) target(%dma_start3A_96 : memref<10240x64xbf16, #tpu.memory_space<vmem_shared>>) offsets(%dma_start3A_93 : memref<80xi32, #tpu.memory_space<vmem>>) semaphore(%arg17 : memref<!tpu.dma_semaphore, #tpu.memory_space<semaphore_mem>>) {add = true}
    %dma_wait3A_97 = arith.constant 0 : i32
    %dma_wait3A_98 = arith.constant 2 : i32
    %dma_wait3A_99 = arith.constant 0 : i32
    %dma_wait3A_100 = arith.constant 0 : i32
    %dma_wait3A_101 = tpu.memref_slice %arg10[%dma_wait3A_98, %dma_wait3A_99, %dma_wait3A_100] : memref<5x80x64xbf16, #tpu.memory_space<vmem>> -> memref<1x80x64xbf16, #tpu.memory_space<vmem>>
    %dma_wait3A_102 = tpu.memref_squeeze %dma_wait3A_101 : memref<1x80x64xbf16, #tpu.memory_space<vmem>> -> memref<80x64xbf16, #tpu.memory_space<vmem>>
    %dma_wait3A_103 = arith.constant 0 : i32
    %dma_wait3A_104 = tpu.memref_slice %arg7[%dma_wait3A_97, %dma_wait3A_103] : memref<125x80xi32, #tpu.memory_space<vmem>> -> memref<1x80xi32, #tpu.memory_space<vmem>>
    %dma_wait3A_105 = tpu.memref_squeeze %dma_wait3A_104 : memref<1x80xi32, #tpu.memory_space<vmem>> -> memref<80xi32, #tpu.memory_space<vmem>>
    %dma_wait3A_106 = arith.constant 0 : i32
    %dma_wait3A_107 = arith.constant 0 : i32
    %dma_wait3A_108 = tpu.memref_slice %arg2[%dma_wait3A_106, %dma_wait3A_107] : memref<10000x64xbf16, #tpu.memory_space<hbm>> -> memref<10000x64xbf16, #tpu.memory_space<hbm>>
    tpu.wait_indirect_dma semaphore(%arg13 : memref<!tpu.dma_semaphore, #tpu.memory_space<semaphore_mem>>) src(%dma_wait3A_108 : memref<10000x64xbf16, #tpu.memory_space<hbm>>) dst(%dma_wait3A_102 : memref<80x64xbf16, #tpu.memory_space<vmem>>)
    %dma_start3A_109 = arith.constant 4 : i32
    %dma_start3A_110 = arith.constant 4 : i32
    %dma_start3A_111 = arith.constant 0 : i32
    %dma_start3A_112 = arith.constant 0 : i32
    %dma_start3A_113 = tpu.memref_slice %arg10[%dma_start3A_110, %dma_start3A_111, %dma_start3A_112] : memref<5x80x64xbf16, #tpu.memory_space<vmem>> -> memref<1x80x64xbf16, #tpu.memory_space<vmem>>
    %dma_start3A_114 = tpu.memref_squeeze %dma_start3A_113 : memref<1x80x64xbf16, #tpu.memory_space<vmem>> -> memref<80x64xbf16, #tpu.memory_space<vmem>>
    %dma_start3A_115 = arith.constant 0 : i32
    %dma_start3A_116 = tpu.memref_slice %arg7[%dma_start3A_109, %dma_start3A_115] : memref<125x80xi32, #tpu.memory_space<vmem>> -> memref<1x80xi32, #tpu.memory_space<vmem>>
    %dma_start3A_117 = tpu.memref_squeeze %dma_start3A_116 : memref<1x80xi32, #tpu.memory_space<vmem>> -> memref<80xi32, #tpu.memory_space<vmem>>
    %dma_start3A_118 = arith.constant 0 : i32
    %dma_start3A_119 = arith.constant 0 : i32
    %dma_start3A_120 = tpu.memref_slice %arg2[%dma_start3A_118, %dma_start3A_119] : memref<10000x64xbf16, #tpu.memory_space<hbm>> -> memref<10000x64xbf16, #tpu.memory_space<hbm>>
    tpu.enqueue_indirect_dma source(%dma_start3A_120 : memref<10000x64xbf16, #tpu.memory_space<hbm>>) target(%dma_start3A_114 : memref<80x64xbf16, #tpu.memory_space<vmem>>) offsets(%dma_start3A_117 : memref<80xi32, #tpu.memory_space<vmem>>) semaphore(%arg15 : memref<!tpu.dma_semaphore, #tpu.memory_space<semaphore_mem>>)
    %dma_start3A_121 = arith.constant 2 : i32
    %dma_start3A_122 = arith.constant 2 : i32
    %dma_start3A_123 = arith.constant 0 : i32
    %dma_start3A_124 = arith.constant 0 : i32
    %dma_start3A_125 = tpu.memref_slice %arg10[%dma_start3A_121, %dma_start3A_123, %dma_start3A_124] : memref<5x80x64xbf16, #tpu.memory_space<vmem>> -> memref<1x80x64xbf16, #tpu.memory_space<vmem>>
    %dma_start3A_126 = tpu.memref_squeeze %dma_start3A_125 : memref<1x80x64xbf16, #tpu.memory_space<vmem>> -> memref<80x64xbf16, #tpu.memory_space<vmem>>
    %dma_start3A_127 = arith.constant 0 : i32
    %dma_start3A_128 = tpu.memref_slice %arg8[%dma_start3A_122, %dma_start3A_127] : memref<125x80xi32, #tpu.memory_space<vmem>> -> memref<1x80xi32, #tpu.memory_space<vmem>>
    %dma_start3A_129 = tpu.memref_squeeze %dma_start3A_128 : memref<1x80xi32, #tpu.memory_space<vmem>> -> memref<80xi32, #tpu.memory_space<vmem>>
    %dma_start3A_130 = arith.constant 0 : i32
    %dma_start3A_131 = arith.constant 0 : i32
    %dma_start3A_132 = tpu.memref_slice %arg9[%dma_start3A_130, %dma_start3A_131] : memref<10240x64xbf16, #tpu.memory_space<vmem_shared>> -> memref<10240x64xbf16, #tpu.memory_space<vmem_shared>>
    tpu.enqueue_indirect_dma source(%dma_start3A_126 : memref<80x64xbf16, #tpu.memory_space<vmem>>) target(%dma_start3A_132 : memref<10240x64xbf16, #tpu.memory_space<vmem_shared>>) offsets(%dma_start3A_129 : memref<80xi32, #tpu.memory_space<vmem>>) semaphore(%arg18 : memref<!tpu.dma_semaphore, #tpu.memory_space<semaphore_mem>>) {add = true}
    %dma_wait3A_133 = arith.constant 0 : i32
    %dma_wait3A_134 = arith.constant 3 : i32
    %dma_wait3A_135 = arith.constant 0 : i32
    %dma_wait3A_136 = arith.constant 0 : i32
    %dma_wait3A_137 = tpu.memref_slice %arg10[%dma_wait3A_134, %dma_wait3A_135, %dma_wait3A_136] : memref<5x80x64xbf16, #tpu.memory_space<vmem>> -> memref<1x80x64xbf16, #tpu.memory_space<vmem>>
    %dma_wait3A_138 = tpu.memref_squeeze %dma_wait3A_137 : memref<1x80x64xbf16, #tpu.memory_space<vmem>> -> memref<80x64xbf16, #tpu.memory_space<vmem>>
    %dma_wait3A_139 = arith.constant 0 : i32
    %dma_wait3A_140 = tpu.memref_slice %arg7[%dma_wait3A_133, %dma_wait3A_139] : memref<125x80xi32, #tpu.memory_space<vmem>> -> memref<1x80xi32, #tpu.memory_space<vmem>>
    %dma_wait3A_141 = tpu.memref_squeeze %dma_wait3A_140 : memref<1x80xi32, #tpu.memory_space<vmem>> -> memref<80xi32, #tpu.memory_space<vmem>>
    %dma_wait3A_142 = arith.constant 0 : i32
    %dma_wait3A_143 = arith.constant 0 : i32
    %dma_wait3A_144 = tpu.memref_slice %arg2[%dma_wait3A_142, %dma_wait3A_143] : memref<10000x64xbf16, #tpu.memory_space<hbm>> -> memref<10000x64xbf16, #tpu.memory_space<hbm>>
    tpu.wait_indirect_dma semaphore(%arg14 : memref<!tpu.dma_semaphore, #tpu.memory_space<semaphore_mem>>) src(%dma_wait3A_144 : memref<10000x64xbf16, #tpu.memory_space<hbm>>) dst(%dma_wait3A_138 : memref<80x64xbf16, #tpu.memory_space<vmem>>)
    %dma_wait3A_145 = arith.constant 0 : i32
    %dma_wait3A_146 = arith.constant 0 : i32
    %dma_wait3A_147 = arith.constant 0 : i32
    %dma_wait3A_148 = arith.constant 0 : i32
    %dma_wait3A_149 = tpu.memref_slice %arg10[%dma_wait3A_145, %dma_wait3A_147, %dma_wait3A_148] : memref<5x80x64xbf16, #tpu.memory_space<vmem>> -> memref<1x80x64xbf16, #tpu.memory_space<vmem>>
    %dma_wait3A_150 = tpu.memref_squeeze %dma_wait3A_149 : memref<1x80x64xbf16, #tpu.memory_space<vmem>> -> memref<80x64xbf16, #tpu.memory_space<vmem>>
    %dma_wait3A_151 = arith.constant 0 : i32
    %dma_wait3A_152 = tpu.memref_slice %arg8[%dma_wait3A_146, %dma_wait3A_151] : memref<125x80xi32, #tpu.memory_space<vmem>> -> memref<1x80xi32, #tpu.memory_space<vmem>>
    %dma_wait3A_153 = tpu.memref_squeeze %dma_wait3A_152 : memref<1x80xi32, #tpu.memory_space<vmem>> -> memref<80xi32, #tpu.memory_space<vmem>>
    %dma_wait3A_154 = arith.constant 0 : i32
    %dma_wait3A_155 = arith.constant 0 : i32
    %dma_wait3A_156 = tpu.memref_slice %arg9[%dma_wait3A_154, %dma_wait3A_155] : memref<10240x64xbf16, #tpu.memory_space<vmem_shared>> -> memref<10240x64xbf16, #tpu.memory_space<vmem_shared>>
    tpu.wait_indirect_dma semaphore(%arg16 : memref<!tpu.dma_semaphore, #tpu.memory_space<semaphore_mem>>) src(%dma_wait3A_150 : memref<80x64xbf16, #tpu.memory_space<vmem>>) dst(%dma_wait3A_156 : memref<10240x64xbf16, #tpu.memory_space<vmem_shared>>)
    %dma_start3A_157 = arith.constant 5 : i32
    %dma_start3A_158 = arith.constant 0 : i32
    %dma_start3A_159 = arith.constant 0 : i32
    %dma_start3A_160 = arith.constant 0 : i32
    %dma_start3A_161 = tpu.memref_slice %arg10[%dma_start3A_158, %dma_start3A_159, %dma_start3A_160] : memref<5x80x64xbf16, #tpu.memory_space<vmem>> -> memref<1x80x64xbf16, #tpu.memory_space<vmem>>
    %dma_start3A_162 = tpu.memref_squeeze %dma_start3A_161 : memref<1x80x64xbf16, #tpu.memory_space<vmem>> -> memref<80x64xbf16, #tpu.memory_space<vmem>>
    %dma_start3A_163 = arith.constant 0 : i32
    %dma_start3A_164 = tpu.memref_slice %arg7[%dma_start3A_157, %dma_start3A_163] : memref<125x80xi32, #tpu.memory_space<vmem>> -> memref<1x80xi32, #tpu.memory_space<vmem>>
    %dma_start3A_165 = tpu.memref_squeeze %dma_start3A_164 : memref<1x80xi32, #tpu.memory_space<vmem>> -> memref<80xi32, #tpu.memory_space<vmem>>
    %dma_start3A_166 = arith.constant 0 : i32
    %dma_start3A_167 = arith.constant 0 : i32
    %dma_start3A_168 = tpu.memref_slice %arg2[%dma_start3A_166, %dma_start3A_167] : memref<10000x64xbf16, #tpu.memory_space<hbm>> -> memref<10000x64xbf16, #tpu.memory_space<hbm>>
    tpu.enqueue_indirect_dma source(%dma_start3A_168 : memref<10000x64xbf16, #tpu.memory_space<hbm>>) target(%dma_start3A_162 : memref<80x64xbf16, #tpu.memory_space<vmem>>) offsets(%dma_start3A_165 : memref<80xi32, #tpu.memory_space<vmem>>) semaphore(%arg11 : memref<!tpu.dma_semaphore, #tpu.memory_space<semaphore_mem>>)
    %dma_start3A_169 = arith.constant 3 : i32
    %dma_start3A_170 = arith.constant 3 : i32
    %dma_start3A_171 = arith.constant 0 : i32
    %dma_start3A_172 = arith.constant 0 : i32
    %dma_start3A_173 = tpu.memref_slice %arg10[%dma_start3A_169, %dma_start3A_171, %dma_start3A_172] : memref<5x80x64xbf16, #tpu.memory_space<vmem>> -> memref<1x80x64xbf16, #tpu.memory_space<vmem>>
    %dma_start3A_174 = tpu.memref_squeeze %dma_start3A_173 : memref<1x80x64xbf16, #tpu.memory_space<vmem>> -> memref<80x64xbf16, #tpu.memory_space<vmem>>
    %dma_start3A_175 = arith.constant 0 : i32
    %dma_start3A_176 = tpu.memref_slice %arg8[%dma_start3A_170, %dma_start3A_175] : memref<125x80xi32, #tpu.memory_space<vmem>> -> memref<1x80xi32, #tpu.memory_space<vmem>>
    %dma_start3A_177 = tpu.memref_squeeze %dma_start3A_176 : memref<1x80xi32, #tpu.memory_space<vmem>> -> memref<80xi32, #tpu.memory_space<vmem>>
    %dma_start3A_178 = arith.constant 0 : i32
    %dma_start3A_179 = arith.constant 0 : i32
    %dma_start3A_180 = tpu.memref_slice %arg9[%dma_start3A_178, %dma_start3A_179] : memref<10240x64xbf16, #tpu.memory_space<vmem_shared>> -> memref<10240x64xbf16, #tpu.memory_space<vmem_shared>>
    tpu.enqueue_indirect_dma source(%dma_start3A_174 : memref<80x64xbf16, #tpu.memory_space<vmem>>) target(%dma_start3A_180 : memref<10240x64xbf16, #tpu.memory_space<vmem_shared>>) offsets(%dma_start3A_177 : memref<80xi32, #tpu.memory_space<vmem>>) semaphore(%arg19 : memref<!tpu.dma_semaphore, #tpu.memory_space<semaphore_mem>>) {add = true}
    %dma_wait3A_181 = arith.constant 0 : i32
    %dma_wait3A_182 = arith.constant 4 : i32
    %dma_wait3A_183 = arith.constant 0 : i32
    %dma_wait3A_184 = arith.constant 0 : i32
    %dma_wait3A_185 = tpu.memref_slice %arg10[%dma_wait3A_182, %dma_wait3A_183, %dma_wait3A_184] : memref<5x80x64xbf16, #tpu.memory_space<vmem>> -> memref<1x80x64xbf16, #tpu.memory_space<vmem>>
    %dma_wait3A_186 = tpu.memref_squeeze %dma_wait3A_185 : memref<1x80x64xbf16, #tpu.memory_space<vmem>> -> memref<80x64xbf16, #tpu.memory_space<vmem>>
    %dma_wait3A_187 = arith.constant 0 : i32
    %dma_wait3A_188 = tpu.memref_slice %arg7[%dma_wait3A_181, %dma_wait3A_187] : memref<125x80xi32, #tpu.memory_space<vmem>> -> memref<1x80xi32, #tpu.memory_space<vmem>>
    %dma_wait3A_189 = tpu.memref_squeeze %dma_wait3A_188 : memref<1x80xi32, #tpu.memory_space<vmem>> -> memref<80xi32, #tpu.memory_space<vmem>>
    %dma_wait3A_190 = arith.constant 0 : i32
    %dma_wait3A_191 = arith.constant 0 : i32
    %dma_wait3A_192 = tpu.memref_slice %arg2[%dma_wait3A_190, %dma_wait3A_191] : memref<10000x64xbf16, #tpu.memory_space<hbm>> -> memref<10000x64xbf16, #tpu.memory_space<hbm>>
    tpu.wait_indirect_dma semaphore(%arg15 : memref<!tpu.dma_semaphore, #tpu.memory_space<semaphore_mem>>) src(%dma_wait3A_192 : memref<10000x64xbf16, #tpu.memory_space<hbm>>) dst(%dma_wait3A_186 : memref<80x64xbf16, #tpu.memory_space<vmem>>)
    %dma_wait3A_193 = arith.constant 1 : i32
    %dma_wait3A_194 = arith.constant 0 : i32
    %dma_wait3A_195 = arith.constant 0 : i32
    %dma_wait3A_196 = arith.constant 0 : i32
    %dma_wait3A_197 = tpu.memref_slice %arg10[%dma_wait3A_193, %dma_wait3A_195, %dma_wait3A_196] : memref<5x80x64xbf16, #tpu.memory_space<vmem>> -> memref<1x80x64xbf16, #tpu.memory_space<vmem>>
    %dma_wait3A_198 = tpu.memref_squeeze %dma_wait3A_197 : memref<1x80x64xbf16, #tpu.memory_space<vmem>> -> memref<80x64xbf16, #tpu.memory_space<vmem>>
    %dma_wait3A_199 = arith.constant 0 : i32
    %dma_wait3A_200 = tpu.memref_slice %arg8[%dma_wait3A_194, %dma_wait3A_199] : memref<125x80xi32, #tpu.memory_space<vmem>> -> memref<1x80xi32, #tpu.memory_space<vmem>>
    %dma_wait3A_201 = tpu.memref_squeeze %dma_wait3A_200 : memref<1x80xi32, #tpu.memory_space<vmem>> -> memref<80xi32, #tpu.memory_space<vmem>>
    %dma_wait3A_202 = arith.constant 0 : i32
    %dma_wait3A_203 = arith.constant 0 : i32
    %dma_wait3A_204 = tpu.memref_slice %arg9[%dma_wait3A_202, %dma_wait3A_203] : memref<10240x64xbf16, #tpu.memory_space<vmem_shared>> -> memref<10240x64xbf16, #tpu.memory_space<vmem_shared>>
    tpu.wait_indirect_dma semaphore(%arg17 : memref<!tpu.dma_semaphore, #tpu.memory_space<semaphore_mem>>) src(%dma_wait3A_198 : memref<80x64xbf16, #tpu.memory_space<vmem>>) dst(%dma_wait3A_204 : memref<10240x64xbf16, #tpu.memory_space<vmem_shared>>)
    %dma_start3A_205 = arith.constant 6 : i32
    %dma_start3A_206 = arith.constant 1 : i32
    %dma_start3A_207 = arith.constant 0 : i32
    %dma_start3A_208 = arith.constant 0 : i32
    %dma_start3A_209 = tpu.memref_slice %arg10[%dma_start3A_206, %dma_start3A_207, %dma_start3A_208] : memref<5x80x64xbf16, #tpu.memory_space<vmem>> -> memref<1x80x64xbf16, #tpu.memory_space<vmem>>
    %dma_start3A_210 = tpu.memref_squeeze %dma_start3A_209 : memref<1x80x64xbf16, #tpu.memory_space<vmem>> -> memref<80x64xbf16, #tpu.memory_space<vmem>>
    %dma_start3A_211 = arith.constant 0 : i32
    %dma_start3A_212 = tpu.memref_slice %arg7[%dma_start3A_205, %dma_start3A_211] : memref<125x80xi32, #tpu.memory_space<vmem>> -> memref<1x80xi32, #tpu.memory_space<vmem>>
    %dma_start3A_213 = tpu.memref_squeeze %dma_start3A_212 : memref<1x80xi32, #tpu.memory_space<vmem>> -> memref<80xi32, #tpu.memory_space<vmem>>
    %dma_start3A_214 = arith.constant 0 : i32
    %dma_start3A_215 = arith.constant 0 : i32
    %dma_start3A_216 = tpu.memref_slice %arg2[%dma_start3A_214, %dma_start3A_215] : memref<10000x64xbf16, #tpu.memory_space<hbm>> -> memref<10000x64xbf16, #tpu.memory_space<hbm>>
    tpu.enqueue_indirect_dma source(%dma_start3A_216 : memref<10000x64xbf16, #tpu.memory_space<hbm>>) target(%dma_start3A_210 : memref<80x64xbf16, #tpu.memory_space<vmem>>) offsets(%dma_start3A_213 : memref<80xi32, #tpu.memory_space<vmem>>) semaphore(%arg12 : memref<!tpu.dma_semaphore, #tpu.memory_space<semaphore_mem>>)
    %dma_start3A_217 = arith.constant 4 : i32
    %dma_start3A_218 = arith.constant 4 : i32
    %dma_start3A_219 = arith.constant 0 : i32
    %dma_start3A_220 = arith.constant 0 : i32
    %dma_start3A_221 = tpu.memref_slice %arg10[%dma_start3A_217, %dma_start3A_219, %dma_start3A_220] : memref<5x80x64xbf16, #tpu.memory_space<vmem>> -> memref<1x80x64xbf16, #tpu.memory_space<vmem>>
    %dma_start3A_222 = tpu.memref_squeeze %dma_start3A_221 : memref<1x80x64xbf16, #tpu.memory_space<vmem>> -> memref<80x64xbf16, #tpu.memory_space<vmem>>
    %dma_start3A_223 = arith.constant 0 : i32
    %dma_start3A_224 = tpu.memref_slice %arg8[%dma_start3A_218, %dma_start3A_223] : memref<125x80xi32, #tpu.memory_space<vmem>> -> memref<1x80xi32, #tpu.memory_space<vmem>>
    %dma_start3A_225 = tpu.memref_squeeze %dma_start3A_224 : memref<1x80xi32, #tpu.memory_space<vmem>> -> memref<80xi32, #tpu.memory_space<vmem>>
    %dma_start3A_226 = arith.constant 0 : i32
    %dma_start3A_227 = arith.constant 0 : i32
    %dma_start3A_228 = tpu.memref_slice %arg9[%dma_start3A_226, %dma_start3A_227] : memref<10240x64xbf16, #tpu.memory_space<vmem_shared>> -> memref<10240x64xbf16, #tpu.memory_space<vmem_shared>>
    tpu.enqueue_indirect_dma source(%dma_start3A_222 : memref<80x64xbf16, #tpu.memory_space<vmem>>) target(%dma_start3A_228 : memref<10240x64xbf16, #tpu.memory_space<vmem_shared>>) offsets(%dma_start3A_225 : memref<80xi32, #tpu.memory_space<vmem>>) semaphore(%arg20 : memref<!tpu.dma_semaphore, #tpu.memory_space<semaphore_mem>>) {add = true}
    %scan3A = arith.constant 0 : i32
    %scan3A_229 = arith.constant 1 : i32
    %scan3A_230 = arith.constant 23 : i32
    %scan3A_231 = arith.addi %scan3A_229, %scan3A_230 : i32
    %scan3A_232 = arith.constant 1 : i32
    %scan3A_233 = scf.for %scan3A_488 = %scan3A_229 to %scan3A_231 step %scan3A_232 iter_args(%scan3A_489 = %scan3A) -> (i32)  : i32 {
      %mul3A_490 = arith.constant 5 : i32
      %mul3A_491 = arith.muli %mul3A_490, %scan3A_488 : i32
      %add3A_492 = arith.constant 0 : i32
      %add3A_493 = arith.addi %mul3A_491, %add3A_492 : i32
      %dma_wait3A_494 = arith.constant 0 : i32
      %dma_wait3A_495 = arith.constant 0 : i32
      %dma_wait3A_496 = arith.constant 0 : i32
      %dma_wait3A_497 = arith.constant 0 : i32
      %dma_wait3A_498 = tpu.memref_slice %arg10[%dma_wait3A_495, %dma_wait3A_496, %dma_wait3A_497] : memref<5x80x64xbf16, #tpu.memory_space<vmem>> -> memref<1x80x64xbf16, #tpu.memory_space<vmem>>
      %dma_wait3A_499 = tpu.memref_squeeze %dma_wait3A_498 : memref<1x80x64xbf16, #tpu.memory_space<vmem>> -> memref<80x64xbf16, #tpu.memory_space<vmem>>
      %dma_wait3A_500 = arith.constant 0 : i32
      %dma_wait3A_501 = tpu.memref_slice %arg7[%dma_wait3A_494, %dma_wait3A_500] : memref<125x80xi32, #tpu.memory_space<vmem>> -> memref<1x80xi32, #tpu.memory_space<vmem>>
      %dma_wait3A_502 = tpu.memref_squeeze %dma_wait3A_501 : memref<1x80xi32, #tpu.memory_space<vmem>> -> memref<80xi32, #tpu.memory_space<vmem>>
      %dma_wait3A_503 = arith.constant 0 : i32
      %dma_wait3A_504 = arith.constant 0 : i32
      %dma_wait3A_505 = tpu.memref_slice %arg2[%dma_wait3A_503, %dma_wait3A_504] : memref<10000x64xbf16, #tpu.memory_space<hbm>> -> memref<10000x64xbf16, #tpu.memory_space<hbm>>
      tpu.wait_indirect_dma semaphore(%arg11 : memref<!tpu.dma_semaphore, #tpu.memory_space<semaphore_mem>>) src(%dma_wait3A_505 : memref<10000x64xbf16, #tpu.memory_space<hbm>>) dst(%dma_wait3A_499 : memref<80x64xbf16, #tpu.memory_space<vmem>>)
      %dma_wait3A_506 = arith.constant 2 : i32
      %dma_wait3A_507 = arith.constant 0 : i32
      %dma_wait3A_508 = arith.constant 0 : i32
      %dma_wait3A_509 = arith.constant 0 : i32
      %dma_wait3A_510 = tpu.memref_slice %arg10[%dma_wait3A_506, %dma_wait3A_508, %dma_wait3A_509] : memref<5x80x64xbf16, #tpu.memory_space<vmem>> -> memref<1x80x64xbf16, #tpu.memory_space<vmem>>
      %dma_wait3A_511 = tpu.memref_squeeze %dma_wait3A_510 : memref<1x80x64xbf16, #tpu.memory_space<vmem>> -> memref<80x64xbf16, #tpu.memory_space<vmem>>
      %dma_wait3A_512 = arith.constant 0 : i32
      %dma_wait3A_513 = tpu.memref_slice %arg8[%dma_wait3A_507, %dma_wait3A_512] : memref<125x80xi32, #tpu.memory_space<vmem>> -> memref<1x80xi32, #tpu.memory_space<vmem>>
      %dma_wait3A_514 = tpu.memref_squeeze %dma_wait3A_513 : memref<1x80xi32, #tpu.memory_space<vmem>> -> memref<80xi32, #tpu.memory_space<vmem>>
      %dma_wait3A_515 = arith.constant 0 : i32
      %dma_wait3A_516 = arith.constant 0 : i32
      %dma_wait3A_517 = tpu.memref_slice %arg9[%dma_wait3A_515, %dma_wait3A_516] : memref<10240x64xbf16, #tpu.memory_space<vmem_shared>> -> memref<10240x64xbf16, #tpu.memory_space<vmem_shared>>
      tpu.wait_indirect_dma semaphore(%arg18 : memref<!tpu.dma_semaphore, #tpu.memory_space<semaphore_mem>>) src(%dma_wait3A_511 : memref<80x64xbf16, #tpu.memory_space<vmem>>) dst(%dma_wait3A_517 : memref<10240x64xbf16, #tpu.memory_space<vmem_shared>>)
      %add3A_518 = arith.constant 2 : i32
      %add3A_519 = arith.addi %add3A_493, %add3A_518 : i32
      %dma_start3A_520 = arith.constant 2 : i32
      %dma_start3A_521 = arith.constant 0 : i32
      %dma_start3A_522 = arith.constant 0 : i32
      %dma_start3A_523 = tpu.memref_slice %arg10[%dma_start3A_520, %dma_start3A_521, %dma_start3A_522] : memref<5x80x64xbf16, #tpu.memory_space<vmem>> -> memref<1x80x64xbf16, #tpu.memory_space<vmem>>
      %dma_start3A_524 = tpu.memref_squeeze %dma_start3A_523 : memref<1x80x64xbf16, #tpu.memory_space<vmem>> -> memref<80x64xbf16, #tpu.memory_space<vmem>>
      %dma_start3A_525 = arith.constant 0 : i32
      %dma_start3A_526 = tpu.memref_slice %arg7[%add3A_519, %dma_start3A_525] : memref<125x80xi32, #tpu.memory_space<vmem>> -> memref<1x80xi32, #tpu.memory_space<vmem>>
      %dma_start3A_527 = tpu.memref_squeeze %dma_start3A_526 : memref<1x80xi32, #tpu.memory_space<vmem>> -> memref<80xi32, #tpu.memory_space<vmem>>
      %dma_start3A_528 = arith.constant 0 : i32
      %dma_start3A_529 = arith.constant 0 : i32
      %dma_start3A_530 = tpu.memref_slice %arg2[%dma_start3A_528, %dma_start3A_529] : memref<10000x64xbf16, #tpu.memory_space<hbm>> -> memref<10000x64xbf16, #tpu.memory_space<hbm>>
      tpu.enqueue_indirect_dma source(%dma_start3A_530 : memref<10000x64xbf16, #tpu.memory_space<hbm>>) target(%dma_start3A_524 : memref<80x64xbf16, #tpu.memory_space<vmem>>) offsets(%dma_start3A_527 : memref<80xi32, #tpu.memory_space<vmem>>) semaphore(%arg13 : memref<!tpu.dma_semaphore, #tpu.memory_space<semaphore_mem>>)
      %dma_start3A_531 = arith.constant 0 : i32
      %dma_start3A_532 = arith.constant 0 : i32
      %dma_start3A_533 = arith.constant 0 : i32
      %dma_start3A_534 = tpu.memref_slice %arg10[%dma_start3A_531, %dma_start3A_532, %dma_start3A_533] : memref<5x80x64xbf16, #tpu.memory_space<vmem>> -> memref<1x80x64xbf16, #tpu.memory_space<vmem>>
      %dma_start3A_535 = tpu.memref_squeeze %dma_start3A_534 : memref<1x80x64xbf16, #tpu.memory_space<vmem>> -> memref<80x64xbf16, #tpu.memory_space<vmem>>
      %dma_start3A_536 = arith.constant 0 : i32
      %dma_start3A_537 = tpu.memref_slice %arg8[%add3A_493, %dma_start3A_536] : memref<125x80xi32, #tpu.memory_space<vmem>> -> memref<1x80xi32, #tpu.memory_space<vmem>>
      %dma_start3A_538 = tpu.memref_squeeze %dma_start3A_537 : memref<1x80xi32, #tpu.memory_space<vmem>> -> memref<80xi32, #tpu.memory_space<vmem>>
      %dma_start3A_539 = arith.constant 0 : i32
      %dma_start3A_540 = arith.constant 0 : i32
      %dma_start3A_541 = tpu.memref_slice %arg9[%dma_start3A_539, %dma_start3A_540] : memref<10240x64xbf16, #tpu.memory_space<vmem_shared>> -> memref<10240x64xbf16, #tpu.memory_space<vmem_shared>>
      tpu.enqueue_indirect_dma source(%dma_start3A_535 : memref<80x64xbf16, #tpu.memory_space<vmem>>) target(%dma_start3A_541 : memref<10240x64xbf16, #tpu.memory_space<vmem_shared>>) offsets(%dma_start3A_538 : memref<80xi32, #tpu.memory_space<vmem>>) semaphore(%arg16 : memref<!tpu.dma_semaphore, #tpu.memory_space<semaphore_mem>>) {add = true}
      %add3A_542 = arith.constant 1 : i32
      %add3A_543 = arith.addi %mul3A_491, %add3A_542 : i32
      %dma_wait3A_544 = arith.constant 0 : i32
      %dma_wait3A_545 = arith.constant 1 : i32
      %dma_wait3A_546 = arith.constant 0 : i32
      %dma_wait3A_547 = arith.constant 0 : i32
      %dma_wait3A_548 = tpu.memref_slice %arg10[%dma_wait3A_545, %dma_wait3A_546, %dma_wait3A_547] : memref<5x80x64xbf16, #tpu.memory_space<vmem>> -> memref<1x80x64xbf16, #tpu.memory_space<vmem>>
      %dma_wait3A_549 = tpu.memref_squeeze %dma_wait3A_548 : memref<1x80x64xbf16, #tpu.memory_space<vmem>> -> memref<80x64xbf16, #tpu.memory_space<vmem>>
      %dma_wait3A_550 = arith.constant 0 : i32
      %dma_wait3A_551 = tpu.memref_slice %arg7[%dma_wait3A_544, %dma_wait3A_550] : memref<125x80xi32, #tpu.memory_space<vmem>> -> memref<1x80xi32, #tpu.memory_space<vmem>>
      %dma_wait3A_552 = tpu.memref_squeeze %dma_wait3A_551 : memref<1x80xi32, #tpu.memory_space<vmem>> -> memref<80xi32, #tpu.memory_space<vmem>>
      %dma_wait3A_553 = arith.constant 0 : i32
      %dma_wait3A_554 = arith.constant 0 : i32
      %dma_wait3A_555 = tpu.memref_slice %arg2[%dma_wait3A_553, %dma_wait3A_554] : memref<10000x64xbf16, #tpu.memory_space<hbm>> -> memref<10000x64xbf16, #tpu.memory_space<hbm>>
      tpu.wait_indirect_dma semaphore(%arg12 : memref<!tpu.dma_semaphore, #tpu.memory_space<semaphore_mem>>) src(%dma_wait3A_555 : memref<10000x64xbf16, #tpu.memory_space<hbm>>) dst(%dma_wait3A_549 : memref<80x64xbf16, #tpu.memory_space<vmem>>)
      %dma_wait3A_556 = arith.constant 3 : i32
      %dma_wait3A_557 = arith.constant 0 : i32
      %dma_wait3A_558 = arith.constant 0 : i32
      %dma_wait3A_559 = arith.constant 0 : i32
      %dma_wait3A_560 = tpu.memref_slice %arg10[%dma_wait3A_556, %dma_wait3A_558, %dma_wait3A_559] : memref<5x80x64xbf16, #tpu.memory_space<vmem>> -> memref<1x80x64xbf16, #tpu.memory_space<vmem>>
      %dma_wait3A_561 = tpu.memref_squeeze %dma_wait3A_560 : memref<1x80x64xbf16, #tpu.memory_space<vmem>> -> memref<80x64xbf16, #tpu.memory_space<vmem>>
      %dma_wait3A_562 = arith.constant 0 : i32
      %dma_wait3A_563 = tpu.memref_slice %arg8[%dma_wait3A_557, %dma_wait3A_562] : memref<125x80xi32, #tpu.memory_space<vmem>> -> memref<1x80xi32, #tpu.memory_space<vmem>>
      %dma_wait3A_564 = tpu.memref_squeeze %dma_wait3A_563 : memref<1x80xi32, #tpu.memory_space<vmem>> -> memref<80xi32, #tpu.memory_space<vmem>>
      %dma_wait3A_565 = arith.constant 0 : i32
      %dma_wait3A_566 = arith.constant 0 : i32
      %dma_wait3A_567 = tpu.memref_slice %arg9[%dma_wait3A_565, %dma_wait3A_566] : memref<10240x64xbf16, #tpu.memory_space<vmem_shared>> -> memref<10240x64xbf16, #tpu.memory_space<vmem_shared>>
      tpu.wait_indirect_dma semaphore(%arg19 : memref<!tpu.dma_semaphore, #tpu.memory_space<semaphore_mem>>) src(%dma_wait3A_561 : memref<80x64xbf16, #tpu.memory_space<vmem>>) dst(%dma_wait3A_567 : memref<10240x64xbf16, #tpu.memory_space<vmem_shared>>)
      %add3A_568 = arith.constant 2 : i32
      %add3A_569 = arith.addi %add3A_543, %add3A_568 : i32
      %dma_start3A_570 = arith.constant 3 : i32
      %dma_start3A_571 = arith.constant 0 : i32
      %dma_start3A_572 = arith.constant 0 : i32
      %dma_start3A_573 = tpu.memref_slice %arg10[%dma_start3A_570, %dma_start3A_571, %dma_start3A_572] : memref<5x80x64xbf16, #tpu.memory_space<vmem>> -> memref<1x80x64xbf16, #tpu.memory_space<vmem>>
      %dma_start3A_574 = tpu.memref_squeeze %dma_start3A_573 : memref<1x80x64xbf16, #tpu.memory_space<vmem>> -> memref<80x64xbf16, #tpu.memory_space<vmem>>
      %dma_start3A_575 = arith.constant 0 : i32
      %dma_start3A_576 = tpu.memref_slice %arg7[%add3A_569, %dma_start3A_575] : memref<125x80xi32, #tpu.memory_space<vmem>> -> memref<1x80xi32, #tpu.memory_space<vmem>>
      %dma_start3A_577 = tpu.memref_squeeze %dma_start3A_576 : memref<1x80xi32, #tpu.memory_space<vmem>> -> memref<80xi32, #tpu.memory_space<vmem>>
      %dma_start3A_578 = arith.constant 0 : i32
      %dma_start3A_579 = arith.constant 0 : i32
      %dma_start3A_580 = tpu.memref_slice %arg2[%dma_start3A_578, %dma_start3A_579] : memref<10000x64xbf16, #tpu.memory_space<hbm>> -> memref<10000x64xbf16, #tpu.memory_space<hbm>>
      tpu.enqueue_indirect_dma source(%dma_start3A_580 : memref<10000x64xbf16, #tpu.memory_space<hbm>>) target(%dma_start3A_574 : memref<80x64xbf16, #tpu.memory_space<vmem>>) offsets(%dma_start3A_577 : memref<80xi32, #tpu.memory_space<vmem>>) semaphore(%arg14 : memref<!tpu.dma_semaphore, #tpu.memory_space<semaphore_mem>>)
      %dma_start3A_581 = arith.constant 1 : i32
      %dma_start3A_582 = arith.constant 0 : i32
      %dma_start3A_583 = arith.constant 0 : i32
      %dma_start3A_584 = tpu.memref_slice %arg10[%dma_start3A_581, %dma_start3A_582, %dma_start3A_583] : memref<5x80x64xbf16, #tpu.memory_space<vmem>> -> memref<1x80x64xbf16, #tpu.memory_space<vmem>>
      %dma_start3A_585 = tpu.memref_squeeze %dma_start3A_584 : memref<1x80x64xbf16, #tpu.memory_space<vmem>> -> memref<80x64xbf16, #tpu.memory_space<vmem>>
      %dma_start3A_586 = arith.constant 0 : i32
      %dma_start3A_587 = tpu.memref_slice %arg8[%add3A_543, %dma_start3A_586] : memref<125x80xi32, #tpu.memory_space<vmem>> -> memref<1x80xi32, #tpu.memory_space<vmem>>
      %dma_start3A_588 = tpu.memref_squeeze %dma_start3A_587 : memref<1x80xi32, #tpu.memory_space<vmem>> -> memref<80xi32, #tpu.memory_space<vmem>>
      %dma_start3A_589 = arith.constant 0 : i32
      %dma_start3A_590 = arith.constant 0 : i32
      %dma_start3A_591 = tpu.memref_slice %arg9[%dma_start3A_589, %dma_start3A_590] : memref<10240x64xbf16, #tpu.memory_space<vmem_shared>> -> memref<10240x64xbf16, #tpu.memory_space<vmem_shared>>
      tpu.enqueue_indirect_dma source(%dma_start3A_585 : memref<80x64xbf16, #tpu.memory_space<vmem>>) target(%dma_start3A_591 : memref<10240x64xbf16, #tpu.memory_space<vmem_shared>>) offsets(%dma_start3A_588 : memref<80xi32, #tpu.memory_space<vmem>>) semaphore(%arg17 : memref<!tpu.dma_semaphore, #tpu.memory_space<semaphore_mem>>) {add = true}
      %add3A_592 = arith.constant 2 : i32
      %add3A_593 = arith.addi %mul3A_491, %add3A_592 : i32
      %dma_wait3A_594 = arith.constant 0 : i32
      %dma_wait3A_595 = arith.constant 2 : i32
      %dma_wait3A_596 = arith.constant 0 : i32
      %dma_wait3A_597 = arith.constant 0 : i32
      %dma_wait3A_598 = tpu.memref_slice %arg10[%dma_wait3A_595, %dma_wait3A_596, %dma_wait3A_597] : memref<5x80x64xbf16, #tpu.memory_space<vmem>> -> memref<1x80x64xbf16, #tpu.memory_space<vmem>>
      %dma_wait3A_599 = tpu.memref_squeeze %dma_wait3A_598 : memref<1x80x64xbf16, #tpu.memory_space<vmem>> -> memref<80x64xbf16, #tpu.memory_space<vmem>>
      %dma_wait3A_600 = arith.constant 0 : i32
      %dma_wait3A_601 = tpu.memref_slice %arg7[%dma_wait3A_594, %dma_wait3A_600] : memref<125x80xi32, #tpu.memory_space<vmem>> -> memref<1x80xi32, #tpu.memory_space<vmem>>
      %dma_wait3A_602 = tpu.memref_squeeze %dma_wait3A_601 : memref<1x80xi32, #tpu.memory_space<vmem>> -> memref<80xi32, #tpu.memory_space<vmem>>
      %dma_wait3A_603 = arith.constant 0 : i32
      %dma_wait3A_604 = arith.constant 0 : i32
      %dma_wait3A_605 = tpu.memref_slice %arg2[%dma_wait3A_603, %dma_wait3A_604] : memref<10000x64xbf16, #tpu.memory_space<hbm>> -> memref<10000x64xbf16, #tpu.memory_space<hbm>>
      tpu.wait_indirect_dma semaphore(%arg13 : memref<!tpu.dma_semaphore, #tpu.memory_space<semaphore_mem>>) src(%dma_wait3A_605 : memref<10000x64xbf16, #tpu.memory_space<hbm>>) dst(%dma_wait3A_599 : memref<80x64xbf16, #tpu.memory_space<vmem>>)
      %dma_wait3A_606 = arith.constant 4 : i32
      %dma_wait3A_607 = arith.constant 0 : i32
      %dma_wait3A_608 = arith.constant 0 : i32
      %dma_wait3A_609 = arith.constant 0 : i32
      %dma_wait3A_610 = tpu.memref_slice %arg10[%dma_wait3A_606, %dma_wait3A_608, %dma_wait3A_609] : memref<5x80x64xbf16, #tpu.memory_space<vmem>> -> memref<1x80x64xbf16, #tpu.memory_space<vmem>>
      %dma_wait3A_611 = tpu.memref_squeeze %dma_wait3A_610 : memref<1x80x64xbf16, #tpu.memory_space<vmem>> -> memref<80x64xbf16, #tpu.memory_space<vmem>>
      %dma_wait3A_612 = arith.constant 0 : i32
      %dma_wait3A_613 = tpu.memref_slice %arg8[%dma_wait3A_607, %dma_wait3A_612] : memref<125x80xi32, #tpu.memory_space<vmem>> -> memref<1x80xi32, #tpu.memory_space<vmem>>
      %dma_wait3A_614 = tpu.memref_squeeze %dma_wait3A_613 : memref<1x80xi32, #tpu.memory_space<vmem>> -> memref<80xi32, #tpu.memory_space<vmem>>
      %dma_wait3A_615 = arith.constant 0 : i32
      %dma_wait3A_616 = arith.constant 0 : i32
      %dma_wait3A_617 = tpu.memref_slice %arg9[%dma_wait3A_615, %dma_wait3A_616] : memref<10240x64xbf16, #tpu.memory_space<vmem_shared>> -> memref<10240x64xbf16, #tpu.memory_space<vmem_shared>>
      tpu.wait_indirect_dma semaphore(%arg20 : memref<!tpu.dma_semaphore, #tpu.memory_space<semaphore_mem>>) src(%dma_wait3A_611 : memref<80x64xbf16, #tpu.memory_space<vmem>>) dst(%dma_wait3A_617 : memref<10240x64xbf16, #tpu.memory_space<vmem_shared>>)
      %add3A_618 = arith.constant 2 : i32
      %add3A_619 = arith.addi %add3A_593, %add3A_618 : i32
      %dma_start3A_620 = arith.constant 4 : i32
      %dma_start3A_621 = arith.constant 0 : i32
      %dma_start3A_622 = arith.constant 0 : i32
      %dma_start3A_623 = tpu.memref_slice %arg10[%dma_start3A_620, %dma_start3A_621, %dma_start3A_622] : memref<5x80x64xbf16, #tpu.memory_space<vmem>> -> memref<1x80x64xbf16, #tpu.memory_space<vmem>>
      %dma_start3A_624 = tpu.memref_squeeze %dma_start3A_623 : memref<1x80x64xbf16, #tpu.memory_space<vmem>> -> memref<80x64xbf16, #tpu.memory_space<vmem>>
      %dma_start3A_625 = arith.constant 0 : i32
      %dma_start3A_626 = tpu.memref_slice %arg7[%add3A_619, %dma_start3A_625] : memref<125x80xi32, #tpu.memory_space<vmem>> -> memref<1x80xi32, #tpu.memory_space<vmem>>
      %dma_start3A_627 = tpu.memref_squeeze %dma_start3A_626 : memref<1x80xi32, #tpu.memory_space<vmem>> -> memref<80xi32, #tpu.memory_space<vmem>>
      %dma_start3A_628 = arith.constant 0 : i32
      %dma_start3A_629 = arith.constant 0 : i32
      %dma_start3A_630 = tpu.memref_slice %arg2[%dma_start3A_628, %dma_start3A_629] : memref<10000x64xbf16, #tpu.memory_space<hbm>> -> memref<10000x64xbf16, #tpu.memory_space<hbm>>
      tpu.enqueue_indirect_dma source(%dma_start3A_630 : memref<10000x64xbf16, #tpu.memory_space<hbm>>) target(%dma_start3A_624 : memref<80x64xbf16, #tpu.memory_space<vmem>>) offsets(%dma_start3A_627 : memref<80xi32, #tpu.memory_space<vmem>>) semaphore(%arg15 : memref<!tpu.dma_semaphore, #tpu.memory_space<semaphore_mem>>)
      %dma_start3A_631 = arith.constant 2 : i32
      %dma_start3A_632 = arith.constant 0 : i32
      %dma_start3A_633 = arith.constant 0 : i32
      %dma_start3A_634 = tpu.memref_slice %arg10[%dma_start3A_631, %dma_start3A_632, %dma_start3A_633] : memref<5x80x64xbf16, #tpu.memory_space<vmem>> -> memref<1x80x64xbf16, #tpu.memory_space<vmem>>
      %dma_start3A_635 = tpu.memref_squeeze %dma_start3A_634 : memref<1x80x64xbf16, #tpu.memory_space<vmem>> -> memref<80x64xbf16, #tpu.memory_space<vmem>>
      %dma_start3A_636 = arith.constant 0 : i32
      %dma_start3A_637 = tpu.memref_slice %arg8[%add3A_593, %dma_start3A_636] : memref<125x80xi32, #tpu.memory_space<vmem>> -> memref<1x80xi32, #tpu.memory_space<vmem>>
      %dma_start3A_638 = tpu.memref_squeeze %dma_start3A_637 : memref<1x80xi32, #tpu.memory_space<vmem>> -> memref<80xi32, #tpu.memory_space<vmem>>
      %dma_start3A_639 = arith.constant 0 : i32
      %dma_start3A_640 = arith.constant 0 : i32
      %dma_start3A_641 = tpu.memref_slice %arg9[%dma_start3A_639, %dma_start3A_640] : memref<10240x64xbf16, #tpu.memory_space<vmem_shared>> -> memref<10240x64xbf16, #tpu.memory_space<vmem_shared>>
      tpu.enqueue_indirect_dma source(%dma_start3A_635 : memref<80x64xbf16, #tpu.memory_space<vmem>>) target(%dma_start3A_641 : memref<10240x64xbf16, #tpu.memory_space<vmem_shared>>) offsets(%dma_start3A_638 : memref<80xi32, #tpu.memory_space<vmem>>) semaphore(%arg18 : memref<!tpu.dma_semaphore, #tpu.memory_space<semaphore_mem>>) {add = true}
      %add3A_642 = arith.constant 3 : i32
      %add3A_643 = arith.addi %mul3A_491, %add3A_642 : i32
      %dma_wait3A_644 = arith.constant 0 : i32
      %dma_wait3A_645 = arith.constant 3 : i32
      %dma_wait3A_646 = arith.constant 0 : i32
      %dma_wait3A_647 = arith.constant 0 : i32
      %dma_wait3A_648 = tpu.memref_slice %arg10[%dma_wait3A_645, %dma_wait3A_646, %dma_wait3A_647] : memref<5x80x64xbf16, #tpu.memory_space<vmem>> -> memref<1x80x64xbf16, #tpu.memory_space<vmem>>
      %dma_wait3A_649 = tpu.memref_squeeze %dma_wait3A_648 : memref<1x80x64xbf16, #tpu.memory_space<vmem>> -> memref<80x64xbf16, #tpu.memory_space<vmem>>
      %dma_wait3A_650 = arith.constant 0 : i32
      %dma_wait3A_651 = tpu.memref_slice %arg7[%dma_wait3A_644, %dma_wait3A_650] : memref<125x80xi32, #tpu.memory_space<vmem>> -> memref<1x80xi32, #tpu.memory_space<vmem>>
      %dma_wait3A_652 = tpu.memref_squeeze %dma_wait3A_651 : memref<1x80xi32, #tpu.memory_space<vmem>> -> memref<80xi32, #tpu.memory_space<vmem>>
      %dma_wait3A_653 = arith.constant 0 : i32
      %dma_wait3A_654 = arith.constant 0 : i32
      %dma_wait3A_655 = tpu.memref_slice %arg2[%dma_wait3A_653, %dma_wait3A_654] : memref<10000x64xbf16, #tpu.memory_space<hbm>> -> memref<10000x64xbf16, #tpu.memory_space<hbm>>
      tpu.wait_indirect_dma semaphore(%arg14 : memref<!tpu.dma_semaphore, #tpu.memory_space<semaphore_mem>>) src(%dma_wait3A_655 : memref<10000x64xbf16, #tpu.memory_space<hbm>>) dst(%dma_wait3A_649 : memref<80x64xbf16, #tpu.memory_space<vmem>>)
      %dma_wait3A_656 = arith.constant 0 : i32
      %dma_wait3A_657 = arith.constant 0 : i32
      %dma_wait3A_658 = arith.constant 0 : i32
      %dma_wait3A_659 = arith.constant 0 : i32
      %dma_wait3A_660 = tpu.memref_slice %arg10[%dma_wait3A_656, %dma_wait3A_658, %dma_wait3A_659] : memref<5x80x64xbf16, #tpu.memory_space<vmem>> -> memref<1x80x64xbf16, #tpu.memory_space<vmem>>
      %dma_wait3A_661 = tpu.memref_squeeze %dma_wait3A_660 : memref<1x80x64xbf16, #tpu.memory_space<vmem>> -> memref<80x64xbf16, #tpu.memory_space<vmem>>
      %dma_wait3A_662 = arith.constant 0 : i32
      %dma_wait3A_663 = tpu.memref_slice %arg8[%dma_wait3A_657, %dma_wait3A_662] : memref<125x80xi32, #tpu.memory_space<vmem>> -> memref<1x80xi32, #tpu.memory_space<vmem>>
      %dma_wait3A_664 = tpu.memref_squeeze %dma_wait3A_663 : memref<1x80xi32, #tpu.memory_space<vmem>> -> memref<80xi32, #tpu.memory_space<vmem>>
      %dma_wait3A_665 = arith.constant 0 : i32
      %dma_wait3A_666 = arith.constant 0 : i32
      %dma_wait3A_667 = tpu.memref_slice %arg9[%dma_wait3A_665, %dma_wait3A_666] : memref<10240x64xbf16, #tpu.memory_space<vmem_shared>> -> memref<10240x64xbf16, #tpu.memory_space<vmem_shared>>
      tpu.wait_indirect_dma semaphore(%arg16 : memref<!tpu.dma_semaphore, #tpu.memory_space<semaphore_mem>>) src(%dma_wait3A_661 : memref<80x64xbf16, #tpu.memory_space<vmem>>) dst(%dma_wait3A_667 : memref<10240x64xbf16, #tpu.memory_space<vmem_shared>>)
      %add3A_668 = arith.constant 2 : i32
      %add3A_669 = arith.addi %add3A_643, %add3A_668 : i32
      %dma_start3A_670 = arith.constant 0 : i32
      %dma_start3A_671 = arith.constant 0 : i32
      %dma_start3A_672 = arith.constant 0 : i32
      %dma_start3A_673 = tpu.memref_slice %arg10[%dma_start3A_670, %dma_start3A_671, %dma_start3A_672] : memref<5x80x64xbf16, #tpu.memory_space<vmem>> -> memref<1x80x64xbf16, #tpu.memory_space<vmem>>
      %dma_start3A_674 = tpu.memref_squeeze %dma_start3A_673 : memref<1x80x64xbf16, #tpu.memory_space<vmem>> -> memref<80x64xbf16, #tpu.memory_space<vmem>>
      %dma_start3A_675 = arith.constant 0 : i32
      %dma_start3A_676 = tpu.memref_slice %arg7[%add3A_669, %dma_start3A_675] : memref<125x80xi32, #tpu.memory_space<vmem>> -> memref<1x80xi32, #tpu.memory_space<vmem>>
      %dma_start3A_677 = tpu.memref_squeeze %dma_start3A_676 : memref<1x80xi32, #tpu.memory_space<vmem>> -> memref<80xi32, #tpu.memory_space<vmem>>
      %dma_start3A_678 = arith.constant 0 : i32
      %dma_start3A_679 = arith.constant 0 : i32
      %dma_start3A_680 = tpu.memref_slice %arg2[%dma_start3A_678, %dma_start3A_679] : memref<10000x64xbf16, #tpu.memory_space<hbm>> -> memref<10000x64xbf16, #tpu.memory_space<hbm>>
      tpu.enqueue_indirect_dma source(%dma_start3A_680 : memref<10000x64xbf16, #tpu.memory_space<hbm>>) target(%dma_start3A_674 : memref<80x64xbf16, #tpu.memory_space<vmem>>) offsets(%dma_start3A_677 : memref<80xi32, #tpu.memory_space<vmem>>) semaphore(%arg11 : memref<!tpu.dma_semaphore, #tpu.memory_space<semaphore_mem>>)
      %dma_start3A_681 = arith.constant 3 : i32
      %dma_start3A_682 = arith.constant 0 : i32
      %dma_start3A_683 = arith.constant 0 : i32
      %dma_start3A_684 = tpu.memref_slice %arg10[%dma_start3A_681, %dma_start3A_682, %dma_start3A_683] : memref<5x80x64xbf16, #tpu.memory_space<vmem>> -> memref<1x80x64xbf16, #tpu.memory_space<vmem>>
      %dma_start3A_685 = tpu.memref_squeeze %dma_start3A_684 : memref<1x80x64xbf16, #tpu.memory_space<vmem>> -> memref<80x64xbf16, #tpu.memory_space<vmem>>
      %dma_start3A_686 = arith.constant 0 : i32
      %dma_start3A_687 = tpu.memref_slice %arg8[%add3A_643, %dma_start3A_686] : memref<125x80xi32, #tpu.memory_space<vmem>> -> memref<1x80xi32, #tpu.memory_space<vmem>>
      %dma_start3A_688 = tpu.memref_squeeze %dma_start3A_687 : memref<1x80xi32, #tpu.memory_space<vmem>> -> memref<80xi32, #tpu.memory_space<vmem>>
      %dma_start3A_689 = arith.constant 0 : i32
      %dma_start3A_690 = arith.constant 0 : i32
      %dma_start3A_691 = tpu.memref_slice %arg9[%dma_start3A_689, %dma_start3A_690] : memref<10240x64xbf16, #tpu.memory_space<vmem_shared>> -> memref<10240x64xbf16, #tpu.memory_space<vmem_shared>>
      tpu.enqueue_indirect_dma source(%dma_start3A_685 : memref<80x64xbf16, #tpu.memory_space<vmem>>) target(%dma_start3A_691 : memref<10240x64xbf16, #tpu.memory_space<vmem_shared>>) offsets(%dma_start3A_688 : memref<80xi32, #tpu.memory_space<vmem>>) semaphore(%arg19 : memref<!tpu.dma_semaphore, #tpu.memory_space<semaphore_mem>>) {add = true}
      %add3A_692 = arith.constant 4 : i32
      %add3A_693 = arith.addi %mul3A_491, %add3A_692 : i32
      %dma_wait3A_694 = arith.constant 0 : i32
      %dma_wait3A_695 = arith.constant 4 : i32
      %dma_wait3A_696 = arith.constant 0 : i32
      %dma_wait3A_697 = arith.constant 0 : i32
      %dma_wait3A_698 = tpu.memref_slice %arg10[%dma_wait3A_695, %dma_wait3A_696, %dma_wait3A_697] : memref<5x80x64xbf16, #tpu.memory_space<vmem>> -> memref<1x80x64xbf16, #tpu.memory_space<vmem>>
      %dma_wait3A_699 = tpu.memref_squeeze %dma_wait3A_698 : memref<1x80x64xbf16, #tpu.memory_space<vmem>> -> memref<80x64xbf16, #tpu.memory_space<vmem>>
      %dma_wait3A_700 = arith.constant 0 : i32
      %dma_wait3A_701 = tpu.memref_slice %arg7[%dma_wait3A_694, %dma_wait3A_700] : memref<125x80xi32, #tpu.memory_space<vmem>> -> memref<1x80xi32, #tpu.memory_space<vmem>>
      %dma_wait3A_702 = tpu.memref_squeeze %dma_wait3A_701 : memref<1x80xi32, #tpu.memory_space<vmem>> -> memref<80xi32, #tpu.memory_space<vmem>>
      %dma_wait3A_703 = arith.constant 0 : i32
      %dma_wait3A_704 = arith.constant 0 : i32
      %dma_wait3A_705 = tpu.memref_slice %arg2[%dma_wait3A_703, %dma_wait3A_704] : memref<10000x64xbf16, #tpu.memory_space<hbm>> -> memref<10000x64xbf16, #tpu.memory_space<hbm>>
      tpu.wait_indirect_dma semaphore(%arg15 : memref<!tpu.dma_semaphore, #tpu.memory_space<semaphore_mem>>) src(%dma_wait3A_705 : memref<10000x64xbf16, #tpu.memory_space<hbm>>) dst(%dma_wait3A_699 : memref<80x64xbf16, #tpu.memory_space<vmem>>)
      %dma_wait3A_706 = arith.constant 1 : i32
      %dma_wait3A_707 = arith.constant 0 : i32
      %dma_wait3A_708 = arith.constant 0 : i32
      %dma_wait3A_709 = arith.constant 0 : i32
      %dma_wait3A_710 = tpu.memref_slice %arg10[%dma_wait3A_706, %dma_wait3A_708, %dma_wait3A_709] : memref<5x80x64xbf16, #tpu.memory_space<vmem>> -> memref<1x80x64xbf16, #tpu.memory_space<vmem>>
      %dma_wait3A_711 = tpu.memref_squeeze %dma_wait3A_710 : memref<1x80x64xbf16, #tpu.memory_space<vmem>> -> memref<80x64xbf16, #tpu.memory_space<vmem>>
      %dma_wait3A_712 = arith.constant 0 : i32
      %dma_wait3A_713 = tpu.memref_slice %arg8[%dma_wait3A_707, %dma_wait3A_712] : memref<125x80xi32, #tpu.memory_space<vmem>> -> memref<1x80xi32, #tpu.memory_space<vmem>>
      %dma_wait3A_714 = tpu.memref_squeeze %dma_wait3A_713 : memref<1x80xi32, #tpu.memory_space<vmem>> -> memref<80xi32, #tpu.memory_space<vmem>>
      %dma_wait3A_715 = arith.constant 0 : i32
      %dma_wait3A_716 = arith.constant 0 : i32
      %dma_wait3A_717 = tpu.memref_slice %arg9[%dma_wait3A_715, %dma_wait3A_716] : memref<10240x64xbf16, #tpu.memory_space<vmem_shared>> -> memref<10240x64xbf16, #tpu.memory_space<vmem_shared>>
      tpu.wait_indirect_dma semaphore(%arg17 : memref<!tpu.dma_semaphore, #tpu.memory_space<semaphore_mem>>) src(%dma_wait3A_711 : memref<80x64xbf16, #tpu.memory_space<vmem>>) dst(%dma_wait3A_717 : memref<10240x64xbf16, #tpu.memory_space<vmem_shared>>)
      %add3A_718 = arith.constant 2 : i32
      %add3A_719 = arith.addi %add3A_693, %add3A_718 : i32
      %dma_start3A_720 = arith.constant 1 : i32
      %dma_start3A_721 = arith.constant 0 : i32
      %dma_start3A_722 = arith.constant 0 : i32
      %dma_start3A_723 = tpu.memref_slice %arg10[%dma_start3A_720, %dma_start3A_721, %dma_start3A_722] : memref<5x80x64xbf16, #tpu.memory_space<vmem>> -> memref<1x80x64xbf16, #tpu.memory_space<vmem>>
      %dma_start3A_724 = tpu.memref_squeeze %dma_start3A_723 : memref<1x80x64xbf16, #tpu.memory_space<vmem>> -> memref<80x64xbf16, #tpu.memory_space<vmem>>
      %dma_start3A_725 = arith.constant 0 : i32
      %dma_start3A_726 = tpu.memref_slice %arg7[%add3A_719, %dma_start3A_725] : memref<125x80xi32, #tpu.memory_space<vmem>> -> memref<1x80xi32, #tpu.memory_space<vmem>>
      %dma_start3A_727 = tpu.memref_squeeze %dma_start3A_726 : memref<1x80xi32, #tpu.memory_space<vmem>> -> memref<80xi32, #tpu.memory_space<vmem>>
      %dma_start3A_728 = arith.constant 0 : i32
      %dma_start3A_729 = arith.constant 0 : i32
      %dma_start3A_730 = tpu.memref_slice %arg2[%dma_start3A_728, %dma_start3A_729] : memref<10000x64xbf16, #tpu.memory_space<hbm>> -> memref<10000x64xbf16, #tpu.memory_space<hbm>>
      tpu.enqueue_indirect_dma source(%dma_start3A_730 : memref<10000x64xbf16, #tpu.memory_space<hbm>>) target(%dma_start3A_724 : memref<80x64xbf16, #tpu.memory_space<vmem>>) offsets(%dma_start3A_727 : memref<80xi32, #tpu.memory_space<vmem>>) semaphore(%arg12 : memref<!tpu.dma_semaphore, #tpu.memory_space<semaphore_mem>>)
      %dma_start3A_731 = arith.constant 4 : i32
      %dma_start3A_732 = arith.constant 0 : i32
      %dma_start3A_733 = arith.constant 0 : i32
      %dma_start3A_734 = tpu.memref_slice %arg10[%dma_start3A_731, %dma_start3A_732, %dma_start3A_733] : memref<5x80x64xbf16, #tpu.memory_space<vmem>> -> memref<1x80x64xbf16, #tpu.memory_space<vmem>>
      %dma_start3A_735 = tpu.memref_squeeze %dma_start3A_734 : memref<1x80x64xbf16, #tpu.memory_space<vmem>> -> memref<80x64xbf16, #tpu.memory_space<vmem>>
      %dma_start3A_736 = arith.constant 0 : i32
      %dma_start3A_737 = tpu.memref_slice %arg8[%add3A_693, %dma_start3A_736] : memref<125x80xi32, #tpu.memory_space<vmem>> -> memref<1x80xi32, #tpu.memory_space<vmem>>
      %dma_start3A_738 = tpu.memref_squeeze %dma_start3A_737 : memref<1x80xi32, #tpu.memory_space<vmem>> -> memref<80xi32, #tpu.memory_space<vmem>>
      %dma_start3A_739 = arith.constant 0 : i32
      %dma_start3A_740 = arith.constant 0 : i32
      %dma_start3A_741 = tpu.memref_slice %arg9[%dma_start3A_739, %dma_start3A_740] : memref<10240x64xbf16, #tpu.memory_space<vmem_shared>> -> memref<10240x64xbf16, #tpu.memory_space<vmem_shared>>
      tpu.enqueue_indirect_dma source(%dma_start3A_735 : memref<80x64xbf16, #tpu.memory_space<vmem>>) target(%dma_start3A_741 : memref<10240x64xbf16, #tpu.memory_space<vmem_shared>>) offsets(%dma_start3A_738 : memref<80xi32, #tpu.memory_space<vmem>>) semaphore(%arg20 : memref<!tpu.dma_semaphore, #tpu.memory_space<semaphore_mem>>) {add = true}
      %scan3A_742 = arith.constant 0 : i32
      scf.yield %scan3A_742 : i32
    }
    %scan3A_234 = arith.constant 23 : i32
    %dma_wait3A_235 = arith.constant 0 : i32
    %dma_wait3A_236 = arith.constant 0 : i32
    %dma_wait3A_237 = arith.constant 0 : i32
    %dma_wait3A_238 = arith.constant 0 : i32
    %dma_wait3A_239 = tpu.memref_slice %arg10[%dma_wait3A_236, %dma_wait3A_237, %dma_wait3A_238] : memref<5x80x64xbf16, #tpu.memory_space<vmem>> -> memref<1x80x64xbf16, #tpu.memory_space<vmem>>
    %dma_wait3A_240 = tpu.memref_squeeze %dma_wait3A_239 : memref<1x80x64xbf16, #tpu.memory_space<vmem>> -> memref<80x64xbf16, #tpu.memory_space<vmem>>
    %dma_wait3A_241 = arith.constant 0 : i32
    %dma_wait3A_242 = tpu.memref_slice %arg7[%dma_wait3A_235, %dma_wait3A_241] : memref<125x80xi32, #tpu.memory_space<vmem>> -> memref<1x80xi32, #tpu.memory_space<vmem>>
    %dma_wait3A_243 = tpu.memref_squeeze %dma_wait3A_242 : memref<1x80xi32, #tpu.memory_space<vmem>> -> memref<80xi32, #tpu.memory_space<vmem>>
    %dma_wait3A_244 = arith.constant 0 : i32
    %dma_wait3A_245 = arith.constant 0 : i32
    %dma_wait3A_246 = tpu.memref_slice %arg2[%dma_wait3A_244, %dma_wait3A_245] : memref<10000x64xbf16, #tpu.memory_space<hbm>> -> memref<10000x64xbf16, #tpu.memory_space<hbm>>
    tpu.wait_indirect_dma semaphore(%arg11 : memref<!tpu.dma_semaphore, #tpu.memory_space<semaphore_mem>>) src(%dma_wait3A_246 : memref<10000x64xbf16, #tpu.memory_space<hbm>>) dst(%dma_wait3A_240 : memref<80x64xbf16, #tpu.memory_space<vmem>>)
    %dma_wait3A_247 = arith.constant 2 : i32
    %dma_wait3A_248 = arith.constant 0 : i32
    %dma_wait3A_249 = arith.constant 0 : i32
    %dma_wait3A_250 = arith.constant 0 : i32
    %dma_wait3A_251 = tpu.memref_slice %arg10[%dma_wait3A_247, %dma_wait3A_249, %dma_wait3A_250] : memref<5x80x64xbf16, #tpu.memory_space<vmem>> -> memref<1x80x64xbf16, #tpu.memory_space<vmem>>
    %dma_wait3A_252 = tpu.memref_squeeze %dma_wait3A_251 : memref<1x80x64xbf16, #tpu.memory_space<vmem>> -> memref<80x64xbf16, #tpu.memory_space<vmem>>
    %dma_wait3A_253 = arith.constant 0 : i32
    %dma_wait3A_254 = tpu.memref_slice %arg8[%dma_wait3A_248, %dma_wait3A_253] : memref<125x80xi32, #tpu.memory_space<vmem>> -> memref<1x80xi32, #tpu.memory_space<vmem>>
    %dma_wait3A_255 = tpu.memref_squeeze %dma_wait3A_254 : memref<1x80xi32, #tpu.memory_space<vmem>> -> memref<80xi32, #tpu.memory_space<vmem>>
    %dma_wait3A_256 = arith.constant 0 : i32
    %dma_wait3A_257 = arith.constant 0 : i32
    %dma_wait3A_258 = tpu.memref_slice %arg9[%dma_wait3A_256, %dma_wait3A_257] : memref<10240x64xbf16, #tpu.memory_space<vmem_shared>> -> memref<10240x64xbf16, #tpu.memory_space<vmem_shared>>
    tpu.wait_indirect_dma semaphore(%arg18 : memref<!tpu.dma_semaphore, #tpu.memory_space<semaphore_mem>>) src(%dma_wait3A_252 : memref<80x64xbf16, #tpu.memory_space<vmem>>) dst(%dma_wait3A_258 : memref<10240x64xbf16, #tpu.memory_space<vmem_shared>>)
    %dma_start3A_259 = arith.constant 122 : i32
    %dma_start3A_260 = arith.constant 2 : i32
    %dma_start3A_261 = arith.constant 0 : i32
    %dma_start3A_262 = arith.constant 0 : i32
    %dma_start3A_263 = tpu.memref_slice %arg10[%dma_start3A_260, %dma_start3A_261, %dma_start3A_262] : memref<5x80x64xbf16, #tpu.memory_space<vmem>> -> memref<1x80x64xbf16, #tpu.memory_space<vmem>>
    %dma_start3A_264 = tpu.memref_squeeze %dma_start3A_263 : memref<1x80x64xbf16, #tpu.memory_space<vmem>> -> memref<80x64xbf16, #tpu.memory_space<vmem>>
    %dma_start3A_265 = arith.constant 0 : i32
    %dma_start3A_266 = tpu.memref_slice %arg7[%dma_start3A_259, %dma_start3A_265] : memref<125x80xi32, #tpu.memory_space<vmem>> -> memref<1x80xi32, #tpu.memory_space<vmem>>
    %dma_start3A_267 = tpu.memref_squeeze %dma_start3A_266 : memref<1x80xi32, #tpu.memory_space<vmem>> -> memref<80xi32, #tpu.memory_space<vmem>>
    %dma_start3A_268 = arith.constant 0 : i32
    %dma_start3A_269 = arith.constant 0 : i32
    %dma_start3A_270 = tpu.memref_slice %arg2[%dma_start3A_268, %dma_start3A_269] : memref<10000x64xbf16, #tpu.memory_space<hbm>> -> memref<10000x64xbf16, #tpu.memory_space<hbm>>
    tpu.enqueue_indirect_dma source(%dma_start3A_270 : memref<10000x64xbf16, #tpu.memory_space<hbm>>) target(%dma_start3A_264 : memref<80x64xbf16, #tpu.memory_space<vmem>>) offsets(%dma_start3A_267 : memref<80xi32, #tpu.memory_space<vmem>>) semaphore(%arg13 : memref<!tpu.dma_semaphore, #tpu.memory_space<semaphore_mem>>)
    %dma_start3A_271 = arith.constant 0 : i32
    %dma_start3A_272 = arith.constant 120 : i32
    %dma_start3A_273 = arith.constant 0 : i32
    %dma_start3A_274 = arith.constant 0 : i32
    %dma_start3A_275 = tpu.memref_slice %arg10[%dma_start3A_271, %dma_start3A_273, %dma_start3A_274] : memref<5x80x64xbf16, #tpu.memory_space<vmem>> -> memref<1x80x64xbf16, #tpu.memory_space<vmem>>
    %dma_start3A_276 = tpu.memref_squeeze %dma_start3A_275 : memref<1x80x64xbf16, #tpu.memory_space<vmem>> -> memref<80x64xbf16, #tpu.memory_space<vmem>>
    %dma_start3A_277 = arith.constant 0 : i32
    %dma_start3A_278 = tpu.memref_slice %arg8[%dma_start3A_272, %dma_start3A_277] : memref<125x80xi32, #tpu.memory_space<vmem>> -> memref<1x80xi32, #tpu.memory_space<vmem>>
    %dma_start3A_279 = tpu.memref_squeeze %dma_start3A_278 : memref<1x80xi32, #tpu.memory_space<vmem>> -> memref<80xi32, #tpu.memory_space<vmem>>
    %dma_start3A_280 = arith.constant 0 : i32
    %dma_start3A_281 = arith.constant 0 : i32
    %dma_start3A_282 = tpu.memref_slice %arg9[%dma_start3A_280, %dma_start3A_281] : memref<10240x64xbf16, #tpu.memory_space<vmem_shared>> -> memref<10240x64xbf16, #tpu.memory_space<vmem_shared>>
    tpu.enqueue_indirect_dma source(%dma_start3A_276 : memref<80x64xbf16, #tpu.memory_space<vmem>>) target(%dma_start3A_282 : memref<10240x64xbf16, #tpu.memory_space<vmem_shared>>) offsets(%dma_start3A_279 : memref<80xi32, #tpu.memory_space<vmem>>) semaphore(%arg16 : memref<!tpu.dma_semaphore, #tpu.memory_space<semaphore_mem>>) {add = true}
    %dma_wait3A_283 = arith.constant 0 : i32
    %dma_wait3A_284 = arith.constant 1 : i32
    %dma_wait3A_285 = arith.constant 0 : i32
    %dma_wait3A_286 = arith.constant 0 : i32
    %dma_wait3A_287 = tpu.memref_slice %arg10[%dma_wait3A_284, %dma_wait3A_285, %dma_wait3A_286] : memref<5x80x64xbf16, #tpu.memory_space<vmem>> -> memref<1x80x64xbf16, #tpu.memory_space<vmem>>
    %dma_wait3A_288 = tpu.memref_squeeze %dma_wait3A_287 : memref<1x80x64xbf16, #tpu.memory_space<vmem>> -> memref<80x64xbf16, #tpu.memory_space<vmem>>
    %dma_wait3A_289 = arith.constant 0 : i32
    %dma_wait3A_290 = tpu.memref_slice %arg7[%dma_wait3A_283, %dma_wait3A_289] : memref<125x80xi32, #tpu.memory_space<vmem>> -> memref<1x80xi32, #tpu.memory_space<vmem>>
    %dma_wait3A_291 = tpu.memref_squeeze %dma_wait3A_290 : memref<1x80xi32, #tpu.memory_space<vmem>> -> memref<80xi32, #tpu.memory_space<vmem>>
    %dma_wait3A_292 = arith.constant 0 : i32
    %dma_wait3A_293 = arith.constant 0 : i32
    %dma_wait3A_294 = tpu.memref_slice %arg2[%dma_wait3A_292, %dma_wait3A_293] : memref<10000x64xbf16, #tpu.memory_space<hbm>> -> memref<10000x64xbf16, #tpu.memory_space<hbm>>
    tpu.wait_indirect_dma semaphore(%arg12 : memref<!tpu.dma_semaphore, #tpu.memory_space<semaphore_mem>>) src(%dma_wait3A_294 : memref<10000x64xbf16, #tpu.memory_space<hbm>>) dst(%dma_wait3A_288 : memref<80x64xbf16, #tpu.memory_space<vmem>>)
    %dma_wait3A_295 = arith.constant 3 : i32
    %dma_wait3A_296 = arith.constant 0 : i32
    %dma_wait3A_297 = arith.constant 0 : i32
    %dma_wait3A_298 = arith.constant 0 : i32
    %dma_wait3A_299 = tpu.memref_slice %arg10[%dma_wait3A_295, %dma_wait3A_297, %dma_wait3A_298] : memref<5x80x64xbf16, #tpu.memory_space<vmem>> -> memref<1x80x64xbf16, #tpu.memory_space<vmem>>
    %dma_wait3A_300 = tpu.memref_squeeze %dma_wait3A_299 : memref<1x80x64xbf16, #tpu.memory_space<vmem>> -> memref<80x64xbf16, #tpu.memory_space<vmem>>
    %dma_wait3A_301 = arith.constant 0 : i32
    %dma_wait3A_302 = tpu.memref_slice %arg8[%dma_wait3A_296, %dma_wait3A_301] : memref<125x80xi32, #tpu.memory_space<vmem>> -> memref<1x80xi32, #tpu.memory_space<vmem>>
    %dma_wait3A_303 = tpu.memref_squeeze %dma_wait3A_302 : memref<1x80xi32, #tpu.memory_space<vmem>> -> memref<80xi32, #tpu.memory_space<vmem>>
    %dma_wait3A_304 = arith.constant 0 : i32
    %dma_wait3A_305 = arith.constant 0 : i32
    %dma_wait3A_306 = tpu.memref_slice %arg9[%dma_wait3A_304, %dma_wait3A_305] : memref<10240x64xbf16, #tpu.memory_space<vmem_shared>> -> memref<10240x64xbf16, #tpu.memory_space<vmem_shared>>
    tpu.wait_indirect_dma semaphore(%arg19 : memref<!tpu.dma_semaphore, #tpu.memory_space<semaphore_mem>>) src(%dma_wait3A_300 : memref<80x64xbf16, #tpu.memory_space<vmem>>) dst(%dma_wait3A_306 : memref<10240x64xbf16, #tpu.memory_space<vmem_shared>>)
    %dma_start3A_307 = arith.constant 123 : i32
    %dma_start3A_308 = arith.constant 3 : i32
    %dma_start3A_309 = arith.constant 0 : i32
    %dma_start3A_310 = arith.constant 0 : i32
    %dma_start3A_311 = tpu.memref_slice %arg10[%dma_start3A_308, %dma_start3A_309, %dma_start3A_310] : memref<5x80x64xbf16, #tpu.memory_space<vmem>> -> memref<1x80x64xbf16, #tpu.memory_space<vmem>>
    %dma_start3A_312 = tpu.memref_squeeze %dma_start3A_311 : memref<1x80x64xbf16, #tpu.memory_space<vmem>> -> memref<80x64xbf16, #tpu.memory_space<vmem>>
    %dma_start3A_313 = arith.constant 0 : i32
    %dma_start3A_314 = tpu.memref_slice %arg7[%dma_start3A_307, %dma_start3A_313] : memref<125x80xi32, #tpu.memory_space<vmem>> -> memref<1x80xi32, #tpu.memory_space<vmem>>
    %dma_start3A_315 = tpu.memref_squeeze %dma_start3A_314 : memref<1x80xi32, #tpu.memory_space<vmem>> -> memref<80xi32, #tpu.memory_space<vmem>>
    %dma_start3A_316 = arith.constant 0 : i32
    %dma_start3A_317 = arith.constant 0 : i32
    %dma_start3A_318 = tpu.memref_slice %arg2[%dma_start3A_316, %dma_start3A_317] : memref<10000x64xbf16, #tpu.memory_space<hbm>> -> memref<10000x64xbf16, #tpu.memory_space<hbm>>
    tpu.enqueue_indirect_dma source(%dma_start3A_318 : memref<10000x64xbf16, #tpu.memory_space<hbm>>) target(%dma_start3A_312 : memref<80x64xbf16, #tpu.memory_space<vmem>>) offsets(%dma_start3A_315 : memref<80xi32, #tpu.memory_space<vmem>>) semaphore(%arg14 : memref<!tpu.dma_semaphore, #tpu.memory_space<semaphore_mem>>)
    %dma_start3A_319 = arith.constant 1 : i32
    %dma_start3A_320 = arith.constant 121 : i32
    %dma_start3A_321 = arith.constant 0 : i32
    %dma_start3A_322 = arith.constant 0 : i32
    %dma_start3A_323 = tpu.memref_slice %arg10[%dma_start3A_319, %dma_start3A_321, %dma_start3A_322] : memref<5x80x64xbf16, #tpu.memory_space<vmem>> -> memref<1x80x64xbf16, #tpu.memory_space<vmem>>
    %dma_start3A_324 = tpu.memref_squeeze %dma_start3A_323 : memref<1x80x64xbf16, #tpu.memory_space<vmem>> -> memref<80x64xbf16, #tpu.memory_space<vmem>>
    %dma_start3A_325 = arith.constant 0 : i32
    %dma_start3A_326 = tpu.memref_slice %arg8[%dma_start3A_320, %dma_start3A_325] : memref<125x80xi32, #tpu.memory_space<vmem>> -> memref<1x80xi32, #tpu.memory_space<vmem>>
    %dma_start3A_327 = tpu.memref_squeeze %dma_start3A_326 : memref<1x80xi32, #tpu.memory_space<vmem>> -> memref<80xi32, #tpu.memory_space<vmem>>
    %dma_start3A_328 = arith.constant 0 : i32
    %dma_start3A_329 = arith.constant 0 : i32
    %dma_start3A_330 = tpu.memref_slice %arg9[%dma_start3A_328, %dma_start3A_329] : memref<10240x64xbf16, #tpu.memory_space<vmem_shared>> -> memref<10240x64xbf16, #tpu.memory_space<vmem_shared>>
    tpu.enqueue_indirect_dma source(%dma_start3A_324 : memref<80x64xbf16, #tpu.memory_space<vmem>>) target(%dma_start3A_330 : memref<10240x64xbf16, #tpu.memory_space<vmem_shared>>) offsets(%dma_start3A_327 : memref<80xi32, #tpu.memory_space<vmem>>) semaphore(%arg17 : memref<!tpu.dma_semaphore, #tpu.memory_space<semaphore_mem>>) {add = true}
    %dma_wait3A_331 = arith.constant 0 : i32
    %dma_wait3A_332 = arith.constant 2 : i32
    %dma_wait3A_333 = arith.constant 0 : i32
    %dma_wait3A_334 = arith.constant 0 : i32
    %dma_wait3A_335 = tpu.memref_slice %arg10[%dma_wait3A_332, %dma_wait3A_333, %dma_wait3A_334] : memref<5x80x64xbf16, #tpu.memory_space<vmem>> -> memref<1x80x64xbf16, #tpu.memory_space<vmem>>
    %dma_wait3A_336 = tpu.memref_squeeze %dma_wait3A_335 : memref<1x80x64xbf16, #tpu.memory_space<vmem>> -> memref<80x64xbf16, #tpu.memory_space<vmem>>
    %dma_wait3A_337 = arith.constant 0 : i32
    %dma_wait3A_338 = tpu.memref_slice %arg7[%dma_wait3A_331, %dma_wait3A_337] : memref<125x80xi32, #tpu.memory_space<vmem>> -> memref<1x80xi32, #tpu.memory_space<vmem>>
    %dma_wait3A_339 = tpu.memref_squeeze %dma_wait3A_338 : memref<1x80xi32, #tpu.memory_space<vmem>> -> memref<80xi32, #tpu.memory_space<vmem>>
    %dma_wait3A_340 = arith.constant 0 : i32
    %dma_wait3A_341 = arith.constant 0 : i32
    %dma_wait3A_342 = tpu.memref_slice %arg2[%dma_wait3A_340, %dma_wait3A_341] : memref<10000x64xbf16, #tpu.memory_space<hbm>> -> memref<10000x64xbf16, #tpu.memory_space<hbm>>
    tpu.wait_indirect_dma semaphore(%arg13 : memref<!tpu.dma_semaphore, #tpu.memory_space<semaphore_mem>>) src(%dma_wait3A_342 : memref<10000x64xbf16, #tpu.memory_space<hbm>>) dst(%dma_wait3A_336 : memref<80x64xbf16, #tpu.memory_space<vmem>>)
    %dma_wait3A_343 = arith.constant 4 : i32
    %dma_wait3A_344 = arith.constant 0 : i32
    %dma_wait3A_345 = arith.constant 0 : i32
    %dma_wait3A_346 = arith.constant 0 : i32
    %dma_wait3A_347 = tpu.memref_slice %arg10[%dma_wait3A_343, %dma_wait3A_345, %dma_wait3A_346] : memref<5x80x64xbf16, #tpu.memory_space<vmem>> -> memref<1x80x64xbf16, #tpu.memory_space<vmem>>
    %dma_wait3A_348 = tpu.memref_squeeze %dma_wait3A_347 : memref<1x80x64xbf16, #tpu.memory_space<vmem>> -> memref<80x64xbf16, #tpu.memory_space<vmem>>
    %dma_wait3A_349 = arith.constant 0 : i32
    %dma_wait3A_350 = tpu.memref_slice %arg8[%dma_wait3A_344, %dma_wait3A_349] : memref<125x80xi32, #tpu.memory_space<vmem>> -> memref<1x80xi32, #tpu.memory_space<vmem>>
    %dma_wait3A_351 = tpu.memref_squeeze %dma_wait3A_350 : memref<1x80xi32, #tpu.memory_space<vmem>> -> memref<80xi32, #tpu.memory_space<vmem>>
    %dma_wait3A_352 = arith.constant 0 : i32
    %dma_wait3A_353 = arith.constant 0 : i32
    %dma_wait3A_354 = tpu.memref_slice %arg9[%dma_wait3A_352, %dma_wait3A_353] : memref<10240x64xbf16, #tpu.memory_space<vmem_shared>> -> memref<10240x64xbf16, #tpu.memory_space<vmem_shared>>
    tpu.wait_indirect_dma semaphore(%arg20 : memref<!tpu.dma_semaphore, #tpu.memory_space<semaphore_mem>>) src(%dma_wait3A_348 : memref<80x64xbf16, #tpu.memory_space<vmem>>) dst(%dma_wait3A_354 : memref<10240x64xbf16, #tpu.memory_space<vmem_shared>>)
    %dma_start3A_355 = arith.constant 124 : i32
    %dma_start3A_356 = arith.constant 4 : i32
    %dma_start3A_357 = arith.constant 0 : i32
    %dma_start3A_358 = arith.constant 0 : i32
    %dma_start3A_359 = tpu.memref_slice %arg10[%dma_start3A_356, %dma_start3A_357, %dma_start3A_358] : memref<5x80x64xbf16, #tpu.memory_space<vmem>> -> memref<1x80x64xbf16, #tpu.memory_space<vmem>>
    %dma_start3A_360 = tpu.memref_squeeze %dma_start3A_359 : memref<1x80x64xbf16, #tpu.memory_space<vmem>> -> memref<80x64xbf16, #tpu.memory_space<vmem>>
    %dma_start3A_361 = arith.constant 0 : i32
    %dma_start3A_362 = tpu.memref_slice %arg7[%dma_start3A_355, %dma_start3A_361] : memref<125x80xi32, #tpu.memory_space<vmem>> -> memref<1x80xi32, #tpu.memory_space<vmem>>
    %dma_start3A_363 = tpu.memref_squeeze %dma_start3A_362 : memref<1x80xi32, #tpu.memory_space<vmem>> -> memref<80xi32, #tpu.memory_space<vmem>>
    %dma_start3A_364 = arith.constant 0 : i32
    %dma_start3A_365 = arith.constant 0 : i32
    %dma_start3A_366 = tpu.memref_slice %arg2[%dma_start3A_364, %dma_start3A_365] : memref<10000x64xbf16, #tpu.memory_space<hbm>> -> memref<10000x64xbf16, #tpu.memory_space<hbm>>
    tpu.enqueue_indirect_dma source(%dma_start3A_366 : memref<10000x64xbf16, #tpu.memory_space<hbm>>) target(%dma_start3A_360 : memref<80x64xbf16, #tpu.memory_space<vmem>>) offsets(%dma_start3A_363 : memref<80xi32, #tpu.memory_space<vmem>>) semaphore(%arg15 : memref<!tpu.dma_semaphore, #tpu.memory_space<semaphore_mem>>)
    %dma_start3A_367 = arith.constant 2 : i32
    %dma_start3A_368 = arith.constant 122 : i32
    %dma_start3A_369 = arith.constant 0 : i32
    %dma_start3A_370 = arith.constant 0 : i32
    %dma_start3A_371 = tpu.memref_slice %arg10[%dma_start3A_367, %dma_start3A_369, %dma_start3A_370] : memref<5x80x64xbf16, #tpu.memory_space<vmem>> -> memref<1x80x64xbf16, #tpu.memory_space<vmem>>
    %dma_start3A_372 = tpu.memref_squeeze %dma_start3A_371 : memref<1x80x64xbf16, #tpu.memory_space<vmem>> -> memref<80x64xbf16, #tpu.memory_space<vmem>>
    %dma_start3A_373 = arith.constant 0 : i32
    %dma_start3A_374 = tpu.memref_slice %arg8[%dma_start3A_368, %dma_start3A_373] : memref<125x80xi32, #tpu.memory_space<vmem>> -> memref<1x80xi32, #tpu.memory_space<vmem>>
    %dma_start3A_375 = tpu.memref_squeeze %dma_start3A_374 : memref<1x80xi32, #tpu.memory_space<vmem>> -> memref<80xi32, #tpu.memory_space<vmem>>
    %dma_start3A_376 = arith.constant 0 : i32
    %dma_start3A_377 = arith.constant 0 : i32
    %dma_start3A_378 = tpu.memref_slice %arg9[%dma_start3A_376, %dma_start3A_377] : memref<10240x64xbf16, #tpu.memory_space<vmem_shared>> -> memref<10240x64xbf16, #tpu.memory_space<vmem_shared>>
    tpu.enqueue_indirect_dma source(%dma_start3A_372 : memref<80x64xbf16, #tpu.memory_space<vmem>>) target(%dma_start3A_378 : memref<10240x64xbf16, #tpu.memory_space<vmem_shared>>) offsets(%dma_start3A_375 : memref<80xi32, #tpu.memory_space<vmem>>) semaphore(%arg18 : memref<!tpu.dma_semaphore, #tpu.memory_space<semaphore_mem>>) {add = true}
    %dma_wait3A_379 = arith.constant 0 : i32
    %dma_wait3A_380 = arith.constant 3 : i32
    %dma_wait3A_381 = arith.constant 0 : i32
    %dma_wait3A_382 = arith.constant 0 : i32
    %dma_wait3A_383 = tpu.memref_slice %arg10[%dma_wait3A_380, %dma_wait3A_381, %dma_wait3A_382] : memref<5x80x64xbf16, #tpu.memory_space<vmem>> -> memref<1x80x64xbf16, #tpu.memory_space<vmem>>
    %dma_wait3A_384 = tpu.memref_squeeze %dma_wait3A_383 : memref<1x80x64xbf16, #tpu.memory_space<vmem>> -> memref<80x64xbf16, #tpu.memory_space<vmem>>
    %dma_wait3A_385 = arith.constant 0 : i32
    %dma_wait3A_386 = tpu.memref_slice %arg7[%dma_wait3A_379, %dma_wait3A_385] : memref<125x80xi32, #tpu.memory_space<vmem>> -> memref<1x80xi32, #tpu.memory_space<vmem>>
    %dma_wait3A_387 = tpu.memref_squeeze %dma_wait3A_386 : memref<1x80xi32, #tpu.memory_space<vmem>> -> memref<80xi32, #tpu.memory_space<vmem>>
    %dma_wait3A_388 = arith.constant 0 : i32
    %dma_wait3A_389 = arith.constant 0 : i32
    %dma_wait3A_390 = tpu.memref_slice %arg2[%dma_wait3A_388, %dma_wait3A_389] : memref<10000x64xbf16, #tpu.memory_space<hbm>> -> memref<10000x64xbf16, #tpu.memory_space<hbm>>
    tpu.wait_indirect_dma semaphore(%arg14 : memref<!tpu.dma_semaphore, #tpu.memory_space<semaphore_mem>>) src(%dma_wait3A_390 : memref<10000x64xbf16, #tpu.memory_space<hbm>>) dst(%dma_wait3A_384 : memref<80x64xbf16, #tpu.memory_space<vmem>>)
    %dma_wait3A_391 = arith.constant 0 : i32
    %dma_wait3A_392 = arith.constant 0 : i32
    %dma_wait3A_393 = arith.constant 0 : i32
    %dma_wait3A_394 = arith.constant 0 : i32
    %dma_wait3A_395 = tpu.memref_slice %arg10[%dma_wait3A_391, %dma_wait3A_393, %dma_wait3A_394] : memref<5x80x64xbf16, #tpu.memory_space<vmem>> -> memref<1x80x64xbf16, #tpu.memory_space<vmem>>
    %dma_wait3A_396 = tpu.memref_squeeze %dma_wait3A_395 : memref<1x80x64xbf16, #tpu.memory_space<vmem>> -> memref<80x64xbf16, #tpu.memory_space<vmem>>
    %dma_wait3A_397 = arith.constant 0 : i32
    %dma_wait3A_398 = tpu.memref_slice %arg8[%dma_wait3A_392, %dma_wait3A_397] : memref<125x80xi32, #tpu.memory_space<vmem>> -> memref<1x80xi32, #tpu.memory_space<vmem>>
    %dma_wait3A_399 = tpu.memref_squeeze %dma_wait3A_398 : memref<1x80xi32, #tpu.memory_space<vmem>> -> memref<80xi32, #tpu.memory_space<vmem>>
    %dma_wait3A_400 = arith.constant 0 : i32
    %dma_wait3A_401 = arith.constant 0 : i32
    %dma_wait3A_402 = tpu.memref_slice %arg9[%dma_wait3A_400, %dma_wait3A_401] : memref<10240x64xbf16, #tpu.memory_space<vmem_shared>> -> memref<10240x64xbf16, #tpu.memory_space<vmem_shared>>
    tpu.wait_indirect_dma semaphore(%arg16 : memref<!tpu.dma_semaphore, #tpu.memory_space<semaphore_mem>>) src(%dma_wait3A_396 : memref<80x64xbf16, #tpu.memory_space<vmem>>) dst(%dma_wait3A_402 : memref<10240x64xbf16, #tpu.memory_space<vmem_shared>>)
    %dma_start3A_403 = arith.constant 3 : i32
    %dma_start3A_404 = arith.constant 123 : i32
    %dma_start3A_405 = arith.constant 0 : i32
    %dma_start3A_406 = arith.constant 0 : i32
    %dma_start3A_407 = tpu.memref_slice %arg10[%dma_start3A_403, %dma_start3A_405, %dma_start3A_406] : memref<5x80x64xbf16, #tpu.memory_space<vmem>> -> memref<1x80x64xbf16, #tpu.memory_space<vmem>>
    %dma_start3A_408 = tpu.memref_squeeze %dma_start3A_407 : memref<1x80x64xbf16, #tpu.memory_space<vmem>> -> memref<80x64xbf16, #tpu.memory_space<vmem>>
    %dma_start3A_409 = arith.constant 0 : i32
    %dma_start3A_410 = tpu.memref_slice %arg8[%dma_start3A_404, %dma_start3A_409] : memref<125x80xi32, #tpu.memory_space<vmem>> -> memref<1x80xi32, #tpu.memory_space<vmem>>
    %dma_start3A_411 = tpu.memref_squeeze %dma_start3A_410 : memref<1x80xi32, #tpu.memory_space<vmem>> -> memref<80xi32, #tpu.memory_space<vmem>>
    %dma_start3A_412 = arith.constant 0 : i32
    %dma_start3A_413 = arith.constant 0 : i32
    %dma_start3A_414 = tpu.memref_slice %arg9[%dma_start3A_412, %dma_start3A_413] : memref<10240x64xbf16, #tpu.memory_space<vmem_shared>> -> memref<10240x64xbf16, #tpu.memory_space<vmem_shared>>
    tpu.enqueue_indirect_dma source(%dma_start3A_408 : memref<80x64xbf16, #tpu.memory_space<vmem>>) target(%dma_start3A_414 : memref<10240x64xbf16, #tpu.memory_space<vmem_shared>>) offsets(%dma_start3A_411 : memref<80xi32, #tpu.memory_space<vmem>>) semaphore(%arg19 : memref<!tpu.dma_semaphore, #tpu.memory_space<semaphore_mem>>) {add = true}
    %dma_wait3A_415 = arith.constant 0 : i32
    %dma_wait3A_416 = arith.constant 4 : i32
    %dma_wait3A_417 = arith.constant 0 : i32
    %dma_wait3A_418 = arith.constant 0 : i32
    %dma_wait3A_419 = tpu.memref_slice %arg10[%dma_wait3A_416, %dma_wait3A_417, %dma_wait3A_418] : memref<5x80x64xbf16, #tpu.memory_space<vmem>> -> memref<1x80x64xbf16, #tpu.memory_space<vmem>>
    %dma_wait3A_420 = tpu.memref_squeeze %dma_wait3A_419 : memref<1x80x64xbf16, #tpu.memory_space<vmem>> -> memref<80x64xbf16, #tpu.memory_space<vmem>>
    %dma_wait3A_421 = arith.constant 0 : i32
    %dma_wait3A_422 = tpu.memref_slice %arg7[%dma_wait3A_415, %dma_wait3A_421] : memref<125x80xi32, #tpu.memory_space<vmem>> -> memref<1x80xi32, #tpu.memory_space<vmem>>
    %dma_wait3A_423 = tpu.memref_squeeze %dma_wait3A_422 : memref<1x80xi32, #tpu.memory_space<vmem>> -> memref<80xi32, #tpu.memory_space<vmem>>
    %dma_wait3A_424 = arith.constant 0 : i32
    %dma_wait3A_425 = arith.constant 0 : i32
    %dma_wait3A_426 = tpu.memref_slice %arg2[%dma_wait3A_424, %dma_wait3A_425] : memref<10000x64xbf16, #tpu.memory_space<hbm>> -> memref<10000x64xbf16, #tpu.memory_space<hbm>>
    tpu.wait_indirect_dma semaphore(%arg15 : memref<!tpu.dma_semaphore, #tpu.memory_space<semaphore_mem>>) src(%dma_wait3A_426 : memref<10000x64xbf16, #tpu.memory_space<hbm>>) dst(%dma_wait3A_420 : memref<80x64xbf16, #tpu.memory_space<vmem>>)
    %dma_wait3A_427 = arith.constant 1 : i32
    %dma_wait3A_428 = arith.constant 0 : i32
    %dma_wait3A_429 = arith.constant 0 : i32
    %dma_wait3A_430 = arith.constant 0 : i32
    %dma_wait3A_431 = tpu.memref_slice %arg10[%dma_wait3A_427, %dma_wait3A_429, %dma_wait3A_430] : memref<5x80x64xbf16, #tpu.memory_space<vmem>> -> memref<1x80x64xbf16, #tpu.memory_space<vmem>>
    %dma_wait3A_432 = tpu.memref_squeeze %dma_wait3A_431 : memref<1x80x64xbf16, #tpu.memory_space<vmem>> -> memref<80x64xbf16, #tpu.memory_space<vmem>>
    %dma_wait3A_433 = arith.constant 0 : i32
    %dma_wait3A_434 = tpu.memref_slice %arg8[%dma_wait3A_428, %dma_wait3A_433] : memref<125x80xi32, #tpu.memory_space<vmem>> -> memref<1x80xi32, #tpu.memory_space<vmem>>
    %dma_wait3A_435 = tpu.memref_squeeze %dma_wait3A_434 : memref<1x80xi32, #tpu.memory_space<vmem>> -> memref<80xi32, #tpu.memory_space<vmem>>
    %dma_wait3A_436 = arith.constant 0 : i32
    %dma_wait3A_437 = arith.constant 0 : i32
    %dma_wait3A_438 = tpu.memref_slice %arg9[%dma_wait3A_436, %dma_wait3A_437] : memref<10240x64xbf16, #tpu.memory_space<vmem_shared>> -> memref<10240x64xbf16, #tpu.memory_space<vmem_shared>>
    tpu.wait_indirect_dma semaphore(%arg17 : memref<!tpu.dma_semaphore, #tpu.memory_space<semaphore_mem>>) src(%dma_wait3A_432 : memref<80x64xbf16, #tpu.memory_space<vmem>>) dst(%dma_wait3A_438 : memref<10240x64xbf16, #tpu.memory_space<vmem_shared>>)
    %dma_start3A_439 = arith.constant 4 : i32
    %dma_start3A_440 = arith.constant 124 : i32
    %dma_start3A_441 = arith.constant 0 : i32
    %dma_start3A_442 = arith.constant 0 : i32
    %dma_start3A_443 = tpu.memref_slice %arg10[%dma_start3A_439, %dma_start3A_441, %dma_start3A_442] : memref<5x80x64xbf16, #tpu.memory_space<vmem>> -> memref<1x80x64xbf16, #tpu.memory_space<vmem>>
    %dma_start3A_444 = tpu.memref_squeeze %dma_start3A_443 : memref<1x80x64xbf16, #tpu.memory_space<vmem>> -> memref<80x64xbf16, #tpu.memory_space<vmem>>
    %dma_start3A_445 = arith.constant 0 : i32
    %dma_start3A_446 = tpu.memref_slice %arg8[%dma_start3A_440, %dma_start3A_445] : memref<125x80xi32, #tpu.memory_space<vmem>> -> memref<1x80xi32, #tpu.memory_space<vmem>>
    %dma_start3A_447 = tpu.memref_squeeze %dma_start3A_446 : memref<1x80xi32, #tpu.memory_space<vmem>> -> memref<80xi32, #tpu.memory_space<vmem>>
    %dma_start3A_448 = arith.constant 0 : i32
    %dma_start3A_449 = arith.constant 0 : i32
    %dma_start3A_450 = tpu.memref_slice %arg9[%dma_start3A_448, %dma_start3A_449] : memref<10240x64xbf16, #tpu.memory_space<vmem_shared>> -> memref<10240x64xbf16, #tpu.memory_space<vmem_shared>>
    tpu.enqueue_indirect_dma source(%dma_start3A_444 : memref<80x64xbf16, #tpu.memory_space<vmem>>) target(%dma_start3A_450 : memref<10240x64xbf16, #tpu.memory_space<vmem_shared>>) offsets(%dma_start3A_447 : memref<80xi32, #tpu.memory_space<vmem>>) semaphore(%arg20 : memref<!tpu.dma_semaphore, #tpu.memory_space<semaphore_mem>>) {add = true}
    %dma_wait3A_451 = arith.constant 2 : i32
    %dma_wait3A_452 = arith.constant 0 : i32
    %dma_wait3A_453 = arith.constant 0 : i32
    %dma_wait3A_454 = arith.constant 0 : i32
    %dma_wait3A_455 = tpu.memref_slice %arg10[%dma_wait3A_451, %dma_wait3A_453, %dma_wait3A_454] : memref<5x80x64xbf16, #tpu.memory_space<vmem>> -> memref<1x80x64xbf16, #tpu.memory_space<vmem>>
    %dma_wait3A_456 = tpu.memref_squeeze %dma_wait3A_455 : memref<1x80x64xbf16, #tpu.memory_space<vmem>> -> memref<80x64xbf16, #tpu.memory_space<vmem>>
    %dma_wait3A_457 = arith.constant 0 : i32
    %dma_wait3A_458 = tpu.memref_slice %arg8[%dma_wait3A_452, %dma_wait3A_457] : memref<125x80xi32, #tpu.memory_space<vmem>> -> memref<1x80xi32, #tpu.memory_space<vmem>>
    %dma_wait3A_459 = tpu.memref_squeeze %dma_wait3A_458 : memref<1x80xi32, #tpu.memory_space<vmem>> -> memref<80xi32, #tpu.memory_space<vmem>>
    %dma_wait3A_460 = arith.constant 0 : i32
    %dma_wait3A_461 = arith.constant 0 : i32
    %dma_wait3A_462 = tpu.memref_slice %arg9[%dma_wait3A_460, %dma_wait3A_461] : memref<10240x64xbf16, #tpu.memory_space<vmem_shared>> -> memref<10240x64xbf16, #tpu.memory_space<vmem_shared>>
    tpu.wait_indirect_dma semaphore(%arg18 : memref<!tpu.dma_semaphore, #tpu.memory_space<semaphore_mem>>) src(%dma_wait3A_456 : memref<80x64xbf16, #tpu.memory_space<vmem>>) dst(%dma_wait3A_462 : memref<10240x64xbf16, #tpu.memory_space<vmem_shared>>)
    %dma_wait3A_463 = arith.constant 3 : i32
    %dma_wait3A_464 = arith.constant 0 : i32
    %dma_wait3A_465 = arith.constant 0 : i32
    %dma_wait3A_466 = arith.constant 0 : i32
    %dma_wait3A_467 = tpu.memref_slice %arg10[%dma_wait3A_463, %dma_wait3A_465, %dma_wait3A_466] : memref<5x80x64xbf16, #tpu.memory_space<vmem>> -> memref<1x80x64xbf16, #tpu.memory_space<vmem>>
    %dma_wait3A_468 = tpu.memref_squeeze %dma_wait3A_467 : memref<1x80x64xbf16, #tpu.memory_space<vmem>> -> memref<80x64xbf16, #tpu.memory_space<vmem>>
    %dma_wait3A_469 = arith.constant 0 : i32
    %dma_wait3A_470 = tpu.memref_slice %arg8[%dma_wait3A_464, %dma_wait3A_469] : memref<125x80xi32, #tpu.memory_space<vmem>> -> memref<1x80xi32, #tpu.memory_space<vmem>>
    %dma_wait3A_471 = tpu.memref_squeeze %dma_wait3A_470 : memref<1x80xi32, #tpu.memory_space<vmem>> -> memref<80xi32, #tpu.memory_space<vmem>>
    %dma_wait3A_472 = arith.constant 0 : i32
    %dma_wait3A_473 = arith.constant 0 : i32
    %dma_wait3A_474 = tpu.memref_slice %arg9[%dma_wait3A_472, %dma_wait3A_473] : memref<10240x64xbf16, #tpu.memory_space<vmem_shared>> -> memref<10240x64xbf16, #tpu.memory_space<vmem_shared>>
    tpu.wait_indirect_dma semaphore(%arg19 : memref<!tpu.dma_semaphore, #tpu.memory_space<semaphore_mem>>) src(%dma_wait3A_468 : memref<80x64xbf16, #tpu.memory_space<vmem>>) dst(%dma_wait3A_474 : memref<10240x64xbf16, #tpu.memory_space<vmem_shared>>)
    %dma_wait3A_475 = arith.constant 4 : i32
    %dma_wait3A_476 = arith.constant 0 : i32
    %dma_wait3A_477 = arith.constant 0 : i32
    %dma_wait3A_478 = arith.constant 0 : i32
    %dma_wait3A_479 = tpu.memref_slice %arg10[%dma_wait3A_475, %dma_wait3A_477, %dma_wait3A_478] : memref<5x80x64xbf16, #tpu.memory_space<vmem>> -> memref<1x80x64xbf16, #tpu.memory_space<vmem>>
    %dma_wait3A_480 = tpu.memref_squeeze %dma_wait3A_479 : memref<1x80x64xbf16, #tpu.memory_space<vmem>> -> memref<80x64xbf16, #tpu.memory_space<vmem>>
    %dma_wait3A_481 = arith.constant 0 : i32
    %dma_wait3A_482 = tpu.memref_slice %arg8[%dma_wait3A_476, %dma_wait3A_481] : memref<125x80xi32, #tpu.memory_space<vmem>> -> memref<1x80xi32, #tpu.memory_space<vmem>>
    %dma_wait3A_483 = tpu.memref_squeeze %dma_wait3A_482 : memref<1x80xi32, #tpu.memory_space<vmem>> -> memref<80xi32, #tpu.memory_space<vmem>>
    %dma_wait3A_484 = arith.constant 0 : i32
    %dma_wait3A_485 = arith.constant 0 : i32
    %dma_wait3A_486 = tpu.memref_slice %arg9[%dma_wait3A_484, %dma_wait3A_485] : memref<10240x64xbf16, #tpu.memory_space<vmem_shared>> -> memref<10240x64xbf16, #tpu.memory_space<vmem_shared>>
    tpu.wait_indirect_dma semaphore(%arg20 : memref<!tpu.dma_semaphore, #tpu.memory_space<semaphore_mem>>) src(%dma_wait3A_480 : memref<80x64xbf16, #tpu.memory_space<vmem>>) dst(%dma_wait3A_486 : memref<10240x64xbf16, #tpu.memory_space<vmem_shared>>)
    %barrier3A_487 = arith.constant 0 : index
    tpu.barrier barrier_id(%barrier3A_487)
    "tpu.region"() ({
      %run_scoped3A = tpu.sem_alloc : memref<!tpu.dma_semaphore, #tpu.memory_space<semaphore_mem>>
      %dma_start3A_488 = arith.constant 0 : i32
      %dma_start3A_489 = tpu.memref_slice %arg6[%arg0, %mul3A_2, %dma_start3A_488] : memref<2x10240x64xbf16, #tpu.memory_space<hbm>> -> memref<1x640x64xbf16, #tpu.memory_space<hbm>>
      %dma_start3A_490 = tpu.memref_squeeze %dma_start3A_489 : memref<1x640x64xbf16, #tpu.memory_space<hbm>> -> memref<640x64xbf16, #tpu.memory_space<hbm>>
      %dma_start3A_491 = arith.constant 0 : i32
      %dma_start3A_492 = tpu.memref_slice %arg9[%mul3A_2, %dma_start3A_491] : memref<10240x64xbf16, #tpu.memory_space<vmem_shared>> -> memref<640x64xbf16, #tpu.memory_space<vmem_shared>>
      tpu.enqueue_dma source(%dma_start3A_492 : memref<640x64xbf16, #tpu.memory_space<vmem_shared>>) target(%dma_start3A_490 : memref<640x64xbf16, #tpu.memory_space<hbm>>) target_semaphore(%run_scoped3A : memref<!tpu.dma_semaphore, #tpu.memory_space<semaphore_mem>>)
      %dma_wait3A_493 = arith.constant 0 : i32
      %dma_wait3A_494 = tpu.memref_slice %arg6[%arg0, %mul3A_2, %dma_wait3A_493] : memref<2x10240x64xbf16, #tpu.memory_space<hbm>> -> memref<1x640x64xbf16, #tpu.memory_space<hbm>>
      %dma_wait3A_495 = tpu.memref_squeeze %dma_wait3A_494 : memref<1x640x64xbf16, #tpu.memory_space<hbm>> -> memref<640x64xbf16, #tpu.memory_space<hbm>>
      %dma_wait3A_496 = arith.constant 0 : i32
      %dma_wait3A_497 = tpu.memref_slice %arg9[%mul3A_2, %dma_wait3A_496] : memref<10240x64xbf16, #tpu.memory_space<vmem_shared>> -> memref<640x64xbf16, #tpu.memory_space<vmem_shared>>
      tpu.wait_dma2 semaphore(%run_scoped3A : memref<!tpu.dma_semaphore, #tpu.memory_space<semaphore_mem>>) src(%dma_wait3A_497 : memref<640x64xbf16, #tpu.memory_space<vmem_shared>>) dst(%dma_wait3A_495 : memref<640x64xbf16, #tpu.memory_space<hbm>>)
      tpu.yield
    }) : () -> ()
    return
  }
}

#map = affine_map<(d0, d1) -> (0, 0, 0)>
#map1 = affine_map<(d0, d1) -> (0, 0)>
module attributes {stable_mosaic.version = 14 : i64} {
  func.func @_attr_body(%arg0: i32, %arg1: i32, %arg2: memref<32x125x80xi32, #tpu.memory_space<hbm>>, %arg3: memref<320000x16xf32, #tpu.memory_space<hbm>>, %arg4: memref<10240x16xf32, #tpu.memory_space<hbm>>, %arg5: memref<80x16xf32, #tpu.memory_space<hbm>>, %arg6: memref<2x10240x16xf32, #tpu.memory_space<hbm>>, %arg7: memref<2x10240x16xf32, #tpu.memory_space<hbm>>, %arg8: memref<125x80xi32, #tpu.memory_space<vmem>>, %arg9: memref<5x80x16xf32, #tpu.memory_space<vmem>>, %arg10: memref<80x16xf32, #tpu.memory_space<vmem>>, %arg11: memref<10240x16xf32, #tpu.memory_space<vmem_shared>>, %arg12: memref<10240x16xf32, #tpu.memory_space<vmem_shared>>, %arg13: memref<!tpu.dma_semaphore, #tpu.memory_space<semaphore_mem>>, %arg14: memref<!tpu.dma_semaphore, #tpu.memory_space<semaphore_mem>>, %arg15: memref<!tpu.dma_semaphore, #tpu.memory_space<semaphore_mem>>, %arg16: memref<!tpu.dma_semaphore, #tpu.memory_space<semaphore_mem>>, %arg17: memref<!tpu.dma_semaphore, #tpu.memory_space<semaphore_mem>>, %arg18: memref<!tpu.dma_semaphore, #tpu.memory_space<semaphore_mem>>, %arg19: memref<!tpu.dma_semaphore, #tpu.memory_space<semaphore_mem>>, %arg20: memref<!tpu.dma_semaphore, #tpu.memory_space<semaphore_mem>>, %arg21: memref<!tpu.dma_semaphore, #tpu.memory_space<semaphore_mem>>, %arg22: memref<!tpu.dma_semaphore, #tpu.memory_space<semaphore_mem>>, %arg23: memref<!tpu.dma_semaphore, #tpu.memory_space<semaphore_mem>>, %arg24: memref<!tpu.dma_semaphore, #tpu.memory_space<semaphore_mem>>, %arg25: memref<!tpu.dma_semaphore, #tpu.memory_space<semaphore_mem>>, %arg26: memref<!tpu.dma_semaphore, #tpu.memory_space<semaphore_mem>>, %arg27: memref<!tpu.dma_semaphore, #tpu.memory_space<semaphore_mem>>) attributes {dimension_semantics = [#tpu.dimension_semantics<core_parallel>, #tpu.dimension_semantics<subcore_parallel>], iteration_bounds = array<i64: 2, 16>, scalar_prefetch = 0 : i64, scratch_operands = 20 : i64, tpu.core_type = #tpu.core_type<sc_vector_subcore>, window_params = [{transform_indices = #map}, {transform_indices = #map1}, {transform_indices = #map1}, {transform_indices = #map1}, {transform_indices = #map}, {transform_indices = #map}]} {
    %mul3A = arith.constant 16 : i32
    %mul3A_0 = arith.muli %arg0, %mul3A : i32
    %add3A = arith.addi %mul3A_0, %arg1 : i32
    %mul3A_1 = arith.constant 640 : i32
    %mul3A_2 = arith.muli %arg1, %mul3A_1 : i32
    %mul3A_3 = arith.constant 10000 : i32
    %mul3A_4 = arith.muli %add3A, %mul3A_3 : i32
    "tpu.region"() ({
      %run_scoped3A = tpu.sem_alloc : memref<!tpu.dma_semaphore, #tpu.memory_space<semaphore_mem>>
      %dma_start3A_670 = arith.constant 0 : i32
      %dma_start3A_671 = tpu.memref_slice %arg11[%mul3A_2, %dma_start3A_670] : memref<10240x16xf32, #tpu.memory_space<vmem_shared>> -> memref<640x16xf32, #tpu.memory_space<vmem_shared>>
      %dma_start3A_672 = arith.constant 0 : i32
      %dma_start3A_673 = tpu.memref_slice %arg4[%mul3A_2, %dma_start3A_672] : memref<10240x16xf32, #tpu.memory_space<hbm>> -> memref<640x16xf32, #tpu.memory_space<hbm>>
      tpu.enqueue_dma source(%dma_start3A_673 : memref<640x16xf32, #tpu.memory_space<hbm>>) target(%dma_start3A_671 : memref<640x16xf32, #tpu.memory_space<vmem_shared>>) target_semaphore(%run_scoped3A : memref<!tpu.dma_semaphore, #tpu.memory_space<semaphore_mem>>)
      %dma_wait3A_674 = arith.constant 0 : i32
      %dma_wait3A_675 = tpu.memref_slice %arg11[%mul3A_2, %dma_wait3A_674] : memref<10240x16xf32, #tpu.memory_space<vmem_shared>> -> memref<640x16xf32, #tpu.memory_space<vmem_shared>>
      %dma_wait3A_676 = arith.constant 0 : i32
      %dma_wait3A_677 = tpu.memref_slice %arg4[%mul3A_2, %dma_wait3A_676] : memref<10240x16xf32, #tpu.memory_space<hbm>> -> memref<640x16xf32, #tpu.memory_space<hbm>>
      tpu.wait_dma2 semaphore(%run_scoped3A : memref<!tpu.dma_semaphore, #tpu.memory_space<semaphore_mem>>) src(%dma_wait3A_677 : memref<640x16xf32, #tpu.memory_space<hbm>>) dst(%dma_wait3A_675 : memref<640x16xf32, #tpu.memory_space<vmem_shared>>)
      tpu.yield
    }) : () -> ()
    "tpu.region"() ({
      %run_scoped3A = tpu.sem_alloc : memref<!tpu.dma_semaphore, #tpu.memory_space<semaphore_mem>>
      %dma_start3A_670 = arith.constant 0 : i32
      %dma_start3A_671 = tpu.memref_slice %arg12[%mul3A_2, %dma_start3A_670] : memref<10240x16xf32, #tpu.memory_space<vmem_shared>> -> memref<640x16xf32, #tpu.memory_space<vmem_shared>>
      %dma_start3A_672 = arith.constant 0 : i32
      %dma_start3A_673 = tpu.memref_slice %arg4[%mul3A_2, %dma_start3A_672] : memref<10240x16xf32, #tpu.memory_space<hbm>> -> memref<640x16xf32, #tpu.memory_space<hbm>>
      tpu.enqueue_dma source(%dma_start3A_673 : memref<640x16xf32, #tpu.memory_space<hbm>>) target(%dma_start3A_671 : memref<640x16xf32, #tpu.memory_space<vmem_shared>>) target_semaphore(%run_scoped3A : memref<!tpu.dma_semaphore, #tpu.memory_space<semaphore_mem>>)
      %dma_wait3A_674 = arith.constant 0 : i32
      %dma_wait3A_675 = tpu.memref_slice %arg12[%mul3A_2, %dma_wait3A_674] : memref<10240x16xf32, #tpu.memory_space<vmem_shared>> -> memref<640x16xf32, #tpu.memory_space<vmem_shared>>
      %dma_wait3A_676 = arith.constant 0 : i32
      %dma_wait3A_677 = tpu.memref_slice %arg4[%mul3A_2, %dma_wait3A_676] : memref<10240x16xf32, #tpu.memory_space<hbm>> -> memref<640x16xf32, #tpu.memory_space<hbm>>
      tpu.wait_dma2 semaphore(%run_scoped3A : memref<!tpu.dma_semaphore, #tpu.memory_space<semaphore_mem>>) src(%dma_wait3A_677 : memref<640x16xf32, #tpu.memory_space<hbm>>) dst(%dma_wait3A_675 : memref<640x16xf32, #tpu.memory_space<vmem_shared>>)
      tpu.yield
    }) : () -> ()
    "tpu.region"() ({
      %run_scoped3A = tpu.sem_alloc : memref<!tpu.dma_semaphore, #tpu.memory_space<semaphore_mem>>
      tpu.enqueue_dma source(%arg5 : memref<80x16xf32, #tpu.memory_space<hbm>>) target(%arg10 : memref<80x16xf32, #tpu.memory_space<vmem>>) target_semaphore(%run_scoped3A : memref<!tpu.dma_semaphore, #tpu.memory_space<semaphore_mem>>)
      tpu.wait_dma2 semaphore(%run_scoped3A : memref<!tpu.dma_semaphore, #tpu.memory_space<semaphore_mem>>) src(%arg5 : memref<80x16xf32, #tpu.memory_space<hbm>>) dst(%arg10 : memref<80x16xf32, #tpu.memory_space<vmem>>)
      tpu.yield
    }) : () -> ()
    "tpu.region"() ({
      %run_scoped3A = tpu.sem_alloc : memref<!tpu.dma_semaphore, #tpu.memory_space<semaphore_mem>>
      %dma_start3A_670 = arith.constant 0 : i32
      %dma_start3A_671 = arith.constant 0 : i32
      %dma_start3A_672 = tpu.memref_slice %arg2[%add3A, %dma_start3A_670, %dma_start3A_671] : memref<32x125x80xi32, #tpu.memory_space<hbm>> -> memref<1x125x80xi32, #tpu.memory_space<hbm>>
      %dma_start3A_673 = tpu.memref_squeeze %dma_start3A_672 : memref<1x125x80xi32, #tpu.memory_space<hbm>> -> memref<125x80xi32, #tpu.memory_space<hbm>>
      %dma_start3A_674 = arith.constant 0 : i32
      %dma_start3A_675 = arith.constant 0 : i32
      %dma_start3A_676 = tpu.memref_slice %arg2[%add3A, %dma_start3A_674, %dma_start3A_675] : memref<32x125x80xi32, #tpu.memory_space<hbm>> -> memref<1x125x80xi32, #tpu.memory_space<hbm>>
      %dma_start3A_677 = tpu.memref_squeeze %dma_start3A_676 : memref<1x125x80xi32, #tpu.memory_space<hbm>> -> memref<125x80xi32, #tpu.memory_space<hbm>>
      tpu.enqueue_dma source(%dma_start3A_677 : memref<125x80xi32, #tpu.memory_space<hbm>>) target(%arg8 : memref<125x80xi32, #tpu.memory_space<vmem>>) target_semaphore(%run_scoped3A : memref<!tpu.dma_semaphore, #tpu.memory_space<semaphore_mem>>)
      %dma_wait3A_678 = arith.constant 0 : i32
      %dma_wait3A_679 = arith.constant 0 : i32
      %dma_wait3A_680 = tpu.memref_slice %arg2[%add3A, %dma_wait3A_678, %dma_wait3A_679] : memref<32x125x80xi32, #tpu.memory_space<hbm>> -> memref<1x125x80xi32, #tpu.memory_space<hbm>>
      %dma_wait3A_681 = tpu.memref_squeeze %dma_wait3A_680 : memref<1x125x80xi32, #tpu.memory_space<hbm>> -> memref<125x80xi32, #tpu.memory_space<hbm>>
      %dma_wait3A_682 = arith.constant 0 : i32
      %dma_wait3A_683 = arith.constant 0 : i32
      %dma_wait3A_684 = tpu.memref_slice %arg2[%add3A, %dma_wait3A_682, %dma_wait3A_683] : memref<32x125x80xi32, #tpu.memory_space<hbm>> -> memref<1x125x80xi32, #tpu.memory_space<hbm>>
      %dma_wait3A_685 = tpu.memref_squeeze %dma_wait3A_684 : memref<1x125x80xi32, #tpu.memory_space<hbm>> -> memref<125x80xi32, #tpu.memory_space<hbm>>
      tpu.wait_dma2 semaphore(%run_scoped3A : memref<!tpu.dma_semaphore, #tpu.memory_space<semaphore_mem>>) src(%dma_wait3A_685 : memref<125x80xi32, #tpu.memory_space<hbm>>) dst(%arg8 : memref<125x80xi32, #tpu.memory_space<vmem>>)
      tpu.yield
    }) : () -> ()
    %barrier3A = arith.constant 0 : index
    tpu.barrier barrier_id(%barrier3A)
    %add3A_5 = arith.constant 0 : i32
    %add3A_6 = arith.addi %mul3A_4, %add3A_5 : i32
    %dma_start3A = arith.constant 0 : i32
    %dma_start3A_7 = arith.constant 0 : i32
    %dma_start3A_8 = arith.constant 0 : i32
    %dma_start3A_9 = tpu.memref_slice %arg9[%dma_start3A, %dma_start3A_7, %dma_start3A_8] : memref<5x80x16xf32, #tpu.memory_space<vmem>> -> memref<1x80x16xf32, #tpu.memory_space<vmem>>
    %dma_start3A_10 = tpu.memref_squeeze %dma_start3A_9 : memref<1x80x16xf32, #tpu.memory_space<vmem>> -> memref<80x16xf32, #tpu.memory_space<vmem>>
    %dma_start3A_11 = arith.constant 0 : i32
    %dma_start3A_12 = tpu.memref_slice %arg3[%add3A_6, %dma_start3A_11] : memref<320000x16xf32, #tpu.memory_space<hbm>> -> memref<80x16xf32, #tpu.memory_space<hbm>>
    %dma_start3A_13 = arith.constant 0 : i32
    %dma_start3A_14 = arith.constant 0 : i32
    %dma_start3A_15 = tpu.memref_slice %arg9[%dma_start3A, %dma_start3A_13, %dma_start3A_14] : memref<5x80x16xf32, #tpu.memory_space<vmem>> -> memref<1x80x16xf32, #tpu.memory_space<vmem>>
    %dma_start3A_16 = tpu.memref_squeeze %dma_start3A_15 : memref<1x80x16xf32, #tpu.memory_space<vmem>> -> memref<80x16xf32, #tpu.memory_space<vmem>>
    %dma_start3A_17 = arith.constant 0 : i32
    %dma_start3A_18 = tpu.memref_slice %arg3[%add3A_6, %dma_start3A_17] : memref<320000x16xf32, #tpu.memory_space<hbm>> -> memref<80x16xf32, #tpu.memory_space<hbm>>
    tpu.enqueue_dma source(%dma_start3A_18 : memref<80x16xf32, #tpu.memory_space<hbm>>) target(%dma_start3A_16 : memref<80x16xf32, #tpu.memory_space<vmem>>) target_semaphore(%arg13 : memref<!tpu.dma_semaphore, #tpu.memory_space<semaphore_mem>>)
    %add3A_19 = arith.constant 80 : i32
    %add3A_20 = arith.addi %mul3A_4, %add3A_19 : i32
    %dma_start3A_21 = arith.constant 1 : i32
    %dma_start3A_22 = arith.constant 0 : i32
    %dma_start3A_23 = arith.constant 0 : i32
    %dma_start3A_24 = tpu.memref_slice %arg9[%dma_start3A_21, %dma_start3A_22, %dma_start3A_23] : memref<5x80x16xf32, #tpu.memory_space<vmem>> -> memref<1x80x16xf32, #tpu.memory_space<vmem>>
    %dma_start3A_25 = tpu.memref_squeeze %dma_start3A_24 : memref<1x80x16xf32, #tpu.memory_space<vmem>> -> memref<80x16xf32, #tpu.memory_space<vmem>>
    %dma_start3A_26 = arith.constant 0 : i32
    %dma_start3A_27 = tpu.memref_slice %arg3[%add3A_20, %dma_start3A_26] : memref<320000x16xf32, #tpu.memory_space<hbm>> -> memref<80x16xf32, #tpu.memory_space<hbm>>
    %dma_start3A_28 = arith.constant 0 : i32
    %dma_start3A_29 = arith.constant 0 : i32
    %dma_start3A_30 = tpu.memref_slice %arg9[%dma_start3A_21, %dma_start3A_28, %dma_start3A_29] : memref<5x80x16xf32, #tpu.memory_space<vmem>> -> memref<1x80x16xf32, #tpu.memory_space<vmem>>
    %dma_start3A_31 = tpu.memref_squeeze %dma_start3A_30 : memref<1x80x16xf32, #tpu.memory_space<vmem>> -> memref<80x16xf32, #tpu.memory_space<vmem>>
    %dma_start3A_32 = arith.constant 0 : i32
    %dma_start3A_33 = tpu.memref_slice %arg3[%add3A_20, %dma_start3A_32] : memref<320000x16xf32, #tpu.memory_space<hbm>> -> memref<80x16xf32, #tpu.memory_space<hbm>>
    tpu.enqueue_dma source(%dma_start3A_33 : memref<80x16xf32, #tpu.memory_space<hbm>>) target(%dma_start3A_31 : memref<80x16xf32, #tpu.memory_space<vmem>>) target_semaphore(%arg14 : memref<!tpu.dma_semaphore, #tpu.memory_space<semaphore_mem>>)
    %dma_wait3A = arith.constant 0 : i32
    %dma_wait3A_34 = arith.constant 0 : i32
    %dma_wait3A_35 = arith.constant 0 : i32
    %dma_wait3A_36 = tpu.memref_slice %arg9[%dma_wait3A, %dma_wait3A_34, %dma_wait3A_35] : memref<5x80x16xf32, #tpu.memory_space<vmem>> -> memref<1x80x16xf32, #tpu.memory_space<vmem>>
    %dma_wait3A_37 = tpu.memref_squeeze %dma_wait3A_36 : memref<1x80x16xf32, #tpu.memory_space<vmem>> -> memref<80x16xf32, #tpu.memory_space<vmem>>
    %dma_wait3A_38 = arith.constant 0 : i32
    %dma_wait3A_39 = tpu.memref_slice %arg3[%mul3A_4, %dma_wait3A_38] : memref<320000x16xf32, #tpu.memory_space<hbm>> -> memref<80x16xf32, #tpu.memory_space<hbm>>
    %dma_wait3A_40 = arith.constant 0 : i32
    %dma_wait3A_41 = arith.constant 0 : i32
    %dma_wait3A_42 = tpu.memref_slice %arg9[%dma_wait3A, %dma_wait3A_40, %dma_wait3A_41] : memref<5x80x16xf32, #tpu.memory_space<vmem>> -> memref<1x80x16xf32, #tpu.memory_space<vmem>>
    %dma_wait3A_43 = tpu.memref_squeeze %dma_wait3A_42 : memref<1x80x16xf32, #tpu.memory_space<vmem>> -> memref<80x16xf32, #tpu.memory_space<vmem>>
    %dma_wait3A_44 = arith.constant 0 : i32
    %dma_wait3A_45 = tpu.memref_slice %arg3[%mul3A_4, %dma_wait3A_44] : memref<320000x16xf32, #tpu.memory_space<hbm>> -> memref<80x16xf32, #tpu.memory_space<hbm>>
    tpu.wait_dma2 semaphore(%arg13 : memref<!tpu.dma_semaphore, #tpu.memory_space<semaphore_mem>>) src(%dma_wait3A_45 : memref<80x16xf32, #tpu.memory_space<hbm>>) dst(%dma_wait3A_43 : memref<80x16xf32, #tpu.memory_space<vmem>>)
    %add3A_46 = arith.constant 160 : i32
    %add3A_47 = arith.addi %mul3A_4, %add3A_46 : i32
    %dma_start3A_48 = arith.constant 2 : i32
    %dma_start3A_49 = arith.constant 0 : i32
    %dma_start3A_50 = arith.constant 0 : i32
    %dma_start3A_51 = tpu.memref_slice %arg9[%dma_start3A_48, %dma_start3A_49, %dma_start3A_50] : memref<5x80x16xf32, #tpu.memory_space<vmem>> -> memref<1x80x16xf32, #tpu.memory_space<vmem>>
    %dma_start3A_52 = tpu.memref_squeeze %dma_start3A_51 : memref<1x80x16xf32, #tpu.memory_space<vmem>> -> memref<80x16xf32, #tpu.memory_space<vmem>>
    %dma_start3A_53 = arith.constant 0 : i32
    %dma_start3A_54 = tpu.memref_slice %arg3[%add3A_47, %dma_start3A_53] : memref<320000x16xf32, #tpu.memory_space<hbm>> -> memref<80x16xf32, #tpu.memory_space<hbm>>
    %dma_start3A_55 = arith.constant 0 : i32
    %dma_start3A_56 = arith.constant 0 : i32
    %dma_start3A_57 = tpu.memref_slice %arg9[%dma_start3A_48, %dma_start3A_55, %dma_start3A_56] : memref<5x80x16xf32, #tpu.memory_space<vmem>> -> memref<1x80x16xf32, #tpu.memory_space<vmem>>
    %dma_start3A_58 = tpu.memref_squeeze %dma_start3A_57 : memref<1x80x16xf32, #tpu.memory_space<vmem>> -> memref<80x16xf32, #tpu.memory_space<vmem>>
    %dma_start3A_59 = arith.constant 0 : i32
    %dma_start3A_60 = tpu.memref_slice %arg3[%add3A_47, %dma_start3A_59] : memref<320000x16xf32, #tpu.memory_space<hbm>> -> memref<80x16xf32, #tpu.memory_space<hbm>>
    tpu.enqueue_dma source(%dma_start3A_60 : memref<80x16xf32, #tpu.memory_space<hbm>>) target(%dma_start3A_58 : memref<80x16xf32, #tpu.memory_space<vmem>>) target_semaphore(%arg15 : memref<!tpu.dma_semaphore, #tpu.memory_space<semaphore_mem>>)
    %dma_start3A_61 = arith.constant 0 : i32
    %dma_start3A_62 = arith.constant 0 : i32
    %dma_start3A_63 = arith.constant 0 : i32
    %dma_start3A_64 = arith.constant 0 : i32
    %dma_start3A_65 = tpu.memref_slice %arg9[%dma_start3A_61, %dma_start3A_63, %dma_start3A_64] : memref<5x80x16xf32, #tpu.memory_space<vmem>> -> memref<1x80x16xf32, #tpu.memory_space<vmem>>
    %dma_start3A_66 = tpu.memref_squeeze %dma_start3A_65 : memref<1x80x16xf32, #tpu.memory_space<vmem>> -> memref<80x16xf32, #tpu.memory_space<vmem>>
    %dma_start3A_67 = arith.constant 0 : i32
    %dma_start3A_68 = tpu.memref_slice %arg8[%dma_start3A_62, %dma_start3A_67] : memref<125x80xi32, #tpu.memory_space<vmem>> -> memref<1x80xi32, #tpu.memory_space<vmem>>
    %dma_start3A_69 = tpu.memref_squeeze %dma_start3A_68 : memref<1x80xi32, #tpu.memory_space<vmem>> -> memref<80xi32, #tpu.memory_space<vmem>>
    %dma_start3A_70 = arith.constant 0 : i32
    %dma_start3A_71 = arith.constant 0 : i32
    %dma_start3A_72 = tpu.memref_slice %arg11[%dma_start3A_70, %dma_start3A_71] : memref<10240x16xf32, #tpu.memory_space<vmem_shared>> -> memref<10240x16xf32, #tpu.memory_space<vmem_shared>>
    tpu.enqueue_indirect_dma source(%dma_start3A_66 : memref<80x16xf32, #tpu.memory_space<vmem>>) target(%dma_start3A_72 : memref<10240x16xf32, #tpu.memory_space<vmem_shared>>) offsets(%dma_start3A_69 : memref<80xi32, #tpu.memory_space<vmem>>) semaphore(%arg18 : memref<!tpu.dma_semaphore, #tpu.memory_space<semaphore_mem>>) {add = true}
    %dma_start3A_73 = arith.constant 0 : i32
    %dma_start3A_74 = arith.constant 0 : i32
    %dma_start3A_75 = tpu.memref_slice %arg8[%dma_start3A_73, %dma_start3A_74] : memref<125x80xi32, #tpu.memory_space<vmem>> -> memref<1x80xi32, #tpu.memory_space<vmem>>
    %dma_start3A_76 = tpu.memref_squeeze %dma_start3A_75 : memref<1x80xi32, #tpu.memory_space<vmem>> -> memref<80xi32, #tpu.memory_space<vmem>>
    %dma_start3A_77 = arith.constant 0 : i32
    %dma_start3A_78 = arith.constant 0 : i32
    %dma_start3A_79 = tpu.memref_slice %arg12[%dma_start3A_77, %dma_start3A_78] : memref<10240x16xf32, #tpu.memory_space<vmem_shared>> -> memref<10240x16xf32, #tpu.memory_space<vmem_shared>>
    tpu.enqueue_indirect_dma source(%arg10 : memref<80x16xf32, #tpu.memory_space<vmem>>) target(%dma_start3A_79 : memref<10240x16xf32, #tpu.memory_space<vmem_shared>>) offsets(%dma_start3A_76 : memref<80xi32, #tpu.memory_space<vmem>>) semaphore(%arg23 : memref<!tpu.dma_semaphore, #tpu.memory_space<semaphore_mem>>) {add = true}
    %dma_wait3A_80 = arith.constant 1 : i32
    %dma_wait3A_81 = arith.constant 0 : i32
    %dma_wait3A_82 = arith.constant 0 : i32
    %dma_wait3A_83 = tpu.memref_slice %arg9[%dma_wait3A_80, %dma_wait3A_81, %dma_wait3A_82] : memref<5x80x16xf32, #tpu.memory_space<vmem>> -> memref<1x80x16xf32, #tpu.memory_space<vmem>>
    %dma_wait3A_84 = tpu.memref_squeeze %dma_wait3A_83 : memref<1x80x16xf32, #tpu.memory_space<vmem>> -> memref<80x16xf32, #tpu.memory_space<vmem>>
    %dma_wait3A_85 = arith.constant 0 : i32
    %dma_wait3A_86 = tpu.memref_slice %arg3[%mul3A_4, %dma_wait3A_85] : memref<320000x16xf32, #tpu.memory_space<hbm>> -> memref<80x16xf32, #tpu.memory_space<hbm>>
    %dma_wait3A_87 = arith.constant 0 : i32
    %dma_wait3A_88 = arith.constant 0 : i32
    %dma_wait3A_89 = tpu.memref_slice %arg9[%dma_wait3A_80, %dma_wait3A_87, %dma_wait3A_88] : memref<5x80x16xf32, #tpu.memory_space<vmem>> -> memref<1x80x16xf32, #tpu.memory_space<vmem>>
    %dma_wait3A_90 = tpu.memref_squeeze %dma_wait3A_89 : memref<1x80x16xf32, #tpu.memory_space<vmem>> -> memref<80x16xf32, #tpu.memory_space<vmem>>
    %dma_wait3A_91 = arith.constant 0 : i32
    %dma_wait3A_92 = tpu.memref_slice %arg3[%mul3A_4, %dma_wait3A_91] : memref<320000x16xf32, #tpu.memory_space<hbm>> -> memref<80x16xf32, #tpu.memory_space<hbm>>
    tpu.wait_dma2 semaphore(%arg14 : memref<!tpu.dma_semaphore, #tpu.memory_space<semaphore_mem>>) src(%dma_wait3A_92 : memref<80x16xf32, #tpu.memory_space<hbm>>) dst(%dma_wait3A_90 : memref<80x16xf32, #tpu.memory_space<vmem>>)
    %add3A_93 = arith.constant 240 : i32
    %add3A_94 = arith.addi %mul3A_4, %add3A_93 : i32
    %dma_start3A_95 = arith.constant 3 : i32
    %dma_start3A_96 = arith.constant 0 : i32
    %dma_start3A_97 = arith.constant 0 : i32
    %dma_start3A_98 = tpu.memref_slice %arg9[%dma_start3A_95, %dma_start3A_96, %dma_start3A_97] : memref<5x80x16xf32, #tpu.memory_space<vmem>> -> memref<1x80x16xf32, #tpu.memory_space<vmem>>
    %dma_start3A_99 = tpu.memref_squeeze %dma_start3A_98 : memref<1x80x16xf32, #tpu.memory_space<vmem>> -> memref<80x16xf32, #tpu.memory_space<vmem>>
    %dma_start3A_100 = arith.constant 0 : i32
    %dma_start3A_101 = tpu.memref_slice %arg3[%add3A_94, %dma_start3A_100] : memref<320000x16xf32, #tpu.memory_space<hbm>> -> memref<80x16xf32, #tpu.memory_space<hbm>>
    %dma_start3A_102 = arith.constant 0 : i32
    %dma_start3A_103 = arith.constant 0 : i32
    %dma_start3A_104 = tpu.memref_slice %arg9[%dma_start3A_95, %dma_start3A_102, %dma_start3A_103] : memref<5x80x16xf32, #tpu.memory_space<vmem>> -> memref<1x80x16xf32, #tpu.memory_space<vmem>>
    %dma_start3A_105 = tpu.memref_squeeze %dma_start3A_104 : memref<1x80x16xf32, #tpu.memory_space<vmem>> -> memref<80x16xf32, #tpu.memory_space<vmem>>
    %dma_start3A_106 = arith.constant 0 : i32
    %dma_start3A_107 = tpu.memref_slice %arg3[%add3A_94, %dma_start3A_106] : memref<320000x16xf32, #tpu.memory_space<hbm>> -> memref<80x16xf32, #tpu.memory_space<hbm>>
    tpu.enqueue_dma source(%dma_start3A_107 : memref<80x16xf32, #tpu.memory_space<hbm>>) target(%dma_start3A_105 : memref<80x16xf32, #tpu.memory_space<vmem>>) target_semaphore(%arg16 : memref<!tpu.dma_semaphore, #tpu.memory_space<semaphore_mem>>)
    %dma_start3A_108 = arith.constant 1 : i32
    %dma_start3A_109 = arith.constant 1 : i32
    %dma_start3A_110 = arith.constant 0 : i32
    %dma_start3A_111 = arith.constant 0 : i32
    %dma_start3A_112 = tpu.memref_slice %arg9[%dma_start3A_108, %dma_start3A_110, %dma_start3A_111] : memref<5x80x16xf32, #tpu.memory_space<vmem>> -> memref<1x80x16xf32, #tpu.memory_space<vmem>>
    %dma_start3A_113 = tpu.memref_squeeze %dma_start3A_112 : memref<1x80x16xf32, #tpu.memory_space<vmem>> -> memref<80x16xf32, #tpu.memory_space<vmem>>
    %dma_start3A_114 = arith.constant 0 : i32
    %dma_start3A_115 = tpu.memref_slice %arg8[%dma_start3A_109, %dma_start3A_114] : memref<125x80xi32, #tpu.memory_space<vmem>> -> memref<1x80xi32, #tpu.memory_space<vmem>>
    %dma_start3A_116 = tpu.memref_squeeze %dma_start3A_115 : memref<1x80xi32, #tpu.memory_space<vmem>> -> memref<80xi32, #tpu.memory_space<vmem>>
    %dma_start3A_117 = arith.constant 0 : i32
    %dma_start3A_118 = arith.constant 0 : i32
    %dma_start3A_119 = tpu.memref_slice %arg11[%dma_start3A_117, %dma_start3A_118] : memref<10240x16xf32, #tpu.memory_space<vmem_shared>> -> memref<10240x16xf32, #tpu.memory_space<vmem_shared>>
    tpu.enqueue_indirect_dma source(%dma_start3A_113 : memref<80x16xf32, #tpu.memory_space<vmem>>) target(%dma_start3A_119 : memref<10240x16xf32, #tpu.memory_space<vmem_shared>>) offsets(%dma_start3A_116 : memref<80xi32, #tpu.memory_space<vmem>>) semaphore(%arg19 : memref<!tpu.dma_semaphore, #tpu.memory_space<semaphore_mem>>) {add = true}
    %dma_start3A_120 = arith.constant 1 : i32
    %dma_start3A_121 = arith.constant 0 : i32
    %dma_start3A_122 = tpu.memref_slice %arg8[%dma_start3A_120, %dma_start3A_121] : memref<125x80xi32, #tpu.memory_space<vmem>> -> memref<1x80xi32, #tpu.memory_space<vmem>>
    %dma_start3A_123 = tpu.memref_squeeze %dma_start3A_122 : memref<1x80xi32, #tpu.memory_space<vmem>> -> memref<80xi32, #tpu.memory_space<vmem>>
    %dma_start3A_124 = arith.constant 0 : i32
    %dma_start3A_125 = arith.constant 0 : i32
    %dma_start3A_126 = tpu.memref_slice %arg12[%dma_start3A_124, %dma_start3A_125] : memref<10240x16xf32, #tpu.memory_space<vmem_shared>> -> memref<10240x16xf32, #tpu.memory_space<vmem_shared>>
    tpu.enqueue_indirect_dma source(%arg10 : memref<80x16xf32, #tpu.memory_space<vmem>>) target(%dma_start3A_126 : memref<10240x16xf32, #tpu.memory_space<vmem_shared>>) offsets(%dma_start3A_123 : memref<80xi32, #tpu.memory_space<vmem>>) semaphore(%arg24 : memref<!tpu.dma_semaphore, #tpu.memory_space<semaphore_mem>>) {add = true}
    %dma_wait3A_127 = arith.constant 2 : i32
    %dma_wait3A_128 = arith.constant 0 : i32
    %dma_wait3A_129 = arith.constant 0 : i32
    %dma_wait3A_130 = tpu.memref_slice %arg9[%dma_wait3A_127, %dma_wait3A_128, %dma_wait3A_129] : memref<5x80x16xf32, #tpu.memory_space<vmem>> -> memref<1x80x16xf32, #tpu.memory_space<vmem>>
    %dma_wait3A_131 = tpu.memref_squeeze %dma_wait3A_130 : memref<1x80x16xf32, #tpu.memory_space<vmem>> -> memref<80x16xf32, #tpu.memory_space<vmem>>
    %dma_wait3A_132 = arith.constant 0 : i32
    %dma_wait3A_133 = tpu.memref_slice %arg3[%mul3A_4, %dma_wait3A_132] : memref<320000x16xf32, #tpu.memory_space<hbm>> -> memref<80x16xf32, #tpu.memory_space<hbm>>
    %dma_wait3A_134 = arith.constant 0 : i32
    %dma_wait3A_135 = arith.constant 0 : i32
    %dma_wait3A_136 = tpu.memref_slice %arg9[%dma_wait3A_127, %dma_wait3A_134, %dma_wait3A_135] : memref<5x80x16xf32, #tpu.memory_space<vmem>> -> memref<1x80x16xf32, #tpu.memory_space<vmem>>
    %dma_wait3A_137 = tpu.memref_squeeze %dma_wait3A_136 : memref<1x80x16xf32, #tpu.memory_space<vmem>> -> memref<80x16xf32, #tpu.memory_space<vmem>>
    %dma_wait3A_138 = arith.constant 0 : i32
    %dma_wait3A_139 = tpu.memref_slice %arg3[%mul3A_4, %dma_wait3A_138] : memref<320000x16xf32, #tpu.memory_space<hbm>> -> memref<80x16xf32, #tpu.memory_space<hbm>>
    tpu.wait_dma2 semaphore(%arg15 : memref<!tpu.dma_semaphore, #tpu.memory_space<semaphore_mem>>) src(%dma_wait3A_139 : memref<80x16xf32, #tpu.memory_space<hbm>>) dst(%dma_wait3A_137 : memref<80x16xf32, #tpu.memory_space<vmem>>)
    %add3A_140 = arith.constant 320 : i32
    %add3A_141 = arith.addi %mul3A_4, %add3A_140 : i32
    %dma_start3A_142 = arith.constant 4 : i32
    %dma_start3A_143 = arith.constant 0 : i32
    %dma_start3A_144 = arith.constant 0 : i32
    %dma_start3A_145 = tpu.memref_slice %arg9[%dma_start3A_142, %dma_start3A_143, %dma_start3A_144] : memref<5x80x16xf32, #tpu.memory_space<vmem>> -> memref<1x80x16xf32, #tpu.memory_space<vmem>>
    %dma_start3A_146 = tpu.memref_squeeze %dma_start3A_145 : memref<1x80x16xf32, #tpu.memory_space<vmem>> -> memref<80x16xf32, #tpu.memory_space<vmem>>
    %dma_start3A_147 = arith.constant 0 : i32
    %dma_start3A_148 = tpu.memref_slice %arg3[%add3A_141, %dma_start3A_147] : memref<320000x16xf32, #tpu.memory_space<hbm>> -> memref<80x16xf32, #tpu.memory_space<hbm>>
    %dma_start3A_149 = arith.constant 0 : i32
    %dma_start3A_150 = arith.constant 0 : i32
    %dma_start3A_151 = tpu.memref_slice %arg9[%dma_start3A_142, %dma_start3A_149, %dma_start3A_150] : memref<5x80x16xf32, #tpu.memory_space<vmem>> -> memref<1x80x16xf32, #tpu.memory_space<vmem>>
    %dma_start3A_152 = tpu.memref_squeeze %dma_start3A_151 : memref<1x80x16xf32, #tpu.memory_space<vmem>> -> memref<80x16xf32, #tpu.memory_space<vmem>>
    %dma_start3A_153 = arith.constant 0 : i32
    %dma_start3A_154 = tpu.memref_slice %arg3[%add3A_141, %dma_start3A_153] : memref<320000x16xf32, #tpu.memory_space<hbm>> -> memref<80x16xf32, #tpu.memory_space<hbm>>
    tpu.enqueue_dma source(%dma_start3A_154 : memref<80x16xf32, #tpu.memory_space<hbm>>) target(%dma_start3A_152 : memref<80x16xf32, #tpu.memory_space<vmem>>) target_semaphore(%arg17 : memref<!tpu.dma_semaphore, #tpu.memory_space<semaphore_mem>>)
    %dma_start3A_155 = arith.constant 2 : i32
    %dma_start3A_156 = arith.constant 2 : i32
    %dma_start3A_157 = arith.constant 0 : i32
    %dma_start3A_158 = arith.constant 0 : i32
    %dma_start3A_159 = tpu.memref_slice %arg9[%dma_start3A_155, %dma_start3A_157, %dma_start3A_158] : memref<5x80x16xf32, #tpu.memory_space<vmem>> -> memref<1x80x16xf32, #tpu.memory_space<vmem>>
    %dma_start3A_160 = tpu.memref_squeeze %dma_start3A_159 : memref<1x80x16xf32, #tpu.memory_space<vmem>> -> memref<80x16xf32, #tpu.memory_space<vmem>>
    %dma_start3A_161 = arith.constant 0 : i32
    %dma_start3A_162 = tpu.memref_slice %arg8[%dma_start3A_156, %dma_start3A_161] : memref<125x80xi32, #tpu.memory_space<vmem>> -> memref<1x80xi32, #tpu.memory_space<vmem>>
    %dma_start3A_163 = tpu.memref_squeeze %dma_start3A_162 : memref<1x80xi32, #tpu.memory_space<vmem>> -> memref<80xi32, #tpu.memory_space<vmem>>
    %dma_start3A_164 = arith.constant 0 : i32
    %dma_start3A_165 = arith.constant 0 : i32
    %dma_start3A_166 = tpu.memref_slice %arg11[%dma_start3A_164, %dma_start3A_165] : memref<10240x16xf32, #tpu.memory_space<vmem_shared>> -> memref<10240x16xf32, #tpu.memory_space<vmem_shared>>
    tpu.enqueue_indirect_dma source(%dma_start3A_160 : memref<80x16xf32, #tpu.memory_space<vmem>>) target(%dma_start3A_166 : memref<10240x16xf32, #tpu.memory_space<vmem_shared>>) offsets(%dma_start3A_163 : memref<80xi32, #tpu.memory_space<vmem>>) semaphore(%arg20 : memref<!tpu.dma_semaphore, #tpu.memory_space<semaphore_mem>>) {add = true}
    %dma_start3A_167 = arith.constant 2 : i32
    %dma_start3A_168 = arith.constant 0 : i32
    %dma_start3A_169 = tpu.memref_slice %arg8[%dma_start3A_167, %dma_start3A_168] : memref<125x80xi32, #tpu.memory_space<vmem>> -> memref<1x80xi32, #tpu.memory_space<vmem>>
    %dma_start3A_170 = tpu.memref_squeeze %dma_start3A_169 : memref<1x80xi32, #tpu.memory_space<vmem>> -> memref<80xi32, #tpu.memory_space<vmem>>
    %dma_start3A_171 = arith.constant 0 : i32
    %dma_start3A_172 = arith.constant 0 : i32
    %dma_start3A_173 = tpu.memref_slice %arg12[%dma_start3A_171, %dma_start3A_172] : memref<10240x16xf32, #tpu.memory_space<vmem_shared>> -> memref<10240x16xf32, #tpu.memory_space<vmem_shared>>
    tpu.enqueue_indirect_dma source(%arg10 : memref<80x16xf32, #tpu.memory_space<vmem>>) target(%dma_start3A_173 : memref<10240x16xf32, #tpu.memory_space<vmem_shared>>) offsets(%dma_start3A_170 : memref<80xi32, #tpu.memory_space<vmem>>) semaphore(%arg25 : memref<!tpu.dma_semaphore, #tpu.memory_space<semaphore_mem>>) {add = true}
    %dma_wait3A_174 = arith.constant 3 : i32
    %dma_wait3A_175 = arith.constant 0 : i32
    %dma_wait3A_176 = arith.constant 0 : i32
    %dma_wait3A_177 = tpu.memref_slice %arg9[%dma_wait3A_174, %dma_wait3A_175, %dma_wait3A_176] : memref<5x80x16xf32, #tpu.memory_space<vmem>> -> memref<1x80x16xf32, #tpu.memory_space<vmem>>
    %dma_wait3A_178 = tpu.memref_squeeze %dma_wait3A_177 : memref<1x80x16xf32, #tpu.memory_space<vmem>> -> memref<80x16xf32, #tpu.memory_space<vmem>>
    %dma_wait3A_179 = arith.constant 0 : i32
    %dma_wait3A_180 = tpu.memref_slice %arg3[%mul3A_4, %dma_wait3A_179] : memref<320000x16xf32, #tpu.memory_space<hbm>> -> memref<80x16xf32, #tpu.memory_space<hbm>>
    %dma_wait3A_181 = arith.constant 0 : i32
    %dma_wait3A_182 = arith.constant 0 : i32
    %dma_wait3A_183 = tpu.memref_slice %arg9[%dma_wait3A_174, %dma_wait3A_181, %dma_wait3A_182] : memref<5x80x16xf32, #tpu.memory_space<vmem>> -> memref<1x80x16xf32, #tpu.memory_space<vmem>>
    %dma_wait3A_184 = tpu.memref_squeeze %dma_wait3A_183 : memref<1x80x16xf32, #tpu.memory_space<vmem>> -> memref<80x16xf32, #tpu.memory_space<vmem>>
    %dma_wait3A_185 = arith.constant 0 : i32
    %dma_wait3A_186 = tpu.memref_slice %arg3[%mul3A_4, %dma_wait3A_185] : memref<320000x16xf32, #tpu.memory_space<hbm>> -> memref<80x16xf32, #tpu.memory_space<hbm>>
    tpu.wait_dma2 semaphore(%arg16 : memref<!tpu.dma_semaphore, #tpu.memory_space<semaphore_mem>>) src(%dma_wait3A_186 : memref<80x16xf32, #tpu.memory_space<hbm>>) dst(%dma_wait3A_184 : memref<80x16xf32, #tpu.memory_space<vmem>>)
    %dma_wait3A_187 = arith.constant 0 : i32
    %dma_wait3A_188 = arith.constant 0 : i32
    %dma_wait3A_189 = arith.constant 0 : i32
    %dma_wait3A_190 = arith.constant 0 : i32
    %dma_wait3A_191 = tpu.memref_slice %arg9[%dma_wait3A_187, %dma_wait3A_189, %dma_wait3A_190] : memref<5x80x16xf32, #tpu.memory_space<vmem>> -> memref<1x80x16xf32, #tpu.memory_space<vmem>>
    %dma_wait3A_192 = tpu.memref_squeeze %dma_wait3A_191 : memref<1x80x16xf32, #tpu.memory_space<vmem>> -> memref<80x16xf32, #tpu.memory_space<vmem>>
    %dma_wait3A_193 = arith.constant 0 : i32
    %dma_wait3A_194 = tpu.memref_slice %arg8[%dma_wait3A_188, %dma_wait3A_193] : memref<125x80xi32, #tpu.memory_space<vmem>> -> memref<1x80xi32, #tpu.memory_space<vmem>>
    %dma_wait3A_195 = tpu.memref_squeeze %dma_wait3A_194 : memref<1x80xi32, #tpu.memory_space<vmem>> -> memref<80xi32, #tpu.memory_space<vmem>>
    %dma_wait3A_196 = arith.constant 0 : i32
    %dma_wait3A_197 = arith.constant 0 : i32
    %dma_wait3A_198 = tpu.memref_slice %arg11[%dma_wait3A_196, %dma_wait3A_197] : memref<10240x16xf32, #tpu.memory_space<vmem_shared>> -> memref<10240x16xf32, #tpu.memory_space<vmem_shared>>
    tpu.wait_indirect_dma semaphore(%arg18 : memref<!tpu.dma_semaphore, #tpu.memory_space<semaphore_mem>>) src(%dma_wait3A_192 : memref<80x16xf32, #tpu.memory_space<vmem>>) dst(%dma_wait3A_198 : memref<10240x16xf32, #tpu.memory_space<vmem_shared>>)
    %dma_wait3A_199 = arith.constant 0 : i32
    %dma_wait3A_200 = arith.constant 0 : i32
    %dma_wait3A_201 = tpu.memref_slice %arg8[%dma_wait3A_199, %dma_wait3A_200] : memref<125x80xi32, #tpu.memory_space<vmem>> -> memref<1x80xi32, #tpu.memory_space<vmem>>
    %dma_wait3A_202 = tpu.memref_squeeze %dma_wait3A_201 : memref<1x80xi32, #tpu.memory_space<vmem>> -> memref<80xi32, #tpu.memory_space<vmem>>
    %dma_wait3A_203 = arith.constant 0 : i32
    %dma_wait3A_204 = arith.constant 0 : i32
    %dma_wait3A_205 = tpu.memref_slice %arg12[%dma_wait3A_203, %dma_wait3A_204] : memref<10240x16xf32, #tpu.memory_space<vmem_shared>> -> memref<10240x16xf32, #tpu.memory_space<vmem_shared>>
    tpu.wait_indirect_dma semaphore(%arg23 : memref<!tpu.dma_semaphore, #tpu.memory_space<semaphore_mem>>) src(%arg10 : memref<80x16xf32, #tpu.memory_space<vmem>>) dst(%dma_wait3A_205 : memref<10240x16xf32, #tpu.memory_space<vmem_shared>>)
    %add3A_206 = arith.constant 400 : i32
    %add3A_207 = arith.addi %mul3A_4, %add3A_206 : i32
    %dma_start3A_208 = arith.constant 0 : i32
    %dma_start3A_209 = arith.constant 0 : i32
    %dma_start3A_210 = arith.constant 0 : i32
    %dma_start3A_211 = tpu.memref_slice %arg9[%dma_start3A_208, %dma_start3A_209, %dma_start3A_210] : memref<5x80x16xf32, #tpu.memory_space<vmem>> -> memref<1x80x16xf32, #tpu.memory_space<vmem>>
    %dma_start3A_212 = tpu.memref_squeeze %dma_start3A_211 : memref<1x80x16xf32, #tpu.memory_space<vmem>> -> memref<80x16xf32, #tpu.memory_space<vmem>>
    %dma_start3A_213 = arith.constant 0 : i32
    %dma_start3A_214 = tpu.memref_slice %arg3[%add3A_207, %dma_start3A_213] : memref<320000x16xf32, #tpu.memory_space<hbm>> -> memref<80x16xf32, #tpu.memory_space<hbm>>
    %dma_start3A_215 = arith.constant 0 : i32
    %dma_start3A_216 = arith.constant 0 : i32
    %dma_start3A_217 = tpu.memref_slice %arg9[%dma_start3A_208, %dma_start3A_215, %dma_start3A_216] : memref<5x80x16xf32, #tpu.memory_space<vmem>> -> memref<1x80x16xf32, #tpu.memory_space<vmem>>
    %dma_start3A_218 = tpu.memref_squeeze %dma_start3A_217 : memref<1x80x16xf32, #tpu.memory_space<vmem>> -> memref<80x16xf32, #tpu.memory_space<vmem>>
    %dma_start3A_219 = arith.constant 0 : i32
    %dma_start3A_220 = tpu.memref_slice %arg3[%add3A_207, %dma_start3A_219] : memref<320000x16xf32, #tpu.memory_space<hbm>> -> memref<80x16xf32, #tpu.memory_space<hbm>>
    tpu.enqueue_dma source(%dma_start3A_220 : memref<80x16xf32, #tpu.memory_space<hbm>>) target(%dma_start3A_218 : memref<80x16xf32, #tpu.memory_space<vmem>>) target_semaphore(%arg13 : memref<!tpu.dma_semaphore, #tpu.memory_space<semaphore_mem>>)
    %dma_start3A_221 = arith.constant 3 : i32
    %dma_start3A_222 = arith.constant 3 : i32
    %dma_start3A_223 = arith.constant 0 : i32
    %dma_start3A_224 = arith.constant 0 : i32
    %dma_start3A_225 = tpu.memref_slice %arg9[%dma_start3A_221, %dma_start3A_223, %dma_start3A_224] : memref<5x80x16xf32, #tpu.memory_space<vmem>> -> memref<1x80x16xf32, #tpu.memory_space<vmem>>
    %dma_start3A_226 = tpu.memref_squeeze %dma_start3A_225 : memref<1x80x16xf32, #tpu.memory_space<vmem>> -> memref<80x16xf32, #tpu.memory_space<vmem>>
    %dma_start3A_227 = arith.constant 0 : i32
    %dma_start3A_228 = tpu.memref_slice %arg8[%dma_start3A_222, %dma_start3A_227] : memref<125x80xi32, #tpu.memory_space<vmem>> -> memref<1x80xi32, #tpu.memory_space<vmem>>
    %dma_start3A_229 = tpu.memref_squeeze %dma_start3A_228 : memref<1x80xi32, #tpu.memory_space<vmem>> -> memref<80xi32, #tpu.memory_space<vmem>>
    %dma_start3A_230 = arith.constant 0 : i32
    %dma_start3A_231 = arith.constant 0 : i32
    %dma_start3A_232 = tpu.memref_slice %arg11[%dma_start3A_230, %dma_start3A_231] : memref<10240x16xf32, #tpu.memory_space<vmem_shared>> -> memref<10240x16xf32, #tpu.memory_space<vmem_shared>>
    tpu.enqueue_indirect_dma source(%dma_start3A_226 : memref<80x16xf32, #tpu.memory_space<vmem>>) target(%dma_start3A_232 : memref<10240x16xf32, #tpu.memory_space<vmem_shared>>) offsets(%dma_start3A_229 : memref<80xi32, #tpu.memory_space<vmem>>) semaphore(%arg21 : memref<!tpu.dma_semaphore, #tpu.memory_space<semaphore_mem>>) {add = true}
    %dma_start3A_233 = arith.constant 3 : i32
    %dma_start3A_234 = arith.constant 0 : i32
    %dma_start3A_235 = tpu.memref_slice %arg8[%dma_start3A_233, %dma_start3A_234] : memref<125x80xi32, #tpu.memory_space<vmem>> -> memref<1x80xi32, #tpu.memory_space<vmem>>
    %dma_start3A_236 = tpu.memref_squeeze %dma_start3A_235 : memref<1x80xi32, #tpu.memory_space<vmem>> -> memref<80xi32, #tpu.memory_space<vmem>>
    %dma_start3A_237 = arith.constant 0 : i32
    %dma_start3A_238 = arith.constant 0 : i32
    %dma_start3A_239 = tpu.memref_slice %arg12[%dma_start3A_237, %dma_start3A_238] : memref<10240x16xf32, #tpu.memory_space<vmem_shared>> -> memref<10240x16xf32, #tpu.memory_space<vmem_shared>>
    tpu.enqueue_indirect_dma source(%arg10 : memref<80x16xf32, #tpu.memory_space<vmem>>) target(%dma_start3A_239 : memref<10240x16xf32, #tpu.memory_space<vmem_shared>>) offsets(%dma_start3A_236 : memref<80xi32, #tpu.memory_space<vmem>>) semaphore(%arg26 : memref<!tpu.dma_semaphore, #tpu.memory_space<semaphore_mem>>) {add = true}
    %dma_wait3A_240 = arith.constant 4 : i32
    %dma_wait3A_241 = arith.constant 0 : i32
    %dma_wait3A_242 = arith.constant 0 : i32
    %dma_wait3A_243 = tpu.memref_slice %arg9[%dma_wait3A_240, %dma_wait3A_241, %dma_wait3A_242] : memref<5x80x16xf32, #tpu.memory_space<vmem>> -> memref<1x80x16xf32, #tpu.memory_space<vmem>>
    %dma_wait3A_244 = tpu.memref_squeeze %dma_wait3A_243 : memref<1x80x16xf32, #tpu.memory_space<vmem>> -> memref<80x16xf32, #tpu.memory_space<vmem>>
    %dma_wait3A_245 = arith.constant 0 : i32
    %dma_wait3A_246 = tpu.memref_slice %arg3[%mul3A_4, %dma_wait3A_245] : memref<320000x16xf32, #tpu.memory_space<hbm>> -> memref<80x16xf32, #tpu.memory_space<hbm>>
    %dma_wait3A_247 = arith.constant 0 : i32
    %dma_wait3A_248 = arith.constant 0 : i32
    %dma_wait3A_249 = tpu.memref_slice %arg9[%dma_wait3A_240, %dma_wait3A_247, %dma_wait3A_248] : memref<5x80x16xf32, #tpu.memory_space<vmem>> -> memref<1x80x16xf32, #tpu.memory_space<vmem>>
    %dma_wait3A_250 = tpu.memref_squeeze %dma_wait3A_249 : memref<1x80x16xf32, #tpu.memory_space<vmem>> -> memref<80x16xf32, #tpu.memory_space<vmem>>
    %dma_wait3A_251 = arith.constant 0 : i32
    %dma_wait3A_252 = tpu.memref_slice %arg3[%mul3A_4, %dma_wait3A_251] : memref<320000x16xf32, #tpu.memory_space<hbm>> -> memref<80x16xf32, #tpu.memory_space<hbm>>
    tpu.wait_dma2 semaphore(%arg17 : memref<!tpu.dma_semaphore, #tpu.memory_space<semaphore_mem>>) src(%dma_wait3A_252 : memref<80x16xf32, #tpu.memory_space<hbm>>) dst(%dma_wait3A_250 : memref<80x16xf32, #tpu.memory_space<vmem>>)
    %dma_wait3A_253 = arith.constant 1 : i32
    %dma_wait3A_254 = arith.constant 0 : i32
    %dma_wait3A_255 = arith.constant 0 : i32
    %dma_wait3A_256 = arith.constant 0 : i32
    %dma_wait3A_257 = tpu.memref_slice %arg9[%dma_wait3A_253, %dma_wait3A_255, %dma_wait3A_256] : memref<5x80x16xf32, #tpu.memory_space<vmem>> -> memref<1x80x16xf32, #tpu.memory_space<vmem>>
    %dma_wait3A_258 = tpu.memref_squeeze %dma_wait3A_257 : memref<1x80x16xf32, #tpu.memory_space<vmem>> -> memref<80x16xf32, #tpu.memory_space<vmem>>
    %dma_wait3A_259 = arith.constant 0 : i32
    %dma_wait3A_260 = tpu.memref_slice %arg8[%dma_wait3A_254, %dma_wait3A_259] : memref<125x80xi32, #tpu.memory_space<vmem>> -> memref<1x80xi32, #tpu.memory_space<vmem>>
    %dma_wait3A_261 = tpu.memref_squeeze %dma_wait3A_260 : memref<1x80xi32, #tpu.memory_space<vmem>> -> memref<80xi32, #tpu.memory_space<vmem>>
    %dma_wait3A_262 = arith.constant 0 : i32
    %dma_wait3A_263 = arith.constant 0 : i32
    %dma_wait3A_264 = tpu.memref_slice %arg11[%dma_wait3A_262, %dma_wait3A_263] : memref<10240x16xf32, #tpu.memory_space<vmem_shared>> -> memref<10240x16xf32, #tpu.memory_space<vmem_shared>>
    tpu.wait_indirect_dma semaphore(%arg19 : memref<!tpu.dma_semaphore, #tpu.memory_space<semaphore_mem>>) src(%dma_wait3A_258 : memref<80x16xf32, #tpu.memory_space<vmem>>) dst(%dma_wait3A_264 : memref<10240x16xf32, #tpu.memory_space<vmem_shared>>)
    %dma_wait3A_265 = arith.constant 0 : i32
    %dma_wait3A_266 = arith.constant 0 : i32
    %dma_wait3A_267 = tpu.memref_slice %arg8[%dma_wait3A_265, %dma_wait3A_266] : memref<125x80xi32, #tpu.memory_space<vmem>> -> memref<1x80xi32, #tpu.memory_space<vmem>>
    %dma_wait3A_268 = tpu.memref_squeeze %dma_wait3A_267 : memref<1x80xi32, #tpu.memory_space<vmem>> -> memref<80xi32, #tpu.memory_space<vmem>>
    %dma_wait3A_269 = arith.constant 0 : i32
    %dma_wait3A_270 = arith.constant 0 : i32
    %dma_wait3A_271 = tpu.memref_slice %arg12[%dma_wait3A_269, %dma_wait3A_270] : memref<10240x16xf32, #tpu.memory_space<vmem_shared>> -> memref<10240x16xf32, #tpu.memory_space<vmem_shared>>
    tpu.wait_indirect_dma semaphore(%arg24 : memref<!tpu.dma_semaphore, #tpu.memory_space<semaphore_mem>>) src(%arg10 : memref<80x16xf32, #tpu.memory_space<vmem>>) dst(%dma_wait3A_271 : memref<10240x16xf32, #tpu.memory_space<vmem_shared>>)
    %add3A_272 = arith.constant 480 : i32
    %add3A_273 = arith.addi %mul3A_4, %add3A_272 : i32
    %dma_start3A_274 = arith.constant 1 : i32
    %dma_start3A_275 = arith.constant 0 : i32
    %dma_start3A_276 = arith.constant 0 : i32
    %dma_start3A_277 = tpu.memref_slice %arg9[%dma_start3A_274, %dma_start3A_275, %dma_start3A_276] : memref<5x80x16xf32, #tpu.memory_space<vmem>> -> memref<1x80x16xf32, #tpu.memory_space<vmem>>
    %dma_start3A_278 = tpu.memref_squeeze %dma_start3A_277 : memref<1x80x16xf32, #tpu.memory_space<vmem>> -> memref<80x16xf32, #tpu.memory_space<vmem>>
    %dma_start3A_279 = arith.constant 0 : i32
    %dma_start3A_280 = tpu.memref_slice %arg3[%add3A_273, %dma_start3A_279] : memref<320000x16xf32, #tpu.memory_space<hbm>> -> memref<80x16xf32, #tpu.memory_space<hbm>>
    %dma_start3A_281 = arith.constant 0 : i32
    %dma_start3A_282 = arith.constant 0 : i32
    %dma_start3A_283 = tpu.memref_slice %arg9[%dma_start3A_274, %dma_start3A_281, %dma_start3A_282] : memref<5x80x16xf32, #tpu.memory_space<vmem>> -> memref<1x80x16xf32, #tpu.memory_space<vmem>>
    %dma_start3A_284 = tpu.memref_squeeze %dma_start3A_283 : memref<1x80x16xf32, #tpu.memory_space<vmem>> -> memref<80x16xf32, #tpu.memory_space<vmem>>
    %dma_start3A_285 = arith.constant 0 : i32
    %dma_start3A_286 = tpu.memref_slice %arg3[%add3A_273, %dma_start3A_285] : memref<320000x16xf32, #tpu.memory_space<hbm>> -> memref<80x16xf32, #tpu.memory_space<hbm>>
    tpu.enqueue_dma source(%dma_start3A_286 : memref<80x16xf32, #tpu.memory_space<hbm>>) target(%dma_start3A_284 : memref<80x16xf32, #tpu.memory_space<vmem>>) target_semaphore(%arg14 : memref<!tpu.dma_semaphore, #tpu.memory_space<semaphore_mem>>)
    %dma_start3A_287 = arith.constant 4 : i32
    %dma_start3A_288 = arith.constant 4 : i32
    %dma_start3A_289 = arith.constant 0 : i32
    %dma_start3A_290 = arith.constant 0 : i32
    %dma_start3A_291 = tpu.memref_slice %arg9[%dma_start3A_287, %dma_start3A_289, %dma_start3A_290] : memref<5x80x16xf32, #tpu.memory_space<vmem>> -> memref<1x80x16xf32, #tpu.memory_space<vmem>>
    %dma_start3A_292 = tpu.memref_squeeze %dma_start3A_291 : memref<1x80x16xf32, #tpu.memory_space<vmem>> -> memref<80x16xf32, #tpu.memory_space<vmem>>
    %dma_start3A_293 = arith.constant 0 : i32
    %dma_start3A_294 = tpu.memref_slice %arg8[%dma_start3A_288, %dma_start3A_293] : memref<125x80xi32, #tpu.memory_space<vmem>> -> memref<1x80xi32, #tpu.memory_space<vmem>>
    %dma_start3A_295 = tpu.memref_squeeze %dma_start3A_294 : memref<1x80xi32, #tpu.memory_space<vmem>> -> memref<80xi32, #tpu.memory_space<vmem>>
    %dma_start3A_296 = arith.constant 0 : i32
    %dma_start3A_297 = arith.constant 0 : i32
    %dma_start3A_298 = tpu.memref_slice %arg11[%dma_start3A_296, %dma_start3A_297] : memref<10240x16xf32, #tpu.memory_space<vmem_shared>> -> memref<10240x16xf32, #tpu.memory_space<vmem_shared>>
    tpu.enqueue_indirect_dma source(%dma_start3A_292 : memref<80x16xf32, #tpu.memory_space<vmem>>) target(%dma_start3A_298 : memref<10240x16xf32, #tpu.memory_space<vmem_shared>>) offsets(%dma_start3A_295 : memref<80xi32, #tpu.memory_space<vmem>>) semaphore(%arg22 : memref<!tpu.dma_semaphore, #tpu.memory_space<semaphore_mem>>) {add = true}
    %dma_start3A_299 = arith.constant 4 : i32
    %dma_start3A_300 = arith.constant 0 : i32
    %dma_start3A_301 = tpu.memref_slice %arg8[%dma_start3A_299, %dma_start3A_300] : memref<125x80xi32, #tpu.memory_space<vmem>> -> memref<1x80xi32, #tpu.memory_space<vmem>>
    %dma_start3A_302 = tpu.memref_squeeze %dma_start3A_301 : memref<1x80xi32, #tpu.memory_space<vmem>> -> memref<80xi32, #tpu.memory_space<vmem>>
    %dma_start3A_303 = arith.constant 0 : i32
    %dma_start3A_304 = arith.constant 0 : i32
    %dma_start3A_305 = tpu.memref_slice %arg12[%dma_start3A_303, %dma_start3A_304] : memref<10240x16xf32, #tpu.memory_space<vmem_shared>> -> memref<10240x16xf32, #tpu.memory_space<vmem_shared>>
    tpu.enqueue_indirect_dma source(%arg10 : memref<80x16xf32, #tpu.memory_space<vmem>>) target(%dma_start3A_305 : memref<10240x16xf32, #tpu.memory_space<vmem_shared>>) offsets(%dma_start3A_302 : memref<80xi32, #tpu.memory_space<vmem>>) semaphore(%arg27 : memref<!tpu.dma_semaphore, #tpu.memory_space<semaphore_mem>>) {add = true}
    %scan3A = arith.constant 0 : i32
    %scan3A_306 = arith.constant 1 : i32
    %scan3A_307 = arith.constant 23 : i32
    %scan3A_308 = arith.addi %scan3A_306, %scan3A_307 : i32
    %scan3A_309 = arith.constant 1 : i32
    %scan3A_310 = scf.for %scan3A_670 = %scan3A_306 to %scan3A_308 step %scan3A_309 iter_args(%scan3A_671 = %scan3A) -> (i32)  : i32 {
      %mul3A_672 = arith.constant 5 : i32
      %mul3A_673 = arith.muli %mul3A_672, %scan3A_670 : i32
      %add3A_674 = arith.constant 0 : i32
      %add3A_675 = arith.addi %mul3A_673, %add3A_674 : i32
      %dma_wait3A_676 = arith.constant 0 : i32
      %dma_wait3A_677 = arith.constant 0 : i32
      %dma_wait3A_678 = arith.constant 0 : i32
      %dma_wait3A_679 = tpu.memref_slice %arg9[%dma_wait3A_676, %dma_wait3A_677, %dma_wait3A_678] : memref<5x80x16xf32, #tpu.memory_space<vmem>> -> memref<1x80x16xf32, #tpu.memory_space<vmem>>
      %dma_wait3A_680 = tpu.memref_squeeze %dma_wait3A_679 : memref<1x80x16xf32, #tpu.memory_space<vmem>> -> memref<80x16xf32, #tpu.memory_space<vmem>>
      %dma_wait3A_681 = arith.constant 0 : i32
      %dma_wait3A_682 = tpu.memref_slice %arg3[%mul3A_4, %dma_wait3A_681] : memref<320000x16xf32, #tpu.memory_space<hbm>> -> memref<80x16xf32, #tpu.memory_space<hbm>>
      %dma_wait3A_683 = arith.constant 0 : i32
      %dma_wait3A_684 = arith.constant 0 : i32
      %dma_wait3A_685 = tpu.memref_slice %arg9[%dma_wait3A_676, %dma_wait3A_683, %dma_wait3A_684] : memref<5x80x16xf32, #tpu.memory_space<vmem>> -> memref<1x80x16xf32, #tpu.memory_space<vmem>>
      %dma_wait3A_686 = tpu.memref_squeeze %dma_wait3A_685 : memref<1x80x16xf32, #tpu.memory_space<vmem>> -> memref<80x16xf32, #tpu.memory_space<vmem>>
      %dma_wait3A_687 = arith.constant 0 : i32
      %dma_wait3A_688 = tpu.memref_slice %arg3[%mul3A_4, %dma_wait3A_687] : memref<320000x16xf32, #tpu.memory_space<hbm>> -> memref<80x16xf32, #tpu.memory_space<hbm>>
      tpu.wait_dma2 semaphore(%arg13 : memref<!tpu.dma_semaphore, #tpu.memory_space<semaphore_mem>>) src(%dma_wait3A_688 : memref<80x16xf32, #tpu.memory_space<hbm>>) dst(%dma_wait3A_686 : memref<80x16xf32, #tpu.memory_space<vmem>>)
      %dma_wait3A_689 = arith.constant 2 : i32
      %dma_wait3A_690 = arith.constant 0 : i32
      %dma_wait3A_691 = arith.constant 0 : i32
      %dma_wait3A_692 = arith.constant 0 : i32
      %dma_wait3A_693 = tpu.memref_slice %arg9[%dma_wait3A_689, %dma_wait3A_691, %dma_wait3A_692] : memref<5x80x16xf32, #tpu.memory_space<vmem>> -> memref<1x80x16xf32, #tpu.memory_space<vmem>>
      %dma_wait3A_694 = tpu.memref_squeeze %dma_wait3A_693 : memref<1x80x16xf32, #tpu.memory_space<vmem>> -> memref<80x16xf32, #tpu.memory_space<vmem>>
      %dma_wait3A_695 = arith.constant 0 : i32
      %dma_wait3A_696 = tpu.memref_slice %arg8[%dma_wait3A_690, %dma_wait3A_695] : memref<125x80xi32, #tpu.memory_space<vmem>> -> memref<1x80xi32, #tpu.memory_space<vmem>>
      %dma_wait3A_697 = tpu.memref_squeeze %dma_wait3A_696 : memref<1x80xi32, #tpu.memory_space<vmem>> -> memref<80xi32, #tpu.memory_space<vmem>>
      %dma_wait3A_698 = arith.constant 0 : i32
      %dma_wait3A_699 = arith.constant 0 : i32
      %dma_wait3A_700 = tpu.memref_slice %arg11[%dma_wait3A_698, %dma_wait3A_699] : memref<10240x16xf32, #tpu.memory_space<vmem_shared>> -> memref<10240x16xf32, #tpu.memory_space<vmem_shared>>
      tpu.wait_indirect_dma semaphore(%arg20 : memref<!tpu.dma_semaphore, #tpu.memory_space<semaphore_mem>>) src(%dma_wait3A_694 : memref<80x16xf32, #tpu.memory_space<vmem>>) dst(%dma_wait3A_700 : memref<10240x16xf32, #tpu.memory_space<vmem_shared>>)
      %dma_wait3A_701 = arith.constant 0 : i32
      %dma_wait3A_702 = arith.constant 0 : i32
      %dma_wait3A_703 = tpu.memref_slice %arg8[%dma_wait3A_701, %dma_wait3A_702] : memref<125x80xi32, #tpu.memory_space<vmem>> -> memref<1x80xi32, #tpu.memory_space<vmem>>
      %dma_wait3A_704 = tpu.memref_squeeze %dma_wait3A_703 : memref<1x80xi32, #tpu.memory_space<vmem>> -> memref<80xi32, #tpu.memory_space<vmem>>
      %dma_wait3A_705 = arith.constant 0 : i32
      %dma_wait3A_706 = arith.constant 0 : i32
      %dma_wait3A_707 = tpu.memref_slice %arg12[%dma_wait3A_705, %dma_wait3A_706] : memref<10240x16xf32, #tpu.memory_space<vmem_shared>> -> memref<10240x16xf32, #tpu.memory_space<vmem_shared>>
      tpu.wait_indirect_dma semaphore(%arg25 : memref<!tpu.dma_semaphore, #tpu.memory_space<semaphore_mem>>) src(%arg10 : memref<80x16xf32, #tpu.memory_space<vmem>>) dst(%dma_wait3A_707 : memref<10240x16xf32, #tpu.memory_space<vmem_shared>>)
      %add3A_708 = arith.constant 2 : i32
      %add3A_709 = arith.addi %add3A_675, %add3A_708 : i32
      %mul3A_710 = arith.constant 80 : i32
      %mul3A_711 = arith.muli %add3A_709, %mul3A_710 : i32
      %add3A_712 = arith.addi %mul3A_4, %mul3A_711 : i32
      %dma_start3A_713 = arith.constant 2 : i32
      %dma_start3A_714 = arith.constant 0 : i32
      %dma_start3A_715 = arith.constant 0 : i32
      %dma_start3A_716 = tpu.memref_slice %arg9[%dma_start3A_713, %dma_start3A_714, %dma_start3A_715] : memref<5x80x16xf32, #tpu.memory_space<vmem>> -> memref<1x80x16xf32, #tpu.memory_space<vmem>>
      %dma_start3A_717 = tpu.memref_squeeze %dma_start3A_716 : memref<1x80x16xf32, #tpu.memory_space<vmem>> -> memref<80x16xf32, #tpu.memory_space<vmem>>
      %dma_start3A_718 = arith.constant 0 : i32
      %dma_start3A_719 = tpu.memref_slice %arg3[%add3A_712, %dma_start3A_718] : memref<320000x16xf32, #tpu.memory_space<hbm>> -> memref<80x16xf32, #tpu.memory_space<hbm>>
      %dma_start3A_720 = arith.constant 0 : i32
      %dma_start3A_721 = arith.constant 0 : i32
      %dma_start3A_722 = tpu.memref_slice %arg9[%dma_start3A_713, %dma_start3A_720, %dma_start3A_721] : memref<5x80x16xf32, #tpu.memory_space<vmem>> -> memref<1x80x16xf32, #tpu.memory_space<vmem>>
      %dma_start3A_723 = tpu.memref_squeeze %dma_start3A_722 : memref<1x80x16xf32, #tpu.memory_space<vmem>> -> memref<80x16xf32, #tpu.memory_space<vmem>>
      %dma_start3A_724 = arith.constant 0 : i32
      %dma_start3A_725 = tpu.memref_slice %arg3[%add3A_712, %dma_start3A_724] : memref<320000x16xf32, #tpu.memory_space<hbm>> -> memref<80x16xf32, #tpu.memory_space<hbm>>
      tpu.enqueue_dma source(%dma_start3A_725 : memref<80x16xf32, #tpu.memory_space<hbm>>) target(%dma_start3A_723 : memref<80x16xf32, #tpu.memory_space<vmem>>) target_semaphore(%arg15 : memref<!tpu.dma_semaphore, #tpu.memory_space<semaphore_mem>>)
      %dma_start3A_726 = arith.constant 0 : i32
      %dma_start3A_727 = arith.constant 0 : i32
      %dma_start3A_728 = arith.constant 0 : i32
      %dma_start3A_729 = tpu.memref_slice %arg9[%dma_start3A_726, %dma_start3A_727, %dma_start3A_728] : memref<5x80x16xf32, #tpu.memory_space<vmem>> -> memref<1x80x16xf32, #tpu.memory_space<vmem>>
      %dma_start3A_730 = tpu.memref_squeeze %dma_start3A_729 : memref<1x80x16xf32, #tpu.memory_space<vmem>> -> memref<80x16xf32, #tpu.memory_space<vmem>>
      %dma_start3A_731 = arith.constant 0 : i32
      %dma_start3A_732 = tpu.memref_slice %arg8[%add3A_675, %dma_start3A_731] : memref<125x80xi32, #tpu.memory_space<vmem>> -> memref<1x80xi32, #tpu.memory_space<vmem>>
      %dma_start3A_733 = tpu.memref_squeeze %dma_start3A_732 : memref<1x80xi32, #tpu.memory_space<vmem>> -> memref<80xi32, #tpu.memory_space<vmem>>
      %dma_start3A_734 = arith.constant 0 : i32
      %dma_start3A_735 = arith.constant 0 : i32
      %dma_start3A_736 = tpu.memref_slice %arg11[%dma_start3A_734, %dma_start3A_735] : memref<10240x16xf32, #tpu.memory_space<vmem_shared>> -> memref<10240x16xf32, #tpu.memory_space<vmem_shared>>
      tpu.enqueue_indirect_dma source(%dma_start3A_730 : memref<80x16xf32, #tpu.memory_space<vmem>>) target(%dma_start3A_736 : memref<10240x16xf32, #tpu.memory_space<vmem_shared>>) offsets(%dma_start3A_733 : memref<80xi32, #tpu.memory_space<vmem>>) semaphore(%arg18 : memref<!tpu.dma_semaphore, #tpu.memory_space<semaphore_mem>>) {add = true}
      %dma_start3A_737 = arith.constant 0 : i32
      %dma_start3A_738 = tpu.memref_slice %arg8[%add3A_675, %dma_start3A_737] : memref<125x80xi32, #tpu.memory_space<vmem>> -> memref<1x80xi32, #tpu.memory_space<vmem>>
      %dma_start3A_739 = tpu.memref_squeeze %dma_start3A_738 : memref<1x80xi32, #tpu.memory_space<vmem>> -> memref<80xi32, #tpu.memory_space<vmem>>
      %dma_start3A_740 = arith.constant 0 : i32
      %dma_start3A_741 = arith.constant 0 : i32
      %dma_start3A_742 = tpu.memref_slice %arg12[%dma_start3A_740, %dma_start3A_741] : memref<10240x16xf32, #tpu.memory_space<vmem_shared>> -> memref<10240x16xf32, #tpu.memory_space<vmem_shared>>
      tpu.enqueue_indirect_dma source(%arg10 : memref<80x16xf32, #tpu.memory_space<vmem>>) target(%dma_start3A_742 : memref<10240x16xf32, #tpu.memory_space<vmem_shared>>) offsets(%dma_start3A_739 : memref<80xi32, #tpu.memory_space<vmem>>) semaphore(%arg23 : memref<!tpu.dma_semaphore, #tpu.memory_space<semaphore_mem>>) {add = true}
      %add3A_743 = arith.constant 1 : i32
      %add3A_744 = arith.addi %mul3A_673, %add3A_743 : i32
      %dma_wait3A_745 = arith.constant 1 : i32
      %dma_wait3A_746 = arith.constant 0 : i32
      %dma_wait3A_747 = arith.constant 0 : i32
      %dma_wait3A_748 = tpu.memref_slice %arg9[%dma_wait3A_745, %dma_wait3A_746, %dma_wait3A_747] : memref<5x80x16xf32, #tpu.memory_space<vmem>> -> memref<1x80x16xf32, #tpu.memory_space<vmem>>
      %dma_wait3A_749 = tpu.memref_squeeze %dma_wait3A_748 : memref<1x80x16xf32, #tpu.memory_space<vmem>> -> memref<80x16xf32, #tpu.memory_space<vmem>>
      %dma_wait3A_750 = arith.constant 0 : i32
      %dma_wait3A_751 = tpu.memref_slice %arg3[%mul3A_4, %dma_wait3A_750] : memref<320000x16xf32, #tpu.memory_space<hbm>> -> memref<80x16xf32, #tpu.memory_space<hbm>>
      %dma_wait3A_752 = arith.constant 0 : i32
      %dma_wait3A_753 = arith.constant 0 : i32
      %dma_wait3A_754 = tpu.memref_slice %arg9[%dma_wait3A_745, %dma_wait3A_752, %dma_wait3A_753] : memref<5x80x16xf32, #tpu.memory_space<vmem>> -> memref<1x80x16xf32, #tpu.memory_space<vmem>>
      %dma_wait3A_755 = tpu.memref_squeeze %dma_wait3A_754 : memref<1x80x16xf32, #tpu.memory_space<vmem>> -> memref<80x16xf32, #tpu.memory_space<vmem>>
      %dma_wait3A_756 = arith.constant 0 : i32
      %dma_wait3A_757 = tpu.memref_slice %arg3[%mul3A_4, %dma_wait3A_756] : memref<320000x16xf32, #tpu.memory_space<hbm>> -> memref<80x16xf32, #tpu.memory_space<hbm>>
      tpu.wait_dma2 semaphore(%arg14 : memref<!tpu.dma_semaphore, #tpu.memory_space<semaphore_mem>>) src(%dma_wait3A_757 : memref<80x16xf32, #tpu.memory_space<hbm>>) dst(%dma_wait3A_755 : memref<80x16xf32, #tpu.memory_space<vmem>>)
      %dma_wait3A_758 = arith.constant 3 : i32
      %dma_wait3A_759 = arith.constant 0 : i32
      %dma_wait3A_760 = arith.constant 0 : i32
      %dma_wait3A_761 = arith.constant 0 : i32
      %dma_wait3A_762 = tpu.memref_slice %arg9[%dma_wait3A_758, %dma_wait3A_760, %dma_wait3A_761] : memref<5x80x16xf32, #tpu.memory_space<vmem>> -> memref<1x80x16xf32, #tpu.memory_space<vmem>>
      %dma_wait3A_763 = tpu.memref_squeeze %dma_wait3A_762 : memref<1x80x16xf32, #tpu.memory_space<vmem>> -> memref<80x16xf32, #tpu.memory_space<vmem>>
      %dma_wait3A_764 = arith.constant 0 : i32
      %dma_wait3A_765 = tpu.memref_slice %arg8[%dma_wait3A_759, %dma_wait3A_764] : memref<125x80xi32, #tpu.memory_space<vmem>> -> memref<1x80xi32, #tpu.memory_space<vmem>>
      %dma_wait3A_766 = tpu.memref_squeeze %dma_wait3A_765 : memref<1x80xi32, #tpu.memory_space<vmem>> -> memref<80xi32, #tpu.memory_space<vmem>>
      %dma_wait3A_767 = arith.constant 0 : i32
      %dma_wait3A_768 = arith.constant 0 : i32
      %dma_wait3A_769 = tpu.memref_slice %arg11[%dma_wait3A_767, %dma_wait3A_768] : memref<10240x16xf32, #tpu.memory_space<vmem_shared>> -> memref<10240x16xf32, #tpu.memory_space<vmem_shared>>
      tpu.wait_indirect_dma semaphore(%arg21 : memref<!tpu.dma_semaphore, #tpu.memory_space<semaphore_mem>>) src(%dma_wait3A_763 : memref<80x16xf32, #tpu.memory_space<vmem>>) dst(%dma_wait3A_769 : memref<10240x16xf32, #tpu.memory_space<vmem_shared>>)
      %dma_wait3A_770 = arith.constant 0 : i32
      %dma_wait3A_771 = arith.constant 0 : i32
      %dma_wait3A_772 = tpu.memref_slice %arg8[%dma_wait3A_770, %dma_wait3A_771] : memref<125x80xi32, #tpu.memory_space<vmem>> -> memref<1x80xi32, #tpu.memory_space<vmem>>
      %dma_wait3A_773 = tpu.memref_squeeze %dma_wait3A_772 : memref<1x80xi32, #tpu.memory_space<vmem>> -> memref<80xi32, #tpu.memory_space<vmem>>
      %dma_wait3A_774 = arith.constant 0 : i32
      %dma_wait3A_775 = arith.constant 0 : i32
      %dma_wait3A_776 = tpu.memref_slice %arg12[%dma_wait3A_774, %dma_wait3A_775] : memref<10240x16xf32, #tpu.memory_space<vmem_shared>> -> memref<10240x16xf32, #tpu.memory_space<vmem_shared>>
      tpu.wait_indirect_dma semaphore(%arg26 : memref<!tpu.dma_semaphore, #tpu.memory_space<semaphore_mem>>) src(%arg10 : memref<80x16xf32, #tpu.memory_space<vmem>>) dst(%dma_wait3A_776 : memref<10240x16xf32, #tpu.memory_space<vmem_shared>>)
      %add3A_777 = arith.constant 2 : i32
      %add3A_778 = arith.addi %add3A_744, %add3A_777 : i32
      %mul3A_779 = arith.constant 80 : i32
      %mul3A_780 = arith.muli %add3A_778, %mul3A_779 : i32
      %add3A_781 = arith.addi %mul3A_4, %mul3A_780 : i32
      %dma_start3A_782 = arith.constant 3 : i32
      %dma_start3A_783 = arith.constant 0 : i32
      %dma_start3A_784 = arith.constant 0 : i32
      %dma_start3A_785 = tpu.memref_slice %arg9[%dma_start3A_782, %dma_start3A_783, %dma_start3A_784] : memref<5x80x16xf32, #tpu.memory_space<vmem>> -> memref<1x80x16xf32, #tpu.memory_space<vmem>>
      %dma_start3A_786 = tpu.memref_squeeze %dma_start3A_785 : memref<1x80x16xf32, #tpu.memory_space<vmem>> -> memref<80x16xf32, #tpu.memory_space<vmem>>
      %dma_start3A_787 = arith.constant 0 : i32
      %dma_start3A_788 = tpu.memref_slice %arg3[%add3A_781, %dma_start3A_787] : memref<320000x16xf32, #tpu.memory_space<hbm>> -> memref<80x16xf32, #tpu.memory_space<hbm>>
      %dma_start3A_789 = arith.constant 0 : i32
      %dma_start3A_790 = arith.constant 0 : i32
      %dma_start3A_791 = tpu.memref_slice %arg9[%dma_start3A_782, %dma_start3A_789, %dma_start3A_790] : memref<5x80x16xf32, #tpu.memory_space<vmem>> -> memref<1x80x16xf32, #tpu.memory_space<vmem>>
      %dma_start3A_792 = tpu.memref_squeeze %dma_start3A_791 : memref<1x80x16xf32, #tpu.memory_space<vmem>> -> memref<80x16xf32, #tpu.memory_space<vmem>>
      %dma_start3A_793 = arith.constant 0 : i32
      %dma_start3A_794 = tpu.memref_slice %arg3[%add3A_781, %dma_start3A_793] : memref<320000x16xf32, #tpu.memory_space<hbm>> -> memref<80x16xf32, #tpu.memory_space<hbm>>
      tpu.enqueue_dma source(%dma_start3A_794 : memref<80x16xf32, #tpu.memory_space<hbm>>) target(%dma_start3A_792 : memref<80x16xf32, #tpu.memory_space<vmem>>) target_semaphore(%arg16 : memref<!tpu.dma_semaphore, #tpu.memory_space<semaphore_mem>>)
      %dma_start3A_795 = arith.constant 1 : i32
      %dma_start3A_796 = arith.constant 0 : i32
      %dma_start3A_797 = arith.constant 0 : i32
      %dma_start3A_798 = tpu.memref_slice %arg9[%dma_start3A_795, %dma_start3A_796, %dma_start3A_797] : memref<5x80x16xf32, #tpu.memory_space<vmem>> -> memref<1x80x16xf32, #tpu.memory_space<vmem>>
      %dma_start3A_799 = tpu.memref_squeeze %dma_start3A_798 : memref<1x80x16xf32, #tpu.memory_space<vmem>> -> memref<80x16xf32, #tpu.memory_space<vmem>>
      %dma_start3A_800 = arith.constant 0 : i32
      %dma_start3A_801 = tpu.memref_slice %arg8[%add3A_744, %dma_start3A_800] : memref<125x80xi32, #tpu.memory_space<vmem>> -> memref<1x80xi32, #tpu.memory_space<vmem>>
      %dma_start3A_802 = tpu.memref_squeeze %dma_start3A_801 : memref<1x80xi32, #tpu.memory_space<vmem>> -> memref<80xi32, #tpu.memory_space<vmem>>
      %dma_start3A_803 = arith.constant 0 : i32
      %dma_start3A_804 = arith.constant 0 : i32
      %dma_start3A_805 = tpu.memref_slice %arg11[%dma_start3A_803, %dma_start3A_804] : memref<10240x16xf32, #tpu.memory_space<vmem_shared>> -> memref<10240x16xf32, #tpu.memory_space<vmem_shared>>
      tpu.enqueue_indirect_dma source(%dma_start3A_799 : memref<80x16xf32, #tpu.memory_space<vmem>>) target(%dma_start3A_805 : memref<10240x16xf32, #tpu.memory_space<vmem_shared>>) offsets(%dma_start3A_802 : memref<80xi32, #tpu.memory_space<vmem>>) semaphore(%arg19 : memref<!tpu.dma_semaphore, #tpu.memory_space<semaphore_mem>>) {add = true}
      %dma_start3A_806 = arith.constant 0 : i32
      %dma_start3A_807 = tpu.memref_slice %arg8[%add3A_744, %dma_start3A_806] : memref<125x80xi32, #tpu.memory_space<vmem>> -> memref<1x80xi32, #tpu.memory_space<vmem>>
      %dma_start3A_808 = tpu.memref_squeeze %dma_start3A_807 : memref<1x80xi32, #tpu.memory_space<vmem>> -> memref<80xi32, #tpu.memory_space<vmem>>
      %dma_start3A_809 = arith.constant 0 : i32
      %dma_start3A_810 = arith.constant 0 : i32
      %dma_start3A_811 = tpu.memref_slice %arg12[%dma_start3A_809, %dma_start3A_810] : memref<10240x16xf32, #tpu.memory_space<vmem_shared>> -> memref<10240x16xf32, #tpu.memory_space<vmem_shared>>
      tpu.enqueue_indirect_dma source(%arg10 : memref<80x16xf32, #tpu.memory_space<vmem>>) target(%dma_start3A_811 : memref<10240x16xf32, #tpu.memory_space<vmem_shared>>) offsets(%dma_start3A_808 : memref<80xi32, #tpu.memory_space<vmem>>) semaphore(%arg24 : memref<!tpu.dma_semaphore, #tpu.memory_space<semaphore_mem>>) {add = true}
      %add3A_812 = arith.constant 2 : i32
      %add3A_813 = arith.addi %mul3A_673, %add3A_812 : i32
      %dma_wait3A_814 = arith.constant 2 : i32
      %dma_wait3A_815 = arith.constant 0 : i32
      %dma_wait3A_816 = arith.constant 0 : i32
      %dma_wait3A_817 = tpu.memref_slice %arg9[%dma_wait3A_814, %dma_wait3A_815, %dma_wait3A_816] : memref<5x80x16xf32, #tpu.memory_space<vmem>> -> memref<1x80x16xf32, #tpu.memory_space<vmem>>
      %dma_wait3A_818 = tpu.memref_squeeze %dma_wait3A_817 : memref<1x80x16xf32, #tpu.memory_space<vmem>> -> memref<80x16xf32, #tpu.memory_space<vmem>>
      %dma_wait3A_819 = arith.constant 0 : i32
      %dma_wait3A_820 = tpu.memref_slice %arg3[%mul3A_4, %dma_wait3A_819] : memref<320000x16xf32, #tpu.memory_space<hbm>> -> memref<80x16xf32, #tpu.memory_space<hbm>>
      %dma_wait3A_821 = arith.constant 0 : i32
      %dma_wait3A_822 = arith.constant 0 : i32
      %dma_wait3A_823 = tpu.memref_slice %arg9[%dma_wait3A_814, %dma_wait3A_821, %dma_wait3A_822] : memref<5x80x16xf32, #tpu.memory_space<vmem>> -> memref<1x80x16xf32, #tpu.memory_space<vmem>>
      %dma_wait3A_824 = tpu.memref_squeeze %dma_wait3A_823 : memref<1x80x16xf32, #tpu.memory_space<vmem>> -> memref<80x16xf32, #tpu.memory_space<vmem>>
      %dma_wait3A_825 = arith.constant 0 : i32
      %dma_wait3A_826 = tpu.memref_slice %arg3[%mul3A_4, %dma_wait3A_825] : memref<320000x16xf32, #tpu.memory_space<hbm>> -> memref<80x16xf32, #tpu.memory_space<hbm>>
      tpu.wait_dma2 semaphore(%arg15 : memref<!tpu.dma_semaphore, #tpu.memory_space<semaphore_mem>>) src(%dma_wait3A_826 : memref<80x16xf32, #tpu.memory_space<hbm>>) dst(%dma_wait3A_824 : memref<80x16xf32, #tpu.memory_space<vmem>>)
      %dma_wait3A_827 = arith.constant 4 : i32
      %dma_wait3A_828 = arith.constant 0 : i32
      %dma_wait3A_829 = arith.constant 0 : i32
      %dma_wait3A_830 = arith.constant 0 : i32
      %dma_wait3A_831 = tpu.memref_slice %arg9[%dma_wait3A_827, %dma_wait3A_829, %dma_wait3A_830] : memref<5x80x16xf32, #tpu.memory_space<vmem>> -> memref<1x80x16xf32, #tpu.memory_space<vmem>>
      %dma_wait3A_832 = tpu.memref_squeeze %dma_wait3A_831 : memref<1x80x16xf32, #tpu.memory_space<vmem>> -> memref<80x16xf32, #tpu.memory_space<vmem>>
      %dma_wait3A_833 = arith.constant 0 : i32
      %dma_wait3A_834 = tpu.memref_slice %arg8[%dma_wait3A_828, %dma_wait3A_833] : memref<125x80xi32, #tpu.memory_space<vmem>> -> memref<1x80xi32, #tpu.memory_space<vmem>>
      %dma_wait3A_835 = tpu.memref_squeeze %dma_wait3A_834 : memref<1x80xi32, #tpu.memory_space<vmem>> -> memref<80xi32, #tpu.memory_space<vmem>>
      %dma_wait3A_836 = arith.constant 0 : i32
      %dma_wait3A_837 = arith.constant 0 : i32
      %dma_wait3A_838 = tpu.memref_slice %arg11[%dma_wait3A_836, %dma_wait3A_837] : memref<10240x16xf32, #tpu.memory_space<vmem_shared>> -> memref<10240x16xf32, #tpu.memory_space<vmem_shared>>
      tpu.wait_indirect_dma semaphore(%arg22 : memref<!tpu.dma_semaphore, #tpu.memory_space<semaphore_mem>>) src(%dma_wait3A_832 : memref<80x16xf32, #tpu.memory_space<vmem>>) dst(%dma_wait3A_838 : memref<10240x16xf32, #tpu.memory_space<vmem_shared>>)
      %dma_wait3A_839 = arith.constant 0 : i32
      %dma_wait3A_840 = arith.constant 0 : i32
      %dma_wait3A_841 = tpu.memref_slice %arg8[%dma_wait3A_839, %dma_wait3A_840] : memref<125x80xi32, #tpu.memory_space<vmem>> -> memref<1x80xi32, #tpu.memory_space<vmem>>
      %dma_wait3A_842 = tpu.memref_squeeze %dma_wait3A_841 : memref<1x80xi32, #tpu.memory_space<vmem>> -> memref<80xi32, #tpu.memory_space<vmem>>
      %dma_wait3A_843 = arith.constant 0 : i32
      %dma_wait3A_844 = arith.constant 0 : i32
      %dma_wait3A_845 = tpu.memref_slice %arg12[%dma_wait3A_843, %dma_wait3A_844] : memref<10240x16xf32, #tpu.memory_space<vmem_shared>> -> memref<10240x16xf32, #tpu.memory_space<vmem_shared>>
      tpu.wait_indirect_dma semaphore(%arg27 : memref<!tpu.dma_semaphore, #tpu.memory_space<semaphore_mem>>) src(%arg10 : memref<80x16xf32, #tpu.memory_space<vmem>>) dst(%dma_wait3A_845 : memref<10240x16xf32, #tpu.memory_space<vmem_shared>>)
      %add3A_846 = arith.constant 2 : i32
      %add3A_847 = arith.addi %add3A_813, %add3A_846 : i32
      %mul3A_848 = arith.constant 80 : i32
      %mul3A_849 = arith.muli %add3A_847, %mul3A_848 : i32
      %add3A_850 = arith.addi %mul3A_4, %mul3A_849 : i32
      %dma_start3A_851 = arith.constant 4 : i32
      %dma_start3A_852 = arith.constant 0 : i32
      %dma_start3A_853 = arith.constant 0 : i32
      %dma_start3A_854 = tpu.memref_slice %arg9[%dma_start3A_851, %dma_start3A_852, %dma_start3A_853] : memref<5x80x16xf32, #tpu.memory_space<vmem>> -> memref<1x80x16xf32, #tpu.memory_space<vmem>>
      %dma_start3A_855 = tpu.memref_squeeze %dma_start3A_854 : memref<1x80x16xf32, #tpu.memory_space<vmem>> -> memref<80x16xf32, #tpu.memory_space<vmem>>
      %dma_start3A_856 = arith.constant 0 : i32
      %dma_start3A_857 = tpu.memref_slice %arg3[%add3A_850, %dma_start3A_856] : memref<320000x16xf32, #tpu.memory_space<hbm>> -> memref<80x16xf32, #tpu.memory_space<hbm>>
      %dma_start3A_858 = arith.constant 0 : i32
      %dma_start3A_859 = arith.constant 0 : i32
      %dma_start3A_860 = tpu.memref_slice %arg9[%dma_start3A_851, %dma_start3A_858, %dma_start3A_859] : memref<5x80x16xf32, #tpu.memory_space<vmem>> -> memref<1x80x16xf32, #tpu.memory_space<vmem>>
      %dma_start3A_861 = tpu.memref_squeeze %dma_start3A_860 : memref<1x80x16xf32, #tpu.memory_space<vmem>> -> memref<80x16xf32, #tpu.memory_space<vmem>>
      %dma_start3A_862 = arith.constant 0 : i32
      %dma_start3A_863 = tpu.memref_slice %arg3[%add3A_850, %dma_start3A_862] : memref<320000x16xf32, #tpu.memory_space<hbm>> -> memref<80x16xf32, #tpu.memory_space<hbm>>
      tpu.enqueue_dma source(%dma_start3A_863 : memref<80x16xf32, #tpu.memory_space<hbm>>) target(%dma_start3A_861 : memref<80x16xf32, #tpu.memory_space<vmem>>) target_semaphore(%arg17 : memref<!tpu.dma_semaphore, #tpu.memory_space<semaphore_mem>>)
      %dma_start3A_864 = arith.constant 2 : i32
      %dma_start3A_865 = arith.constant 0 : i32
      %dma_start3A_866 = arith.constant 0 : i32
      %dma_start3A_867 = tpu.memref_slice %arg9[%dma_start3A_864, %dma_start3A_865, %dma_start3A_866] : memref<5x80x16xf32, #tpu.memory_space<vmem>> -> memref<1x80x16xf32, #tpu.memory_space<vmem>>
      %dma_start3A_868 = tpu.memref_squeeze %dma_start3A_867 : memref<1x80x16xf32, #tpu.memory_space<vmem>> -> memref<80x16xf32, #tpu.memory_space<vmem>>
      %dma_start3A_869 = arith.constant 0 : i32
      %dma_start3A_870 = tpu.memref_slice %arg8[%add3A_813, %dma_start3A_869] : memref<125x80xi32, #tpu.memory_space<vmem>> -> memref<1x80xi32, #tpu.memory_space<vmem>>
      %dma_start3A_871 = tpu.memref_squeeze %dma_start3A_870 : memref<1x80xi32, #tpu.memory_space<vmem>> -> memref<80xi32, #tpu.memory_space<vmem>>
      %dma_start3A_872 = arith.constant 0 : i32
      %dma_start3A_873 = arith.constant 0 : i32
      %dma_start3A_874 = tpu.memref_slice %arg11[%dma_start3A_872, %dma_start3A_873] : memref<10240x16xf32, #tpu.memory_space<vmem_shared>> -> memref<10240x16xf32, #tpu.memory_space<vmem_shared>>
      tpu.enqueue_indirect_dma source(%dma_start3A_868 : memref<80x16xf32, #tpu.memory_space<vmem>>) target(%dma_start3A_874 : memref<10240x16xf32, #tpu.memory_space<vmem_shared>>) offsets(%dma_start3A_871 : memref<80xi32, #tpu.memory_space<vmem>>) semaphore(%arg20 : memref<!tpu.dma_semaphore, #tpu.memory_space<semaphore_mem>>) {add = true}
      %dma_start3A_875 = arith.constant 0 : i32
      %dma_start3A_876 = tpu.memref_slice %arg8[%add3A_813, %dma_start3A_875] : memref<125x80xi32, #tpu.memory_space<vmem>> -> memref<1x80xi32, #tpu.memory_space<vmem>>
      %dma_start3A_877 = tpu.memref_squeeze %dma_start3A_876 : memref<1x80xi32, #tpu.memory_space<vmem>> -> memref<80xi32, #tpu.memory_space<vmem>>
      %dma_start3A_878 = arith.constant 0 : i32
      %dma_start3A_879 = arith.constant 0 : i32
      %dma_start3A_880 = tpu.memref_slice %arg12[%dma_start3A_878, %dma_start3A_879] : memref<10240x16xf32, #tpu.memory_space<vmem_shared>> -> memref<10240x16xf32, #tpu.memory_space<vmem_shared>>
      tpu.enqueue_indirect_dma source(%arg10 : memref<80x16xf32, #tpu.memory_space<vmem>>) target(%dma_start3A_880 : memref<10240x16xf32, #tpu.memory_space<vmem_shared>>) offsets(%dma_start3A_877 : memref<80xi32, #tpu.memory_space<vmem>>) semaphore(%arg25 : memref<!tpu.dma_semaphore, #tpu.memory_space<semaphore_mem>>) {add = true}
      %add3A_881 = arith.constant 3 : i32
      %add3A_882 = arith.addi %mul3A_673, %add3A_881 : i32
      %dma_wait3A_883 = arith.constant 3 : i32
      %dma_wait3A_884 = arith.constant 0 : i32
      %dma_wait3A_885 = arith.constant 0 : i32
      %dma_wait3A_886 = tpu.memref_slice %arg9[%dma_wait3A_883, %dma_wait3A_884, %dma_wait3A_885] : memref<5x80x16xf32, #tpu.memory_space<vmem>> -> memref<1x80x16xf32, #tpu.memory_space<vmem>>
      %dma_wait3A_887 = tpu.memref_squeeze %dma_wait3A_886 : memref<1x80x16xf32, #tpu.memory_space<vmem>> -> memref<80x16xf32, #tpu.memory_space<vmem>>
      %dma_wait3A_888 = arith.constant 0 : i32
      %dma_wait3A_889 = tpu.memref_slice %arg3[%mul3A_4, %dma_wait3A_888] : memref<320000x16xf32, #tpu.memory_space<hbm>> -> memref<80x16xf32, #tpu.memory_space<hbm>>
      %dma_wait3A_890 = arith.constant 0 : i32
      %dma_wait3A_891 = arith.constant 0 : i32
      %dma_wait3A_892 = tpu.memref_slice %arg9[%dma_wait3A_883, %dma_wait3A_890, %dma_wait3A_891] : memref<5x80x16xf32, #tpu.memory_space<vmem>> -> memref<1x80x16xf32, #tpu.memory_space<vmem>>
      %dma_wait3A_893 = tpu.memref_squeeze %dma_wait3A_892 : memref<1x80x16xf32, #tpu.memory_space<vmem>> -> memref<80x16xf32, #tpu.memory_space<vmem>>
      %dma_wait3A_894 = arith.constant 0 : i32
      %dma_wait3A_895 = tpu.memref_slice %arg3[%mul3A_4, %dma_wait3A_894] : memref<320000x16xf32, #tpu.memory_space<hbm>> -> memref<80x16xf32, #tpu.memory_space<hbm>>
      tpu.wait_dma2 semaphore(%arg16 : memref<!tpu.dma_semaphore, #tpu.memory_space<semaphore_mem>>) src(%dma_wait3A_895 : memref<80x16xf32, #tpu.memory_space<hbm>>) dst(%dma_wait3A_893 : memref<80x16xf32, #tpu.memory_space<vmem>>)
      %dma_wait3A_896 = arith.constant 0 : i32
      %dma_wait3A_897 = arith.constant 0 : i32
      %dma_wait3A_898 = arith.constant 0 : i32
      %dma_wait3A_899 = arith.constant 0 : i32
      %dma_wait3A_900 = tpu.memref_slice %arg9[%dma_wait3A_896, %dma_wait3A_898, %dma_wait3A_899] : memref<5x80x16xf32, #tpu.memory_space<vmem>> -> memref<1x80x16xf32, #tpu.memory_space<vmem>>
      %dma_wait3A_901 = tpu.memref_squeeze %dma_wait3A_900 : memref<1x80x16xf32, #tpu.memory_space<vmem>> -> memref<80x16xf32, #tpu.memory_space<vmem>>
      %dma_wait3A_902 = arith.constant 0 : i32
      %dma_wait3A_903 = tpu.memref_slice %arg8[%dma_wait3A_897, %dma_wait3A_902] : memref<125x80xi32, #tpu.memory_space<vmem>> -> memref<1x80xi32, #tpu.memory_space<vmem>>
      %dma_wait3A_904 = tpu.memref_squeeze %dma_wait3A_903 : memref<1x80xi32, #tpu.memory_space<vmem>> -> memref<80xi32, #tpu.memory_space<vmem>>
      %dma_wait3A_905 = arith.constant 0 : i32
      %dma_wait3A_906 = arith.constant 0 : i32
      %dma_wait3A_907 = tpu.memref_slice %arg11[%dma_wait3A_905, %dma_wait3A_906] : memref<10240x16xf32, #tpu.memory_space<vmem_shared>> -> memref<10240x16xf32, #tpu.memory_space<vmem_shared>>
      tpu.wait_indirect_dma semaphore(%arg18 : memref<!tpu.dma_semaphore, #tpu.memory_space<semaphore_mem>>) src(%dma_wait3A_901 : memref<80x16xf32, #tpu.memory_space<vmem>>) dst(%dma_wait3A_907 : memref<10240x16xf32, #tpu.memory_space<vmem_shared>>)
      %dma_wait3A_908 = arith.constant 0 : i32
      %dma_wait3A_909 = arith.constant 0 : i32
      %dma_wait3A_910 = tpu.memref_slice %arg8[%dma_wait3A_908, %dma_wait3A_909] : memref<125x80xi32, #tpu.memory_space<vmem>> -> memref<1x80xi32, #tpu.memory_space<vmem>>
      %dma_wait3A_911 = tpu.memref_squeeze %dma_wait3A_910 : memref<1x80xi32, #tpu.memory_space<vmem>> -> memref<80xi32, #tpu.memory_space<vmem>>
      %dma_wait3A_912 = arith.constant 0 : i32
      %dma_wait3A_913 = arith.constant 0 : i32
      %dma_wait3A_914 = tpu.memref_slice %arg12[%dma_wait3A_912, %dma_wait3A_913] : memref<10240x16xf32, #tpu.memory_space<vmem_shared>> -> memref<10240x16xf32, #tpu.memory_space<vmem_shared>>
      tpu.wait_indirect_dma semaphore(%arg23 : memref<!tpu.dma_semaphore, #tpu.memory_space<semaphore_mem>>) src(%arg10 : memref<80x16xf32, #tpu.memory_space<vmem>>) dst(%dma_wait3A_914 : memref<10240x16xf32, #tpu.memory_space<vmem_shared>>)
      %add3A_915 = arith.constant 2 : i32
      %add3A_916 = arith.addi %add3A_882, %add3A_915 : i32
      %mul3A_917 = arith.constant 80 : i32
      %mul3A_918 = arith.muli %add3A_916, %mul3A_917 : i32
      %add3A_919 = arith.addi %mul3A_4, %mul3A_918 : i32
      %dma_start3A_920 = arith.constant 0 : i32
      %dma_start3A_921 = arith.constant 0 : i32
      %dma_start3A_922 = arith.constant 0 : i32
      %dma_start3A_923 = tpu.memref_slice %arg9[%dma_start3A_920, %dma_start3A_921, %dma_start3A_922] : memref<5x80x16xf32, #tpu.memory_space<vmem>> -> memref<1x80x16xf32, #tpu.memory_space<vmem>>
      %dma_start3A_924 = tpu.memref_squeeze %dma_start3A_923 : memref<1x80x16xf32, #tpu.memory_space<vmem>> -> memref<80x16xf32, #tpu.memory_space<vmem>>
      %dma_start3A_925 = arith.constant 0 : i32
      %dma_start3A_926 = tpu.memref_slice %arg3[%add3A_919, %dma_start3A_925] : memref<320000x16xf32, #tpu.memory_space<hbm>> -> memref<80x16xf32, #tpu.memory_space<hbm>>
      %dma_start3A_927 = arith.constant 0 : i32
      %dma_start3A_928 = arith.constant 0 : i32
      %dma_start3A_929 = tpu.memref_slice %arg9[%dma_start3A_920, %dma_start3A_927, %dma_start3A_928] : memref<5x80x16xf32, #tpu.memory_space<vmem>> -> memref<1x80x16xf32, #tpu.memory_space<vmem>>
      %dma_start3A_930 = tpu.memref_squeeze %dma_start3A_929 : memref<1x80x16xf32, #tpu.memory_space<vmem>> -> memref<80x16xf32, #tpu.memory_space<vmem>>
      %dma_start3A_931 = arith.constant 0 : i32
      %dma_start3A_932 = tpu.memref_slice %arg3[%add3A_919, %dma_start3A_931] : memref<320000x16xf32, #tpu.memory_space<hbm>> -> memref<80x16xf32, #tpu.memory_space<hbm>>
      tpu.enqueue_dma source(%dma_start3A_932 : memref<80x16xf32, #tpu.memory_space<hbm>>) target(%dma_start3A_930 : memref<80x16xf32, #tpu.memory_space<vmem>>) target_semaphore(%arg13 : memref<!tpu.dma_semaphore, #tpu.memory_space<semaphore_mem>>)
      %dma_start3A_933 = arith.constant 3 : i32
      %dma_start3A_934 = arith.constant 0 : i32
      %dma_start3A_935 = arith.constant 0 : i32
      %dma_start3A_936 = tpu.memref_slice %arg9[%dma_start3A_933, %dma_start3A_934, %dma_start3A_935] : memref<5x80x16xf32, #tpu.memory_space<vmem>> -> memref<1x80x16xf32, #tpu.memory_space<vmem>>
      %dma_start3A_937 = tpu.memref_squeeze %dma_start3A_936 : memref<1x80x16xf32, #tpu.memory_space<vmem>> -> memref<80x16xf32, #tpu.memory_space<vmem>>
      %dma_start3A_938 = arith.constant 0 : i32
      %dma_start3A_939 = tpu.memref_slice %arg8[%add3A_882, %dma_start3A_938] : memref<125x80xi32, #tpu.memory_space<vmem>> -> memref<1x80xi32, #tpu.memory_space<vmem>>
      %dma_start3A_940 = tpu.memref_squeeze %dma_start3A_939 : memref<1x80xi32, #tpu.memory_space<vmem>> -> memref<80xi32, #tpu.memory_space<vmem>>
      %dma_start3A_941 = arith.constant 0 : i32
      %dma_start3A_942 = arith.constant 0 : i32
      %dma_start3A_943 = tpu.memref_slice %arg11[%dma_start3A_941, %dma_start3A_942] : memref<10240x16xf32, #tpu.memory_space<vmem_shared>> -> memref<10240x16xf32, #tpu.memory_space<vmem_shared>>
      tpu.enqueue_indirect_dma source(%dma_start3A_937 : memref<80x16xf32, #tpu.memory_space<vmem>>) target(%dma_start3A_943 : memref<10240x16xf32, #tpu.memory_space<vmem_shared>>) offsets(%dma_start3A_940 : memref<80xi32, #tpu.memory_space<vmem>>) semaphore(%arg21 : memref<!tpu.dma_semaphore, #tpu.memory_space<semaphore_mem>>) {add = true}
      %dma_start3A_944 = arith.constant 0 : i32
      %dma_start3A_945 = tpu.memref_slice %arg8[%add3A_882, %dma_start3A_944] : memref<125x80xi32, #tpu.memory_space<vmem>> -> memref<1x80xi32, #tpu.memory_space<vmem>>
      %dma_start3A_946 = tpu.memref_squeeze %dma_start3A_945 : memref<1x80xi32, #tpu.memory_space<vmem>> -> memref<80xi32, #tpu.memory_space<vmem>>
      %dma_start3A_947 = arith.constant 0 : i32
      %dma_start3A_948 = arith.constant 0 : i32
      %dma_start3A_949 = tpu.memref_slice %arg12[%dma_start3A_947, %dma_start3A_948] : memref<10240x16xf32, #tpu.memory_space<vmem_shared>> -> memref<10240x16xf32, #tpu.memory_space<vmem_shared>>
      tpu.enqueue_indirect_dma source(%arg10 : memref<80x16xf32, #tpu.memory_space<vmem>>) target(%dma_start3A_949 : memref<10240x16xf32, #tpu.memory_space<vmem_shared>>) offsets(%dma_start3A_946 : memref<80xi32, #tpu.memory_space<vmem>>) semaphore(%arg26 : memref<!tpu.dma_semaphore, #tpu.memory_space<semaphore_mem>>) {add = true}
      %add3A_950 = arith.constant 4 : i32
      %add3A_951 = arith.addi %mul3A_673, %add3A_950 : i32
      %dma_wait3A_952 = arith.constant 4 : i32
      %dma_wait3A_953 = arith.constant 0 : i32
      %dma_wait3A_954 = arith.constant 0 : i32
      %dma_wait3A_955 = tpu.memref_slice %arg9[%dma_wait3A_952, %dma_wait3A_953, %dma_wait3A_954] : memref<5x80x16xf32, #tpu.memory_space<vmem>> -> memref<1x80x16xf32, #tpu.memory_space<vmem>>
      %dma_wait3A_956 = tpu.memref_squeeze %dma_wait3A_955 : memref<1x80x16xf32, #tpu.memory_space<vmem>> -> memref<80x16xf32, #tpu.memory_space<vmem>>
      %dma_wait3A_957 = arith.constant 0 : i32
      %dma_wait3A_958 = tpu.memref_slice %arg3[%mul3A_4, %dma_wait3A_957] : memref<320000x16xf32, #tpu.memory_space<hbm>> -> memref<80x16xf32, #tpu.memory_space<hbm>>
      %dma_wait3A_959 = arith.constant 0 : i32
      %dma_wait3A_960 = arith.constant 0 : i32
      %dma_wait3A_961 = tpu.memref_slice %arg9[%dma_wait3A_952, %dma_wait3A_959, %dma_wait3A_960] : memref<5x80x16xf32, #tpu.memory_space<vmem>> -> memref<1x80x16xf32, #tpu.memory_space<vmem>>
      %dma_wait3A_962 = tpu.memref_squeeze %dma_wait3A_961 : memref<1x80x16xf32, #tpu.memory_space<vmem>> -> memref<80x16xf32, #tpu.memory_space<vmem>>
      %dma_wait3A_963 = arith.constant 0 : i32
      %dma_wait3A_964 = tpu.memref_slice %arg3[%mul3A_4, %dma_wait3A_963] : memref<320000x16xf32, #tpu.memory_space<hbm>> -> memref<80x16xf32, #tpu.memory_space<hbm>>
      tpu.wait_dma2 semaphore(%arg17 : memref<!tpu.dma_semaphore, #tpu.memory_space<semaphore_mem>>) src(%dma_wait3A_964 : memref<80x16xf32, #tpu.memory_space<hbm>>) dst(%dma_wait3A_962 : memref<80x16xf32, #tpu.memory_space<vmem>>)
      %dma_wait3A_965 = arith.constant 1 : i32
      %dma_wait3A_966 = arith.constant 0 : i32
      %dma_wait3A_967 = arith.constant 0 : i32
      %dma_wait3A_968 = arith.constant 0 : i32
      %dma_wait3A_969 = tpu.memref_slice %arg9[%dma_wait3A_965, %dma_wait3A_967, %dma_wait3A_968] : memref<5x80x16xf32, #tpu.memory_space<vmem>> -> memref<1x80x16xf32, #tpu.memory_space<vmem>>
      %dma_wait3A_970 = tpu.memref_squeeze %dma_wait3A_969 : memref<1x80x16xf32, #tpu.memory_space<vmem>> -> memref<80x16xf32, #tpu.memory_space<vmem>>
      %dma_wait3A_971 = arith.constant 0 : i32
      %dma_wait3A_972 = tpu.memref_slice %arg8[%dma_wait3A_966, %dma_wait3A_971] : memref<125x80xi32, #tpu.memory_space<vmem>> -> memref<1x80xi32, #tpu.memory_space<vmem>>
      %dma_wait3A_973 = tpu.memref_squeeze %dma_wait3A_972 : memref<1x80xi32, #tpu.memory_space<vmem>> -> memref<80xi32, #tpu.memory_space<vmem>>
      %dma_wait3A_974 = arith.constant 0 : i32
      %dma_wait3A_975 = arith.constant 0 : i32
      %dma_wait3A_976 = tpu.memref_slice %arg11[%dma_wait3A_974, %dma_wait3A_975] : memref<10240x16xf32, #tpu.memory_space<vmem_shared>> -> memref<10240x16xf32, #tpu.memory_space<vmem_shared>>
      tpu.wait_indirect_dma semaphore(%arg19 : memref<!tpu.dma_semaphore, #tpu.memory_space<semaphore_mem>>) src(%dma_wait3A_970 : memref<80x16xf32, #tpu.memory_space<vmem>>) dst(%dma_wait3A_976 : memref<10240x16xf32, #tpu.memory_space<vmem_shared>>)
      %dma_wait3A_977 = arith.constant 0 : i32
      %dma_wait3A_978 = arith.constant 0 : i32
      %dma_wait3A_979 = tpu.memref_slice %arg8[%dma_wait3A_977, %dma_wait3A_978] : memref<125x80xi32, #tpu.memory_space<vmem>> -> memref<1x80xi32, #tpu.memory_space<vmem>>
      %dma_wait3A_980 = tpu.memref_squeeze %dma_wait3A_979 : memref<1x80xi32, #tpu.memory_space<vmem>> -> memref<80xi32, #tpu.memory_space<vmem>>
      %dma_wait3A_981 = arith.constant 0 : i32
      %dma_wait3A_982 = arith.constant 0 : i32
      %dma_wait3A_983 = tpu.memref_slice %arg12[%dma_wait3A_981, %dma_wait3A_982] : memref<10240x16xf32, #tpu.memory_space<vmem_shared>> -> memref<10240x16xf32, #tpu.memory_space<vmem_shared>>
      tpu.wait_indirect_dma semaphore(%arg24 : memref<!tpu.dma_semaphore, #tpu.memory_space<semaphore_mem>>) src(%arg10 : memref<80x16xf32, #tpu.memory_space<vmem>>) dst(%dma_wait3A_983 : memref<10240x16xf32, #tpu.memory_space<vmem_shared>>)
      %add3A_984 = arith.constant 2 : i32
      %add3A_985 = arith.addi %add3A_951, %add3A_984 : i32
      %mul3A_986 = arith.constant 80 : i32
      %mul3A_987 = arith.muli %add3A_985, %mul3A_986 : i32
      %add3A_988 = arith.addi %mul3A_4, %mul3A_987 : i32
      %dma_start3A_989 = arith.constant 1 : i32
      %dma_start3A_990 = arith.constant 0 : i32
      %dma_start3A_991 = arith.constant 0 : i32
      %dma_start3A_992 = tpu.memref_slice %arg9[%dma_start3A_989, %dma_start3A_990, %dma_start3A_991] : memref<5x80x16xf32, #tpu.memory_space<vmem>> -> memref<1x80x16xf32, #tpu.memory_space<vmem>>
      %dma_start3A_993 = tpu.memref_squeeze %dma_start3A_992 : memref<1x80x16xf32, #tpu.memory_space<vmem>> -> memref<80x16xf32, #tpu.memory_space<vmem>>
      %dma_start3A_994 = arith.constant 0 : i32
      %dma_start3A_995 = tpu.memref_slice %arg3[%add3A_988, %dma_start3A_994] : memref<320000x16xf32, #tpu.memory_space<hbm>> -> memref<80x16xf32, #tpu.memory_space<hbm>>
      %dma_start3A_996 = arith.constant 0 : i32
      %dma_start3A_997 = arith.constant 0 : i32
      %dma_start3A_998 = tpu.memref_slice %arg9[%dma_start3A_989, %dma_start3A_996, %dma_start3A_997] : memref<5x80x16xf32, #tpu.memory_space<vmem>> -> memref<1x80x16xf32, #tpu.memory_space<vmem>>
      %dma_start3A_999 = tpu.memref_squeeze %dma_start3A_998 : memref<1x80x16xf32, #tpu.memory_space<vmem>> -> memref<80x16xf32, #tpu.memory_space<vmem>>
      %dma_start3A_1000 = arith.constant 0 : i32
      %dma_start3A_1001 = tpu.memref_slice %arg3[%add3A_988, %dma_start3A_1000] : memref<320000x16xf32, #tpu.memory_space<hbm>> -> memref<80x16xf32, #tpu.memory_space<hbm>>
      tpu.enqueue_dma source(%dma_start3A_1001 : memref<80x16xf32, #tpu.memory_space<hbm>>) target(%dma_start3A_999 : memref<80x16xf32, #tpu.memory_space<vmem>>) target_semaphore(%arg14 : memref<!tpu.dma_semaphore, #tpu.memory_space<semaphore_mem>>)
      %dma_start3A_1002 = arith.constant 4 : i32
      %dma_start3A_1003 = arith.constant 0 : i32
      %dma_start3A_1004 = arith.constant 0 : i32
      %dma_start3A_1005 = tpu.memref_slice %arg9[%dma_start3A_1002, %dma_start3A_1003, %dma_start3A_1004] : memref<5x80x16xf32, #tpu.memory_space<vmem>> -> memref<1x80x16xf32, #tpu.memory_space<vmem>>
      %dma_start3A_1006 = tpu.memref_squeeze %dma_start3A_1005 : memref<1x80x16xf32, #tpu.memory_space<vmem>> -> memref<80x16xf32, #tpu.memory_space<vmem>>
      %dma_start3A_1007 = arith.constant 0 : i32
      %dma_start3A_1008 = tpu.memref_slice %arg8[%add3A_951, %dma_start3A_1007] : memref<125x80xi32, #tpu.memory_space<vmem>> -> memref<1x80xi32, #tpu.memory_space<vmem>>
      %dma_start3A_1009 = tpu.memref_squeeze %dma_start3A_1008 : memref<1x80xi32, #tpu.memory_space<vmem>> -> memref<80xi32, #tpu.memory_space<vmem>>
      %dma_start3A_1010 = arith.constant 0 : i32
      %dma_start3A_1011 = arith.constant 0 : i32
      %dma_start3A_1012 = tpu.memref_slice %arg11[%dma_start3A_1010, %dma_start3A_1011] : memref<10240x16xf32, #tpu.memory_space<vmem_shared>> -> memref<10240x16xf32, #tpu.memory_space<vmem_shared>>
      tpu.enqueue_indirect_dma source(%dma_start3A_1006 : memref<80x16xf32, #tpu.memory_space<vmem>>) target(%dma_start3A_1012 : memref<10240x16xf32, #tpu.memory_space<vmem_shared>>) offsets(%dma_start3A_1009 : memref<80xi32, #tpu.memory_space<vmem>>) semaphore(%arg22 : memref<!tpu.dma_semaphore, #tpu.memory_space<semaphore_mem>>) {add = true}
      %dma_start3A_1013 = arith.constant 0 : i32
      %dma_start3A_1014 = tpu.memref_slice %arg8[%add3A_951, %dma_start3A_1013] : memref<125x80xi32, #tpu.memory_space<vmem>> -> memref<1x80xi32, #tpu.memory_space<vmem>>
      %dma_start3A_1015 = tpu.memref_squeeze %dma_start3A_1014 : memref<1x80xi32, #tpu.memory_space<vmem>> -> memref<80xi32, #tpu.memory_space<vmem>>
      %dma_start3A_1016 = arith.constant 0 : i32
      %dma_start3A_1017 = arith.constant 0 : i32
      %dma_start3A_1018 = tpu.memref_slice %arg12[%dma_start3A_1016, %dma_start3A_1017] : memref<10240x16xf32, #tpu.memory_space<vmem_shared>> -> memref<10240x16xf32, #tpu.memory_space<vmem_shared>>
      tpu.enqueue_indirect_dma source(%arg10 : memref<80x16xf32, #tpu.memory_space<vmem>>) target(%dma_start3A_1018 : memref<10240x16xf32, #tpu.memory_space<vmem_shared>>) offsets(%dma_start3A_1015 : memref<80xi32, #tpu.memory_space<vmem>>) semaphore(%arg27 : memref<!tpu.dma_semaphore, #tpu.memory_space<semaphore_mem>>) {add = true}
      %scan3A_1019 = arith.constant 0 : i32
      scf.yield %scan3A_1019 : i32
    }
    %scan3A_311 = arith.constant 23 : i32
    %dma_wait3A_312 = arith.constant 0 : i32
    %dma_wait3A_313 = arith.constant 0 : i32
    %dma_wait3A_314 = arith.constant 0 : i32
    %dma_wait3A_315 = tpu.memref_slice %arg9[%dma_wait3A_312, %dma_wait3A_313, %dma_wait3A_314] : memref<5x80x16xf32, #tpu.memory_space<vmem>> -> memref<1x80x16xf32, #tpu.memory_space<vmem>>
    %dma_wait3A_316 = tpu.memref_squeeze %dma_wait3A_315 : memref<1x80x16xf32, #tpu.memory_space<vmem>> -> memref<80x16xf32, #tpu.memory_space<vmem>>
    %dma_wait3A_317 = arith.constant 0 : i32
    %dma_wait3A_318 = tpu.memref_slice %arg3[%mul3A_4, %dma_wait3A_317] : memref<320000x16xf32, #tpu.memory_space<hbm>> -> memref<80x16xf32, #tpu.memory_space<hbm>>
    %dma_wait3A_319 = arith.constant 0 : i32
    %dma_wait3A_320 = arith.constant 0 : i32
    %dma_wait3A_321 = tpu.memref_slice %arg9[%dma_wait3A_312, %dma_wait3A_319, %dma_wait3A_320] : memref<5x80x16xf32, #tpu.memory_space<vmem>> -> memref<1x80x16xf32, #tpu.memory_space<vmem>>
    %dma_wait3A_322 = tpu.memref_squeeze %dma_wait3A_321 : memref<1x80x16xf32, #tpu.memory_space<vmem>> -> memref<80x16xf32, #tpu.memory_space<vmem>>
    %dma_wait3A_323 = arith.constant 0 : i32
    %dma_wait3A_324 = tpu.memref_slice %arg3[%mul3A_4, %dma_wait3A_323] : memref<320000x16xf32, #tpu.memory_space<hbm>> -> memref<80x16xf32, #tpu.memory_space<hbm>>
    tpu.wait_dma2 semaphore(%arg13 : memref<!tpu.dma_semaphore, #tpu.memory_space<semaphore_mem>>) src(%dma_wait3A_324 : memref<80x16xf32, #tpu.memory_space<hbm>>) dst(%dma_wait3A_322 : memref<80x16xf32, #tpu.memory_space<vmem>>)
    %dma_wait3A_325 = arith.constant 2 : i32
    %dma_wait3A_326 = arith.constant 0 : i32
    %dma_wait3A_327 = arith.constant 0 : i32
    %dma_wait3A_328 = arith.constant 0 : i32
    %dma_wait3A_329 = tpu.memref_slice %arg9[%dma_wait3A_325, %dma_wait3A_327, %dma_wait3A_328] : memref<5x80x16xf32, #tpu.memory_space<vmem>> -> memref<1x80x16xf32, #tpu.memory_space<vmem>>
    %dma_wait3A_330 = tpu.memref_squeeze %dma_wait3A_329 : memref<1x80x16xf32, #tpu.memory_space<vmem>> -> memref<80x16xf32, #tpu.memory_space<vmem>>
    %dma_wait3A_331 = arith.constant 0 : i32
    %dma_wait3A_332 = tpu.memref_slice %arg8[%dma_wait3A_326, %dma_wait3A_331] : memref<125x80xi32, #tpu.memory_space<vmem>> -> memref<1x80xi32, #tpu.memory_space<vmem>>
    %dma_wait3A_333 = tpu.memref_squeeze %dma_wait3A_332 : memref<1x80xi32, #tpu.memory_space<vmem>> -> memref<80xi32, #tpu.memory_space<vmem>>
    %dma_wait3A_334 = arith.constant 0 : i32
    %dma_wait3A_335 = arith.constant 0 : i32
    %dma_wait3A_336 = tpu.memref_slice %arg11[%dma_wait3A_334, %dma_wait3A_335] : memref<10240x16xf32, #tpu.memory_space<vmem_shared>> -> memref<10240x16xf32, #tpu.memory_space<vmem_shared>>
    tpu.wait_indirect_dma semaphore(%arg20 : memref<!tpu.dma_semaphore, #tpu.memory_space<semaphore_mem>>) src(%dma_wait3A_330 : memref<80x16xf32, #tpu.memory_space<vmem>>) dst(%dma_wait3A_336 : memref<10240x16xf32, #tpu.memory_space<vmem_shared>>)
    %dma_wait3A_337 = arith.constant 0 : i32
    %dma_wait3A_338 = arith.constant 0 : i32
    %dma_wait3A_339 = tpu.memref_slice %arg8[%dma_wait3A_337, %dma_wait3A_338] : memref<125x80xi32, #tpu.memory_space<vmem>> -> memref<1x80xi32, #tpu.memory_space<vmem>>
    %dma_wait3A_340 = tpu.memref_squeeze %dma_wait3A_339 : memref<1x80xi32, #tpu.memory_space<vmem>> -> memref<80xi32, #tpu.memory_space<vmem>>
    %dma_wait3A_341 = arith.constant 0 : i32
    %dma_wait3A_342 = arith.constant 0 : i32
    %dma_wait3A_343 = tpu.memref_slice %arg12[%dma_wait3A_341, %dma_wait3A_342] : memref<10240x16xf32, #tpu.memory_space<vmem_shared>> -> memref<10240x16xf32, #tpu.memory_space<vmem_shared>>
    tpu.wait_indirect_dma semaphore(%arg25 : memref<!tpu.dma_semaphore, #tpu.memory_space<semaphore_mem>>) src(%arg10 : memref<80x16xf32, #tpu.memory_space<vmem>>) dst(%dma_wait3A_343 : memref<10240x16xf32, #tpu.memory_space<vmem_shared>>)
    %add3A_344 = arith.constant 9760 : i32
    %add3A_345 = arith.addi %mul3A_4, %add3A_344 : i32
    %dma_start3A_346 = arith.constant 2 : i32
    %dma_start3A_347 = arith.constant 0 : i32
    %dma_start3A_348 = arith.constant 0 : i32
    %dma_start3A_349 = tpu.memref_slice %arg9[%dma_start3A_346, %dma_start3A_347, %dma_start3A_348] : memref<5x80x16xf32, #tpu.memory_space<vmem>> -> memref<1x80x16xf32, #tpu.memory_space<vmem>>
    %dma_start3A_350 = tpu.memref_squeeze %dma_start3A_349 : memref<1x80x16xf32, #tpu.memory_space<vmem>> -> memref<80x16xf32, #tpu.memory_space<vmem>>
    %dma_start3A_351 = arith.constant 0 : i32
    %dma_start3A_352 = tpu.memref_slice %arg3[%add3A_345, %dma_start3A_351] : memref<320000x16xf32, #tpu.memory_space<hbm>> -> memref<80x16xf32, #tpu.memory_space<hbm>>
    %dma_start3A_353 = arith.constant 0 : i32
    %dma_start3A_354 = arith.constant 0 : i32
    %dma_start3A_355 = tpu.memref_slice %arg9[%dma_start3A_346, %dma_start3A_353, %dma_start3A_354] : memref<5x80x16xf32, #tpu.memory_space<vmem>> -> memref<1x80x16xf32, #tpu.memory_space<vmem>>
    %dma_start3A_356 = tpu.memref_squeeze %dma_start3A_355 : memref<1x80x16xf32, #tpu.memory_space<vmem>> -> memref<80x16xf32, #tpu.memory_space<vmem>>
    %dma_start3A_357 = arith.constant 0 : i32
    %dma_start3A_358 = tpu.memref_slice %arg3[%add3A_345, %dma_start3A_357] : memref<320000x16xf32, #tpu.memory_space<hbm>> -> memref<80x16xf32, #tpu.memory_space<hbm>>
    tpu.enqueue_dma source(%dma_start3A_358 : memref<80x16xf32, #tpu.memory_space<hbm>>) target(%dma_start3A_356 : memref<80x16xf32, #tpu.memory_space<vmem>>) target_semaphore(%arg15 : memref<!tpu.dma_semaphore, #tpu.memory_space<semaphore_mem>>)
    %dma_start3A_359 = arith.constant 0 : i32
    %dma_start3A_360 = arith.constant 120 : i32
    %dma_start3A_361 = arith.constant 0 : i32
    %dma_start3A_362 = arith.constant 0 : i32
    %dma_start3A_363 = tpu.memref_slice %arg9[%dma_start3A_359, %dma_start3A_361, %dma_start3A_362] : memref<5x80x16xf32, #tpu.memory_space<vmem>> -> memref<1x80x16xf32, #tpu.memory_space<vmem>>
    %dma_start3A_364 = tpu.memref_squeeze %dma_start3A_363 : memref<1x80x16xf32, #tpu.memory_space<vmem>> -> memref<80x16xf32, #tpu.memory_space<vmem>>
    %dma_start3A_365 = arith.constant 0 : i32
    %dma_start3A_366 = tpu.memref_slice %arg8[%dma_start3A_360, %dma_start3A_365] : memref<125x80xi32, #tpu.memory_space<vmem>> -> memref<1x80xi32, #tpu.memory_space<vmem>>
    %dma_start3A_367 = tpu.memref_squeeze %dma_start3A_366 : memref<1x80xi32, #tpu.memory_space<vmem>> -> memref<80xi32, #tpu.memory_space<vmem>>
    %dma_start3A_368 = arith.constant 0 : i32
    %dma_start3A_369 = arith.constant 0 : i32
    %dma_start3A_370 = tpu.memref_slice %arg11[%dma_start3A_368, %dma_start3A_369] : memref<10240x16xf32, #tpu.memory_space<vmem_shared>> -> memref<10240x16xf32, #tpu.memory_space<vmem_shared>>
    tpu.enqueue_indirect_dma source(%dma_start3A_364 : memref<80x16xf32, #tpu.memory_space<vmem>>) target(%dma_start3A_370 : memref<10240x16xf32, #tpu.memory_space<vmem_shared>>) offsets(%dma_start3A_367 : memref<80xi32, #tpu.memory_space<vmem>>) semaphore(%arg18 : memref<!tpu.dma_semaphore, #tpu.memory_space<semaphore_mem>>) {add = true}
    %dma_start3A_371 = arith.constant 120 : i32
    %dma_start3A_372 = arith.constant 0 : i32
    %dma_start3A_373 = tpu.memref_slice %arg8[%dma_start3A_371, %dma_start3A_372] : memref<125x80xi32, #tpu.memory_space<vmem>> -> memref<1x80xi32, #tpu.memory_space<vmem>>
    %dma_start3A_374 = tpu.memref_squeeze %dma_start3A_373 : memref<1x80xi32, #tpu.memory_space<vmem>> -> memref<80xi32, #tpu.memory_space<vmem>>
    %dma_start3A_375 = arith.constant 0 : i32
    %dma_start3A_376 = arith.constant 0 : i32
    %dma_start3A_377 = tpu.memref_slice %arg12[%dma_start3A_375, %dma_start3A_376] : memref<10240x16xf32, #tpu.memory_space<vmem_shared>> -> memref<10240x16xf32, #tpu.memory_space<vmem_shared>>
    tpu.enqueue_indirect_dma source(%arg10 : memref<80x16xf32, #tpu.memory_space<vmem>>) target(%dma_start3A_377 : memref<10240x16xf32, #tpu.memory_space<vmem_shared>>) offsets(%dma_start3A_374 : memref<80xi32, #tpu.memory_space<vmem>>) semaphore(%arg23 : memref<!tpu.dma_semaphore, #tpu.memory_space<semaphore_mem>>) {add = true}
    %dma_wait3A_378 = arith.constant 1 : i32
    %dma_wait3A_379 = arith.constant 0 : i32
    %dma_wait3A_380 = arith.constant 0 : i32
    %dma_wait3A_381 = tpu.memref_slice %arg9[%dma_wait3A_378, %dma_wait3A_379, %dma_wait3A_380] : memref<5x80x16xf32, #tpu.memory_space<vmem>> -> memref<1x80x16xf32, #tpu.memory_space<vmem>>
    %dma_wait3A_382 = tpu.memref_squeeze %dma_wait3A_381 : memref<1x80x16xf32, #tpu.memory_space<vmem>> -> memref<80x16xf32, #tpu.memory_space<vmem>>
    %dma_wait3A_383 = arith.constant 0 : i32
    %dma_wait3A_384 = tpu.memref_slice %arg3[%mul3A_4, %dma_wait3A_383] : memref<320000x16xf32, #tpu.memory_space<hbm>> -> memref<80x16xf32, #tpu.memory_space<hbm>>
    %dma_wait3A_385 = arith.constant 0 : i32
    %dma_wait3A_386 = arith.constant 0 : i32
    %dma_wait3A_387 = tpu.memref_slice %arg9[%dma_wait3A_378, %dma_wait3A_385, %dma_wait3A_386] : memref<5x80x16xf32, #tpu.memory_space<vmem>> -> memref<1x80x16xf32, #tpu.memory_space<vmem>>
    %dma_wait3A_388 = tpu.memref_squeeze %dma_wait3A_387 : memref<1x80x16xf32, #tpu.memory_space<vmem>> -> memref<80x16xf32, #tpu.memory_space<vmem>>
    %dma_wait3A_389 = arith.constant 0 : i32
    %dma_wait3A_390 = tpu.memref_slice %arg3[%mul3A_4, %dma_wait3A_389] : memref<320000x16xf32, #tpu.memory_space<hbm>> -> memref<80x16xf32, #tpu.memory_space<hbm>>
    tpu.wait_dma2 semaphore(%arg14 : memref<!tpu.dma_semaphore, #tpu.memory_space<semaphore_mem>>) src(%dma_wait3A_390 : memref<80x16xf32, #tpu.memory_space<hbm>>) dst(%dma_wait3A_388 : memref<80x16xf32, #tpu.memory_space<vmem>>)
    %dma_wait3A_391 = arith.constant 3 : i32
    %dma_wait3A_392 = arith.constant 0 : i32
    %dma_wait3A_393 = arith.constant 0 : i32
    %dma_wait3A_394 = arith.constant 0 : i32
    %dma_wait3A_395 = tpu.memref_slice %arg9[%dma_wait3A_391, %dma_wait3A_393, %dma_wait3A_394] : memref<5x80x16xf32, #tpu.memory_space<vmem>> -> memref<1x80x16xf32, #tpu.memory_space<vmem>>
    %dma_wait3A_396 = tpu.memref_squeeze %dma_wait3A_395 : memref<1x80x16xf32, #tpu.memory_space<vmem>> -> memref<80x16xf32, #tpu.memory_space<vmem>>
    %dma_wait3A_397 = arith.constant 0 : i32
    %dma_wait3A_398 = tpu.memref_slice %arg8[%dma_wait3A_392, %dma_wait3A_397] : memref<125x80xi32, #tpu.memory_space<vmem>> -> memref<1x80xi32, #tpu.memory_space<vmem>>
    %dma_wait3A_399 = tpu.memref_squeeze %dma_wait3A_398 : memref<1x80xi32, #tpu.memory_space<vmem>> -> memref<80xi32, #tpu.memory_space<vmem>>
    %dma_wait3A_400 = arith.constant 0 : i32
    %dma_wait3A_401 = arith.constant 0 : i32
    %dma_wait3A_402 = tpu.memref_slice %arg11[%dma_wait3A_400, %dma_wait3A_401] : memref<10240x16xf32, #tpu.memory_space<vmem_shared>> -> memref<10240x16xf32, #tpu.memory_space<vmem_shared>>
    tpu.wait_indirect_dma semaphore(%arg21 : memref<!tpu.dma_semaphore, #tpu.memory_space<semaphore_mem>>) src(%dma_wait3A_396 : memref<80x16xf32, #tpu.memory_space<vmem>>) dst(%dma_wait3A_402 : memref<10240x16xf32, #tpu.memory_space<vmem_shared>>)
    %dma_wait3A_403 = arith.constant 0 : i32
    %dma_wait3A_404 = arith.constant 0 : i32
    %dma_wait3A_405 = tpu.memref_slice %arg8[%dma_wait3A_403, %dma_wait3A_404] : memref<125x80xi32, #tpu.memory_space<vmem>> -> memref<1x80xi32, #tpu.memory_space<vmem>>
    %dma_wait3A_406 = tpu.memref_squeeze %dma_wait3A_405 : memref<1x80xi32, #tpu.memory_space<vmem>> -> memref<80xi32, #tpu.memory_space<vmem>>
    %dma_wait3A_407 = arith.constant 0 : i32
    %dma_wait3A_408 = arith.constant 0 : i32
    %dma_wait3A_409 = tpu.memref_slice %arg12[%dma_wait3A_407, %dma_wait3A_408] : memref<10240x16xf32, #tpu.memory_space<vmem_shared>> -> memref<10240x16xf32, #tpu.memory_space<vmem_shared>>
    tpu.wait_indirect_dma semaphore(%arg26 : memref<!tpu.dma_semaphore, #tpu.memory_space<semaphore_mem>>) src(%arg10 : memref<80x16xf32, #tpu.memory_space<vmem>>) dst(%dma_wait3A_409 : memref<10240x16xf32, #tpu.memory_space<vmem_shared>>)
    %add3A_410 = arith.constant 9840 : i32
    %add3A_411 = arith.addi %mul3A_4, %add3A_410 : i32
    %dma_start3A_412 = arith.constant 3 : i32
    %dma_start3A_413 = arith.constant 0 : i32
    %dma_start3A_414 = arith.constant 0 : i32
    %dma_start3A_415 = tpu.memref_slice %arg9[%dma_start3A_412, %dma_start3A_413, %dma_start3A_414] : memref<5x80x16xf32, #tpu.memory_space<vmem>> -> memref<1x80x16xf32, #tpu.memory_space<vmem>>
    %dma_start3A_416 = tpu.memref_squeeze %dma_start3A_415 : memref<1x80x16xf32, #tpu.memory_space<vmem>> -> memref<80x16xf32, #tpu.memory_space<vmem>>
    %dma_start3A_417 = arith.constant 0 : i32
    %dma_start3A_418 = tpu.memref_slice %arg3[%add3A_411, %dma_start3A_417] : memref<320000x16xf32, #tpu.memory_space<hbm>> -> memref<80x16xf32, #tpu.memory_space<hbm>>
    %dma_start3A_419 = arith.constant 0 : i32
    %dma_start3A_420 = arith.constant 0 : i32
    %dma_start3A_421 = tpu.memref_slice %arg9[%dma_start3A_412, %dma_start3A_419, %dma_start3A_420] : memref<5x80x16xf32, #tpu.memory_space<vmem>> -> memref<1x80x16xf32, #tpu.memory_space<vmem>>
    %dma_start3A_422 = tpu.memref_squeeze %dma_start3A_421 : memref<1x80x16xf32, #tpu.memory_space<vmem>> -> memref<80x16xf32, #tpu.memory_space<vmem>>
    %dma_start3A_423 = arith.constant 0 : i32
    %dma_start3A_424 = tpu.memref_slice %arg3[%add3A_411, %dma_start3A_423] : memref<320000x16xf32, #tpu.memory_space<hbm>> -> memref<80x16xf32, #tpu.memory_space<hbm>>
    tpu.enqueue_dma source(%dma_start3A_424 : memref<80x16xf32, #tpu.memory_space<hbm>>) target(%dma_start3A_422 : memref<80x16xf32, #tpu.memory_space<vmem>>) target_semaphore(%arg16 : memref<!tpu.dma_semaphore, #tpu.memory_space<semaphore_mem>>)
    %dma_start3A_425 = arith.constant 1 : i32
    %dma_start3A_426 = arith.constant 121 : i32
    %dma_start3A_427 = arith.constant 0 : i32
    %dma_start3A_428 = arith.constant 0 : i32
    %dma_start3A_429 = tpu.memref_slice %arg9[%dma_start3A_425, %dma_start3A_427, %dma_start3A_428] : memref<5x80x16xf32, #tpu.memory_space<vmem>> -> memref<1x80x16xf32, #tpu.memory_space<vmem>>
    %dma_start3A_430 = tpu.memref_squeeze %dma_start3A_429 : memref<1x80x16xf32, #tpu.memory_space<vmem>> -> memref<80x16xf32, #tpu.memory_space<vmem>>
    %dma_start3A_431 = arith.constant 0 : i32
    %dma_start3A_432 = tpu.memref_slice %arg8[%dma_start3A_426, %dma_start3A_431] : memref<125x80xi32, #tpu.memory_space<vmem>> -> memref<1x80xi32, #tpu.memory_space<vmem>>
    %dma_start3A_433 = tpu.memref_squeeze %dma_start3A_432 : memref<1x80xi32, #tpu.memory_space<vmem>> -> memref<80xi32, #tpu.memory_space<vmem>>
    %dma_start3A_434 = arith.constant 0 : i32
    %dma_start3A_435 = arith.constant 0 : i32
    %dma_start3A_436 = tpu.memref_slice %arg11[%dma_start3A_434, %dma_start3A_435] : memref<10240x16xf32, #tpu.memory_space<vmem_shared>> -> memref<10240x16xf32, #tpu.memory_space<vmem_shared>>
    tpu.enqueue_indirect_dma source(%dma_start3A_430 : memref<80x16xf32, #tpu.memory_space<vmem>>) target(%dma_start3A_436 : memref<10240x16xf32, #tpu.memory_space<vmem_shared>>) offsets(%dma_start3A_433 : memref<80xi32, #tpu.memory_space<vmem>>) semaphore(%arg19 : memref<!tpu.dma_semaphore, #tpu.memory_space<semaphore_mem>>) {add = true}
    %dma_start3A_437 = arith.constant 121 : i32
    %dma_start3A_438 = arith.constant 0 : i32
    %dma_start3A_439 = tpu.memref_slice %arg8[%dma_start3A_437, %dma_start3A_438] : memref<125x80xi32, #tpu.memory_space<vmem>> -> memref<1x80xi32, #tpu.memory_space<vmem>>
    %dma_start3A_440 = tpu.memref_squeeze %dma_start3A_439 : memref<1x80xi32, #tpu.memory_space<vmem>> -> memref<80xi32, #tpu.memory_space<vmem>>
    %dma_start3A_441 = arith.constant 0 : i32
    %dma_start3A_442 = arith.constant 0 : i32
    %dma_start3A_443 = tpu.memref_slice %arg12[%dma_start3A_441, %dma_start3A_442] : memref<10240x16xf32, #tpu.memory_space<vmem_shared>> -> memref<10240x16xf32, #tpu.memory_space<vmem_shared>>
    tpu.enqueue_indirect_dma source(%arg10 : memref<80x16xf32, #tpu.memory_space<vmem>>) target(%dma_start3A_443 : memref<10240x16xf32, #tpu.memory_space<vmem_shared>>) offsets(%dma_start3A_440 : memref<80xi32, #tpu.memory_space<vmem>>) semaphore(%arg24 : memref<!tpu.dma_semaphore, #tpu.memory_space<semaphore_mem>>) {add = true}
    %dma_wait3A_444 = arith.constant 2 : i32
    %dma_wait3A_445 = arith.constant 0 : i32
    %dma_wait3A_446 = arith.constant 0 : i32
    %dma_wait3A_447 = tpu.memref_slice %arg9[%dma_wait3A_444, %dma_wait3A_445, %dma_wait3A_446] : memref<5x80x16xf32, #tpu.memory_space<vmem>> -> memref<1x80x16xf32, #tpu.memory_space<vmem>>
    %dma_wait3A_448 = tpu.memref_squeeze %dma_wait3A_447 : memref<1x80x16xf32, #tpu.memory_space<vmem>> -> memref<80x16xf32, #tpu.memory_space<vmem>>
    %dma_wait3A_449 = arith.constant 0 : i32
    %dma_wait3A_450 = tpu.memref_slice %arg3[%mul3A_4, %dma_wait3A_449] : memref<320000x16xf32, #tpu.memory_space<hbm>> -> memref<80x16xf32, #tpu.memory_space<hbm>>
    %dma_wait3A_451 = arith.constant 0 : i32
    %dma_wait3A_452 = arith.constant 0 : i32
    %dma_wait3A_453 = tpu.memref_slice %arg9[%dma_wait3A_444, %dma_wait3A_451, %dma_wait3A_452] : memref<5x80x16xf32, #tpu.memory_space<vmem>> -> memref<1x80x16xf32, #tpu.memory_space<vmem>>
    %dma_wait3A_454 = tpu.memref_squeeze %dma_wait3A_453 : memref<1x80x16xf32, #tpu.memory_space<vmem>> -> memref<80x16xf32, #tpu.memory_space<vmem>>
    %dma_wait3A_455 = arith.constant 0 : i32
    %dma_wait3A_456 = tpu.memref_slice %arg3[%mul3A_4, %dma_wait3A_455] : memref<320000x16xf32, #tpu.memory_space<hbm>> -> memref<80x16xf32, #tpu.memory_space<hbm>>
    tpu.wait_dma2 semaphore(%arg15 : memref<!tpu.dma_semaphore, #tpu.memory_space<semaphore_mem>>) src(%dma_wait3A_456 : memref<80x16xf32, #tpu.memory_space<hbm>>) dst(%dma_wait3A_454 : memref<80x16xf32, #tpu.memory_space<vmem>>)
    %dma_wait3A_457 = arith.constant 4 : i32
    %dma_wait3A_458 = arith.constant 0 : i32
    %dma_wait3A_459 = arith.constant 0 : i32
    %dma_wait3A_460 = arith.constant 0 : i32
    %dma_wait3A_461 = tpu.memref_slice %arg9[%dma_wait3A_457, %dma_wait3A_459, %dma_wait3A_460] : memref<5x80x16xf32, #tpu.memory_space<vmem>> -> memref<1x80x16xf32, #tpu.memory_space<vmem>>
    %dma_wait3A_462 = tpu.memref_squeeze %dma_wait3A_461 : memref<1x80x16xf32, #tpu.memory_space<vmem>> -> memref<80x16xf32, #tpu.memory_space<vmem>>
    %dma_wait3A_463 = arith.constant 0 : i32
    %dma_wait3A_464 = tpu.memref_slice %arg8[%dma_wait3A_458, %dma_wait3A_463] : memref<125x80xi32, #tpu.memory_space<vmem>> -> memref<1x80xi32, #tpu.memory_space<vmem>>
    %dma_wait3A_465 = tpu.memref_squeeze %dma_wait3A_464 : memref<1x80xi32, #tpu.memory_space<vmem>> -> memref<80xi32, #tpu.memory_space<vmem>>
    %dma_wait3A_466 = arith.constant 0 : i32
    %dma_wait3A_467 = arith.constant 0 : i32
    %dma_wait3A_468 = tpu.memref_slice %arg11[%dma_wait3A_466, %dma_wait3A_467] : memref<10240x16xf32, #tpu.memory_space<vmem_shared>> -> memref<10240x16xf32, #tpu.memory_space<vmem_shared>>
    tpu.wait_indirect_dma semaphore(%arg22 : memref<!tpu.dma_semaphore, #tpu.memory_space<semaphore_mem>>) src(%dma_wait3A_462 : memref<80x16xf32, #tpu.memory_space<vmem>>) dst(%dma_wait3A_468 : memref<10240x16xf32, #tpu.memory_space<vmem_shared>>)
    %dma_wait3A_469 = arith.constant 0 : i32
    %dma_wait3A_470 = arith.constant 0 : i32
    %dma_wait3A_471 = tpu.memref_slice %arg8[%dma_wait3A_469, %dma_wait3A_470] : memref<125x80xi32, #tpu.memory_space<vmem>> -> memref<1x80xi32, #tpu.memory_space<vmem>>
    %dma_wait3A_472 = tpu.memref_squeeze %dma_wait3A_471 : memref<1x80xi32, #tpu.memory_space<vmem>> -> memref<80xi32, #tpu.memory_space<vmem>>
    %dma_wait3A_473 = arith.constant 0 : i32
    %dma_wait3A_474 = arith.constant 0 : i32
    %dma_wait3A_475 = tpu.memref_slice %arg12[%dma_wait3A_473, %dma_wait3A_474] : memref<10240x16xf32, #tpu.memory_space<vmem_shared>> -> memref<10240x16xf32, #tpu.memory_space<vmem_shared>>
    tpu.wait_indirect_dma semaphore(%arg27 : memref<!tpu.dma_semaphore, #tpu.memory_space<semaphore_mem>>) src(%arg10 : memref<80x16xf32, #tpu.memory_space<vmem>>) dst(%dma_wait3A_475 : memref<10240x16xf32, #tpu.memory_space<vmem_shared>>)
    %add3A_476 = arith.constant 9920 : i32
    %add3A_477 = arith.addi %mul3A_4, %add3A_476 : i32
    %dma_start3A_478 = arith.constant 4 : i32
    %dma_start3A_479 = arith.constant 0 : i32
    %dma_start3A_480 = arith.constant 0 : i32
    %dma_start3A_481 = tpu.memref_slice %arg9[%dma_start3A_478, %dma_start3A_479, %dma_start3A_480] : memref<5x80x16xf32, #tpu.memory_space<vmem>> -> memref<1x80x16xf32, #tpu.memory_space<vmem>>
    %dma_start3A_482 = tpu.memref_squeeze %dma_start3A_481 : memref<1x80x16xf32, #tpu.memory_space<vmem>> -> memref<80x16xf32, #tpu.memory_space<vmem>>
    %dma_start3A_483 = arith.constant 0 : i32
    %dma_start3A_484 = tpu.memref_slice %arg3[%add3A_477, %dma_start3A_483] : memref<320000x16xf32, #tpu.memory_space<hbm>> -> memref<80x16xf32, #tpu.memory_space<hbm>>
    %dma_start3A_485 = arith.constant 0 : i32
    %dma_start3A_486 = arith.constant 0 : i32
    %dma_start3A_487 = tpu.memref_slice %arg9[%dma_start3A_478, %dma_start3A_485, %dma_start3A_486] : memref<5x80x16xf32, #tpu.memory_space<vmem>> -> memref<1x80x16xf32, #tpu.memory_space<vmem>>
    %dma_start3A_488 = tpu.memref_squeeze %dma_start3A_487 : memref<1x80x16xf32, #tpu.memory_space<vmem>> -> memref<80x16xf32, #tpu.memory_space<vmem>>
    %dma_start3A_489 = arith.constant 0 : i32
    %dma_start3A_490 = tpu.memref_slice %arg3[%add3A_477, %dma_start3A_489] : memref<320000x16xf32, #tpu.memory_space<hbm>> -> memref<80x16xf32, #tpu.memory_space<hbm>>
    tpu.enqueue_dma source(%dma_start3A_490 : memref<80x16xf32, #tpu.memory_space<hbm>>) target(%dma_start3A_488 : memref<80x16xf32, #tpu.memory_space<vmem>>) target_semaphore(%arg17 : memref<!tpu.dma_semaphore, #tpu.memory_space<semaphore_mem>>)
    %dma_start3A_491 = arith.constant 2 : i32
    %dma_start3A_492 = arith.constant 122 : i32
    %dma_start3A_493 = arith.constant 0 : i32
    %dma_start3A_494 = arith.constant 0 : i32
    %dma_start3A_495 = tpu.memref_slice %arg9[%dma_start3A_491, %dma_start3A_493, %dma_start3A_494] : memref<5x80x16xf32, #tpu.memory_space<vmem>> -> memref<1x80x16xf32, #tpu.memory_space<vmem>>
    %dma_start3A_496 = tpu.memref_squeeze %dma_start3A_495 : memref<1x80x16xf32, #tpu.memory_space<vmem>> -> memref<80x16xf32, #tpu.memory_space<vmem>>
    %dma_start3A_497 = arith.constant 0 : i32
    %dma_start3A_498 = tpu.memref_slice %arg8[%dma_start3A_492, %dma_start3A_497] : memref<125x80xi32, #tpu.memory_space<vmem>> -> memref<1x80xi32, #tpu.memory_space<vmem>>
    %dma_start3A_499 = tpu.memref_squeeze %dma_start3A_498 : memref<1x80xi32, #tpu.memory_space<vmem>> -> memref<80xi32, #tpu.memory_space<vmem>>
    %dma_start3A_500 = arith.constant 0 : i32
    %dma_start3A_501 = arith.constant 0 : i32
    %dma_start3A_502 = tpu.memref_slice %arg11[%dma_start3A_500, %dma_start3A_501] : memref<10240x16xf32, #tpu.memory_space<vmem_shared>> -> memref<10240x16xf32, #tpu.memory_space<vmem_shared>>
    tpu.enqueue_indirect_dma source(%dma_start3A_496 : memref<80x16xf32, #tpu.memory_space<vmem>>) target(%dma_start3A_502 : memref<10240x16xf32, #tpu.memory_space<vmem_shared>>) offsets(%dma_start3A_499 : memref<80xi32, #tpu.memory_space<vmem>>) semaphore(%arg20 : memref<!tpu.dma_semaphore, #tpu.memory_space<semaphore_mem>>) {add = true}
    %dma_start3A_503 = arith.constant 122 : i32
    %dma_start3A_504 = arith.constant 0 : i32
    %dma_start3A_505 = tpu.memref_slice %arg8[%dma_start3A_503, %dma_start3A_504] : memref<125x80xi32, #tpu.memory_space<vmem>> -> memref<1x80xi32, #tpu.memory_space<vmem>>
    %dma_start3A_506 = tpu.memref_squeeze %dma_start3A_505 : memref<1x80xi32, #tpu.memory_space<vmem>> -> memref<80xi32, #tpu.memory_space<vmem>>
    %dma_start3A_507 = arith.constant 0 : i32
    %dma_start3A_508 = arith.constant 0 : i32
    %dma_start3A_509 = tpu.memref_slice %arg12[%dma_start3A_507, %dma_start3A_508] : memref<10240x16xf32, #tpu.memory_space<vmem_shared>> -> memref<10240x16xf32, #tpu.memory_space<vmem_shared>>
    tpu.enqueue_indirect_dma source(%arg10 : memref<80x16xf32, #tpu.memory_space<vmem>>) target(%dma_start3A_509 : memref<10240x16xf32, #tpu.memory_space<vmem_shared>>) offsets(%dma_start3A_506 : memref<80xi32, #tpu.memory_space<vmem>>) semaphore(%arg25 : memref<!tpu.dma_semaphore, #tpu.memory_space<semaphore_mem>>) {add = true}
    %dma_wait3A_510 = arith.constant 3 : i32
    %dma_wait3A_511 = arith.constant 0 : i32
    %dma_wait3A_512 = arith.constant 0 : i32
    %dma_wait3A_513 = tpu.memref_slice %arg9[%dma_wait3A_510, %dma_wait3A_511, %dma_wait3A_512] : memref<5x80x16xf32, #tpu.memory_space<vmem>> -> memref<1x80x16xf32, #tpu.memory_space<vmem>>
    %dma_wait3A_514 = tpu.memref_squeeze %dma_wait3A_513 : memref<1x80x16xf32, #tpu.memory_space<vmem>> -> memref<80x16xf32, #tpu.memory_space<vmem>>
    %dma_wait3A_515 = arith.constant 0 : i32
    %dma_wait3A_516 = tpu.memref_slice %arg3[%mul3A_4, %dma_wait3A_515] : memref<320000x16xf32, #tpu.memory_space<hbm>> -> memref<80x16xf32, #tpu.memory_space<hbm>>
    %dma_wait3A_517 = arith.constant 0 : i32
    %dma_wait3A_518 = arith.constant 0 : i32
    %dma_wait3A_519 = tpu.memref_slice %arg9[%dma_wait3A_510, %dma_wait3A_517, %dma_wait3A_518] : memref<5x80x16xf32, #tpu.memory_space<vmem>> -> memref<1x80x16xf32, #tpu.memory_space<vmem>>
    %dma_wait3A_520 = tpu.memref_squeeze %dma_wait3A_519 : memref<1x80x16xf32, #tpu.memory_space<vmem>> -> memref<80x16xf32, #tpu.memory_space<vmem>>
    %dma_wait3A_521 = arith.constant 0 : i32
    %dma_wait3A_522 = tpu.memref_slice %arg3[%mul3A_4, %dma_wait3A_521] : memref<320000x16xf32, #tpu.memory_space<hbm>> -> memref<80x16xf32, #tpu.memory_space<hbm>>
    tpu.wait_dma2 semaphore(%arg16 : memref<!tpu.dma_semaphore, #tpu.memory_space<semaphore_mem>>) src(%dma_wait3A_522 : memref<80x16xf32, #tpu.memory_space<hbm>>) dst(%dma_wait3A_520 : memref<80x16xf32, #tpu.memory_space<vmem>>)
    %dma_wait3A_523 = arith.constant 0 : i32
    %dma_wait3A_524 = arith.constant 0 : i32
    %dma_wait3A_525 = arith.constant 0 : i32
    %dma_wait3A_526 = arith.constant 0 : i32
    %dma_wait3A_527 = tpu.memref_slice %arg9[%dma_wait3A_523, %dma_wait3A_525, %dma_wait3A_526] : memref<5x80x16xf32, #tpu.memory_space<vmem>> -> memref<1x80x16xf32, #tpu.memory_space<vmem>>
    %dma_wait3A_528 = tpu.memref_squeeze %dma_wait3A_527 : memref<1x80x16xf32, #tpu.memory_space<vmem>> -> memref<80x16xf32, #tpu.memory_space<vmem>>
    %dma_wait3A_529 = arith.constant 0 : i32
    %dma_wait3A_530 = tpu.memref_slice %arg8[%dma_wait3A_524, %dma_wait3A_529] : memref<125x80xi32, #tpu.memory_space<vmem>> -> memref<1x80xi32, #tpu.memory_space<vmem>>
    %dma_wait3A_531 = tpu.memref_squeeze %dma_wait3A_530 : memref<1x80xi32, #tpu.memory_space<vmem>> -> memref<80xi32, #tpu.memory_space<vmem>>
    %dma_wait3A_532 = arith.constant 0 : i32
    %dma_wait3A_533 = arith.constant 0 : i32
    %dma_wait3A_534 = tpu.memref_slice %arg11[%dma_wait3A_532, %dma_wait3A_533] : memref<10240x16xf32, #tpu.memory_space<vmem_shared>> -> memref<10240x16xf32, #tpu.memory_space<vmem_shared>>
    tpu.wait_indirect_dma semaphore(%arg18 : memref<!tpu.dma_semaphore, #tpu.memory_space<semaphore_mem>>) src(%dma_wait3A_528 : memref<80x16xf32, #tpu.memory_space<vmem>>) dst(%dma_wait3A_534 : memref<10240x16xf32, #tpu.memory_space<vmem_shared>>)
    %dma_wait3A_535 = arith.constant 0 : i32
    %dma_wait3A_536 = arith.constant 0 : i32
    %dma_wait3A_537 = tpu.memref_slice %arg8[%dma_wait3A_535, %dma_wait3A_536] : memref<125x80xi32, #tpu.memory_space<vmem>> -> memref<1x80xi32, #tpu.memory_space<vmem>>
    %dma_wait3A_538 = tpu.memref_squeeze %dma_wait3A_537 : memref<1x80xi32, #tpu.memory_space<vmem>> -> memref<80xi32, #tpu.memory_space<vmem>>
    %dma_wait3A_539 = arith.constant 0 : i32
    %dma_wait3A_540 = arith.constant 0 : i32
    %dma_wait3A_541 = tpu.memref_slice %arg12[%dma_wait3A_539, %dma_wait3A_540] : memref<10240x16xf32, #tpu.memory_space<vmem_shared>> -> memref<10240x16xf32, #tpu.memory_space<vmem_shared>>
    tpu.wait_indirect_dma semaphore(%arg23 : memref<!tpu.dma_semaphore, #tpu.memory_space<semaphore_mem>>) src(%arg10 : memref<80x16xf32, #tpu.memory_space<vmem>>) dst(%dma_wait3A_541 : memref<10240x16xf32, #tpu.memory_space<vmem_shared>>)
    %dma_start3A_542 = arith.constant 3 : i32
    %dma_start3A_543 = arith.constant 123 : i32
    %dma_start3A_544 = arith.constant 0 : i32
    %dma_start3A_545 = arith.constant 0 : i32
    %dma_start3A_546 = tpu.memref_slice %arg9[%dma_start3A_542, %dma_start3A_544, %dma_start3A_545] : memref<5x80x16xf32, #tpu.memory_space<vmem>> -> memref<1x80x16xf32, #tpu.memory_space<vmem>>
    %dma_start3A_547 = tpu.memref_squeeze %dma_start3A_546 : memref<1x80x16xf32, #tpu.memory_space<vmem>> -> memref<80x16xf32, #tpu.memory_space<vmem>>
    %dma_start3A_548 = arith.constant 0 : i32
    %dma_start3A_549 = tpu.memref_slice %arg8[%dma_start3A_543, %dma_start3A_548] : memref<125x80xi32, #tpu.memory_space<vmem>> -> memref<1x80xi32, #tpu.memory_space<vmem>>
    %dma_start3A_550 = tpu.memref_squeeze %dma_start3A_549 : memref<1x80xi32, #tpu.memory_space<vmem>> -> memref<80xi32, #tpu.memory_space<vmem>>
    %dma_start3A_551 = arith.constant 0 : i32
    %dma_start3A_552 = arith.constant 0 : i32
    %dma_start3A_553 = tpu.memref_slice %arg11[%dma_start3A_551, %dma_start3A_552] : memref<10240x16xf32, #tpu.memory_space<vmem_shared>> -> memref<10240x16xf32, #tpu.memory_space<vmem_shared>>
    tpu.enqueue_indirect_dma source(%dma_start3A_547 : memref<80x16xf32, #tpu.memory_space<vmem>>) target(%dma_start3A_553 : memref<10240x16xf32, #tpu.memory_space<vmem_shared>>) offsets(%dma_start3A_550 : memref<80xi32, #tpu.memory_space<vmem>>) semaphore(%arg21 : memref<!tpu.dma_semaphore, #tpu.memory_space<semaphore_mem>>) {add = true}
    %dma_start3A_554 = arith.constant 123 : i32
    %dma_start3A_555 = arith.constant 0 : i32
    %dma_start3A_556 = tpu.memref_slice %arg8[%dma_start3A_554, %dma_start3A_555] : memref<125x80xi32, #tpu.memory_space<vmem>> -> memref<1x80xi32, #tpu.memory_space<vmem>>
    %dma_start3A_557 = tpu.memref_squeeze %dma_start3A_556 : memref<1x80xi32, #tpu.memory_space<vmem>> -> memref<80xi32, #tpu.memory_space<vmem>>
    %dma_start3A_558 = arith.constant 0 : i32
    %dma_start3A_559 = arith.constant 0 : i32
    %dma_start3A_560 = tpu.memref_slice %arg12[%dma_start3A_558, %dma_start3A_559] : memref<10240x16xf32, #tpu.memory_space<vmem_shared>> -> memref<10240x16xf32, #tpu.memory_space<vmem_shared>>
    tpu.enqueue_indirect_dma source(%arg10 : memref<80x16xf32, #tpu.memory_space<vmem>>) target(%dma_start3A_560 : memref<10240x16xf32, #tpu.memory_space<vmem_shared>>) offsets(%dma_start3A_557 : memref<80xi32, #tpu.memory_space<vmem>>) semaphore(%arg26 : memref<!tpu.dma_semaphore, #tpu.memory_space<semaphore_mem>>) {add = true}
    %dma_wait3A_561 = arith.constant 4 : i32
    %dma_wait3A_562 = arith.constant 0 : i32
    %dma_wait3A_563 = arith.constant 0 : i32
    %dma_wait3A_564 = tpu.memref_slice %arg9[%dma_wait3A_561, %dma_wait3A_562, %dma_wait3A_563] : memref<5x80x16xf32, #tpu.memory_space<vmem>> -> memref<1x80x16xf32, #tpu.memory_space<vmem>>
    %dma_wait3A_565 = tpu.memref_squeeze %dma_wait3A_564 : memref<1x80x16xf32, #tpu.memory_space<vmem>> -> memref<80x16xf32, #tpu.memory_space<vmem>>
    %dma_wait3A_566 = arith.constant 0 : i32
    %dma_wait3A_567 = tpu.memref_slice %arg3[%mul3A_4, %dma_wait3A_566] : memref<320000x16xf32, #tpu.memory_space<hbm>> -> memref<80x16xf32, #tpu.memory_space<hbm>>
    %dma_wait3A_568 = arith.constant 0 : i32
    %dma_wait3A_569 = arith.constant 0 : i32
    %dma_wait3A_570 = tpu.memref_slice %arg9[%dma_wait3A_561, %dma_wait3A_568, %dma_wait3A_569] : memref<5x80x16xf32, #tpu.memory_space<vmem>> -> memref<1x80x16xf32, #tpu.memory_space<vmem>>
    %dma_wait3A_571 = tpu.memref_squeeze %dma_wait3A_570 : memref<1x80x16xf32, #tpu.memory_space<vmem>> -> memref<80x16xf32, #tpu.memory_space<vmem>>
    %dma_wait3A_572 = arith.constant 0 : i32
    %dma_wait3A_573 = tpu.memref_slice %arg3[%mul3A_4, %dma_wait3A_572] : memref<320000x16xf32, #tpu.memory_space<hbm>> -> memref<80x16xf32, #tpu.memory_space<hbm>>
    tpu.wait_dma2 semaphore(%arg17 : memref<!tpu.dma_semaphore, #tpu.memory_space<semaphore_mem>>) src(%dma_wait3A_573 : memref<80x16xf32, #tpu.memory_space<hbm>>) dst(%dma_wait3A_571 : memref<80x16xf32, #tpu.memory_space<vmem>>)
    %dma_wait3A_574 = arith.constant 1 : i32
    %dma_wait3A_575 = arith.constant 0 : i32
    %dma_wait3A_576 = arith.constant 0 : i32
    %dma_wait3A_577 = arith.constant 0 : i32
    %dma_wait3A_578 = tpu.memref_slice %arg9[%dma_wait3A_574, %dma_wait3A_576, %dma_wait3A_577] : memref<5x80x16xf32, #tpu.memory_space<vmem>> -> memref<1x80x16xf32, #tpu.memory_space<vmem>>
    %dma_wait3A_579 = tpu.memref_squeeze %dma_wait3A_578 : memref<1x80x16xf32, #tpu.memory_space<vmem>> -> memref<80x16xf32, #tpu.memory_space<vmem>>
    %dma_wait3A_580 = arith.constant 0 : i32
    %dma_wait3A_581 = tpu.memref_slice %arg8[%dma_wait3A_575, %dma_wait3A_580] : memref<125x80xi32, #tpu.memory_space<vmem>> -> memref<1x80xi32, #tpu.memory_space<vmem>>
    %dma_wait3A_582 = tpu.memref_squeeze %dma_wait3A_581 : memref<1x80xi32, #tpu.memory_space<vmem>> -> memref<80xi32, #tpu.memory_space<vmem>>
    %dma_wait3A_583 = arith.constant 0 : i32
    %dma_wait3A_584 = arith.constant 0 : i32
    %dma_wait3A_585 = tpu.memref_slice %arg11[%dma_wait3A_583, %dma_wait3A_584] : memref<10240x16xf32, #tpu.memory_space<vmem_shared>> -> memref<10240x16xf32, #tpu.memory_space<vmem_shared>>
    tpu.wait_indirect_dma semaphore(%arg19 : memref<!tpu.dma_semaphore, #tpu.memory_space<semaphore_mem>>) src(%dma_wait3A_579 : memref<80x16xf32, #tpu.memory_space<vmem>>) dst(%dma_wait3A_585 : memref<10240x16xf32, #tpu.memory_space<vmem_shared>>)
    %dma_wait3A_586 = arith.constant 0 : i32
    %dma_wait3A_587 = arith.constant 0 : i32
    %dma_wait3A_588 = tpu.memref_slice %arg8[%dma_wait3A_586, %dma_wait3A_587] : memref<125x80xi32, #tpu.memory_space<vmem>> -> memref<1x80xi32, #tpu.memory_space<vmem>>
    %dma_wait3A_589 = tpu.memref_squeeze %dma_wait3A_588 : memref<1x80xi32, #tpu.memory_space<vmem>> -> memref<80xi32, #tpu.memory_space<vmem>>
    %dma_wait3A_590 = arith.constant 0 : i32
    %dma_wait3A_591 = arith.constant 0 : i32
    %dma_wait3A_592 = tpu.memref_slice %arg12[%dma_wait3A_590, %dma_wait3A_591] : memref<10240x16xf32, #tpu.memory_space<vmem_shared>> -> memref<10240x16xf32, #tpu.memory_space<vmem_shared>>
    tpu.wait_indirect_dma semaphore(%arg24 : memref<!tpu.dma_semaphore, #tpu.memory_space<semaphore_mem>>) src(%arg10 : memref<80x16xf32, #tpu.memory_space<vmem>>) dst(%dma_wait3A_592 : memref<10240x16xf32, #tpu.memory_space<vmem_shared>>)
    %dma_start3A_593 = arith.constant 4 : i32
    %dma_start3A_594 = arith.constant 124 : i32
    %dma_start3A_595 = arith.constant 0 : i32
    %dma_start3A_596 = arith.constant 0 : i32
    %dma_start3A_597 = tpu.memref_slice %arg9[%dma_start3A_593, %dma_start3A_595, %dma_start3A_596] : memref<5x80x16xf32, #tpu.memory_space<vmem>> -> memref<1x80x16xf32, #tpu.memory_space<vmem>>
    %dma_start3A_598 = tpu.memref_squeeze %dma_start3A_597 : memref<1x80x16xf32, #tpu.memory_space<vmem>> -> memref<80x16xf32, #tpu.memory_space<vmem>>
    %dma_start3A_599 = arith.constant 0 : i32
    %dma_start3A_600 = tpu.memref_slice %arg8[%dma_start3A_594, %dma_start3A_599] : memref<125x80xi32, #tpu.memory_space<vmem>> -> memref<1x80xi32, #tpu.memory_space<vmem>>
    %dma_start3A_601 = tpu.memref_squeeze %dma_start3A_600 : memref<1x80xi32, #tpu.memory_space<vmem>> -> memref<80xi32, #tpu.memory_space<vmem>>
    %dma_start3A_602 = arith.constant 0 : i32
    %dma_start3A_603 = arith.constant 0 : i32
    %dma_start3A_604 = tpu.memref_slice %arg11[%dma_start3A_602, %dma_start3A_603] : memref<10240x16xf32, #tpu.memory_space<vmem_shared>> -> memref<10240x16xf32, #tpu.memory_space<vmem_shared>>
    tpu.enqueue_indirect_dma source(%dma_start3A_598 : memref<80x16xf32, #tpu.memory_space<vmem>>) target(%dma_start3A_604 : memref<10240x16xf32, #tpu.memory_space<vmem_shared>>) offsets(%dma_start3A_601 : memref<80xi32, #tpu.memory_space<vmem>>) semaphore(%arg22 : memref<!tpu.dma_semaphore, #tpu.memory_space<semaphore_mem>>) {add = true}
    %dma_start3A_605 = arith.constant 124 : i32
    %dma_start3A_606 = arith.constant 0 : i32
    %dma_start3A_607 = tpu.memref_slice %arg8[%dma_start3A_605, %dma_start3A_606] : memref<125x80xi32, #tpu.memory_space<vmem>> -> memref<1x80xi32, #tpu.memory_space<vmem>>
    %dma_start3A_608 = tpu.memref_squeeze %dma_start3A_607 : memref<1x80xi32, #tpu.memory_space<vmem>> -> memref<80xi32, #tpu.memory_space<vmem>>
    %dma_start3A_609 = arith.constant 0 : i32
    %dma_start3A_610 = arith.constant 0 : i32
    %dma_start3A_611 = tpu.memref_slice %arg12[%dma_start3A_609, %dma_start3A_610] : memref<10240x16xf32, #tpu.memory_space<vmem_shared>> -> memref<10240x16xf32, #tpu.memory_space<vmem_shared>>
    tpu.enqueue_indirect_dma source(%arg10 : memref<80x16xf32, #tpu.memory_space<vmem>>) target(%dma_start3A_611 : memref<10240x16xf32, #tpu.memory_space<vmem_shared>>) offsets(%dma_start3A_608 : memref<80xi32, #tpu.memory_space<vmem>>) semaphore(%arg27 : memref<!tpu.dma_semaphore, #tpu.memory_space<semaphore_mem>>) {add = true}
    %dma_wait3A_612 = arith.constant 2 : i32
    %dma_wait3A_613 = arith.constant 0 : i32
    %dma_wait3A_614 = arith.constant 0 : i32
    %dma_wait3A_615 = arith.constant 0 : i32
    %dma_wait3A_616 = tpu.memref_slice %arg9[%dma_wait3A_612, %dma_wait3A_614, %dma_wait3A_615] : memref<5x80x16xf32, #tpu.memory_space<vmem>> -> memref<1x80x16xf32, #tpu.memory_space<vmem>>
    %dma_wait3A_617 = tpu.memref_squeeze %dma_wait3A_616 : memref<1x80x16xf32, #tpu.memory_space<vmem>> -> memref<80x16xf32, #tpu.memory_space<vmem>>
    %dma_wait3A_618 = arith.constant 0 : i32
    %dma_wait3A_619 = tpu.memref_slice %arg8[%dma_wait3A_613, %dma_wait3A_618] : memref<125x80xi32, #tpu.memory_space<vmem>> -> memref<1x80xi32, #tpu.memory_space<vmem>>
    %dma_wait3A_620 = tpu.memref_squeeze %dma_wait3A_619 : memref<1x80xi32, #tpu.memory_space<vmem>> -> memref<80xi32, #tpu.memory_space<vmem>>
    %dma_wait3A_621 = arith.constant 0 : i32
    %dma_wait3A_622 = arith.constant 0 : i32
    %dma_wait3A_623 = tpu.memref_slice %arg11[%dma_wait3A_621, %dma_wait3A_622] : memref<10240x16xf32, #tpu.memory_space<vmem_shared>> -> memref<10240x16xf32, #tpu.memory_space<vmem_shared>>
    tpu.wait_indirect_dma semaphore(%arg20 : memref<!tpu.dma_semaphore, #tpu.memory_space<semaphore_mem>>) src(%dma_wait3A_617 : memref<80x16xf32, #tpu.memory_space<vmem>>) dst(%dma_wait3A_623 : memref<10240x16xf32, #tpu.memory_space<vmem_shared>>)
    %dma_wait3A_624 = arith.constant 0 : i32
    %dma_wait3A_625 = arith.constant 0 : i32
    %dma_wait3A_626 = tpu.memref_slice %arg8[%dma_wait3A_624, %dma_wait3A_625] : memref<125x80xi32, #tpu.memory_space<vmem>> -> memref<1x80xi32, #tpu.memory_space<vmem>>
    %dma_wait3A_627 = tpu.memref_squeeze %dma_wait3A_626 : memref<1x80xi32, #tpu.memory_space<vmem>> -> memref<80xi32, #tpu.memory_space<vmem>>
    %dma_wait3A_628 = arith.constant 0 : i32
    %dma_wait3A_629 = arith.constant 0 : i32
    %dma_wait3A_630 = tpu.memref_slice %arg12[%dma_wait3A_628, %dma_wait3A_629] : memref<10240x16xf32, #tpu.memory_space<vmem_shared>> -> memref<10240x16xf32, #tpu.memory_space<vmem_shared>>
    tpu.wait_indirect_dma semaphore(%arg25 : memref<!tpu.dma_semaphore, #tpu.memory_space<semaphore_mem>>) src(%arg10 : memref<80x16xf32, #tpu.memory_space<vmem>>) dst(%dma_wait3A_630 : memref<10240x16xf32, #tpu.memory_space<vmem_shared>>)
    %dma_wait3A_631 = arith.constant 3 : i32
    %dma_wait3A_632 = arith.constant 0 : i32
    %dma_wait3A_633 = arith.constant 0 : i32
    %dma_wait3A_634 = arith.constant 0 : i32
    %dma_wait3A_635 = tpu.memref_slice %arg9[%dma_wait3A_631, %dma_wait3A_633, %dma_wait3A_634] : memref<5x80x16xf32, #tpu.memory_space<vmem>> -> memref<1x80x16xf32, #tpu.memory_space<vmem>>
    %dma_wait3A_636 = tpu.memref_squeeze %dma_wait3A_635 : memref<1x80x16xf32, #tpu.memory_space<vmem>> -> memref<80x16xf32, #tpu.memory_space<vmem>>
    %dma_wait3A_637 = arith.constant 0 : i32
    %dma_wait3A_638 = tpu.memref_slice %arg8[%dma_wait3A_632, %dma_wait3A_637] : memref<125x80xi32, #tpu.memory_space<vmem>> -> memref<1x80xi32, #tpu.memory_space<vmem>>
    %dma_wait3A_639 = tpu.memref_squeeze %dma_wait3A_638 : memref<1x80xi32, #tpu.memory_space<vmem>> -> memref<80xi32, #tpu.memory_space<vmem>>
    %dma_wait3A_640 = arith.constant 0 : i32
    %dma_wait3A_641 = arith.constant 0 : i32
    %dma_wait3A_642 = tpu.memref_slice %arg11[%dma_wait3A_640, %dma_wait3A_641] : memref<10240x16xf32, #tpu.memory_space<vmem_shared>> -> memref<10240x16xf32, #tpu.memory_space<vmem_shared>>
    tpu.wait_indirect_dma semaphore(%arg21 : memref<!tpu.dma_semaphore, #tpu.memory_space<semaphore_mem>>) src(%dma_wait3A_636 : memref<80x16xf32, #tpu.memory_space<vmem>>) dst(%dma_wait3A_642 : memref<10240x16xf32, #tpu.memory_space<vmem_shared>>)
    %dma_wait3A_643 = arith.constant 0 : i32
    %dma_wait3A_644 = arith.constant 0 : i32
    %dma_wait3A_645 = tpu.memref_slice %arg8[%dma_wait3A_643, %dma_wait3A_644] : memref<125x80xi32, #tpu.memory_space<vmem>> -> memref<1x80xi32, #tpu.memory_space<vmem>>
    %dma_wait3A_646 = tpu.memref_squeeze %dma_wait3A_645 : memref<1x80xi32, #tpu.memory_space<vmem>> -> memref<80xi32, #tpu.memory_space<vmem>>
    %dma_wait3A_647 = arith.constant 0 : i32
    %dma_wait3A_648 = arith.constant 0 : i32
    %dma_wait3A_649 = tpu.memref_slice %arg12[%dma_wait3A_647, %dma_wait3A_648] : memref<10240x16xf32, #tpu.memory_space<vmem_shared>> -> memref<10240x16xf32, #tpu.memory_space<vmem_shared>>
    tpu.wait_indirect_dma semaphore(%arg26 : memref<!tpu.dma_semaphore, #tpu.memory_space<semaphore_mem>>) src(%arg10 : memref<80x16xf32, #tpu.memory_space<vmem>>) dst(%dma_wait3A_649 : memref<10240x16xf32, #tpu.memory_space<vmem_shared>>)
    %dma_wait3A_650 = arith.constant 4 : i32
    %dma_wait3A_651 = arith.constant 0 : i32
    %dma_wait3A_652 = arith.constant 0 : i32
    %dma_wait3A_653 = arith.constant 0 : i32
    %dma_wait3A_654 = tpu.memref_slice %arg9[%dma_wait3A_650, %dma_wait3A_652, %dma_wait3A_653] : memref<5x80x16xf32, #tpu.memory_space<vmem>> -> memref<1x80x16xf32, #tpu.memory_space<vmem>>
    %dma_wait3A_655 = tpu.memref_squeeze %dma_wait3A_654 : memref<1x80x16xf32, #tpu.memory_space<vmem>> -> memref<80x16xf32, #tpu.memory_space<vmem>>
    %dma_wait3A_656 = arith.constant 0 : i32
    %dma_wait3A_657 = tpu.memref_slice %arg8[%dma_wait3A_651, %dma_wait3A_656] : memref<125x80xi32, #tpu.memory_space<vmem>> -> memref<1x80xi32, #tpu.memory_space<vmem>>
    %dma_wait3A_658 = tpu.memref_squeeze %dma_wait3A_657 : memref<1x80xi32, #tpu.memory_space<vmem>> -> memref<80xi32, #tpu.memory_space<vmem>>
    %dma_wait3A_659 = arith.constant 0 : i32
    %dma_wait3A_660 = arith.constant 0 : i32
    %dma_wait3A_661 = tpu.memref_slice %arg11[%dma_wait3A_659, %dma_wait3A_660] : memref<10240x16xf32, #tpu.memory_space<vmem_shared>> -> memref<10240x16xf32, #tpu.memory_space<vmem_shared>>
    tpu.wait_indirect_dma semaphore(%arg22 : memref<!tpu.dma_semaphore, #tpu.memory_space<semaphore_mem>>) src(%dma_wait3A_655 : memref<80x16xf32, #tpu.memory_space<vmem>>) dst(%dma_wait3A_661 : memref<10240x16xf32, #tpu.memory_space<vmem_shared>>)
    %dma_wait3A_662 = arith.constant 0 : i32
    %dma_wait3A_663 = arith.constant 0 : i32
    %dma_wait3A_664 = tpu.memref_slice %arg8[%dma_wait3A_662, %dma_wait3A_663] : memref<125x80xi32, #tpu.memory_space<vmem>> -> memref<1x80xi32, #tpu.memory_space<vmem>>
    %dma_wait3A_665 = tpu.memref_squeeze %dma_wait3A_664 : memref<1x80xi32, #tpu.memory_space<vmem>> -> memref<80xi32, #tpu.memory_space<vmem>>
    %dma_wait3A_666 = arith.constant 0 : i32
    %dma_wait3A_667 = arith.constant 0 : i32
    %dma_wait3A_668 = tpu.memref_slice %arg12[%dma_wait3A_666, %dma_wait3A_667] : memref<10240x16xf32, #tpu.memory_space<vmem_shared>> -> memref<10240x16xf32, #tpu.memory_space<vmem_shared>>
    tpu.wait_indirect_dma semaphore(%arg27 : memref<!tpu.dma_semaphore, #tpu.memory_space<semaphore_mem>>) src(%arg10 : memref<80x16xf32, #tpu.memory_space<vmem>>) dst(%dma_wait3A_668 : memref<10240x16xf32, #tpu.memory_space<vmem_shared>>)
    %barrier3A_669 = arith.constant 0 : index
    tpu.barrier barrier_id(%barrier3A_669)
    "tpu.region"() ({
      %run_scoped3A = tpu.sem_alloc : memref<!tpu.dma_semaphore, #tpu.memory_space<semaphore_mem>>
      %dma_start3A_670 = arith.constant 0 : i32
      %dma_start3A_671 = tpu.memref_slice %arg6[%arg0, %mul3A_2, %dma_start3A_670] : memref<2x10240x16xf32, #tpu.memory_space<hbm>> -> memref<1x640x16xf32, #tpu.memory_space<hbm>>
      %dma_start3A_672 = tpu.memref_squeeze %dma_start3A_671 : memref<1x640x16xf32, #tpu.memory_space<hbm>> -> memref<640x16xf32, #tpu.memory_space<hbm>>
      %dma_start3A_673 = arith.constant 0 : i32
      %dma_start3A_674 = tpu.memref_slice %arg11[%mul3A_2, %dma_start3A_673] : memref<10240x16xf32, #tpu.memory_space<vmem_shared>> -> memref<640x16xf32, #tpu.memory_space<vmem_shared>>
      tpu.enqueue_dma source(%dma_start3A_674 : memref<640x16xf32, #tpu.memory_space<vmem_shared>>) target(%dma_start3A_672 : memref<640x16xf32, #tpu.memory_space<hbm>>) target_semaphore(%run_scoped3A : memref<!tpu.dma_semaphore, #tpu.memory_space<semaphore_mem>>)
      %dma_wait3A_675 = arith.constant 0 : i32
      %dma_wait3A_676 = tpu.memref_slice %arg6[%arg0, %mul3A_2, %dma_wait3A_675] : memref<2x10240x16xf32, #tpu.memory_space<hbm>> -> memref<1x640x16xf32, #tpu.memory_space<hbm>>
      %dma_wait3A_677 = tpu.memref_squeeze %dma_wait3A_676 : memref<1x640x16xf32, #tpu.memory_space<hbm>> -> memref<640x16xf32, #tpu.memory_space<hbm>>
      %dma_wait3A_678 = arith.constant 0 : i32
      %dma_wait3A_679 = tpu.memref_slice %arg11[%mul3A_2, %dma_wait3A_678] : memref<10240x16xf32, #tpu.memory_space<vmem_shared>> -> memref<640x16xf32, #tpu.memory_space<vmem_shared>>
      tpu.wait_dma2 semaphore(%run_scoped3A : memref<!tpu.dma_semaphore, #tpu.memory_space<semaphore_mem>>) src(%dma_wait3A_679 : memref<640x16xf32, #tpu.memory_space<vmem_shared>>) dst(%dma_wait3A_677 : memref<640x16xf32, #tpu.memory_space<hbm>>)
      tpu.yield
    }) : () -> ()
    "tpu.region"() ({
      %run_scoped3A = tpu.sem_alloc : memref<!tpu.dma_semaphore, #tpu.memory_space<semaphore_mem>>
      %dma_start3A_670 = arith.constant 0 : i32
      %dma_start3A_671 = tpu.memref_slice %arg7[%arg0, %mul3A_2, %dma_start3A_670] : memref<2x10240x16xf32, #tpu.memory_space<hbm>> -> memref<1x640x16xf32, #tpu.memory_space<hbm>>
      %dma_start3A_672 = tpu.memref_squeeze %dma_start3A_671 : memref<1x640x16xf32, #tpu.memory_space<hbm>> -> memref<640x16xf32, #tpu.memory_space<hbm>>
      %dma_start3A_673 = arith.constant 0 : i32
      %dma_start3A_674 = tpu.memref_slice %arg12[%mul3A_2, %dma_start3A_673] : memref<10240x16xf32, #tpu.memory_space<vmem_shared>> -> memref<640x16xf32, #tpu.memory_space<vmem_shared>>
      tpu.enqueue_dma source(%dma_start3A_674 : memref<640x16xf32, #tpu.memory_space<vmem_shared>>) target(%dma_start3A_672 : memref<640x16xf32, #tpu.memory_space<hbm>>) target_semaphore(%run_scoped3A : memref<!tpu.dma_semaphore, #tpu.memory_space<semaphore_mem>>)
      %dma_wait3A_675 = arith.constant 0 : i32
      %dma_wait3A_676 = tpu.memref_slice %arg7[%arg0, %mul3A_2, %dma_wait3A_675] : memref<2x10240x16xf32, #tpu.memory_space<hbm>> -> memref<1x640x16xf32, #tpu.memory_space<hbm>>
      %dma_wait3A_677 = tpu.memref_squeeze %dma_wait3A_676 : memref<1x640x16xf32, #tpu.memory_space<hbm>> -> memref<640x16xf32, #tpu.memory_space<hbm>>
      %dma_wait3A_678 = arith.constant 0 : i32
      %dma_wait3A_679 = tpu.memref_slice %arg12[%mul3A_2, %dma_wait3A_678] : memref<10240x16xf32, #tpu.memory_space<vmem_shared>> -> memref<640x16xf32, #tpu.memory_space<vmem_shared>>
      tpu.wait_dma2 semaphore(%run_scoped3A : memref<!tpu.dma_semaphore, #tpu.memory_space<semaphore_mem>>) src(%dma_wait3A_679 : memref<640x16xf32, #tpu.memory_space<vmem_shared>>) dst(%dma_wait3A_677 : memref<640x16xf32, #tpu.memory_space<hbm>>)
      tpu.yield
    }) : () -> ()
    return
  }
}

#map = affine_map<(d0, d1) -> (0, 0)>
#map1 = affine_map<(d0, d1) -> (0, 0, 0)>
module attributes {stable_mosaic.version = 14 : i64} {
  func.func @_msg_body(%arg0: i32, %arg1: i32, %arg2: memref<10000x64xbf16, #tpu.memory_space<hbm>>, %arg3: memref<32x125x80xi32, #tpu.memory_space<hbm>>, %arg4: memref<32x125x80xi32, #tpu.memory_space<hbm>>, %arg5: memref<10240x64xbf16, #tpu.memory_space<hbm>>, %arg6: memref<2x10240x64xbf16, #tpu.memory_space<hbm>>, %arg7: memref<125x80xi32, #tpu.memory_space<vmem>>, %arg8: memref<125x80xi32, #tpu.memory_space<vmem>>, %arg9: memref<10240x64xbf16, #tpu.memory_space<vmem_shared>>, %arg10: memref<5x80x64xbf16, #tpu.memory_space<vmem>>, %arg11: memref<!tpu.dma_semaphore, #tpu.memory_space<semaphore_mem>>, %arg12: memref<!tpu.dma_semaphore, #tpu.memory_space<semaphore_mem>>, %arg13: memref<!tpu.dma_semaphore, #tpu.memory_space<semaphore_mem>>, %arg14: memref<!tpu.dma_semaphore, #tpu.memory_space<semaphore_mem>>, %arg15: memref<!tpu.dma_semaphore, #tpu.memory_space<semaphore_mem>>, %arg16: memref<!tpu.dma_semaphore, #tpu.memory_space<semaphore_mem>>, %arg17: memref<!tpu.dma_semaphore, #tpu.memory_space<semaphore_mem>>, %arg18: memref<!tpu.dma_semaphore, #tpu.memory_space<semaphore_mem>>, %arg19: memref<!tpu.dma_semaphore, #tpu.memory_space<semaphore_mem>>, %arg20: memref<!tpu.dma_semaphore, #tpu.memory_space<semaphore_mem>>) attributes {dimension_semantics = [#tpu.dimension_semantics<core_parallel>, #tpu.dimension_semantics<subcore_parallel>], iteration_bounds = array<i64: 2, 16>, scalar_prefetch = 0 : i64, scratch_operands = 14 : i64, tpu.core_type = #tpu.core_type<sc_vector_subcore>, window_params = [{transform_indices = #map}, {transform_indices = #map1}, {transform_indices = #map1}, {transform_indices = #map}, {transform_indices = #map1}]} {
    %mul3A = arith.constant 16 : i32
    %mul3A_0 = arith.muli %arg0, %mul3A : i32
    %add3A = arith.addi %mul3A_0, %arg1 : i32
    %mul3A_1 = arith.constant 640 : i32
    %mul3A_2 = arith.muli %arg1, %mul3A_1 : i32
    "tpu.region"() ({
      %run_scoped3A = tpu.sem_alloc : memref<!tpu.dma_semaphore, #tpu.memory_space<semaphore_mem>>
      %dma_start3A_488 = arith.constant 0 : i32
      %dma_start3A_489 = tpu.memref_slice %arg9[%mul3A_2, %dma_start3A_488] : memref<10240x64xbf16, #tpu.memory_space<vmem_shared>> -> memref<640x64xbf16, #tpu.memory_space<vmem_shared>>
      %dma_start3A_490 = arith.constant 0 : i32
      %dma_start3A_491 = tpu.memref_slice %arg5[%mul3A_2, %dma_start3A_490] : memref<10240x64xbf16, #tpu.memory_space<hbm>> -> memref<640x64xbf16, #tpu.memory_space<hbm>>
      tpu.enqueue_dma source(%dma_start3A_491 : memref<640x64xbf16, #tpu.memory_space<hbm>>) target(%dma_start3A_489 : memref<640x64xbf16, #tpu.memory_space<vmem_shared>>) target_semaphore(%run_scoped3A : memref<!tpu.dma_semaphore, #tpu.memory_space<semaphore_mem>>)
      %dma_wait3A_492 = arith.constant 0 : i32
      %dma_wait3A_493 = tpu.memref_slice %arg9[%mul3A_2, %dma_wait3A_492] : memref<10240x64xbf16, #tpu.memory_space<vmem_shared>> -> memref<640x64xbf16, #tpu.memory_space<vmem_shared>>
      %dma_wait3A_494 = arith.constant 0 : i32
      %dma_wait3A_495 = tpu.memref_slice %arg5[%mul3A_2, %dma_wait3A_494] : memref<10240x64xbf16, #tpu.memory_space<hbm>> -> memref<640x64xbf16, #tpu.memory_space<hbm>>
      tpu.wait_dma2 semaphore(%run_scoped3A : memref<!tpu.dma_semaphore, #tpu.memory_space<semaphore_mem>>) src(%dma_wait3A_495 : memref<640x64xbf16, #tpu.memory_space<hbm>>) dst(%dma_wait3A_493 : memref<640x64xbf16, #tpu.memory_space<vmem_shared>>)
      tpu.yield
    }) : () -> ()
    "tpu.region"() ({
      %run_scoped3A = tpu.sem_alloc : memref<!tpu.dma_semaphore, #tpu.memory_space<semaphore_mem>>
      %dma_start3A_488 = arith.constant 0 : i32
      %dma_start3A_489 = arith.constant 0 : i32
      %dma_start3A_490 = tpu.memref_slice %arg3[%add3A, %dma_start3A_488, %dma_start3A_489] : memref<32x125x80xi32, #tpu.memory_space<hbm>> -> memref<1x125x80xi32, #tpu.memory_space<hbm>>
      %dma_start3A_491 = tpu.memref_squeeze %dma_start3A_490 : memref<1x125x80xi32, #tpu.memory_space<hbm>> -> memref<125x80xi32, #tpu.memory_space<hbm>>
      %dma_start3A_492 = arith.constant 0 : i32
      %dma_start3A_493 = arith.constant 0 : i32
      %dma_start3A_494 = tpu.memref_slice %arg3[%add3A, %dma_start3A_492, %dma_start3A_493] : memref<32x125x80xi32, #tpu.memory_space<hbm>> -> memref<1x125x80xi32, #tpu.memory_space<hbm>>
      %dma_start3A_495 = tpu.memref_squeeze %dma_start3A_494 : memref<1x125x80xi32, #tpu.memory_space<hbm>> -> memref<125x80xi32, #tpu.memory_space<hbm>>
      tpu.enqueue_dma source(%dma_start3A_495 : memref<125x80xi32, #tpu.memory_space<hbm>>) target(%arg7 : memref<125x80xi32, #tpu.memory_space<vmem>>) target_semaphore(%run_scoped3A : memref<!tpu.dma_semaphore, #tpu.memory_space<semaphore_mem>>)
      %dma_wait3A_496 = arith.constant 0 : i32
      %dma_wait3A_497 = arith.constant 0 : i32
      %dma_wait3A_498 = tpu.memref_slice %arg3[%add3A, %dma_wait3A_496, %dma_wait3A_497] : memref<32x125x80xi32, #tpu.memory_space<hbm>> -> memref<1x125x80xi32, #tpu.memory_space<hbm>>
      %dma_wait3A_499 = tpu.memref_squeeze %dma_wait3A_498 : memref<1x125x80xi32, #tpu.memory_space<hbm>> -> memref<125x80xi32, #tpu.memory_space<hbm>>
      %dma_wait3A_500 = arith.constant 0 : i32
      %dma_wait3A_501 = arith.constant 0 : i32
      %dma_wait3A_502 = tpu.memref_slice %arg3[%add3A, %dma_wait3A_500, %dma_wait3A_501] : memref<32x125x80xi32, #tpu.memory_space<hbm>> -> memref<1x125x80xi32, #tpu.memory_space<hbm>>
      %dma_wait3A_503 = tpu.memref_squeeze %dma_wait3A_502 : memref<1x125x80xi32, #tpu.memory_space<hbm>> -> memref<125x80xi32, #tpu.memory_space<hbm>>
      tpu.wait_dma2 semaphore(%run_scoped3A : memref<!tpu.dma_semaphore, #tpu.memory_space<semaphore_mem>>) src(%dma_wait3A_503 : memref<125x80xi32, #tpu.memory_space<hbm>>) dst(%arg7 : memref<125x80xi32, #tpu.memory_space<vmem>>)
      tpu.yield
    }) : () -> ()
    "tpu.region"() ({
      %run_scoped3A = tpu.sem_alloc : memref<!tpu.dma_semaphore, #tpu.memory_space<semaphore_mem>>
      %dma_start3A_488 = arith.constant 0 : i32
      %dma_start3A_489 = arith.constant 0 : i32
      %dma_start3A_490 = tpu.memref_slice %arg4[%add3A, %dma_start3A_488, %dma_start3A_489] : memref<32x125x80xi32, #tpu.memory_space<hbm>> -> memref<1x125x80xi32, #tpu.memory_space<hbm>>
      %dma_start3A_491 = tpu.memref_squeeze %dma_start3A_490 : memref<1x125x80xi32, #tpu.memory_space<hbm>> -> memref<125x80xi32, #tpu.memory_space<hbm>>
      %dma_start3A_492 = arith.constant 0 : i32
      %dma_start3A_493 = arith.constant 0 : i32
      %dma_start3A_494 = tpu.memref_slice %arg4[%add3A, %dma_start3A_492, %dma_start3A_493] : memref<32x125x80xi32, #tpu.memory_space<hbm>> -> memref<1x125x80xi32, #tpu.memory_space<hbm>>
      %dma_start3A_495 = tpu.memref_squeeze %dma_start3A_494 : memref<1x125x80xi32, #tpu.memory_space<hbm>> -> memref<125x80xi32, #tpu.memory_space<hbm>>
      tpu.enqueue_dma source(%dma_start3A_495 : memref<125x80xi32, #tpu.memory_space<hbm>>) target(%arg8 : memref<125x80xi32, #tpu.memory_space<vmem>>) target_semaphore(%run_scoped3A : memref<!tpu.dma_semaphore, #tpu.memory_space<semaphore_mem>>)
      %dma_wait3A_496 = arith.constant 0 : i32
      %dma_wait3A_497 = arith.constant 0 : i32
      %dma_wait3A_498 = tpu.memref_slice %arg4[%add3A, %dma_wait3A_496, %dma_wait3A_497] : memref<32x125x80xi32, #tpu.memory_space<hbm>> -> memref<1x125x80xi32, #tpu.memory_space<hbm>>
      %dma_wait3A_499 = tpu.memref_squeeze %dma_wait3A_498 : memref<1x125x80xi32, #tpu.memory_space<hbm>> -> memref<125x80xi32, #tpu.memory_space<hbm>>
      %dma_wait3A_500 = arith.constant 0 : i32
      %dma_wait3A_501 = arith.constant 0 : i32
      %dma_wait3A_502 = tpu.memref_slice %arg4[%add3A, %dma_wait3A_500, %dma_wait3A_501] : memref<32x125x80xi32, #tpu.memory_space<hbm>> -> memref<1x125x80xi32, #tpu.memory_space<hbm>>
      %dma_wait3A_503 = tpu.memref_squeeze %dma_wait3A_502 : memref<1x125x80xi32, #tpu.memory_space<hbm>> -> memref<125x80xi32, #tpu.memory_space<hbm>>
      tpu.wait_dma2 semaphore(%run_scoped3A : memref<!tpu.dma_semaphore, #tpu.memory_space<semaphore_mem>>) src(%dma_wait3A_503 : memref<125x80xi32, #tpu.memory_space<hbm>>) dst(%arg8 : memref<125x80xi32, #tpu.memory_space<vmem>>)
      tpu.yield
    }) : () -> ()
    %barrier3A = arith.constant 0 : index
    tpu.barrier barrier_id(%barrier3A)
    %dma_start3A = arith.constant 0 : i32
    %dma_start3A_3 = arith.constant 0 : i32
    %dma_start3A_4 = arith.constant 0 : i32
    %dma_start3A_5 = arith.constant 0 : i32
    %dma_start3A_6 = tpu.memref_slice %arg10[%dma_start3A_3, %dma_start3A_4, %dma_start3A_5] : memref<5x80x64xbf16, #tpu.memory_space<vmem>> -> memref<1x80x64xbf16, #tpu.memory_space<vmem>>
    %dma_start3A_7 = tpu.memref_squeeze %dma_start3A_6 : memref<1x80x64xbf16, #tpu.memory_space<vmem>> -> memref<80x64xbf16, #tpu.memory_space<vmem>>
    %dma_start3A_8 = arith.constant 0 : i32
    %dma_start3A_9 = tpu.memref_slice %arg7[%dma_start3A, %dma_start3A_8] : memref<125x80xi32, #tpu.memory_space<vmem>> -> memref<1x80xi32, #tpu.memory_space<vmem>>
    %dma_start3A_10 = tpu.memref_squeeze %dma_start3A_9 : memref<1x80xi32, #tpu.memory_space<vmem>> -> memref<80xi32, #tpu.memory_space<vmem>>
    %dma_start3A_11 = arith.constant 0 : i32
    %dma_start3A_12 = arith.constant 0 : i32
    %dma_start3A_13 = tpu.memref_slice %arg2[%dma_start3A_11, %dma_start3A_12] : memref<10000x64xbf16, #tpu.memory_space<hbm>> -> memref<10000x64xbf16, #tpu.memory_space<hbm>>
    tpu.enqueue_indirect_dma source(%dma_start3A_13 : memref<10000x64xbf16, #tpu.memory_space<hbm>>) target(%dma_start3A_7 : memref<80x64xbf16, #tpu.memory_space<vmem>>) offsets(%dma_start3A_10 : memref<80xi32, #tpu.memory_space<vmem>>) semaphore(%arg11 : memref<!tpu.dma_semaphore, #tpu.memory_space<semaphore_mem>>)
    %dma_start3A_14 = arith.constant 1 : i32
    %dma_start3A_15 = arith.constant 1 : i32
    %dma_start3A_16 = arith.constant 0 : i32
    %dma_start3A_17 = arith.constant 0 : i32
    %dma_start3A_18 = tpu.memref_slice %arg10[%dma_start3A_15, %dma_start3A_16, %dma_start3A_17] : memref<5x80x64xbf16, #tpu.memory_space<vmem>> -> memref<1x80x64xbf16, #tpu.memory_space<vmem>>
    %dma_start3A_19 = tpu.memref_squeeze %dma_start3A_18 : memref<1x80x64xbf16, #tpu.memory_space<vmem>> -> memref<80x64xbf16, #tpu.memory_space<vmem>>
    %dma_start3A_20 = arith.constant 0 : i32
    %dma_start3A_21 = tpu.memref_slice %arg7[%dma_start3A_14, %dma_start3A_20] : memref<125x80xi32, #tpu.memory_space<vmem>> -> memref<1x80xi32, #tpu.memory_space<vmem>>
    %dma_start3A_22 = tpu.memref_squeeze %dma_start3A_21 : memref<1x80xi32, #tpu.memory_space<vmem>> -> memref<80xi32, #tpu.memory_space<vmem>>
    %dma_start3A_23 = arith.constant 0 : i32
    %dma_start3A_24 = arith.constant 0 : i32
    %dma_start3A_25 = tpu.memref_slice %arg2[%dma_start3A_23, %dma_start3A_24] : memref<10000x64xbf16, #tpu.memory_space<hbm>> -> memref<10000x64xbf16, #tpu.memory_space<hbm>>
    tpu.enqueue_indirect_dma source(%dma_start3A_25 : memref<10000x64xbf16, #tpu.memory_space<hbm>>) target(%dma_start3A_19 : memref<80x64xbf16, #tpu.memory_space<vmem>>) offsets(%dma_start3A_22 : memref<80xi32, #tpu.memory_space<vmem>>) semaphore(%arg12 : memref<!tpu.dma_semaphore, #tpu.memory_space<semaphore_mem>>)
    %dma_wait3A = arith.constant 0 : i32
    %dma_wait3A_26 = arith.constant 0 : i32
    %dma_wait3A_27 = arith.constant 0 : i32
    %dma_wait3A_28 = arith.constant 0 : i32
    %dma_wait3A_29 = tpu.memref_slice %arg10[%dma_wait3A_26, %dma_wait3A_27, %dma_wait3A_28] : memref<5x80x64xbf16, #tpu.memory_space<vmem>> -> memref<1x80x64xbf16, #tpu.memory_space<vmem>>
    %dma_wait3A_30 = tpu.memref_squeeze %dma_wait3A_29 : memref<1x80x64xbf16, #tpu.memory_space<vmem>> -> memref<80x64xbf16, #tpu.memory_space<vmem>>
    %dma_wait3A_31 = arith.constant 0 : i32
    %dma_wait3A_32 = tpu.memref_slice %arg7[%dma_wait3A, %dma_wait3A_31] : memref<125x80xi32, #tpu.memory_space<vmem>> -> memref<1x80xi32, #tpu.memory_space<vmem>>
    %dma_wait3A_33 = tpu.memref_squeeze %dma_wait3A_32 : memref<1x80xi32, #tpu.memory_space<vmem>> -> memref<80xi32, #tpu.memory_space<vmem>>
    %dma_wait3A_34 = arith.constant 0 : i32
    %dma_wait3A_35 = arith.constant 0 : i32
    %dma_wait3A_36 = tpu.memref_slice %arg2[%dma_wait3A_34, %dma_wait3A_35] : memref<10000x64xbf16, #tpu.memory_space<hbm>> -> memref<10000x64xbf16, #tpu.memory_space<hbm>>
    tpu.wait_indirect_dma semaphore(%arg11 : memref<!tpu.dma_semaphore, #tpu.memory_space<semaphore_mem>>) src(%dma_wait3A_36 : memref<10000x64xbf16, #tpu.memory_space<hbm>>) dst(%dma_wait3A_30 : memref<80x64xbf16, #tpu.memory_space<vmem>>)
    %dma_start3A_37 = arith.constant 2 : i32
    %dma_start3A_38 = arith.constant 2 : i32
    %dma_start3A_39 = arith.constant 0 : i32
    %dma_start3A_40 = arith.constant 0 : i32
    %dma_start3A_41 = tpu.memref_slice %arg10[%dma_start3A_38, %dma_start3A_39, %dma_start3A_40] : memref<5x80x64xbf16, #tpu.memory_space<vmem>> -> memref<1x80x64xbf16, #tpu.memory_space<vmem>>
    %dma_start3A_42 = tpu.memref_squeeze %dma_start3A_41 : memref<1x80x64xbf16, #tpu.memory_space<vmem>> -> memref<80x64xbf16, #tpu.memory_space<vmem>>
    %dma_start3A_43 = arith.constant 0 : i32
    %dma_start3A_44 = tpu.memref_slice %arg7[%dma_start3A_37, %dma_start3A_43] : memref<125x80xi32, #tpu.memory_space<vmem>> -> memref<1x80xi32, #tpu.memory_space<vmem>>
    %dma_start3A_45 = tpu.memref_squeeze %dma_start3A_44 : memref<1x80xi32, #tpu.memory_space<vmem>> -> memref<80xi32, #tpu.memory_space<vmem>>
    %dma_start3A_46 = arith.constant 0 : i32
    %dma_start3A_47 = arith.constant 0 : i32
    %dma_start3A_48 = tpu.memref_slice %arg2[%dma_start3A_46, %dma_start3A_47] : memref<10000x64xbf16, #tpu.memory_space<hbm>> -> memref<10000x64xbf16, #tpu.memory_space<hbm>>
    tpu.enqueue_indirect_dma source(%dma_start3A_48 : memref<10000x64xbf16, #tpu.memory_space<hbm>>) target(%dma_start3A_42 : memref<80x64xbf16, #tpu.memory_space<vmem>>) offsets(%dma_start3A_45 : memref<80xi32, #tpu.memory_space<vmem>>) semaphore(%arg13 : memref<!tpu.dma_semaphore, #tpu.memory_space<semaphore_mem>>)
    %dma_start3A_49 = arith.constant 0 : i32
    %dma_start3A_50 = arith.constant 0 : i32
    %dma_start3A_51 = arith.constant 0 : i32
    %dma_start3A_52 = arith.constant 0 : i32
    %dma_start3A_53 = tpu.memref_slice %arg10[%dma_start3A_49, %dma_start3A_51, %dma_start3A_52] : memref<5x80x64xbf16, #tpu.memory_space<vmem>> -> memref<1x80x64xbf16, #tpu.memory_space<vmem>>
    %dma_start3A_54 = tpu.memref_squeeze %dma_start3A_53 : memref<1x80x64xbf16, #tpu.memory_space<vmem>> -> memref<80x64xbf16, #tpu.memory_space<vmem>>
    %dma_start3A_55 = arith.constant 0 : i32
    %dma_start3A_56 = tpu.memref_slice %arg8[%dma_start3A_50, %dma_start3A_55] : memref<125x80xi32, #tpu.memory_space<vmem>> -> memref<1x80xi32, #tpu.memory_space<vmem>>
    %dma_start3A_57 = tpu.memref_squeeze %dma_start3A_56 : memref<1x80xi32, #tpu.memory_space<vmem>> -> memref<80xi32, #tpu.memory_space<vmem>>
    %dma_start3A_58 = arith.constant 0 : i32
    %dma_start3A_59 = arith.constant 0 : i32
    %dma_start3A_60 = tpu.memref_slice %arg9[%dma_start3A_58, %dma_start3A_59] : memref<10240x64xbf16, #tpu.memory_space<vmem_shared>> -> memref<10240x64xbf16, #tpu.memory_space<vmem_shared>>
    tpu.enqueue_indirect_dma source(%dma_start3A_54 : memref<80x64xbf16, #tpu.memory_space<vmem>>) target(%dma_start3A_60 : memref<10240x64xbf16, #tpu.memory_space<vmem_shared>>) offsets(%dma_start3A_57 : memref<80xi32, #tpu.memory_space<vmem>>) semaphore(%arg16 : memref<!tpu.dma_semaphore, #tpu.memory_space<semaphore_mem>>) {add = true}
    %dma_wait3A_61 = arith.constant 0 : i32
    %dma_wait3A_62 = arith.constant 1 : i32
    %dma_wait3A_63 = arith.constant 0 : i32
    %dma_wait3A_64 = arith.constant 0 : i32
    %dma_wait3A_65 = tpu.memref_slice %arg10[%dma_wait3A_62, %dma_wait3A_63, %dma_wait3A_64] : memref<5x80x64xbf16, #tpu.memory_space<vmem>> -> memref<1x80x64xbf16, #tpu.memory_space<vmem>>
    %dma_wait3A_66 = tpu.memref_squeeze %dma_wait3A_65 : memref<1x80x64xbf16, #tpu.memory_space<vmem>> -> memref<80x64xbf16, #tpu.memory_space<vmem>>
    %dma_wait3A_67 = arith.constant 0 : i32
    %dma_wait3A_68 = tpu.memref_slice %arg7[%dma_wait3A_61, %dma_wait3A_67] : memref<125x80xi32, #tpu.memory_space<vmem>> -> memref<1x80xi32, #tpu.memory_space<vmem>>
    %dma_wait3A_69 = tpu.memref_squeeze %dma_wait3A_68 : memref<1x80xi32, #tpu.memory_space<vmem>> -> memref<80xi32, #tpu.memory_space<vmem>>
    %dma_wait3A_70 = arith.constant 0 : i32
    %dma_wait3A_71 = arith.constant 0 : i32
    %dma_wait3A_72 = tpu.memref_slice %arg2[%dma_wait3A_70, %dma_wait3A_71] : memref<10000x64xbf16, #tpu.memory_space<hbm>> -> memref<10000x64xbf16, #tpu.memory_space<hbm>>
    tpu.wait_indirect_dma semaphore(%arg12 : memref<!tpu.dma_semaphore, #tpu.memory_space<semaphore_mem>>) src(%dma_wait3A_72 : memref<10000x64xbf16, #tpu.memory_space<hbm>>) dst(%dma_wait3A_66 : memref<80x64xbf16, #tpu.memory_space<vmem>>)
    %dma_start3A_73 = arith.constant 3 : i32
    %dma_start3A_74 = arith.constant 3 : i32
    %dma_start3A_75 = arith.constant 0 : i32
    %dma_start3A_76 = arith.constant 0 : i32
    %dma_start3A_77 = tpu.memref_slice %arg10[%dma_start3A_74, %dma_start3A_75, %dma_start3A_76] : memref<5x80x64xbf16, #tpu.memory_space<vmem>> -> memref<1x80x64xbf16, #tpu.memory_space<vmem>>
    %dma_start3A_78 = tpu.memref_squeeze %dma_start3A_77 : memref<1x80x64xbf16, #tpu.memory_space<vmem>> -> memref<80x64xbf16, #tpu.memory_space<vmem>>
    %dma_start3A_79 = arith.constant 0 : i32
    %dma_start3A_80 = tpu.memref_slice %arg7[%dma_start3A_73, %dma_start3A_79] : memref<125x80xi32, #tpu.memory_space<vmem>> -> memref<1x80xi32, #tpu.memory_space<vmem>>
    %dma_start3A_81 = tpu.memref_squeeze %dma_start3A_80 : memref<1x80xi32, #tpu.memory_space<vmem>> -> memref<80xi32, #tpu.memory_space<vmem>>
    %dma_start3A_82 = arith.constant 0 : i32
    %dma_start3A_83 = arith.constant 0 : i32
    %dma_start3A_84 = tpu.memref_slice %arg2[%dma_start3A_82, %dma_start3A_83] : memref<10000x64xbf16, #tpu.memory_space<hbm>> -> memref<10000x64xbf16, #tpu.memory_space<hbm>>
    tpu.enqueue_indirect_dma source(%dma_start3A_84 : memref<10000x64xbf16, #tpu.memory_space<hbm>>) target(%dma_start3A_78 : memref<80x64xbf16, #tpu.memory_space<vmem>>) offsets(%dma_start3A_81 : memref<80xi32, #tpu.memory_space<vmem>>) semaphore(%arg14 : memref<!tpu.dma_semaphore, #tpu.memory_space<semaphore_mem>>)
    %dma_start3A_85 = arith.constant 1 : i32
    %dma_start3A_86 = arith.constant 1 : i32
    %dma_start3A_87 = arith.constant 0 : i32
    %dma_start3A_88 = arith.constant 0 : i32
    %dma_start3A_89 = tpu.memref_slice %arg10[%dma_start3A_85, %dma_start3A_87, %dma_start3A_88] : memref<5x80x64xbf16, #tpu.memory_space<vmem>> -> memref<1x80x64xbf16, #tpu.memory_space<vmem>>
    %dma_start3A_90 = tpu.memref_squeeze %dma_start3A_89 : memref<1x80x64xbf16, #tpu.memory_space<vmem>> -> memref<80x64xbf16, #tpu.memory_space<vmem>>
    %dma_start3A_91 = arith.constant 0 : i32
    %dma_start3A_92 = tpu.memref_slice %arg8[%dma_start3A_86, %dma_start3A_91] : memref<125x80xi32, #tpu.memory_space<vmem>> -> memref<1x80xi32, #tpu.memory_space<vmem>>
    %dma_start3A_93 = tpu.memref_squeeze %dma_start3A_92 : memref<1x80xi32, #tpu.memory_space<vmem>> -> memref<80xi32, #tpu.memory_space<vmem>>
    %dma_start3A_94 = arith.constant 0 : i32
    %dma_start3A_95 = arith.constant 0 : i32
    %dma_start3A_96 = tpu.memref_slice %arg9[%dma_start3A_94, %dma_start3A_95] : memref<10240x64xbf16, #tpu.memory_space<vmem_shared>> -> memref<10240x64xbf16, #tpu.memory_space<vmem_shared>>
    tpu.enqueue_indirect_dma source(%dma_start3A_90 : memref<80x64xbf16, #tpu.memory_space<vmem>>) target(%dma_start3A_96 : memref<10240x64xbf16, #tpu.memory_space<vmem_shared>>) offsets(%dma_start3A_93 : memref<80xi32, #tpu.memory_space<vmem>>) semaphore(%arg17 : memref<!tpu.dma_semaphore, #tpu.memory_space<semaphore_mem>>) {add = true}
    %dma_wait3A_97 = arith.constant 0 : i32
    %dma_wait3A_98 = arith.constant 2 : i32
    %dma_wait3A_99 = arith.constant 0 : i32
    %dma_wait3A_100 = arith.constant 0 : i32
    %dma_wait3A_101 = tpu.memref_slice %arg10[%dma_wait3A_98, %dma_wait3A_99, %dma_wait3A_100] : memref<5x80x64xbf16, #tpu.memory_space<vmem>> -> memref<1x80x64xbf16, #tpu.memory_space<vmem>>
    %dma_wait3A_102 = tpu.memref_squeeze %dma_wait3A_101 : memref<1x80x64xbf16, #tpu.memory_space<vmem>> -> memref<80x64xbf16, #tpu.memory_space<vmem>>
    %dma_wait3A_103 = arith.constant 0 : i32
    %dma_wait3A_104 = tpu.memref_slice %arg7[%dma_wait3A_97, %dma_wait3A_103] : memref<125x80xi32, #tpu.memory_space<vmem>> -> memref<1x80xi32, #tpu.memory_space<vmem>>
    %dma_wait3A_105 = tpu.memref_squeeze %dma_wait3A_104 : memref<1x80xi32, #tpu.memory_space<vmem>> -> memref<80xi32, #tpu.memory_space<vmem>>
    %dma_wait3A_106 = arith.constant 0 : i32
    %dma_wait3A_107 = arith.constant 0 : i32
    %dma_wait3A_108 = tpu.memref_slice %arg2[%dma_wait3A_106, %dma_wait3A_107] : memref<10000x64xbf16, #tpu.memory_space<hbm>> -> memref<10000x64xbf16, #tpu.memory_space<hbm>>
    tpu.wait_indirect_dma semaphore(%arg13 : memref<!tpu.dma_semaphore, #tpu.memory_space<semaphore_mem>>) src(%dma_wait3A_108 : memref<10000x64xbf16, #tpu.memory_space<hbm>>) dst(%dma_wait3A_102 : memref<80x64xbf16, #tpu.memory_space<vmem>>)
    %dma_start3A_109 = arith.constant 4 : i32
    %dma_start3A_110 = arith.constant 4 : i32
    %dma_start3A_111 = arith.constant 0 : i32
    %dma_start3A_112 = arith.constant 0 : i32
    %dma_start3A_113 = tpu.memref_slice %arg10[%dma_start3A_110, %dma_start3A_111, %dma_start3A_112] : memref<5x80x64xbf16, #tpu.memory_space<vmem>> -> memref<1x80x64xbf16, #tpu.memory_space<vmem>>
    %dma_start3A_114 = tpu.memref_squeeze %dma_start3A_113 : memref<1x80x64xbf16, #tpu.memory_space<vmem>> -> memref<80x64xbf16, #tpu.memory_space<vmem>>
    %dma_start3A_115 = arith.constant 0 : i32
    %dma_start3A_116 = tpu.memref_slice %arg7[%dma_start3A_109, %dma_start3A_115] : memref<125x80xi32, #tpu.memory_space<vmem>> -> memref<1x80xi32, #tpu.memory_space<vmem>>
    %dma_start3A_117 = tpu.memref_squeeze %dma_start3A_116 : memref<1x80xi32, #tpu.memory_space<vmem>> -> memref<80xi32, #tpu.memory_space<vmem>>
    %dma_start3A_118 = arith.constant 0 : i32
    %dma_start3A_119 = arith.constant 0 : i32
    %dma_start3A_120 = tpu.memref_slice %arg2[%dma_start3A_118, %dma_start3A_119] : memref<10000x64xbf16, #tpu.memory_space<hbm>> -> memref<10000x64xbf16, #tpu.memory_space<hbm>>
    tpu.enqueue_indirect_dma source(%dma_start3A_120 : memref<10000x64xbf16, #tpu.memory_space<hbm>>) target(%dma_start3A_114 : memref<80x64xbf16, #tpu.memory_space<vmem>>) offsets(%dma_start3A_117 : memref<80xi32, #tpu.memory_space<vmem>>) semaphore(%arg15 : memref<!tpu.dma_semaphore, #tpu.memory_space<semaphore_mem>>)
    %dma_start3A_121 = arith.constant 2 : i32
    %dma_start3A_122 = arith.constant 2 : i32
    %dma_start3A_123 = arith.constant 0 : i32
    %dma_start3A_124 = arith.constant 0 : i32
    %dma_start3A_125 = tpu.memref_slice %arg10[%dma_start3A_121, %dma_start3A_123, %dma_start3A_124] : memref<5x80x64xbf16, #tpu.memory_space<vmem>> -> memref<1x80x64xbf16, #tpu.memory_space<vmem>>
    %dma_start3A_126 = tpu.memref_squeeze %dma_start3A_125 : memref<1x80x64xbf16, #tpu.memory_space<vmem>> -> memref<80x64xbf16, #tpu.memory_space<vmem>>
    %dma_start3A_127 = arith.constant 0 : i32
    %dma_start3A_128 = tpu.memref_slice %arg8[%dma_start3A_122, %dma_start3A_127] : memref<125x80xi32, #tpu.memory_space<vmem>> -> memref<1x80xi32, #tpu.memory_space<vmem>>
    %dma_start3A_129 = tpu.memref_squeeze %dma_start3A_128 : memref<1x80xi32, #tpu.memory_space<vmem>> -> memref<80xi32, #tpu.memory_space<vmem>>
    %dma_start3A_130 = arith.constant 0 : i32
    %dma_start3A_131 = arith.constant 0 : i32
    %dma_start3A_132 = tpu.memref_slice %arg9[%dma_start3A_130, %dma_start3A_131] : memref<10240x64xbf16, #tpu.memory_space<vmem_shared>> -> memref<10240x64xbf16, #tpu.memory_space<vmem_shared>>
    tpu.enqueue_indirect_dma source(%dma_start3A_126 : memref<80x64xbf16, #tpu.memory_space<vmem>>) target(%dma_start3A_132 : memref<10240x64xbf16, #tpu.memory_space<vmem_shared>>) offsets(%dma_start3A_129 : memref<80xi32, #tpu.memory_space<vmem>>) semaphore(%arg18 : memref<!tpu.dma_semaphore, #tpu.memory_space<semaphore_mem>>) {add = true}
    %dma_wait3A_133 = arith.constant 0 : i32
    %dma_wait3A_134 = arith.constant 3 : i32
    %dma_wait3A_135 = arith.constant 0 : i32
    %dma_wait3A_136 = arith.constant 0 : i32
    %dma_wait3A_137 = tpu.memref_slice %arg10[%dma_wait3A_134, %dma_wait3A_135, %dma_wait3A_136] : memref<5x80x64xbf16, #tpu.memory_space<vmem>> -> memref<1x80x64xbf16, #tpu.memory_space<vmem>>
    %dma_wait3A_138 = tpu.memref_squeeze %dma_wait3A_137 : memref<1x80x64xbf16, #tpu.memory_space<vmem>> -> memref<80x64xbf16, #tpu.memory_space<vmem>>
    %dma_wait3A_139 = arith.constant 0 : i32
    %dma_wait3A_140 = tpu.memref_slice %arg7[%dma_wait3A_133, %dma_wait3A_139] : memref<125x80xi32, #tpu.memory_space<vmem>> -> memref<1x80xi32, #tpu.memory_space<vmem>>
    %dma_wait3A_141 = tpu.memref_squeeze %dma_wait3A_140 : memref<1x80xi32, #tpu.memory_space<vmem>> -> memref<80xi32, #tpu.memory_space<vmem>>
    %dma_wait3A_142 = arith.constant 0 : i32
    %dma_wait3A_143 = arith.constant 0 : i32
    %dma_wait3A_144 = tpu.memref_slice %arg2[%dma_wait3A_142, %dma_wait3A_143] : memref<10000x64xbf16, #tpu.memory_space<hbm>> -> memref<10000x64xbf16, #tpu.memory_space<hbm>>
    tpu.wait_indirect_dma semaphore(%arg14 : memref<!tpu.dma_semaphore, #tpu.memory_space<semaphore_mem>>) src(%dma_wait3A_144 : memref<10000x64xbf16, #tpu.memory_space<hbm>>) dst(%dma_wait3A_138 : memref<80x64xbf16, #tpu.memory_space<vmem>>)
    %dma_wait3A_145 = arith.constant 0 : i32
    %dma_wait3A_146 = arith.constant 0 : i32
    %dma_wait3A_147 = arith.constant 0 : i32
    %dma_wait3A_148 = arith.constant 0 : i32
    %dma_wait3A_149 = tpu.memref_slice %arg10[%dma_wait3A_145, %dma_wait3A_147, %dma_wait3A_148] : memref<5x80x64xbf16, #tpu.memory_space<vmem>> -> memref<1x80x64xbf16, #tpu.memory_space<vmem>>
    %dma_wait3A_150 = tpu.memref_squeeze %dma_wait3A_149 : memref<1x80x64xbf16, #tpu.memory_space<vmem>> -> memref<80x64xbf16, #tpu.memory_space<vmem>>
    %dma_wait3A_151 = arith.constant 0 : i32
    %dma_wait3A_152 = tpu.memref_slice %arg8[%dma_wait3A_146, %dma_wait3A_151] : memref<125x80xi32, #tpu.memory_space<vmem>> -> memref<1x80xi32, #tpu.memory_space<vmem>>
    %dma_wait3A_153 = tpu.memref_squeeze %dma_wait3A_152 : memref<1x80xi32, #tpu.memory_space<vmem>> -> memref<80xi32, #tpu.memory_space<vmem>>
    %dma_wait3A_154 = arith.constant 0 : i32
    %dma_wait3A_155 = arith.constant 0 : i32
    %dma_wait3A_156 = tpu.memref_slice %arg9[%dma_wait3A_154, %dma_wait3A_155] : memref<10240x64xbf16, #tpu.memory_space<vmem_shared>> -> memref<10240x64xbf16, #tpu.memory_space<vmem_shared>>
    tpu.wait_indirect_dma semaphore(%arg16 : memref<!tpu.dma_semaphore, #tpu.memory_space<semaphore_mem>>) src(%dma_wait3A_150 : memref<80x64xbf16, #tpu.memory_space<vmem>>) dst(%dma_wait3A_156 : memref<10240x64xbf16, #tpu.memory_space<vmem_shared>>)
    %dma_start3A_157 = arith.constant 5 : i32
    %dma_start3A_158 = arith.constant 0 : i32
    %dma_start3A_159 = arith.constant 0 : i32
    %dma_start3A_160 = arith.constant 0 : i32
    %dma_start3A_161 = tpu.memref_slice %arg10[%dma_start3A_158, %dma_start3A_159, %dma_start3A_160] : memref<5x80x64xbf16, #tpu.memory_space<vmem>> -> memref<1x80x64xbf16, #tpu.memory_space<vmem>>
    %dma_start3A_162 = tpu.memref_squeeze %dma_start3A_161 : memref<1x80x64xbf16, #tpu.memory_space<vmem>> -> memref<80x64xbf16, #tpu.memory_space<vmem>>
    %dma_start3A_163 = arith.constant 0 : i32
    %dma_start3A_164 = tpu.memref_slice %arg7[%dma_start3A_157, %dma_start3A_163] : memref<125x80xi32, #tpu.memory_space<vmem>> -> memref<1x80xi32, #tpu.memory_space<vmem>>
    %dma_start3A_165 = tpu.memref_squeeze %dma_start3A_164 : memref<1x80xi32, #tpu.memory_space<vmem>> -> memref<80xi32, #tpu.memory_space<vmem>>
    %dma_start3A_166 = arith.constant 0 : i32
    %dma_start3A_167 = arith.constant 0 : i32
    %dma_start3A_168 = tpu.memref_slice %arg2[%dma_start3A_166, %dma_start3A_167] : memref<10000x64xbf16, #tpu.memory_space<hbm>> -> memref<10000x64xbf16, #tpu.memory_space<hbm>>
    tpu.enqueue_indirect_dma source(%dma_start3A_168 : memref<10000x64xbf16, #tpu.memory_space<hbm>>) target(%dma_start3A_162 : memref<80x64xbf16, #tpu.memory_space<vmem>>) offsets(%dma_start3A_165 : memref<80xi32, #tpu.memory_space<vmem>>) semaphore(%arg11 : memref<!tpu.dma_semaphore, #tpu.memory_space<semaphore_mem>>)
    %dma_start3A_169 = arith.constant 3 : i32
    %dma_start3A_170 = arith.constant 3 : i32
    %dma_start3A_171 = arith.constant 0 : i32
    %dma_start3A_172 = arith.constant 0 : i32
    %dma_start3A_173 = tpu.memref_slice %arg10[%dma_start3A_169, %dma_start3A_171, %dma_start3A_172] : memref<5x80x64xbf16, #tpu.memory_space<vmem>> -> memref<1x80x64xbf16, #tpu.memory_space<vmem>>
    %dma_start3A_174 = tpu.memref_squeeze %dma_start3A_173 : memref<1x80x64xbf16, #tpu.memory_space<vmem>> -> memref<80x64xbf16, #tpu.memory_space<vmem>>
    %dma_start3A_175 = arith.constant 0 : i32
    %dma_start3A_176 = tpu.memref_slice %arg8[%dma_start3A_170, %dma_start3A_175] : memref<125x80xi32, #tpu.memory_space<vmem>> -> memref<1x80xi32, #tpu.memory_space<vmem>>
    %dma_start3A_177 = tpu.memref_squeeze %dma_start3A_176 : memref<1x80xi32, #tpu.memory_space<vmem>> -> memref<80xi32, #tpu.memory_space<vmem>>
    %dma_start3A_178 = arith.constant 0 : i32
    %dma_start3A_179 = arith.constant 0 : i32
    %dma_start3A_180 = tpu.memref_slice %arg9[%dma_start3A_178, %dma_start3A_179] : memref<10240x64xbf16, #tpu.memory_space<vmem_shared>> -> memref<10240x64xbf16, #tpu.memory_space<vmem_shared>>
    tpu.enqueue_indirect_dma source(%dma_start3A_174 : memref<80x64xbf16, #tpu.memory_space<vmem>>) target(%dma_start3A_180 : memref<10240x64xbf16, #tpu.memory_space<vmem_shared>>) offsets(%dma_start3A_177 : memref<80xi32, #tpu.memory_space<vmem>>) semaphore(%arg19 : memref<!tpu.dma_semaphore, #tpu.memory_space<semaphore_mem>>) {add = true}
    %dma_wait3A_181 = arith.constant 0 : i32
    %dma_wait3A_182 = arith.constant 4 : i32
    %dma_wait3A_183 = arith.constant 0 : i32
    %dma_wait3A_184 = arith.constant 0 : i32
    %dma_wait3A_185 = tpu.memref_slice %arg10[%dma_wait3A_182, %dma_wait3A_183, %dma_wait3A_184] : memref<5x80x64xbf16, #tpu.memory_space<vmem>> -> memref<1x80x64xbf16, #tpu.memory_space<vmem>>
    %dma_wait3A_186 = tpu.memref_squeeze %dma_wait3A_185 : memref<1x80x64xbf16, #tpu.memory_space<vmem>> -> memref<80x64xbf16, #tpu.memory_space<vmem>>
    %dma_wait3A_187 = arith.constant 0 : i32
    %dma_wait3A_188 = tpu.memref_slice %arg7[%dma_wait3A_181, %dma_wait3A_187] : memref<125x80xi32, #tpu.memory_space<vmem>> -> memref<1x80xi32, #tpu.memory_space<vmem>>
    %dma_wait3A_189 = tpu.memref_squeeze %dma_wait3A_188 : memref<1x80xi32, #tpu.memory_space<vmem>> -> memref<80xi32, #tpu.memory_space<vmem>>
    %dma_wait3A_190 = arith.constant 0 : i32
    %dma_wait3A_191 = arith.constant 0 : i32
    %dma_wait3A_192 = tpu.memref_slice %arg2[%dma_wait3A_190, %dma_wait3A_191] : memref<10000x64xbf16, #tpu.memory_space<hbm>> -> memref<10000x64xbf16, #tpu.memory_space<hbm>>
    tpu.wait_indirect_dma semaphore(%arg15 : memref<!tpu.dma_semaphore, #tpu.memory_space<semaphore_mem>>) src(%dma_wait3A_192 : memref<10000x64xbf16, #tpu.memory_space<hbm>>) dst(%dma_wait3A_186 : memref<80x64xbf16, #tpu.memory_space<vmem>>)
    %dma_wait3A_193 = arith.constant 1 : i32
    %dma_wait3A_194 = arith.constant 0 : i32
    %dma_wait3A_195 = arith.constant 0 : i32
    %dma_wait3A_196 = arith.constant 0 : i32
    %dma_wait3A_197 = tpu.memref_slice %arg10[%dma_wait3A_193, %dma_wait3A_195, %dma_wait3A_196] : memref<5x80x64xbf16, #tpu.memory_space<vmem>> -> memref<1x80x64xbf16, #tpu.memory_space<vmem>>
    %dma_wait3A_198 = tpu.memref_squeeze %dma_wait3A_197 : memref<1x80x64xbf16, #tpu.memory_space<vmem>> -> memref<80x64xbf16, #tpu.memory_space<vmem>>
    %dma_wait3A_199 = arith.constant 0 : i32
    %dma_wait3A_200 = tpu.memref_slice %arg8[%dma_wait3A_194, %dma_wait3A_199] : memref<125x80xi32, #tpu.memory_space<vmem>> -> memref<1x80xi32, #tpu.memory_space<vmem>>
    %dma_wait3A_201 = tpu.memref_squeeze %dma_wait3A_200 : memref<1x80xi32, #tpu.memory_space<vmem>> -> memref<80xi32, #tpu.memory_space<vmem>>
    %dma_wait3A_202 = arith.constant 0 : i32
    %dma_wait3A_203 = arith.constant 0 : i32
    %dma_wait3A_204 = tpu.memref_slice %arg9[%dma_wait3A_202, %dma_wait3A_203] : memref<10240x64xbf16, #tpu.memory_space<vmem_shared>> -> memref<10240x64xbf16, #tpu.memory_space<vmem_shared>>
    tpu.wait_indirect_dma semaphore(%arg17 : memref<!tpu.dma_semaphore, #tpu.memory_space<semaphore_mem>>) src(%dma_wait3A_198 : memref<80x64xbf16, #tpu.memory_space<vmem>>) dst(%dma_wait3A_204 : memref<10240x64xbf16, #tpu.memory_space<vmem_shared>>)
    %dma_start3A_205 = arith.constant 6 : i32
    %dma_start3A_206 = arith.constant 1 : i32
    %dma_start3A_207 = arith.constant 0 : i32
    %dma_start3A_208 = arith.constant 0 : i32
    %dma_start3A_209 = tpu.memref_slice %arg10[%dma_start3A_206, %dma_start3A_207, %dma_start3A_208] : memref<5x80x64xbf16, #tpu.memory_space<vmem>> -> memref<1x80x64xbf16, #tpu.memory_space<vmem>>
    %dma_start3A_210 = tpu.memref_squeeze %dma_start3A_209 : memref<1x80x64xbf16, #tpu.memory_space<vmem>> -> memref<80x64xbf16, #tpu.memory_space<vmem>>
    %dma_start3A_211 = arith.constant 0 : i32
    %dma_start3A_212 = tpu.memref_slice %arg7[%dma_start3A_205, %dma_start3A_211] : memref<125x80xi32, #tpu.memory_space<vmem>> -> memref<1x80xi32, #tpu.memory_space<vmem>>
    %dma_start3A_213 = tpu.memref_squeeze %dma_start3A_212 : memref<1x80xi32, #tpu.memory_space<vmem>> -> memref<80xi32, #tpu.memory_space<vmem>>
    %dma_start3A_214 = arith.constant 0 : i32
    %dma_start3A_215 = arith.constant 0 : i32
    %dma_start3A_216 = tpu.memref_slice %arg2[%dma_start3A_214, %dma_start3A_215] : memref<10000x64xbf16, #tpu.memory_space<hbm>> -> memref<10000x64xbf16, #tpu.memory_space<hbm>>
    tpu.enqueue_indirect_dma source(%dma_start3A_216 : memref<10000x64xbf16, #tpu.memory_space<hbm>>) target(%dma_start3A_210 : memref<80x64xbf16, #tpu.memory_space<vmem>>) offsets(%dma_start3A_213 : memref<80xi32, #tpu.memory_space<vmem>>) semaphore(%arg12 : memref<!tpu.dma_semaphore, #tpu.memory_space<semaphore_mem>>)
    %dma_start3A_217 = arith.constant 4 : i32
    %dma_start3A_218 = arith.constant 4 : i32
    %dma_start3A_219 = arith.constant 0 : i32
    %dma_start3A_220 = arith.constant 0 : i32
    %dma_start3A_221 = tpu.memref_slice %arg10[%dma_start3A_217, %dma_start3A_219, %dma_start3A_220] : memref<5x80x64xbf16, #tpu.memory_space<vmem>> -> memref<1x80x64xbf16, #tpu.memory_space<vmem>>
    %dma_start3A_222 = tpu.memref_squeeze %dma_start3A_221 : memref<1x80x64xbf16, #tpu.memory_space<vmem>> -> memref<80x64xbf16, #tpu.memory_space<vmem>>
    %dma_start3A_223 = arith.constant 0 : i32
    %dma_start3A_224 = tpu.memref_slice %arg8[%dma_start3A_218, %dma_start3A_223] : memref<125x80xi32, #tpu.memory_space<vmem>> -> memref<1x80xi32, #tpu.memory_space<vmem>>
    %dma_start3A_225 = tpu.memref_squeeze %dma_start3A_224 : memref<1x80xi32, #tpu.memory_space<vmem>> -> memref<80xi32, #tpu.memory_space<vmem>>
    %dma_start3A_226 = arith.constant 0 : i32
    %dma_start3A_227 = arith.constant 0 : i32
    %dma_start3A_228 = tpu.memref_slice %arg9[%dma_start3A_226, %dma_start3A_227] : memref<10240x64xbf16, #tpu.memory_space<vmem_shared>> -> memref<10240x64xbf16, #tpu.memory_space<vmem_shared>>
    tpu.enqueue_indirect_dma source(%dma_start3A_222 : memref<80x64xbf16, #tpu.memory_space<vmem>>) target(%dma_start3A_228 : memref<10240x64xbf16, #tpu.memory_space<vmem_shared>>) offsets(%dma_start3A_225 : memref<80xi32, #tpu.memory_space<vmem>>) semaphore(%arg20 : memref<!tpu.dma_semaphore, #tpu.memory_space<semaphore_mem>>) {add = true}
    %scan3A = arith.constant 0 : i32
    %scan3A_229 = arith.constant 1 : i32
    %scan3A_230 = arith.constant 23 : i32
    %scan3A_231 = arith.addi %scan3A_229, %scan3A_230 : i32
    %scan3A_232 = arith.constant 1 : i32
    %scan3A_233 = scf.for %scan3A_488 = %scan3A_229 to %scan3A_231 step %scan3A_232 iter_args(%scan3A_489 = %scan3A) -> (i32)  : i32 {
      %mul3A_490 = arith.constant 5 : i32
      %mul3A_491 = arith.muli %mul3A_490, %scan3A_488 : i32
      %add3A_492 = arith.constant 0 : i32
      %add3A_493 = arith.addi %mul3A_491, %add3A_492 : i32
      %dma_wait3A_494 = arith.constant 0 : i32
      %dma_wait3A_495 = arith.constant 0 : i32
      %dma_wait3A_496 = arith.constant 0 : i32
      %dma_wait3A_497 = arith.constant 0 : i32
      %dma_wait3A_498 = tpu.memref_slice %arg10[%dma_wait3A_495, %dma_wait3A_496, %dma_wait3A_497] : memref<5x80x64xbf16, #tpu.memory_space<vmem>> -> memref<1x80x64xbf16, #tpu.memory_space<vmem>>
      %dma_wait3A_499 = tpu.memref_squeeze %dma_wait3A_498 : memref<1x80x64xbf16, #tpu.memory_space<vmem>> -> memref<80x64xbf16, #tpu.memory_space<vmem>>
      %dma_wait3A_500 = arith.constant 0 : i32
      %dma_wait3A_501 = tpu.memref_slice %arg7[%dma_wait3A_494, %dma_wait3A_500] : memref<125x80xi32, #tpu.memory_space<vmem>> -> memref<1x80xi32, #tpu.memory_space<vmem>>
      %dma_wait3A_502 = tpu.memref_squeeze %dma_wait3A_501 : memref<1x80xi32, #tpu.memory_space<vmem>> -> memref<80xi32, #tpu.memory_space<vmem>>
      %dma_wait3A_503 = arith.constant 0 : i32
      %dma_wait3A_504 = arith.constant 0 : i32
      %dma_wait3A_505 = tpu.memref_slice %arg2[%dma_wait3A_503, %dma_wait3A_504] : memref<10000x64xbf16, #tpu.memory_space<hbm>> -> memref<10000x64xbf16, #tpu.memory_space<hbm>>
      tpu.wait_indirect_dma semaphore(%arg11 : memref<!tpu.dma_semaphore, #tpu.memory_space<semaphore_mem>>) src(%dma_wait3A_505 : memref<10000x64xbf16, #tpu.memory_space<hbm>>) dst(%dma_wait3A_499 : memref<80x64xbf16, #tpu.memory_space<vmem>>)
      %dma_wait3A_506 = arith.constant 2 : i32
      %dma_wait3A_507 = arith.constant 0 : i32
      %dma_wait3A_508 = arith.constant 0 : i32
      %dma_wait3A_509 = arith.constant 0 : i32
      %dma_wait3A_510 = tpu.memref_slice %arg10[%dma_wait3A_506, %dma_wait3A_508, %dma_wait3A_509] : memref<5x80x64xbf16, #tpu.memory_space<vmem>> -> memref<1x80x64xbf16, #tpu.memory_space<vmem>>
      %dma_wait3A_511 = tpu.memref_squeeze %dma_wait3A_510 : memref<1x80x64xbf16, #tpu.memory_space<vmem>> -> memref<80x64xbf16, #tpu.memory_space<vmem>>
      %dma_wait3A_512 = arith.constant 0 : i32
      %dma_wait3A_513 = tpu.memref_slice %arg8[%dma_wait3A_507, %dma_wait3A_512] : memref<125x80xi32, #tpu.memory_space<vmem>> -> memref<1x80xi32, #tpu.memory_space<vmem>>
      %dma_wait3A_514 = tpu.memref_squeeze %dma_wait3A_513 : memref<1x80xi32, #tpu.memory_space<vmem>> -> memref<80xi32, #tpu.memory_space<vmem>>
      %dma_wait3A_515 = arith.constant 0 : i32
      %dma_wait3A_516 = arith.constant 0 : i32
      %dma_wait3A_517 = tpu.memref_slice %arg9[%dma_wait3A_515, %dma_wait3A_516] : memref<10240x64xbf16, #tpu.memory_space<vmem_shared>> -> memref<10240x64xbf16, #tpu.memory_space<vmem_shared>>
      tpu.wait_indirect_dma semaphore(%arg18 : memref<!tpu.dma_semaphore, #tpu.memory_space<semaphore_mem>>) src(%dma_wait3A_511 : memref<80x64xbf16, #tpu.memory_space<vmem>>) dst(%dma_wait3A_517 : memref<10240x64xbf16, #tpu.memory_space<vmem_shared>>)
      %add3A_518 = arith.constant 2 : i32
      %add3A_519 = arith.addi %add3A_493, %add3A_518 : i32
      %dma_start3A_520 = arith.constant 2 : i32
      %dma_start3A_521 = arith.constant 0 : i32
      %dma_start3A_522 = arith.constant 0 : i32
      %dma_start3A_523 = tpu.memref_slice %arg10[%dma_start3A_520, %dma_start3A_521, %dma_start3A_522] : memref<5x80x64xbf16, #tpu.memory_space<vmem>> -> memref<1x80x64xbf16, #tpu.memory_space<vmem>>
      %dma_start3A_524 = tpu.memref_squeeze %dma_start3A_523 : memref<1x80x64xbf16, #tpu.memory_space<vmem>> -> memref<80x64xbf16, #tpu.memory_space<vmem>>
      %dma_start3A_525 = arith.constant 0 : i32
      %dma_start3A_526 = tpu.memref_slice %arg7[%add3A_519, %dma_start3A_525] : memref<125x80xi32, #tpu.memory_space<vmem>> -> memref<1x80xi32, #tpu.memory_space<vmem>>
      %dma_start3A_527 = tpu.memref_squeeze %dma_start3A_526 : memref<1x80xi32, #tpu.memory_space<vmem>> -> memref<80xi32, #tpu.memory_space<vmem>>
      %dma_start3A_528 = arith.constant 0 : i32
      %dma_start3A_529 = arith.constant 0 : i32
      %dma_start3A_530 = tpu.memref_slice %arg2[%dma_start3A_528, %dma_start3A_529] : memref<10000x64xbf16, #tpu.memory_space<hbm>> -> memref<10000x64xbf16, #tpu.memory_space<hbm>>
      tpu.enqueue_indirect_dma source(%dma_start3A_530 : memref<10000x64xbf16, #tpu.memory_space<hbm>>) target(%dma_start3A_524 : memref<80x64xbf16, #tpu.memory_space<vmem>>) offsets(%dma_start3A_527 : memref<80xi32, #tpu.memory_space<vmem>>) semaphore(%arg13 : memref<!tpu.dma_semaphore, #tpu.memory_space<semaphore_mem>>)
      %dma_start3A_531 = arith.constant 0 : i32
      %dma_start3A_532 = arith.constant 0 : i32
      %dma_start3A_533 = arith.constant 0 : i32
      %dma_start3A_534 = tpu.memref_slice %arg10[%dma_start3A_531, %dma_start3A_532, %dma_start3A_533] : memref<5x80x64xbf16, #tpu.memory_space<vmem>> -> memref<1x80x64xbf16, #tpu.memory_space<vmem>>
      %dma_start3A_535 = tpu.memref_squeeze %dma_start3A_534 : memref<1x80x64xbf16, #tpu.memory_space<vmem>> -> memref<80x64xbf16, #tpu.memory_space<vmem>>
      %dma_start3A_536 = arith.constant 0 : i32
      %dma_start3A_537 = tpu.memref_slice %arg8[%add3A_493, %dma_start3A_536] : memref<125x80xi32, #tpu.memory_space<vmem>> -> memref<1x80xi32, #tpu.memory_space<vmem>>
      %dma_start3A_538 = tpu.memref_squeeze %dma_start3A_537 : memref<1x80xi32, #tpu.memory_space<vmem>> -> memref<80xi32, #tpu.memory_space<vmem>>
      %dma_start3A_539 = arith.constant 0 : i32
      %dma_start3A_540 = arith.constant 0 : i32
      %dma_start3A_541 = tpu.memref_slice %arg9[%dma_start3A_539, %dma_start3A_540] : memref<10240x64xbf16, #tpu.memory_space<vmem_shared>> -> memref<10240x64xbf16, #tpu.memory_space<vmem_shared>>
      tpu.enqueue_indirect_dma source(%dma_start3A_535 : memref<80x64xbf16, #tpu.memory_space<vmem>>) target(%dma_start3A_541 : memref<10240x64xbf16, #tpu.memory_space<vmem_shared>>) offsets(%dma_start3A_538 : memref<80xi32, #tpu.memory_space<vmem>>) semaphore(%arg16 : memref<!tpu.dma_semaphore, #tpu.memory_space<semaphore_mem>>) {add = true}
      %add3A_542 = arith.constant 1 : i32
      %add3A_543 = arith.addi %mul3A_491, %add3A_542 : i32
      %dma_wait3A_544 = arith.constant 0 : i32
      %dma_wait3A_545 = arith.constant 1 : i32
      %dma_wait3A_546 = arith.constant 0 : i32
      %dma_wait3A_547 = arith.constant 0 : i32
      %dma_wait3A_548 = tpu.memref_slice %arg10[%dma_wait3A_545, %dma_wait3A_546, %dma_wait3A_547] : memref<5x80x64xbf16, #tpu.memory_space<vmem>> -> memref<1x80x64xbf16, #tpu.memory_space<vmem>>
      %dma_wait3A_549 = tpu.memref_squeeze %dma_wait3A_548 : memref<1x80x64xbf16, #tpu.memory_space<vmem>> -> memref<80x64xbf16, #tpu.memory_space<vmem>>
      %dma_wait3A_550 = arith.constant 0 : i32
      %dma_wait3A_551 = tpu.memref_slice %arg7[%dma_wait3A_544, %dma_wait3A_550] : memref<125x80xi32, #tpu.memory_space<vmem>> -> memref<1x80xi32, #tpu.memory_space<vmem>>
      %dma_wait3A_552 = tpu.memref_squeeze %dma_wait3A_551 : memref<1x80xi32, #tpu.memory_space<vmem>> -> memref<80xi32, #tpu.memory_space<vmem>>
      %dma_wait3A_553 = arith.constant 0 : i32
      %dma_wait3A_554 = arith.constant 0 : i32
      %dma_wait3A_555 = tpu.memref_slice %arg2[%dma_wait3A_553, %dma_wait3A_554] : memref<10000x64xbf16, #tpu.memory_space<hbm>> -> memref<10000x64xbf16, #tpu.memory_space<hbm>>
      tpu.wait_indirect_dma semaphore(%arg12 : memref<!tpu.dma_semaphore, #tpu.memory_space<semaphore_mem>>) src(%dma_wait3A_555 : memref<10000x64xbf16, #tpu.memory_space<hbm>>) dst(%dma_wait3A_549 : memref<80x64xbf16, #tpu.memory_space<vmem>>)
      %dma_wait3A_556 = arith.constant 3 : i32
      %dma_wait3A_557 = arith.constant 0 : i32
      %dma_wait3A_558 = arith.constant 0 : i32
      %dma_wait3A_559 = arith.constant 0 : i32
      %dma_wait3A_560 = tpu.memref_slice %arg10[%dma_wait3A_556, %dma_wait3A_558, %dma_wait3A_559] : memref<5x80x64xbf16, #tpu.memory_space<vmem>> -> memref<1x80x64xbf16, #tpu.memory_space<vmem>>
      %dma_wait3A_561 = tpu.memref_squeeze %dma_wait3A_560 : memref<1x80x64xbf16, #tpu.memory_space<vmem>> -> memref<80x64xbf16, #tpu.memory_space<vmem>>
      %dma_wait3A_562 = arith.constant 0 : i32
      %dma_wait3A_563 = tpu.memref_slice %arg8[%dma_wait3A_557, %dma_wait3A_562] : memref<125x80xi32, #tpu.memory_space<vmem>> -> memref<1x80xi32, #tpu.memory_space<vmem>>
      %dma_wait3A_564 = tpu.memref_squeeze %dma_wait3A_563 : memref<1x80xi32, #tpu.memory_space<vmem>> -> memref<80xi32, #tpu.memory_space<vmem>>
      %dma_wait3A_565 = arith.constant 0 : i32
      %dma_wait3A_566 = arith.constant 0 : i32
      %dma_wait3A_567 = tpu.memref_slice %arg9[%dma_wait3A_565, %dma_wait3A_566] : memref<10240x64xbf16, #tpu.memory_space<vmem_shared>> -> memref<10240x64xbf16, #tpu.memory_space<vmem_shared>>
      tpu.wait_indirect_dma semaphore(%arg19 : memref<!tpu.dma_semaphore, #tpu.memory_space<semaphore_mem>>) src(%dma_wait3A_561 : memref<80x64xbf16, #tpu.memory_space<vmem>>) dst(%dma_wait3A_567 : memref<10240x64xbf16, #tpu.memory_space<vmem_shared>>)
      %add3A_568 = arith.constant 2 : i32
      %add3A_569 = arith.addi %add3A_543, %add3A_568 : i32
      %dma_start3A_570 = arith.constant 3 : i32
      %dma_start3A_571 = arith.constant 0 : i32
      %dma_start3A_572 = arith.constant 0 : i32
      %dma_start3A_573 = tpu.memref_slice %arg10[%dma_start3A_570, %dma_start3A_571, %dma_start3A_572] : memref<5x80x64xbf16, #tpu.memory_space<vmem>> -> memref<1x80x64xbf16, #tpu.memory_space<vmem>>
      %dma_start3A_574 = tpu.memref_squeeze %dma_start3A_573 : memref<1x80x64xbf16, #tpu.memory_space<vmem>> -> memref<80x64xbf16, #tpu.memory_space<vmem>>
      %dma_start3A_575 = arith.constant 0 : i32
      %dma_start3A_576 = tpu.memref_slice %arg7[%add3A_569, %dma_start3A_575] : memref<125x80xi32, #tpu.memory_space<vmem>> -> memref<1x80xi32, #tpu.memory_space<vmem>>
      %dma_start3A_577 = tpu.memref_squeeze %dma_start3A_576 : memref<1x80xi32, #tpu.memory_space<vmem>> -> memref<80xi32, #tpu.memory_space<vmem>>
      %dma_start3A_578 = arith.constant 0 : i32
      %dma_start3A_579 = arith.constant 0 : i32
      %dma_start3A_580 = tpu.memref_slice %arg2[%dma_start3A_578, %dma_start3A_579] : memref<10000x64xbf16, #tpu.memory_space<hbm>> -> memref<10000x64xbf16, #tpu.memory_space<hbm>>
      tpu.enqueue_indirect_dma source(%dma_start3A_580 : memref<10000x64xbf16, #tpu.memory_space<hbm>>) target(%dma_start3A_574 : memref<80x64xbf16, #tpu.memory_space<vmem>>) offsets(%dma_start3A_577 : memref<80xi32, #tpu.memory_space<vmem>>) semaphore(%arg14 : memref<!tpu.dma_semaphore, #tpu.memory_space<semaphore_mem>>)
      %dma_start3A_581 = arith.constant 1 : i32
      %dma_start3A_582 = arith.constant 0 : i32
      %dma_start3A_583 = arith.constant 0 : i32
      %dma_start3A_584 = tpu.memref_slice %arg10[%dma_start3A_581, %dma_start3A_582, %dma_start3A_583] : memref<5x80x64xbf16, #tpu.memory_space<vmem>> -> memref<1x80x64xbf16, #tpu.memory_space<vmem>>
      %dma_start3A_585 = tpu.memref_squeeze %dma_start3A_584 : memref<1x80x64xbf16, #tpu.memory_space<vmem>> -> memref<80x64xbf16, #tpu.memory_space<vmem>>
      %dma_start3A_586 = arith.constant 0 : i32
      %dma_start3A_587 = tpu.memref_slice %arg8[%add3A_543, %dma_start3A_586] : memref<125x80xi32, #tpu.memory_space<vmem>> -> memref<1x80xi32, #tpu.memory_space<vmem>>
      %dma_start3A_588 = tpu.memref_squeeze %dma_start3A_587 : memref<1x80xi32, #tpu.memory_space<vmem>> -> memref<80xi32, #tpu.memory_space<vmem>>
      %dma_start3A_589 = arith.constant 0 : i32
      %dma_start3A_590 = arith.constant 0 : i32
      %dma_start3A_591 = tpu.memref_slice %arg9[%dma_start3A_589, %dma_start3A_590] : memref<10240x64xbf16, #tpu.memory_space<vmem_shared>> -> memref<10240x64xbf16, #tpu.memory_space<vmem_shared>>
      tpu.enqueue_indirect_dma source(%dma_start3A_585 : memref<80x64xbf16, #tpu.memory_space<vmem>>) target(%dma_start3A_591 : memref<10240x64xbf16, #tpu.memory_space<vmem_shared>>) offsets(%dma_start3A_588 : memref<80xi32, #tpu.memory_space<vmem>>) semaphore(%arg17 : memref<!tpu.dma_semaphore, #tpu.memory_space<semaphore_mem>>) {add = true}
      %add3A_592 = arith.constant 2 : i32
      %add3A_593 = arith.addi %mul3A_491, %add3A_592 : i32
      %dma_wait3A_594 = arith.constant 0 : i32
      %dma_wait3A_595 = arith.constant 2 : i32
      %dma_wait3A_596 = arith.constant 0 : i32
      %dma_wait3A_597 = arith.constant 0 : i32
      %dma_wait3A_598 = tpu.memref_slice %arg10[%dma_wait3A_595, %dma_wait3A_596, %dma_wait3A_597] : memref<5x80x64xbf16, #tpu.memory_space<vmem>> -> memref<1x80x64xbf16, #tpu.memory_space<vmem>>
      %dma_wait3A_599 = tpu.memref_squeeze %dma_wait3A_598 : memref<1x80x64xbf16, #tpu.memory_space<vmem>> -> memref<80x64xbf16, #tpu.memory_space<vmem>>
      %dma_wait3A_600 = arith.constant 0 : i32
      %dma_wait3A_601 = tpu.memref_slice %arg7[%dma_wait3A_594, %dma_wait3A_600] : memref<125x80xi32, #tpu.memory_space<vmem>> -> memref<1x80xi32, #tpu.memory_space<vmem>>
      %dma_wait3A_602 = tpu.memref_squeeze %dma_wait3A_601 : memref<1x80xi32, #tpu.memory_space<vmem>> -> memref<80xi32, #tpu.memory_space<vmem>>
      %dma_wait3A_603 = arith.constant 0 : i32
      %dma_wait3A_604 = arith.constant 0 : i32
      %dma_wait3A_605 = tpu.memref_slice %arg2[%dma_wait3A_603, %dma_wait3A_604] : memref<10000x64xbf16, #tpu.memory_space<hbm>> -> memref<10000x64xbf16, #tpu.memory_space<hbm>>
      tpu.wait_indirect_dma semaphore(%arg13 : memref<!tpu.dma_semaphore, #tpu.memory_space<semaphore_mem>>) src(%dma_wait3A_605 : memref<10000x64xbf16, #tpu.memory_space<hbm>>) dst(%dma_wait3A_599 : memref<80x64xbf16, #tpu.memory_space<vmem>>)
      %dma_wait3A_606 = arith.constant 4 : i32
      %dma_wait3A_607 = arith.constant 0 : i32
      %dma_wait3A_608 = arith.constant 0 : i32
      %dma_wait3A_609 = arith.constant 0 : i32
      %dma_wait3A_610 = tpu.memref_slice %arg10[%dma_wait3A_606, %dma_wait3A_608, %dma_wait3A_609] : memref<5x80x64xbf16, #tpu.memory_space<vmem>> -> memref<1x80x64xbf16, #tpu.memory_space<vmem>>
      %dma_wait3A_611 = tpu.memref_squeeze %dma_wait3A_610 : memref<1x80x64xbf16, #tpu.memory_space<vmem>> -> memref<80x64xbf16, #tpu.memory_space<vmem>>
      %dma_wait3A_612 = arith.constant 0 : i32
      %dma_wait3A_613 = tpu.memref_slice %arg8[%dma_wait3A_607, %dma_wait3A_612] : memref<125x80xi32, #tpu.memory_space<vmem>> -> memref<1x80xi32, #tpu.memory_space<vmem>>
      %dma_wait3A_614 = tpu.memref_squeeze %dma_wait3A_613 : memref<1x80xi32, #tpu.memory_space<vmem>> -> memref<80xi32, #tpu.memory_space<vmem>>
      %dma_wait3A_615 = arith.constant 0 : i32
      %dma_wait3A_616 = arith.constant 0 : i32
      %dma_wait3A_617 = tpu.memref_slice %arg9[%dma_wait3A_615, %dma_wait3A_616] : memref<10240x64xbf16, #tpu.memory_space<vmem_shared>> -> memref<10240x64xbf16, #tpu.memory_space<vmem_shared>>
      tpu.wait_indirect_dma semaphore(%arg20 : memref<!tpu.dma_semaphore, #tpu.memory_space<semaphore_mem>>) src(%dma_wait3A_611 : memref<80x64xbf16, #tpu.memory_space<vmem>>) dst(%dma_wait3A_617 : memref<10240x64xbf16, #tpu.memory_space<vmem_shared>>)
      %add3A_618 = arith.constant 2 : i32
      %add3A_619 = arith.addi %add3A_593, %add3A_618 : i32
      %dma_start3A_620 = arith.constant 4 : i32
      %dma_start3A_621 = arith.constant 0 : i32
      %dma_start3A_622 = arith.constant 0 : i32
      %dma_start3A_623 = tpu.memref_slice %arg10[%dma_start3A_620, %dma_start3A_621, %dma_start3A_622] : memref<5x80x64xbf16, #tpu.memory_space<vmem>> -> memref<1x80x64xbf16, #tpu.memory_space<vmem>>
      %dma_start3A_624 = tpu.memref_squeeze %dma_start3A_623 : memref<1x80x64xbf16, #tpu.memory_space<vmem>> -> memref<80x64xbf16, #tpu.memory_space<vmem>>
      %dma_start3A_625 = arith.constant 0 : i32
      %dma_start3A_626 = tpu.memref_slice %arg7[%add3A_619, %dma_start3A_625] : memref<125x80xi32, #tpu.memory_space<vmem>> -> memref<1x80xi32, #tpu.memory_space<vmem>>
      %dma_start3A_627 = tpu.memref_squeeze %dma_start3A_626 : memref<1x80xi32, #tpu.memory_space<vmem>> -> memref<80xi32, #tpu.memory_space<vmem>>
      %dma_start3A_628 = arith.constant 0 : i32
      %dma_start3A_629 = arith.constant 0 : i32
      %dma_start3A_630 = tpu.memref_slice %arg2[%dma_start3A_628, %dma_start3A_629] : memref<10000x64xbf16, #tpu.memory_space<hbm>> -> memref<10000x64xbf16, #tpu.memory_space<hbm>>
      tpu.enqueue_indirect_dma source(%dma_start3A_630 : memref<10000x64xbf16, #tpu.memory_space<hbm>>) target(%dma_start3A_624 : memref<80x64xbf16, #tpu.memory_space<vmem>>) offsets(%dma_start3A_627 : memref<80xi32, #tpu.memory_space<vmem>>) semaphore(%arg15 : memref<!tpu.dma_semaphore, #tpu.memory_space<semaphore_mem>>)
      %dma_start3A_631 = arith.constant 2 : i32
      %dma_start3A_632 = arith.constant 0 : i32
      %dma_start3A_633 = arith.constant 0 : i32
      %dma_start3A_634 = tpu.memref_slice %arg10[%dma_start3A_631, %dma_start3A_632, %dma_start3A_633] : memref<5x80x64xbf16, #tpu.memory_space<vmem>> -> memref<1x80x64xbf16, #tpu.memory_space<vmem>>
      %dma_start3A_635 = tpu.memref_squeeze %dma_start3A_634 : memref<1x80x64xbf16, #tpu.memory_space<vmem>> -> memref<80x64xbf16, #tpu.memory_space<vmem>>
      %dma_start3A_636 = arith.constant 0 : i32
      %dma_start3A_637 = tpu.memref_slice %arg8[%add3A_593, %dma_start3A_636] : memref<125x80xi32, #tpu.memory_space<vmem>> -> memref<1x80xi32, #tpu.memory_space<vmem>>
      %dma_start3A_638 = tpu.memref_squeeze %dma_start3A_637 : memref<1x80xi32, #tpu.memory_space<vmem>> -> memref<80xi32, #tpu.memory_space<vmem>>
      %dma_start3A_639 = arith.constant 0 : i32
      %dma_start3A_640 = arith.constant 0 : i32
      %dma_start3A_641 = tpu.memref_slice %arg9[%dma_start3A_639, %dma_start3A_640] : memref<10240x64xbf16, #tpu.memory_space<vmem_shared>> -> memref<10240x64xbf16, #tpu.memory_space<vmem_shared>>
      tpu.enqueue_indirect_dma source(%dma_start3A_635 : memref<80x64xbf16, #tpu.memory_space<vmem>>) target(%dma_start3A_641 : memref<10240x64xbf16, #tpu.memory_space<vmem_shared>>) offsets(%dma_start3A_638 : memref<80xi32, #tpu.memory_space<vmem>>) semaphore(%arg18 : memref<!tpu.dma_semaphore, #tpu.memory_space<semaphore_mem>>) {add = true}
      %add3A_642 = arith.constant 3 : i32
      %add3A_643 = arith.addi %mul3A_491, %add3A_642 : i32
      %dma_wait3A_644 = arith.constant 0 : i32
      %dma_wait3A_645 = arith.constant 3 : i32
      %dma_wait3A_646 = arith.constant 0 : i32
      %dma_wait3A_647 = arith.constant 0 : i32
      %dma_wait3A_648 = tpu.memref_slice %arg10[%dma_wait3A_645, %dma_wait3A_646, %dma_wait3A_647] : memref<5x80x64xbf16, #tpu.memory_space<vmem>> -> memref<1x80x64xbf16, #tpu.memory_space<vmem>>
      %dma_wait3A_649 = tpu.memref_squeeze %dma_wait3A_648 : memref<1x80x64xbf16, #tpu.memory_space<vmem>> -> memref<80x64xbf16, #tpu.memory_space<vmem>>
      %dma_wait3A_650 = arith.constant 0 : i32
      %dma_wait3A_651 = tpu.memref_slice %arg7[%dma_wait3A_644, %dma_wait3A_650] : memref<125x80xi32, #tpu.memory_space<vmem>> -> memref<1x80xi32, #tpu.memory_space<vmem>>
      %dma_wait3A_652 = tpu.memref_squeeze %dma_wait3A_651 : memref<1x80xi32, #tpu.memory_space<vmem>> -> memref<80xi32, #tpu.memory_space<vmem>>
      %dma_wait3A_653 = arith.constant 0 : i32
      %dma_wait3A_654 = arith.constant 0 : i32
      %dma_wait3A_655 = tpu.memref_slice %arg2[%dma_wait3A_653, %dma_wait3A_654] : memref<10000x64xbf16, #tpu.memory_space<hbm>> -> memref<10000x64xbf16, #tpu.memory_space<hbm>>
      tpu.wait_indirect_dma semaphore(%arg14 : memref<!tpu.dma_semaphore, #tpu.memory_space<semaphore_mem>>) src(%dma_wait3A_655 : memref<10000x64xbf16, #tpu.memory_space<hbm>>) dst(%dma_wait3A_649 : memref<80x64xbf16, #tpu.memory_space<vmem>>)
      %dma_wait3A_656 = arith.constant 0 : i32
      %dma_wait3A_657 = arith.constant 0 : i32
      %dma_wait3A_658 = arith.constant 0 : i32
      %dma_wait3A_659 = arith.constant 0 : i32
      %dma_wait3A_660 = tpu.memref_slice %arg10[%dma_wait3A_656, %dma_wait3A_658, %dma_wait3A_659] : memref<5x80x64xbf16, #tpu.memory_space<vmem>> -> memref<1x80x64xbf16, #tpu.memory_space<vmem>>
      %dma_wait3A_661 = tpu.memref_squeeze %dma_wait3A_660 : memref<1x80x64xbf16, #tpu.memory_space<vmem>> -> memref<80x64xbf16, #tpu.memory_space<vmem>>
      %dma_wait3A_662 = arith.constant 0 : i32
      %dma_wait3A_663 = tpu.memref_slice %arg8[%dma_wait3A_657, %dma_wait3A_662] : memref<125x80xi32, #tpu.memory_space<vmem>> -> memref<1x80xi32, #tpu.memory_space<vmem>>
      %dma_wait3A_664 = tpu.memref_squeeze %dma_wait3A_663 : memref<1x80xi32, #tpu.memory_space<vmem>> -> memref<80xi32, #tpu.memory_space<vmem>>
      %dma_wait3A_665 = arith.constant 0 : i32
      %dma_wait3A_666 = arith.constant 0 : i32
      %dma_wait3A_667 = tpu.memref_slice %arg9[%dma_wait3A_665, %dma_wait3A_666] : memref<10240x64xbf16, #tpu.memory_space<vmem_shared>> -> memref<10240x64xbf16, #tpu.memory_space<vmem_shared>>
      tpu.wait_indirect_dma semaphore(%arg16 : memref<!tpu.dma_semaphore, #tpu.memory_space<semaphore_mem>>) src(%dma_wait3A_661 : memref<80x64xbf16, #tpu.memory_space<vmem>>) dst(%dma_wait3A_667 : memref<10240x64xbf16, #tpu.memory_space<vmem_shared>>)
      %add3A_668 = arith.constant 2 : i32
      %add3A_669 = arith.addi %add3A_643, %add3A_668 : i32
      %dma_start3A_670 = arith.constant 0 : i32
      %dma_start3A_671 = arith.constant 0 : i32
      %dma_start3A_672 = arith.constant 0 : i32
      %dma_start3A_673 = tpu.memref_slice %arg10[%dma_start3A_670, %dma_start3A_671, %dma_start3A_672] : memref<5x80x64xbf16, #tpu.memory_space<vmem>> -> memref<1x80x64xbf16, #tpu.memory_space<vmem>>
      %dma_start3A_674 = tpu.memref_squeeze %dma_start3A_673 : memref<1x80x64xbf16, #tpu.memory_space<vmem>> -> memref<80x64xbf16, #tpu.memory_space<vmem>>
      %dma_start3A_675 = arith.constant 0 : i32
      %dma_start3A_676 = tpu.memref_slice %arg7[%add3A_669, %dma_start3A_675] : memref<125x80xi32, #tpu.memory_space<vmem>> -> memref<1x80xi32, #tpu.memory_space<vmem>>
      %dma_start3A_677 = tpu.memref_squeeze %dma_start3A_676 : memref<1x80xi32, #tpu.memory_space<vmem>> -> memref<80xi32, #tpu.memory_space<vmem>>
      %dma_start3A_678 = arith.constant 0 : i32
      %dma_start3A_679 = arith.constant 0 : i32
      %dma_start3A_680 = tpu.memref_slice %arg2[%dma_start3A_678, %dma_start3A_679] : memref<10000x64xbf16, #tpu.memory_space<hbm>> -> memref<10000x64xbf16, #tpu.memory_space<hbm>>
      tpu.enqueue_indirect_dma source(%dma_start3A_680 : memref<10000x64xbf16, #tpu.memory_space<hbm>>) target(%dma_start3A_674 : memref<80x64xbf16, #tpu.memory_space<vmem>>) offsets(%dma_start3A_677 : memref<80xi32, #tpu.memory_space<vmem>>) semaphore(%arg11 : memref<!tpu.dma_semaphore, #tpu.memory_space<semaphore_mem>>)
      %dma_start3A_681 = arith.constant 3 : i32
      %dma_start3A_682 = arith.constant 0 : i32
      %dma_start3A_683 = arith.constant 0 : i32
      %dma_start3A_684 = tpu.memref_slice %arg10[%dma_start3A_681, %dma_start3A_682, %dma_start3A_683] : memref<5x80x64xbf16, #tpu.memory_space<vmem>> -> memref<1x80x64xbf16, #tpu.memory_space<vmem>>
      %dma_start3A_685 = tpu.memref_squeeze %dma_start3A_684 : memref<1x80x64xbf16, #tpu.memory_space<vmem>> -> memref<80x64xbf16, #tpu.memory_space<vmem>>
      %dma_start3A_686 = arith.constant 0 : i32
      %dma_start3A_687 = tpu.memref_slice %arg8[%add3A_643, %dma_start3A_686] : memref<125x80xi32, #tpu.memory_space<vmem>> -> memref<1x80xi32, #tpu.memory_space<vmem>>
      %dma_start3A_688 = tpu.memref_squeeze %dma_start3A_687 : memref<1x80xi32, #tpu.memory_space<vmem>> -> memref<80xi32, #tpu.memory_space<vmem>>
      %dma_start3A_689 = arith.constant 0 : i32
      %dma_start3A_690 = arith.constant 0 : i32
      %dma_start3A_691 = tpu.memref_slice %arg9[%dma_start3A_689, %dma_start3A_690] : memref<10240x64xbf16, #tpu.memory_space<vmem_shared>> -> memref<10240x64xbf16, #tpu.memory_space<vmem_shared>>
      tpu.enqueue_indirect_dma source(%dma_start3A_685 : memref<80x64xbf16, #tpu.memory_space<vmem>>) target(%dma_start3A_691 : memref<10240x64xbf16, #tpu.memory_space<vmem_shared>>) offsets(%dma_start3A_688 : memref<80xi32, #tpu.memory_space<vmem>>) semaphore(%arg19 : memref<!tpu.dma_semaphore, #tpu.memory_space<semaphore_mem>>) {add = true}
      %add3A_692 = arith.constant 4 : i32
      %add3A_693 = arith.addi %mul3A_491, %add3A_692 : i32
      %dma_wait3A_694 = arith.constant 0 : i32
      %dma_wait3A_695 = arith.constant 4 : i32
      %dma_wait3A_696 = arith.constant 0 : i32
      %dma_wait3A_697 = arith.constant 0 : i32
      %dma_wait3A_698 = tpu.memref_slice %arg10[%dma_wait3A_695, %dma_wait3A_696, %dma_wait3A_697] : memref<5x80x64xbf16, #tpu.memory_space<vmem>> -> memref<1x80x64xbf16, #tpu.memory_space<vmem>>
      %dma_wait3A_699 = tpu.memref_squeeze %dma_wait3A_698 : memref<1x80x64xbf16, #tpu.memory_space<vmem>> -> memref<80x64xbf16, #tpu.memory_space<vmem>>
      %dma_wait3A_700 = arith.constant 0 : i32
      %dma_wait3A_701 = tpu.memref_slice %arg7[%dma_wait3A_694, %dma_wait3A_700] : memref<125x80xi32, #tpu.memory_space<vmem>> -> memref<1x80xi32, #tpu.memory_space<vmem>>
      %dma_wait3A_702 = tpu.memref_squeeze %dma_wait3A_701 : memref<1x80xi32, #tpu.memory_space<vmem>> -> memref<80xi32, #tpu.memory_space<vmem>>
      %dma_wait3A_703 = arith.constant 0 : i32
      %dma_wait3A_704 = arith.constant 0 : i32
      %dma_wait3A_705 = tpu.memref_slice %arg2[%dma_wait3A_703, %dma_wait3A_704] : memref<10000x64xbf16, #tpu.memory_space<hbm>> -> memref<10000x64xbf16, #tpu.memory_space<hbm>>
      tpu.wait_indirect_dma semaphore(%arg15 : memref<!tpu.dma_semaphore, #tpu.memory_space<semaphore_mem>>) src(%dma_wait3A_705 : memref<10000x64xbf16, #tpu.memory_space<hbm>>) dst(%dma_wait3A_699 : memref<80x64xbf16, #tpu.memory_space<vmem>>)
      %dma_wait3A_706 = arith.constant 1 : i32
      %dma_wait3A_707 = arith.constant 0 : i32
      %dma_wait3A_708 = arith.constant 0 : i32
      %dma_wait3A_709 = arith.constant 0 : i32
      %dma_wait3A_710 = tpu.memref_slice %arg10[%dma_wait3A_706, %dma_wait3A_708, %dma_wait3A_709] : memref<5x80x64xbf16, #tpu.memory_space<vmem>> -> memref<1x80x64xbf16, #tpu.memory_space<vmem>>
      %dma_wait3A_711 = tpu.memref_squeeze %dma_wait3A_710 : memref<1x80x64xbf16, #tpu.memory_space<vmem>> -> memref<80x64xbf16, #tpu.memory_space<vmem>>
      %dma_wait3A_712 = arith.constant 0 : i32
      %dma_wait3A_713 = tpu.memref_slice %arg8[%dma_wait3A_707, %dma_wait3A_712] : memref<125x80xi32, #tpu.memory_space<vmem>> -> memref<1x80xi32, #tpu.memory_space<vmem>>
      %dma_wait3A_714 = tpu.memref_squeeze %dma_wait3A_713 : memref<1x80xi32, #tpu.memory_space<vmem>> -> memref<80xi32, #tpu.memory_space<vmem>>
      %dma_wait3A_715 = arith.constant 0 : i32
      %dma_wait3A_716 = arith.constant 0 : i32
      %dma_wait3A_717 = tpu.memref_slice %arg9[%dma_wait3A_715, %dma_wait3A_716] : memref<10240x64xbf16, #tpu.memory_space<vmem_shared>> -> memref<10240x64xbf16, #tpu.memory_space<vmem_shared>>
      tpu.wait_indirect_dma semaphore(%arg17 : memref<!tpu.dma_semaphore, #tpu.memory_space<semaphore_mem>>) src(%dma_wait3A_711 : memref<80x64xbf16, #tpu.memory_space<vmem>>) dst(%dma_wait3A_717 : memref<10240x64xbf16, #tpu.memory_space<vmem_shared>>)
      %add3A_718 = arith.constant 2 : i32
      %add3A_719 = arith.addi %add3A_693, %add3A_718 : i32
      %dma_start3A_720 = arith.constant 1 : i32
      %dma_start3A_721 = arith.constant 0 : i32
      %dma_start3A_722 = arith.constant 0 : i32
      %dma_start3A_723 = tpu.memref_slice %arg10[%dma_start3A_720, %dma_start3A_721, %dma_start3A_722] : memref<5x80x64xbf16, #tpu.memory_space<vmem>> -> memref<1x80x64xbf16, #tpu.memory_space<vmem>>
      %dma_start3A_724 = tpu.memref_squeeze %dma_start3A_723 : memref<1x80x64xbf16, #tpu.memory_space<vmem>> -> memref<80x64xbf16, #tpu.memory_space<vmem>>
      %dma_start3A_725 = arith.constant 0 : i32
      %dma_start3A_726 = tpu.memref_slice %arg7[%add3A_719, %dma_start3A_725] : memref<125x80xi32, #tpu.memory_space<vmem>> -> memref<1x80xi32, #tpu.memory_space<vmem>>
      %dma_start3A_727 = tpu.memref_squeeze %dma_start3A_726 : memref<1x80xi32, #tpu.memory_space<vmem>> -> memref<80xi32, #tpu.memory_space<vmem>>
      %dma_start3A_728 = arith.constant 0 : i32
      %dma_start3A_729 = arith.constant 0 : i32
      %dma_start3A_730 = tpu.memref_slice %arg2[%dma_start3A_728, %dma_start3A_729] : memref<10000x64xbf16, #tpu.memory_space<hbm>> -> memref<10000x64xbf16, #tpu.memory_space<hbm>>
      tpu.enqueue_indirect_dma source(%dma_start3A_730 : memref<10000x64xbf16, #tpu.memory_space<hbm>>) target(%dma_start3A_724 : memref<80x64xbf16, #tpu.memory_space<vmem>>) offsets(%dma_start3A_727 : memref<80xi32, #tpu.memory_space<vmem>>) semaphore(%arg12 : memref<!tpu.dma_semaphore, #tpu.memory_space<semaphore_mem>>)
      %dma_start3A_731 = arith.constant 4 : i32
      %dma_start3A_732 = arith.constant 0 : i32
      %dma_start3A_733 = arith.constant 0 : i32
      %dma_start3A_734 = tpu.memref_slice %arg10[%dma_start3A_731, %dma_start3A_732, %dma_start3A_733] : memref<5x80x64xbf16, #tpu.memory_space<vmem>> -> memref<1x80x64xbf16, #tpu.memory_space<vmem>>
      %dma_start3A_735 = tpu.memref_squeeze %dma_start3A_734 : memref<1x80x64xbf16, #tpu.memory_space<vmem>> -> memref<80x64xbf16, #tpu.memory_space<vmem>>
      %dma_start3A_736 = arith.constant 0 : i32
      %dma_start3A_737 = tpu.memref_slice %arg8[%add3A_693, %dma_start3A_736] : memref<125x80xi32, #tpu.memory_space<vmem>> -> memref<1x80xi32, #tpu.memory_space<vmem>>
      %dma_start3A_738 = tpu.memref_squeeze %dma_start3A_737 : memref<1x80xi32, #tpu.memory_space<vmem>> -> memref<80xi32, #tpu.memory_space<vmem>>
      %dma_start3A_739 = arith.constant 0 : i32
      %dma_start3A_740 = arith.constant 0 : i32
      %dma_start3A_741 = tpu.memref_slice %arg9[%dma_start3A_739, %dma_start3A_740] : memref<10240x64xbf16, #tpu.memory_space<vmem_shared>> -> memref<10240x64xbf16, #tpu.memory_space<vmem_shared>>
      tpu.enqueue_indirect_dma source(%dma_start3A_735 : memref<80x64xbf16, #tpu.memory_space<vmem>>) target(%dma_start3A_741 : memref<10240x64xbf16, #tpu.memory_space<vmem_shared>>) offsets(%dma_start3A_738 : memref<80xi32, #tpu.memory_space<vmem>>) semaphore(%arg20 : memref<!tpu.dma_semaphore, #tpu.memory_space<semaphore_mem>>) {add = true}
      %scan3A_742 = arith.constant 0 : i32
      scf.yield %scan3A_742 : i32
    }
    %scan3A_234 = arith.constant 23 : i32
    %dma_wait3A_235 = arith.constant 0 : i32
    %dma_wait3A_236 = arith.constant 0 : i32
    %dma_wait3A_237 = arith.constant 0 : i32
    %dma_wait3A_238 = arith.constant 0 : i32
    %dma_wait3A_239 = tpu.memref_slice %arg10[%dma_wait3A_236, %dma_wait3A_237, %dma_wait3A_238] : memref<5x80x64xbf16, #tpu.memory_space<vmem>> -> memref<1x80x64xbf16, #tpu.memory_space<vmem>>
    %dma_wait3A_240 = tpu.memref_squeeze %dma_wait3A_239 : memref<1x80x64xbf16, #tpu.memory_space<vmem>> -> memref<80x64xbf16, #tpu.memory_space<vmem>>
    %dma_wait3A_241 = arith.constant 0 : i32
    %dma_wait3A_242 = tpu.memref_slice %arg7[%dma_wait3A_235, %dma_wait3A_241] : memref<125x80xi32, #tpu.memory_space<vmem>> -> memref<1x80xi32, #tpu.memory_space<vmem>>
    %dma_wait3A_243 = tpu.memref_squeeze %dma_wait3A_242 : memref<1x80xi32, #tpu.memory_space<vmem>> -> memref<80xi32, #tpu.memory_space<vmem>>
    %dma_wait3A_244 = arith.constant 0 : i32
    %dma_wait3A_245 = arith.constant 0 : i32
    %dma_wait3A_246 = tpu.memref_slice %arg2[%dma_wait3A_244, %dma_wait3A_245] : memref<10000x64xbf16, #tpu.memory_space<hbm>> -> memref<10000x64xbf16, #tpu.memory_space<hbm>>
    tpu.wait_indirect_dma semaphore(%arg11 : memref<!tpu.dma_semaphore, #tpu.memory_space<semaphore_mem>>) src(%dma_wait3A_246 : memref<10000x64xbf16, #tpu.memory_space<hbm>>) dst(%dma_wait3A_240 : memref<80x64xbf16, #tpu.memory_space<vmem>>)
    %dma_wait3A_247 = arith.constant 2 : i32
    %dma_wait3A_248 = arith.constant 0 : i32
    %dma_wait3A_249 = arith.constant 0 : i32
    %dma_wait3A_250 = arith.constant 0 : i32
    %dma_wait3A_251 = tpu.memref_slice %arg10[%dma_wait3A_247, %dma_wait3A_249, %dma_wait3A_250] : memref<5x80x64xbf16, #tpu.memory_space<vmem>> -> memref<1x80x64xbf16, #tpu.memory_space<vmem>>
    %dma_wait3A_252 = tpu.memref_squeeze %dma_wait3A_251 : memref<1x80x64xbf16, #tpu.memory_space<vmem>> -> memref<80x64xbf16, #tpu.memory_space<vmem>>
    %dma_wait3A_253 = arith.constant 0 : i32
    %dma_wait3A_254 = tpu.memref_slice %arg8[%dma_wait3A_248, %dma_wait3A_253] : memref<125x80xi32, #tpu.memory_space<vmem>> -> memref<1x80xi32, #tpu.memory_space<vmem>>
    %dma_wait3A_255 = tpu.memref_squeeze %dma_wait3A_254 : memref<1x80xi32, #tpu.memory_space<vmem>> -> memref<80xi32, #tpu.memory_space<vmem>>
    %dma_wait3A_256 = arith.constant 0 : i32
    %dma_wait3A_257 = arith.constant 0 : i32
    %dma_wait3A_258 = tpu.memref_slice %arg9[%dma_wait3A_256, %dma_wait3A_257] : memref<10240x64xbf16, #tpu.memory_space<vmem_shared>> -> memref<10240x64xbf16, #tpu.memory_space<vmem_shared>>
    tpu.wait_indirect_dma semaphore(%arg18 : memref<!tpu.dma_semaphore, #tpu.memory_space<semaphore_mem>>) src(%dma_wait3A_252 : memref<80x64xbf16, #tpu.memory_space<vmem>>) dst(%dma_wait3A_258 : memref<10240x64xbf16, #tpu.memory_space<vmem_shared>>)
    %dma_start3A_259 = arith.constant 122 : i32
    %dma_start3A_260 = arith.constant 2 : i32
    %dma_start3A_261 = arith.constant 0 : i32
    %dma_start3A_262 = arith.constant 0 : i32
    %dma_start3A_263 = tpu.memref_slice %arg10[%dma_start3A_260, %dma_start3A_261, %dma_start3A_262] : memref<5x80x64xbf16, #tpu.memory_space<vmem>> -> memref<1x80x64xbf16, #tpu.memory_space<vmem>>
    %dma_start3A_264 = tpu.memref_squeeze %dma_start3A_263 : memref<1x80x64xbf16, #tpu.memory_space<vmem>> -> memref<80x64xbf16, #tpu.memory_space<vmem>>
    %dma_start3A_265 = arith.constant 0 : i32
    %dma_start3A_266 = tpu.memref_slice %arg7[%dma_start3A_259, %dma_start3A_265] : memref<125x80xi32, #tpu.memory_space<vmem>> -> memref<1x80xi32, #tpu.memory_space<vmem>>
    %dma_start3A_267 = tpu.memref_squeeze %dma_start3A_266 : memref<1x80xi32, #tpu.memory_space<vmem>> -> memref<80xi32, #tpu.memory_space<vmem>>
    %dma_start3A_268 = arith.constant 0 : i32
    %dma_start3A_269 = arith.constant 0 : i32
    %dma_start3A_270 = tpu.memref_slice %arg2[%dma_start3A_268, %dma_start3A_269] : memref<10000x64xbf16, #tpu.memory_space<hbm>> -> memref<10000x64xbf16, #tpu.memory_space<hbm>>
    tpu.enqueue_indirect_dma source(%dma_start3A_270 : memref<10000x64xbf16, #tpu.memory_space<hbm>>) target(%dma_start3A_264 : memref<80x64xbf16, #tpu.memory_space<vmem>>) offsets(%dma_start3A_267 : memref<80xi32, #tpu.memory_space<vmem>>) semaphore(%arg13 : memref<!tpu.dma_semaphore, #tpu.memory_space<semaphore_mem>>)
    %dma_start3A_271 = arith.constant 0 : i32
    %dma_start3A_272 = arith.constant 120 : i32
    %dma_start3A_273 = arith.constant 0 : i32
    %dma_start3A_274 = arith.constant 0 : i32
    %dma_start3A_275 = tpu.memref_slice %arg10[%dma_start3A_271, %dma_start3A_273, %dma_start3A_274] : memref<5x80x64xbf16, #tpu.memory_space<vmem>> -> memref<1x80x64xbf16, #tpu.memory_space<vmem>>
    %dma_start3A_276 = tpu.memref_squeeze %dma_start3A_275 : memref<1x80x64xbf16, #tpu.memory_space<vmem>> -> memref<80x64xbf16, #tpu.memory_space<vmem>>
    %dma_start3A_277 = arith.constant 0 : i32
    %dma_start3A_278 = tpu.memref_slice %arg8[%dma_start3A_272, %dma_start3A_277] : memref<125x80xi32, #tpu.memory_space<vmem>> -> memref<1x80xi32, #tpu.memory_space<vmem>>
    %dma_start3A_279 = tpu.memref_squeeze %dma_start3A_278 : memref<1x80xi32, #tpu.memory_space<vmem>> -> memref<80xi32, #tpu.memory_space<vmem>>
    %dma_start3A_280 = arith.constant 0 : i32
    %dma_start3A_281 = arith.constant 0 : i32
    %dma_start3A_282 = tpu.memref_slice %arg9[%dma_start3A_280, %dma_start3A_281] : memref<10240x64xbf16, #tpu.memory_space<vmem_shared>> -> memref<10240x64xbf16, #tpu.memory_space<vmem_shared>>
    tpu.enqueue_indirect_dma source(%dma_start3A_276 : memref<80x64xbf16, #tpu.memory_space<vmem>>) target(%dma_start3A_282 : memref<10240x64xbf16, #tpu.memory_space<vmem_shared>>) offsets(%dma_start3A_279 : memref<80xi32, #tpu.memory_space<vmem>>) semaphore(%arg16 : memref<!tpu.dma_semaphore, #tpu.memory_space<semaphore_mem>>) {add = true}
    %dma_wait3A_283 = arith.constant 0 : i32
    %dma_wait3A_284 = arith.constant 1 : i32
    %dma_wait3A_285 = arith.constant 0 : i32
    %dma_wait3A_286 = arith.constant 0 : i32
    %dma_wait3A_287 = tpu.memref_slice %arg10[%dma_wait3A_284, %dma_wait3A_285, %dma_wait3A_286] : memref<5x80x64xbf16, #tpu.memory_space<vmem>> -> memref<1x80x64xbf16, #tpu.memory_space<vmem>>
    %dma_wait3A_288 = tpu.memref_squeeze %dma_wait3A_287 : memref<1x80x64xbf16, #tpu.memory_space<vmem>> -> memref<80x64xbf16, #tpu.memory_space<vmem>>
    %dma_wait3A_289 = arith.constant 0 : i32
    %dma_wait3A_290 = tpu.memref_slice %arg7[%dma_wait3A_283, %dma_wait3A_289] : memref<125x80xi32, #tpu.memory_space<vmem>> -> memref<1x80xi32, #tpu.memory_space<vmem>>
    %dma_wait3A_291 = tpu.memref_squeeze %dma_wait3A_290 : memref<1x80xi32, #tpu.memory_space<vmem>> -> memref<80xi32, #tpu.memory_space<vmem>>
    %dma_wait3A_292 = arith.constant 0 : i32
    %dma_wait3A_293 = arith.constant 0 : i32
    %dma_wait3A_294 = tpu.memref_slice %arg2[%dma_wait3A_292, %dma_wait3A_293] : memref<10000x64xbf16, #tpu.memory_space<hbm>> -> memref<10000x64xbf16, #tpu.memory_space<hbm>>
    tpu.wait_indirect_dma semaphore(%arg12 : memref<!tpu.dma_semaphore, #tpu.memory_space<semaphore_mem>>) src(%dma_wait3A_294 : memref<10000x64xbf16, #tpu.memory_space<hbm>>) dst(%dma_wait3A_288 : memref<80x64xbf16, #tpu.memory_space<vmem>>)
    %dma_wait3A_295 = arith.constant 3 : i32
    %dma_wait3A_296 = arith.constant 0 : i32
    %dma_wait3A_297 = arith.constant 0 : i32
    %dma_wait3A_298 = arith.constant 0 : i32
    %dma_wait3A_299 = tpu.memref_slice %arg10[%dma_wait3A_295, %dma_wait3A_297, %dma_wait3A_298] : memref<5x80x64xbf16, #tpu.memory_space<vmem>> -> memref<1x80x64xbf16, #tpu.memory_space<vmem>>
    %dma_wait3A_300 = tpu.memref_squeeze %dma_wait3A_299 : memref<1x80x64xbf16, #tpu.memory_space<vmem>> -> memref<80x64xbf16, #tpu.memory_space<vmem>>
    %dma_wait3A_301 = arith.constant 0 : i32
    %dma_wait3A_302 = tpu.memref_slice %arg8[%dma_wait3A_296, %dma_wait3A_301] : memref<125x80xi32, #tpu.memory_space<vmem>> -> memref<1x80xi32, #tpu.memory_space<vmem>>
    %dma_wait3A_303 = tpu.memref_squeeze %dma_wait3A_302 : memref<1x80xi32, #tpu.memory_space<vmem>> -> memref<80xi32, #tpu.memory_space<vmem>>
    %dma_wait3A_304 = arith.constant 0 : i32
    %dma_wait3A_305 = arith.constant 0 : i32
    %dma_wait3A_306 = tpu.memref_slice %arg9[%dma_wait3A_304, %dma_wait3A_305] : memref<10240x64xbf16, #tpu.memory_space<vmem_shared>> -> memref<10240x64xbf16, #tpu.memory_space<vmem_shared>>
    tpu.wait_indirect_dma semaphore(%arg19 : memref<!tpu.dma_semaphore, #tpu.memory_space<semaphore_mem>>) src(%dma_wait3A_300 : memref<80x64xbf16, #tpu.memory_space<vmem>>) dst(%dma_wait3A_306 : memref<10240x64xbf16, #tpu.memory_space<vmem_shared>>)
    %dma_start3A_307 = arith.constant 123 : i32
    %dma_start3A_308 = arith.constant 3 : i32
    %dma_start3A_309 = arith.constant 0 : i32
    %dma_start3A_310 = arith.constant 0 : i32
    %dma_start3A_311 = tpu.memref_slice %arg10[%dma_start3A_308, %dma_start3A_309, %dma_start3A_310] : memref<5x80x64xbf16, #tpu.memory_space<vmem>> -> memref<1x80x64xbf16, #tpu.memory_space<vmem>>
    %dma_start3A_312 = tpu.memref_squeeze %dma_start3A_311 : memref<1x80x64xbf16, #tpu.memory_space<vmem>> -> memref<80x64xbf16, #tpu.memory_space<vmem>>
    %dma_start3A_313 = arith.constant 0 : i32
    %dma_start3A_314 = tpu.memref_slice %arg7[%dma_start3A_307, %dma_start3A_313] : memref<125x80xi32, #tpu.memory_space<vmem>> -> memref<1x80xi32, #tpu.memory_space<vmem>>
    %dma_start3A_315 = tpu.memref_squeeze %dma_start3A_314 : memref<1x80xi32, #tpu.memory_space<vmem>> -> memref<80xi32, #tpu.memory_space<vmem>>
    %dma_start3A_316 = arith.constant 0 : i32
    %dma_start3A_317 = arith.constant 0 : i32
    %dma_start3A_318 = tpu.memref_slice %arg2[%dma_start3A_316, %dma_start3A_317] : memref<10000x64xbf16, #tpu.memory_space<hbm>> -> memref<10000x64xbf16, #tpu.memory_space<hbm>>
    tpu.enqueue_indirect_dma source(%dma_start3A_318 : memref<10000x64xbf16, #tpu.memory_space<hbm>>) target(%dma_start3A_312 : memref<80x64xbf16, #tpu.memory_space<vmem>>) offsets(%dma_start3A_315 : memref<80xi32, #tpu.memory_space<vmem>>) semaphore(%arg14 : memref<!tpu.dma_semaphore, #tpu.memory_space<semaphore_mem>>)
    %dma_start3A_319 = arith.constant 1 : i32
    %dma_start3A_320 = arith.constant 121 : i32
    %dma_start3A_321 = arith.constant 0 : i32
    %dma_start3A_322 = arith.constant 0 : i32
    %dma_start3A_323 = tpu.memref_slice %arg10[%dma_start3A_319, %dma_start3A_321, %dma_start3A_322] : memref<5x80x64xbf16, #tpu.memory_space<vmem>> -> memref<1x80x64xbf16, #tpu.memory_space<vmem>>
    %dma_start3A_324 = tpu.memref_squeeze %dma_start3A_323 : memref<1x80x64xbf16, #tpu.memory_space<vmem>> -> memref<80x64xbf16, #tpu.memory_space<vmem>>
    %dma_start3A_325 = arith.constant 0 : i32
    %dma_start3A_326 = tpu.memref_slice %arg8[%dma_start3A_320, %dma_start3A_325] : memref<125x80xi32, #tpu.memory_space<vmem>> -> memref<1x80xi32, #tpu.memory_space<vmem>>
    %dma_start3A_327 = tpu.memref_squeeze %dma_start3A_326 : memref<1x80xi32, #tpu.memory_space<vmem>> -> memref<80xi32, #tpu.memory_space<vmem>>
    %dma_start3A_328 = arith.constant 0 : i32
    %dma_start3A_329 = arith.constant 0 : i32
    %dma_start3A_330 = tpu.memref_slice %arg9[%dma_start3A_328, %dma_start3A_329] : memref<10240x64xbf16, #tpu.memory_space<vmem_shared>> -> memref<10240x64xbf16, #tpu.memory_space<vmem_shared>>
    tpu.enqueue_indirect_dma source(%dma_start3A_324 : memref<80x64xbf16, #tpu.memory_space<vmem>>) target(%dma_start3A_330 : memref<10240x64xbf16, #tpu.memory_space<vmem_shared>>) offsets(%dma_start3A_327 : memref<80xi32, #tpu.memory_space<vmem>>) semaphore(%arg17 : memref<!tpu.dma_semaphore, #tpu.memory_space<semaphore_mem>>) {add = true}
    %dma_wait3A_331 = arith.constant 0 : i32
    %dma_wait3A_332 = arith.constant 2 : i32
    %dma_wait3A_333 = arith.constant 0 : i32
    %dma_wait3A_334 = arith.constant 0 : i32
    %dma_wait3A_335 = tpu.memref_slice %arg10[%dma_wait3A_332, %dma_wait3A_333, %dma_wait3A_334] : memref<5x80x64xbf16, #tpu.memory_space<vmem>> -> memref<1x80x64xbf16, #tpu.memory_space<vmem>>
    %dma_wait3A_336 = tpu.memref_squeeze %dma_wait3A_335 : memref<1x80x64xbf16, #tpu.memory_space<vmem>> -> memref<80x64xbf16, #tpu.memory_space<vmem>>
    %dma_wait3A_337 = arith.constant 0 : i32
    %dma_wait3A_338 = tpu.memref_slice %arg7[%dma_wait3A_331, %dma_wait3A_337] : memref<125x80xi32, #tpu.memory_space<vmem>> -> memref<1x80xi32, #tpu.memory_space<vmem>>
    %dma_wait3A_339 = tpu.memref_squeeze %dma_wait3A_338 : memref<1x80xi32, #tpu.memory_space<vmem>> -> memref<80xi32, #tpu.memory_space<vmem>>
    %dma_wait3A_340 = arith.constant 0 : i32
    %dma_wait3A_341 = arith.constant 0 : i32
    %dma_wait3A_342 = tpu.memref_slice %arg2[%dma_wait3A_340, %dma_wait3A_341] : memref<10000x64xbf16, #tpu.memory_space<hbm>> -> memref<10000x64xbf16, #tpu.memory_space<hbm>>
    tpu.wait_indirect_dma semaphore(%arg13 : memref<!tpu.dma_semaphore, #tpu.memory_space<semaphore_mem>>) src(%dma_wait3A_342 : memref<10000x64xbf16, #tpu.memory_space<hbm>>) dst(%dma_wait3A_336 : memref<80x64xbf16, #tpu.memory_space<vmem>>)
    %dma_wait3A_343 = arith.constant 4 : i32
    %dma_wait3A_344 = arith.constant 0 : i32
    %dma_wait3A_345 = arith.constant 0 : i32
    %dma_wait3A_346 = arith.constant 0 : i32
    %dma_wait3A_347 = tpu.memref_slice %arg10[%dma_wait3A_343, %dma_wait3A_345, %dma_wait3A_346] : memref<5x80x64xbf16, #tpu.memory_space<vmem>> -> memref<1x80x64xbf16, #tpu.memory_space<vmem>>
    %dma_wait3A_348 = tpu.memref_squeeze %dma_wait3A_347 : memref<1x80x64xbf16, #tpu.memory_space<vmem>> -> memref<80x64xbf16, #tpu.memory_space<vmem>>
    %dma_wait3A_349 = arith.constant 0 : i32
    %dma_wait3A_350 = tpu.memref_slice %arg8[%dma_wait3A_344, %dma_wait3A_349] : memref<125x80xi32, #tpu.memory_space<vmem>> -> memref<1x80xi32, #tpu.memory_space<vmem>>
    %dma_wait3A_351 = tpu.memref_squeeze %dma_wait3A_350 : memref<1x80xi32, #tpu.memory_space<vmem>> -> memref<80xi32, #tpu.memory_space<vmem>>
    %dma_wait3A_352 = arith.constant 0 : i32
    %dma_wait3A_353 = arith.constant 0 : i32
    %dma_wait3A_354 = tpu.memref_slice %arg9[%dma_wait3A_352, %dma_wait3A_353] : memref<10240x64xbf16, #tpu.memory_space<vmem_shared>> -> memref<10240x64xbf16, #tpu.memory_space<vmem_shared>>
    tpu.wait_indirect_dma semaphore(%arg20 : memref<!tpu.dma_semaphore, #tpu.memory_space<semaphore_mem>>) src(%dma_wait3A_348 : memref<80x64xbf16, #tpu.memory_space<vmem>>) dst(%dma_wait3A_354 : memref<10240x64xbf16, #tpu.memory_space<vmem_shared>>)
    %dma_start3A_355 = arith.constant 124 : i32
    %dma_start3A_356 = arith.constant 4 : i32
    %dma_start3A_357 = arith.constant 0 : i32
    %dma_start3A_358 = arith.constant 0 : i32
    %dma_start3A_359 = tpu.memref_slice %arg10[%dma_start3A_356, %dma_start3A_357, %dma_start3A_358] : memref<5x80x64xbf16, #tpu.memory_space<vmem>> -> memref<1x80x64xbf16, #tpu.memory_space<vmem>>
    %dma_start3A_360 = tpu.memref_squeeze %dma_start3A_359 : memref<1x80x64xbf16, #tpu.memory_space<vmem>> -> memref<80x64xbf16, #tpu.memory_space<vmem>>
    %dma_start3A_361 = arith.constant 0 : i32
    %dma_start3A_362 = tpu.memref_slice %arg7[%dma_start3A_355, %dma_start3A_361] : memref<125x80xi32, #tpu.memory_space<vmem>> -> memref<1x80xi32, #tpu.memory_space<vmem>>
    %dma_start3A_363 = tpu.memref_squeeze %dma_start3A_362 : memref<1x80xi32, #tpu.memory_space<vmem>> -> memref<80xi32, #tpu.memory_space<vmem>>
    %dma_start3A_364 = arith.constant 0 : i32
    %dma_start3A_365 = arith.constant 0 : i32
    %dma_start3A_366 = tpu.memref_slice %arg2[%dma_start3A_364, %dma_start3A_365] : memref<10000x64xbf16, #tpu.memory_space<hbm>> -> memref<10000x64xbf16, #tpu.memory_space<hbm>>
    tpu.enqueue_indirect_dma source(%dma_start3A_366 : memref<10000x64xbf16, #tpu.memory_space<hbm>>) target(%dma_start3A_360 : memref<80x64xbf16, #tpu.memory_space<vmem>>) offsets(%dma_start3A_363 : memref<80xi32, #tpu.memory_space<vmem>>) semaphore(%arg15 : memref<!tpu.dma_semaphore, #tpu.memory_space<semaphore_mem>>)
    %dma_start3A_367 = arith.constant 2 : i32
    %dma_start3A_368 = arith.constant 122 : i32
    %dma_start3A_369 = arith.constant 0 : i32
    %dma_start3A_370 = arith.constant 0 : i32
    %dma_start3A_371 = tpu.memref_slice %arg10[%dma_start3A_367, %dma_start3A_369, %dma_start3A_370] : memref<5x80x64xbf16, #tpu.memory_space<vmem>> -> memref<1x80x64xbf16, #tpu.memory_space<vmem>>
    %dma_start3A_372 = tpu.memref_squeeze %dma_start3A_371 : memref<1x80x64xbf16, #tpu.memory_space<vmem>> -> memref<80x64xbf16, #tpu.memory_space<vmem>>
    %dma_start3A_373 = arith.constant 0 : i32
    %dma_start3A_374 = tpu.memref_slice %arg8[%dma_start3A_368, %dma_start3A_373] : memref<125x80xi32, #tpu.memory_space<vmem>> -> memref<1x80xi32, #tpu.memory_space<vmem>>
    %dma_start3A_375 = tpu.memref_squeeze %dma_start3A_374 : memref<1x80xi32, #tpu.memory_space<vmem>> -> memref<80xi32, #tpu.memory_space<vmem>>
    %dma_start3A_376 = arith.constant 0 : i32
    %dma_start3A_377 = arith.constant 0 : i32
    %dma_start3A_378 = tpu.memref_slice %arg9[%dma_start3A_376, %dma_start3A_377] : memref<10240x64xbf16, #tpu.memory_space<vmem_shared>> -> memref<10240x64xbf16, #tpu.memory_space<vmem_shared>>
    tpu.enqueue_indirect_dma source(%dma_start3A_372 : memref<80x64xbf16, #tpu.memory_space<vmem>>) target(%dma_start3A_378 : memref<10240x64xbf16, #tpu.memory_space<vmem_shared>>) offsets(%dma_start3A_375 : memref<80xi32, #tpu.memory_space<vmem>>) semaphore(%arg18 : memref<!tpu.dma_semaphore, #tpu.memory_space<semaphore_mem>>) {add = true}
    %dma_wait3A_379 = arith.constant 0 : i32
    %dma_wait3A_380 = arith.constant 3 : i32
    %dma_wait3A_381 = arith.constant 0 : i32
    %dma_wait3A_382 = arith.constant 0 : i32
    %dma_wait3A_383 = tpu.memref_slice %arg10[%dma_wait3A_380, %dma_wait3A_381, %dma_wait3A_382] : memref<5x80x64xbf16, #tpu.memory_space<vmem>> -> memref<1x80x64xbf16, #tpu.memory_space<vmem>>
    %dma_wait3A_384 = tpu.memref_squeeze %dma_wait3A_383 : memref<1x80x64xbf16, #tpu.memory_space<vmem>> -> memref<80x64xbf16, #tpu.memory_space<vmem>>
    %dma_wait3A_385 = arith.constant 0 : i32
    %dma_wait3A_386 = tpu.memref_slice %arg7[%dma_wait3A_379, %dma_wait3A_385] : memref<125x80xi32, #tpu.memory_space<vmem>> -> memref<1x80xi32, #tpu.memory_space<vmem>>
    %dma_wait3A_387 = tpu.memref_squeeze %dma_wait3A_386 : memref<1x80xi32, #tpu.memory_space<vmem>> -> memref<80xi32, #tpu.memory_space<vmem>>
    %dma_wait3A_388 = arith.constant 0 : i32
    %dma_wait3A_389 = arith.constant 0 : i32
    %dma_wait3A_390 = tpu.memref_slice %arg2[%dma_wait3A_388, %dma_wait3A_389] : memref<10000x64xbf16, #tpu.memory_space<hbm>> -> memref<10000x64xbf16, #tpu.memory_space<hbm>>
    tpu.wait_indirect_dma semaphore(%arg14 : memref<!tpu.dma_semaphore, #tpu.memory_space<semaphore_mem>>) src(%dma_wait3A_390 : memref<10000x64xbf16, #tpu.memory_space<hbm>>) dst(%dma_wait3A_384 : memref<80x64xbf16, #tpu.memory_space<vmem>>)
    %dma_wait3A_391 = arith.constant 0 : i32
    %dma_wait3A_392 = arith.constant 0 : i32
    %dma_wait3A_393 = arith.constant 0 : i32
    %dma_wait3A_394 = arith.constant 0 : i32
    %dma_wait3A_395 = tpu.memref_slice %arg10[%dma_wait3A_391, %dma_wait3A_393, %dma_wait3A_394] : memref<5x80x64xbf16, #tpu.memory_space<vmem>> -> memref<1x80x64xbf16, #tpu.memory_space<vmem>>
    %dma_wait3A_396 = tpu.memref_squeeze %dma_wait3A_395 : memref<1x80x64xbf16, #tpu.memory_space<vmem>> -> memref<80x64xbf16, #tpu.memory_space<vmem>>
    %dma_wait3A_397 = arith.constant 0 : i32
    %dma_wait3A_398 = tpu.memref_slice %arg8[%dma_wait3A_392, %dma_wait3A_397] : memref<125x80xi32, #tpu.memory_space<vmem>> -> memref<1x80xi32, #tpu.memory_space<vmem>>
    %dma_wait3A_399 = tpu.memref_squeeze %dma_wait3A_398 : memref<1x80xi32, #tpu.memory_space<vmem>> -> memref<80xi32, #tpu.memory_space<vmem>>
    %dma_wait3A_400 = arith.constant 0 : i32
    %dma_wait3A_401 = arith.constant 0 : i32
    %dma_wait3A_402 = tpu.memref_slice %arg9[%dma_wait3A_400, %dma_wait3A_401] : memref<10240x64xbf16, #tpu.memory_space<vmem_shared>> -> memref<10240x64xbf16, #tpu.memory_space<vmem_shared>>
    tpu.wait_indirect_dma semaphore(%arg16 : memref<!tpu.dma_semaphore, #tpu.memory_space<semaphore_mem>>) src(%dma_wait3A_396 : memref<80x64xbf16, #tpu.memory_space<vmem>>) dst(%dma_wait3A_402 : memref<10240x64xbf16, #tpu.memory_space<vmem_shared>>)
    %dma_start3A_403 = arith.constant 3 : i32
    %dma_start3A_404 = arith.constant 123 : i32
    %dma_start3A_405 = arith.constant 0 : i32
    %dma_start3A_406 = arith.constant 0 : i32
    %dma_start3A_407 = tpu.memref_slice %arg10[%dma_start3A_403, %dma_start3A_405, %dma_start3A_406] : memref<5x80x64xbf16, #tpu.memory_space<vmem>> -> memref<1x80x64xbf16, #tpu.memory_space<vmem>>
    %dma_start3A_408 = tpu.memref_squeeze %dma_start3A_407 : memref<1x80x64xbf16, #tpu.memory_space<vmem>> -> memref<80x64xbf16, #tpu.memory_space<vmem>>
    %dma_start3A_409 = arith.constant 0 : i32
    %dma_start3A_410 = tpu.memref_slice %arg8[%dma_start3A_404, %dma_start3A_409] : memref<125x80xi32, #tpu.memory_space<vmem>> -> memref<1x80xi32, #tpu.memory_space<vmem>>
    %dma_start3A_411 = tpu.memref_squeeze %dma_start3A_410 : memref<1x80xi32, #tpu.memory_space<vmem>> -> memref<80xi32, #tpu.memory_space<vmem>>
    %dma_start3A_412 = arith.constant 0 : i32
    %dma_start3A_413 = arith.constant 0 : i32
    %dma_start3A_414 = tpu.memref_slice %arg9[%dma_start3A_412, %dma_start3A_413] : memref<10240x64xbf16, #tpu.memory_space<vmem_shared>> -> memref<10240x64xbf16, #tpu.memory_space<vmem_shared>>
    tpu.enqueue_indirect_dma source(%dma_start3A_408 : memref<80x64xbf16, #tpu.memory_space<vmem>>) target(%dma_start3A_414 : memref<10240x64xbf16, #tpu.memory_space<vmem_shared>>) offsets(%dma_start3A_411 : memref<80xi32, #tpu.memory_space<vmem>>) semaphore(%arg19 : memref<!tpu.dma_semaphore, #tpu.memory_space<semaphore_mem>>) {add = true}
    %dma_wait3A_415 = arith.constant 0 : i32
    %dma_wait3A_416 = arith.constant 4 : i32
    %dma_wait3A_417 = arith.constant 0 : i32
    %dma_wait3A_418 = arith.constant 0 : i32
    %dma_wait3A_419 = tpu.memref_slice %arg10[%dma_wait3A_416, %dma_wait3A_417, %dma_wait3A_418] : memref<5x80x64xbf16, #tpu.memory_space<vmem>> -> memref<1x80x64xbf16, #tpu.memory_space<vmem>>
    %dma_wait3A_420 = tpu.memref_squeeze %dma_wait3A_419 : memref<1x80x64xbf16, #tpu.memory_space<vmem>> -> memref<80x64xbf16, #tpu.memory_space<vmem>>
    %dma_wait3A_421 = arith.constant 0 : i32
    %dma_wait3A_422 = tpu.memref_slice %arg7[%dma_wait3A_415, %dma_wait3A_421] : memref<125x80xi32, #tpu.memory_space<vmem>> -> memref<1x80xi32, #tpu.memory_space<vmem>>
    %dma_wait3A_423 = tpu.memref_squeeze %dma_wait3A_422 : memref<1x80xi32, #tpu.memory_space<vmem>> -> memref<80xi32, #tpu.memory_space<vmem>>
    %dma_wait3A_424 = arith.constant 0 : i32
    %dma_wait3A_425 = arith.constant 0 : i32
    %dma_wait3A_426 = tpu.memref_slice %arg2[%dma_wait3A_424, %dma_wait3A_425] : memref<10000x64xbf16, #tpu.memory_space<hbm>> -> memref<10000x64xbf16, #tpu.memory_space<hbm>>
    tpu.wait_indirect_dma semaphore(%arg15 : memref<!tpu.dma_semaphore, #tpu.memory_space<semaphore_mem>>) src(%dma_wait3A_426 : memref<10000x64xbf16, #tpu.memory_space<hbm>>) dst(%dma_wait3A_420 : memref<80x64xbf16, #tpu.memory_space<vmem>>)
    %dma_wait3A_427 = arith.constant 1 : i32
    %dma_wait3A_428 = arith.constant 0 : i32
    %dma_wait3A_429 = arith.constant 0 : i32
    %dma_wait3A_430 = arith.constant 0 : i32
    %dma_wait3A_431 = tpu.memref_slice %arg10[%dma_wait3A_427, %dma_wait3A_429, %dma_wait3A_430] : memref<5x80x64xbf16, #tpu.memory_space<vmem>> -> memref<1x80x64xbf16, #tpu.memory_space<vmem>>
    %dma_wait3A_432 = tpu.memref_squeeze %dma_wait3A_431 : memref<1x80x64xbf16, #tpu.memory_space<vmem>> -> memref<80x64xbf16, #tpu.memory_space<vmem>>
    %dma_wait3A_433 = arith.constant 0 : i32
    %dma_wait3A_434 = tpu.memref_slice %arg8[%dma_wait3A_428, %dma_wait3A_433] : memref<125x80xi32, #tpu.memory_space<vmem>> -> memref<1x80xi32, #tpu.memory_space<vmem>>
    %dma_wait3A_435 = tpu.memref_squeeze %dma_wait3A_434 : memref<1x80xi32, #tpu.memory_space<vmem>> -> memref<80xi32, #tpu.memory_space<vmem>>
    %dma_wait3A_436 = arith.constant 0 : i32
    %dma_wait3A_437 = arith.constant 0 : i32
    %dma_wait3A_438 = tpu.memref_slice %arg9[%dma_wait3A_436, %dma_wait3A_437] : memref<10240x64xbf16, #tpu.memory_space<vmem_shared>> -> memref<10240x64xbf16, #tpu.memory_space<vmem_shared>>
    tpu.wait_indirect_dma semaphore(%arg17 : memref<!tpu.dma_semaphore, #tpu.memory_space<semaphore_mem>>) src(%dma_wait3A_432 : memref<80x64xbf16, #tpu.memory_space<vmem>>) dst(%dma_wait3A_438 : memref<10240x64xbf16, #tpu.memory_space<vmem_shared>>)
    %dma_start3A_439 = arith.constant 4 : i32
    %dma_start3A_440 = arith.constant 124 : i32
    %dma_start3A_441 = arith.constant 0 : i32
    %dma_start3A_442 = arith.constant 0 : i32
    %dma_start3A_443 = tpu.memref_slice %arg10[%dma_start3A_439, %dma_start3A_441, %dma_start3A_442] : memref<5x80x64xbf16, #tpu.memory_space<vmem>> -> memref<1x80x64xbf16, #tpu.memory_space<vmem>>
    %dma_start3A_444 = tpu.memref_squeeze %dma_start3A_443 : memref<1x80x64xbf16, #tpu.memory_space<vmem>> -> memref<80x64xbf16, #tpu.memory_space<vmem>>
    %dma_start3A_445 = arith.constant 0 : i32
    %dma_start3A_446 = tpu.memref_slice %arg8[%dma_start3A_440, %dma_start3A_445] : memref<125x80xi32, #tpu.memory_space<vmem>> -> memref<1x80xi32, #tpu.memory_space<vmem>>
    %dma_start3A_447 = tpu.memref_squeeze %dma_start3A_446 : memref<1x80xi32, #tpu.memory_space<vmem>> -> memref<80xi32, #tpu.memory_space<vmem>>
    %dma_start3A_448 = arith.constant 0 : i32
    %dma_start3A_449 = arith.constant 0 : i32
    %dma_start3A_450 = tpu.memref_slice %arg9[%dma_start3A_448, %dma_start3A_449] : memref<10240x64xbf16, #tpu.memory_space<vmem_shared>> -> memref<10240x64xbf16, #tpu.memory_space<vmem_shared>>
    tpu.enqueue_indirect_dma source(%dma_start3A_444 : memref<80x64xbf16, #tpu.memory_space<vmem>>) target(%dma_start3A_450 : memref<10240x64xbf16, #tpu.memory_space<vmem_shared>>) offsets(%dma_start3A_447 : memref<80xi32, #tpu.memory_space<vmem>>) semaphore(%arg20 : memref<!tpu.dma_semaphore, #tpu.memory_space<semaphore_mem>>) {add = true}
    %dma_wait3A_451 = arith.constant 2 : i32
    %dma_wait3A_452 = arith.constant 0 : i32
    %dma_wait3A_453 = arith.constant 0 : i32
    %dma_wait3A_454 = arith.constant 0 : i32
    %dma_wait3A_455 = tpu.memref_slice %arg10[%dma_wait3A_451, %dma_wait3A_453, %dma_wait3A_454] : memref<5x80x64xbf16, #tpu.memory_space<vmem>> -> memref<1x80x64xbf16, #tpu.memory_space<vmem>>
    %dma_wait3A_456 = tpu.memref_squeeze %dma_wait3A_455 : memref<1x80x64xbf16, #tpu.memory_space<vmem>> -> memref<80x64xbf16, #tpu.memory_space<vmem>>
    %dma_wait3A_457 = arith.constant 0 : i32
    %dma_wait3A_458 = tpu.memref_slice %arg8[%dma_wait3A_452, %dma_wait3A_457] : memref<125x80xi32, #tpu.memory_space<vmem>> -> memref<1x80xi32, #tpu.memory_space<vmem>>
    %dma_wait3A_459 = tpu.memref_squeeze %dma_wait3A_458 : memref<1x80xi32, #tpu.memory_space<vmem>> -> memref<80xi32, #tpu.memory_space<vmem>>
    %dma_wait3A_460 = arith.constant 0 : i32
    %dma_wait3A_461 = arith.constant 0 : i32
    %dma_wait3A_462 = tpu.memref_slice %arg9[%dma_wait3A_460, %dma_wait3A_461] : memref<10240x64xbf16, #tpu.memory_space<vmem_shared>> -> memref<10240x64xbf16, #tpu.memory_space<vmem_shared>>
    tpu.wait_indirect_dma semaphore(%arg18 : memref<!tpu.dma_semaphore, #tpu.memory_space<semaphore_mem>>) src(%dma_wait3A_456 : memref<80x64xbf16, #tpu.memory_space<vmem>>) dst(%dma_wait3A_462 : memref<10240x64xbf16, #tpu.memory_space<vmem_shared>>)
    %dma_wait3A_463 = arith.constant 3 : i32
    %dma_wait3A_464 = arith.constant 0 : i32
    %dma_wait3A_465 = arith.constant 0 : i32
    %dma_wait3A_466 = arith.constant 0 : i32
    %dma_wait3A_467 = tpu.memref_slice %arg10[%dma_wait3A_463, %dma_wait3A_465, %dma_wait3A_466] : memref<5x80x64xbf16, #tpu.memory_space<vmem>> -> memref<1x80x64xbf16, #tpu.memory_space<vmem>>
    %dma_wait3A_468 = tpu.memref_squeeze %dma_wait3A_467 : memref<1x80x64xbf16, #tpu.memory_space<vmem>> -> memref<80x64xbf16, #tpu.memory_space<vmem>>
    %dma_wait3A_469 = arith.constant 0 : i32
    %dma_wait3A_470 = tpu.memref_slice %arg8[%dma_wait3A_464, %dma_wait3A_469] : memref<125x80xi32, #tpu.memory_space<vmem>> -> memref<1x80xi32, #tpu.memory_space<vmem>>
    %dma_wait3A_471 = tpu.memref_squeeze %dma_wait3A_470 : memref<1x80xi32, #tpu.memory_space<vmem>> -> memref<80xi32, #tpu.memory_space<vmem>>
    %dma_wait3A_472 = arith.constant 0 : i32
    %dma_wait3A_473 = arith.constant 0 : i32
    %dma_wait3A_474 = tpu.memref_slice %arg9[%dma_wait3A_472, %dma_wait3A_473] : memref<10240x64xbf16, #tpu.memory_space<vmem_shared>> -> memref<10240x64xbf16, #tpu.memory_space<vmem_shared>>
    tpu.wait_indirect_dma semaphore(%arg19 : memref<!tpu.dma_semaphore, #tpu.memory_space<semaphore_mem>>) src(%dma_wait3A_468 : memref<80x64xbf16, #tpu.memory_space<vmem>>) dst(%dma_wait3A_474 : memref<10240x64xbf16, #tpu.memory_space<vmem_shared>>)
    %dma_wait3A_475 = arith.constant 4 : i32
    %dma_wait3A_476 = arith.constant 0 : i32
    %dma_wait3A_477 = arith.constant 0 : i32
    %dma_wait3A_478 = arith.constant 0 : i32
    %dma_wait3A_479 = tpu.memref_slice %arg10[%dma_wait3A_475, %dma_wait3A_477, %dma_wait3A_478] : memref<5x80x64xbf16, #tpu.memory_space<vmem>> -> memref<1x80x64xbf16, #tpu.memory_space<vmem>>
    %dma_wait3A_480 = tpu.memref_squeeze %dma_wait3A_479 : memref<1x80x64xbf16, #tpu.memory_space<vmem>> -> memref<80x64xbf16, #tpu.memory_space<vmem>>
    %dma_wait3A_481 = arith.constant 0 : i32
    %dma_wait3A_482 = tpu.memref_slice %arg8[%dma_wait3A_476, %dma_wait3A_481] : memref<125x80xi32, #tpu.memory_space<vmem>> -> memref<1x80xi32, #tpu.memory_space<vmem>>
    %dma_wait3A_483 = tpu.memref_squeeze %dma_wait3A_482 : memref<1x80xi32, #tpu.memory_space<vmem>> -> memref<80xi32, #tpu.memory_space<vmem>>
    %dma_wait3A_484 = arith.constant 0 : i32
    %dma_wait3A_485 = arith.constant 0 : i32
    %dma_wait3A_486 = tpu.memref_slice %arg9[%dma_wait3A_484, %dma_wait3A_485] : memref<10240x64xbf16, #tpu.memory_space<vmem_shared>> -> memref<10240x64xbf16, #tpu.memory_space<vmem_shared>>
    tpu.wait_indirect_dma semaphore(%arg20 : memref<!tpu.dma_semaphore, #tpu.memory_space<semaphore_mem>>) src(%dma_wait3A_480 : memref<80x64xbf16, #tpu.memory_space<vmem>>) dst(%dma_wait3A_486 : memref<10240x64xbf16, #tpu.memory_space<vmem_shared>>)
    %barrier3A_487 = arith.constant 0 : index
    tpu.barrier barrier_id(%barrier3A_487)
    "tpu.region"() ({
      %run_scoped3A = tpu.sem_alloc : memref<!tpu.dma_semaphore, #tpu.memory_space<semaphore_mem>>
      %dma_start3A_488 = arith.constant 0 : i32
      %dma_start3A_489 = tpu.memref_slice %arg6[%arg0, %mul3A_2, %dma_start3A_488] : memref<2x10240x64xbf16, #tpu.memory_space<hbm>> -> memref<1x640x64xbf16, #tpu.memory_space<hbm>>
      %dma_start3A_490 = tpu.memref_squeeze %dma_start3A_489 : memref<1x640x64xbf16, #tpu.memory_space<hbm>> -> memref<640x64xbf16, #tpu.memory_space<hbm>>
      %dma_start3A_491 = arith.constant 0 : i32
      %dma_start3A_492 = tpu.memref_slice %arg9[%mul3A_2, %dma_start3A_491] : memref<10240x64xbf16, #tpu.memory_space<vmem_shared>> -> memref<640x64xbf16, #tpu.memory_space<vmem_shared>>
      tpu.enqueue_dma source(%dma_start3A_492 : memref<640x64xbf16, #tpu.memory_space<vmem_shared>>) target(%dma_start3A_490 : memref<640x64xbf16, #tpu.memory_space<hbm>>) target_semaphore(%run_scoped3A : memref<!tpu.dma_semaphore, #tpu.memory_space<semaphore_mem>>)
      %dma_wait3A_493 = arith.constant 0 : i32
      %dma_wait3A_494 = tpu.memref_slice %arg6[%arg0, %mul3A_2, %dma_wait3A_493] : memref<2x10240x64xbf16, #tpu.memory_space<hbm>> -> memref<1x640x64xbf16, #tpu.memory_space<hbm>>
      %dma_wait3A_495 = tpu.memref_squeeze %dma_wait3A_494 : memref<1x640x64xbf16, #tpu.memory_space<hbm>> -> memref<640x64xbf16, #tpu.memory_space<hbm>>
      %dma_wait3A_496 = arith.constant 0 : i32
      %dma_wait3A_497 = tpu.memref_slice %arg9[%mul3A_2, %dma_wait3A_496] : memref<10240x64xbf16, #tpu.memory_space<vmem_shared>> -> memref<640x64xbf16, #tpu.memory_space<vmem_shared>>
      tpu.wait_dma2 semaphore(%run_scoped3A : memref<!tpu.dma_semaphore, #tpu.memory_space<semaphore_mem>>) src(%dma_wait3A_497 : memref<640x64xbf16, #tpu.memory_space<vmem_shared>>) dst(%dma_wait3A_495 : memref<640x64xbf16, #tpu.memory_space<hbm>>)
      tpu.yield
    }) : () -> ()
    return
  }
}

module attributes {stable_mosaic.version = 14 : i64} {
  func.func @_tc0_body(%arg0: i32, %arg1: memref<1000x128xf32, #tpu.memory_space<vmem>>, %arg2: memref<128x64xf32, #tpu.memory_space<vmem>>, %arg3: memref<128x64xf32, #tpu.memory_space<vmem>>, %arg4: memref<1x64xf32, #tpu.memory_space<vmem>>, %arg5: memref<1000x64xbf16, #tpu.memory_space<vmem>>, %arg6: memref<1000x64xf32, #tpu.memory_space<vmem>>) attributes {dimension_semantics = [#tpu.dimension_semantics<arbitrary>], iteration_bounds = array<i64: 10>, scalar_prefetch = 0 : i64, scratch_operands = 0 : i64, tpu.core_type = #tpu.core_type<tc>, window_params = [{transform_indices = @transform_0, window_bounds = array<i64: 1000, 128>}, {pipeline_mode = #tpu.pipeline_mode<synchronous>, transform_indices = @transform_1, window_bounds = array<i64: 128, 64>}, {pipeline_mode = #tpu.pipeline_mode<synchronous>, transform_indices = @transform_2, window_bounds = array<i64: 128, 64>}, {pipeline_mode = #tpu.pipeline_mode<synchronous>, transform_indices = @transform_3, window_bounds = array<i64: 1, 64>}, {transform_indices = @transform_4, window_bounds = array<i64: 1000, 64>}, {transform_indices = @transform_5, window_bounds = array<i64: 1000, 64>}]} {
    %get3A = arith.constant 0 : index
    %get3A_0 = arith.constant 0 : index
    %get3A_1 = vector.load %arg1[%get3A, %get3A_0] : memref<1000x128xf32, #tpu.memory_space<vmem>>, vector<1000x128xf32>
    %get3A_2 = arith.constant 0 : index
    %get3A_3 = arith.constant 0 : index
    %get3A_4 = vector.load %arg2[%get3A_2, %get3A_3] : memref<128x64xf32, #tpu.memory_space<vmem>>, vector<128x64xf32>
    %dot_general3A = arith.constant dense<0.000000e+00> : vector<1000x64xf32>
    %dot_general3A_5 = tpu.matmul %get3A_1, %get3A_4, %dot_general3A {dimension_numbers = #tpu.dot_dimension_numbers<[1], [0], [0], [1], [0, 0, 1, 1], [], []>, transpose_lhs_hint = false} : vector<1000x128xf32>, vector<128x64xf32>, vector<1000x64xf32> -> vector<1000x64xf32>
    %convert_element_type3A = arith.truncf %dot_general3A_5 : vector<1000x64xf32> to vector<1000x64xbf16>
    %swap3A = arith.constant 0 : index
    %swap3A_6 = arith.constant 0 : index
    %swap3A_7 = vector.load %arg5[%swap3A, %swap3A_6] : memref<1000x64xbf16, #tpu.memory_space<vmem>>, vector<1000x64xbf16>
    tpu.vector_store %arg5[%swap3A, %swap3A_6], %convert_element_type3A {strides = array<i32>} : memref<1000x64xbf16, #tpu.memory_space<vmem>>, vector<1000x64xbf16>,
    %get3A_8 = arith.constant 0 : index
    %get3A_9 = arith.constant 0 : index
    %get3A_10 = vector.load %arg3[%get3A_8, %get3A_9] : memref<128x64xf32, #tpu.memory_space<vmem>>, vector<128x64xf32>
    %dot_general3A_11 = arith.constant dense<0.000000e+00> : vector<1000x64xf32>
    %dot_general3A_12 = tpu.matmul %get3A_1, %get3A_10, %dot_general3A_11 {dimension_numbers = #tpu.dot_dimension_numbers<[1], [0], [0], [1], [0, 0, 1, 1], [], []>, transpose_lhs_hint = false} : vector<1000x128xf32>, vector<128x64xf32>, vector<1000x64xf32> -> vector<1000x64xf32>
    %get3A_13 = arith.constant 0 : index
    %get3A_14 = arith.constant 0 : index
    %get3A_15 = vector.load %arg4[%get3A_13, %get3A_14] : memref<1x64xf32, #tpu.memory_space<vmem>>, vector<1x64xf32>
    %add3A = vector.broadcast %get3A_15 : vector<1x64xf32> to vector<1000x64xf32>
    %add3A_16 = arith.addf %dot_general3A_12, %add3A : vector<1000x64xf32>
    %swap3A_17 = arith.constant 0 : index
    %swap3A_18 = arith.constant 0 : index
    %swap3A_19 = vector.load %arg6[%swap3A_17, %swap3A_18] : memref<1000x64xf32, #tpu.memory_space<vmem>>, vector<1000x64xf32>
    tpu.vector_store %arg6[%swap3A_17, %swap3A_18], %add3A_16 {strides = array<i32>} : memref<1000x64xf32, #tpu.memory_space<vmem>>, vector<1000x64xf32>,
    return
  }
  func.func @transform_0(%arg0: i32) -> (i32, i32) {
    %c0_i32 = arith.constant 0 : i32
    %c0_i32_0 = arith.constant 0 : i32
    return %arg0, %c0_i32 : i32, i32
  }
  func.func @transform_1(%arg0: i32) -> (i32, i32) {
    %c0_i32 = arith.constant 0 : i32
    %c0_i32_0 = arith.constant 0 : i32
    %c0_i32_1 = arith.constant 0 : i32
    return %c0_i32, %c0_i32_0 : i32, i32
  }
  func.func @transform_2(%arg0: i32) -> (i32, i32) {
    %c0_i32 = arith.constant 0 : i32
    %c0_i32_0 = arith.constant 0 : i32
    %c0_i32_1 = arith.constant 0 : i32
    return %c0_i32, %c0_i32_0 : i32, i32
  }
  func.func @transform_3(%arg0: i32) -> (i32, i32) {
    %c0_i32 = arith.constant 0 : i32
    %c0_i32_0 = arith.constant 0 : i32
    %c0_i32_1 = arith.constant 0 : i32
    return %c0_i32, %c0_i32_0 : i32, i32
  }
  func.func @transform_4(%arg0: i32) -> (i32, i32) {
    %c0_i32 = arith.constant 0 : i32
    %c0_i32_0 = arith.constant 0 : i32
    return %arg0, %c0_i32 : i32, i32
  }
  func.func @transform_5(%arg0: i32) -> (i32, i32) {
    %c0_i32 = arith.constant 0 : i32
    %c0_i32_0 = arith.constant 0 : i32
    return %arg0, %c0_i32 : i32, i32
  }
}

module attributes {stable_mosaic.version = 14 : i64} {
  func.func @_tc_mid_body(%arg0: i32, %arg1: memref<1000x64xf32, #tpu.memory_space<vmem>>, %arg2: memref<2x1000x64xbf16, #tpu.memory_space<vmem>>, %arg3: memref<2x1000x16xf32, #tpu.memory_space<vmem>>, %arg4: memref<2x1000x16xf32, #tpu.memory_space<vmem>>, %arg5: memref<16x64xf32, #tpu.memory_space<vmem>>, %arg6: memref<1x64xf32, #tpu.memory_space<vmem>>, %arg7: memref<64x64xf32, #tpu.memory_space<vmem>>, %arg8: memref<64x64xf32, #tpu.memory_space<vmem>>, %arg9: memref<1x64xf32, #tpu.memory_space<vmem>>, %arg10: memref<1000x64xbf16, #tpu.memory_space<vmem>>, %arg11: memref<1000x64xf32, #tpu.memory_space<vmem>>) attributes {dimension_semantics = [#tpu.dimension_semantics<arbitrary>], iteration_bounds = array<i64: 10>, scalar_prefetch = 0 : i64, scratch_operands = 0 : i64, tpu.core_type = #tpu.core_type<tc>, window_params = [{transform_indices = @transform_0, window_bounds = array<i64: 1000, 64>}, {transform_indices = @transform_1, window_bounds = array<i64: 2, 1000, 64>}, {transform_indices = @transform_2, window_bounds = array<i64: 2, 1000, 16>}, {transform_indices = @transform_3, window_bounds = array<i64: 2, 1000, 16>}, {pipeline_mode = #tpu.pipeline_mode<synchronous>, transform_indices = @transform_4, window_bounds = array<i64: 16, 64>}, {pipeline_mode = #tpu.pipeline_mode<synchronous>, transform_indices = @transform_5, window_bounds = array<i64: 1, 64>}, {pipeline_mode = #tpu.pipeline_mode<synchronous>, transform_indices = @transform_6, window_bounds = array<i64: 64, 64>}, {pipeline_mode = #tpu.pipeline_mode<synchronous>, transform_indices = @transform_7, window_bounds = array<i64: 64, 64>}, {pipeline_mode = #tpu.pipeline_mode<synchronous>, transform_indices = @transform_8, window_bounds = array<i64: 1, 64>}, {transform_indices = @transform_9, window_bounds = array<i64: 1000, 64>}, {transform_indices = @transform_10, window_bounds = array<i64: 1000, 64>}]} {
    %get3A = arith.constant 0 : index
    %get3A_0 = arith.constant 0 : index
    %get3A_1 = arith.constant 0 : index
    %get3A_2 = vector.load %arg2[%get3A, %get3A_0, %get3A_1] : memref<2x1000x64xbf16, #tpu.memory_space<vmem>>, vector<1x1000x64xbf16>
    %get3A_3 = vector.shape_cast %get3A_2 : vector<1x1000x64xbf16> to vector<1000x64xbf16>
    %convert_element_type3A = arith.extf %get3A_3 : vector<1000x64xbf16> to vector<1000x64xf32>
    %get3A_4 = arith.constant 1 : index
    %get3A_5 = arith.constant 0 : index
    %get3A_6 = arith.constant 0 : index
    %get3A_7 = vector.load %arg2[%get3A_4, %get3A_5, %get3A_6] : memref<2x1000x64xbf16, #tpu.memory_space<vmem>>, vector<1x1000x64xbf16>
    %get3A_8 = vector.shape_cast %get3A_7 : vector<1x1000x64xbf16> to vector<1000x64xbf16>
    %convert_element_type3A_9 = arith.extf %get3A_8 : vector<1000x64xbf16> to vector<1000x64xf32>
    %add3A = arith.addf %convert_element_type3A, %convert_element_type3A_9 : vector<1000x64xf32>
    %get3A_10 = arith.constant 0 : index
    %get3A_11 = arith.constant 0 : index
    %get3A_12 = arith.constant 0 : index
    %get3A_13 = vector.load %arg3[%get3A_10, %get3A_11, %get3A_12] : memref<2x1000x16xf32, #tpu.memory_space<vmem>>, vector<1x1000x16xf32>
    %get3A_14 = vector.shape_cast %get3A_13 : vector<1x1000x16xf32> to vector<1000x16xf32>
    %get3A_15 = arith.constant 1 : index
    %get3A_16 = arith.constant 0 : index
    %get3A_17 = arith.constant 0 : index
    %get3A_18 = vector.load %arg3[%get3A_15, %get3A_16, %get3A_17] : memref<2x1000x16xf32, #tpu.memory_space<vmem>>, vector<1x1000x16xf32>
    %get3A_19 = vector.shape_cast %get3A_18 : vector<1x1000x16xf32> to vector<1000x16xf32>
    %add3A_20 = arith.addf %get3A_14, %get3A_19 : vector<1000x16xf32>
    %get3A_21 = arith.constant 0 : index
    %get3A_22 = arith.constant 0 : index
    %get3A_23 = arith.constant 0 : index
    %get3A_24 = vector.load %arg4[%get3A_21, %get3A_22, %get3A_23] : memref<2x1000x16xf32, #tpu.memory_space<vmem>>, vector<1x1000x1xf32>
    %get3A_25 = vector.shape_cast %get3A_24 : vector<1x1000x1xf32> to vector<1000x1xf32>
    %get3A_26 = arith.constant 1 : index
    %get3A_27 = arith.constant 0 : index
    %get3A_28 = arith.constant 0 : index
    %get3A_29 = vector.load %arg4[%get3A_26, %get3A_27, %get3A_28] : memref<2x1000x16xf32, #tpu.memory_space<vmem>>, vector<1x1000x1xf32>
    %get3A_30 = vector.shape_cast %get3A_29 : vector<1x1000x1xf32> to vector<1000x1xf32>
    %add3A_31 = arith.addf %get3A_25, %get3A_30 : vector<1000x1xf32>
    %max3A = arith.constant 1.000000e+00 : f32
    %max3A_32 = vector.broadcast %max3A : f32 to vector<1000x1xf32>
    %max3A_33 = arith.maximumf %add3A_31, %max3A_32 : vector<1000x1xf32>
    %min3A = arith.constant 1.000000e+00 : f32
    %min3A_34 = vector.broadcast %min3A : f32 to vector<1000x1xf32>
    %min3A_35 = arith.minimumf %add3A_31, %min3A_34 : vector<1000x1xf32>
    %get3A_36 = arith.constant 0 : index
    %get3A_37 = arith.constant 0 : index
    %get3A_38 = vector.load %arg5[%get3A_36, %get3A_37] : memref<16x64xf32, #tpu.memory_space<vmem>>, vector<16x64xf32>
    %dot_general3A = arith.constant dense<0.000000e+00> : vector<1000x64xf32>
    %dot_general3A_39 = tpu.matmul %add3A_20, %get3A_38, %dot_general3A {dimension_numbers = #tpu.dot_dimension_numbers<[1], [0], [0], [1], [0, 0, 1, 1], [], []>, transpose_lhs_hint = false} : vector<1000x16xf32>, vector<16x64xf32>, vector<1000x64xf32> -> vector<1000x64xf32>
    %add3A_40 = arith.addf %add3A, %dot_general3A_39 : vector<1000x64xf32>
    %div3A = vector.broadcast %max3A_33 : vector<1000x1xf32> to vector<1000x64xf32>
    %div3A_41 = arith.divf %add3A_40, %div3A : vector<1000x64xf32>
    %get3A_42 = arith.constant 0 : index
    %get3A_43 = arith.constant 0 : index
    %get3A_44 = vector.load %arg1[%get3A_42, %get3A_43] : memref<1000x64xf32, #tpu.memory_space<vmem>>, vector<1000x64xf32>
    %add3A_45 = arith.addf %get3A_44, %div3A_41 : vector<1000x64xf32>
    %get3A_46 = arith.constant 0 : index
    %get3A_47 = arith.constant 0 : index
    %get3A_48 = vector.load %arg6[%get3A_46, %get3A_47] : memref<1x64xf32, #tpu.memory_space<vmem>>, vector<1x64xf32>
    %mul3A = vector.broadcast %min3A_35 : vector<1000x1xf32> to vector<1000x64xf32>
    %mul3A_49 = vector.broadcast %get3A_48 : vector<1x64xf32> to vector<1000x64xf32>
    %mul3A_50 = arith.mulf %mul3A, %mul3A_49 : vector<1000x64xf32>
    %add3A_51 = arith.addf %add3A_45, %mul3A_50 : vector<1000x64xf32>
    %max3A_52 = arith.constant 0.000000e+00 : f32
    %max3A_53 = vector.broadcast %max3A_52 : f32 to vector<1000x64xf32>
    %max3A_54 = arith.maximumf %add3A_51, %max3A_53 : vector<1000x64xf32>
    %get3A_55 = arith.constant 0 : index
    %get3A_56 = arith.constant 0 : index
    %get3A_57 = vector.load %arg7[%get3A_55, %get3A_56] : memref<64x64xf32, #tpu.memory_space<vmem>>, vector<64x64xf32>
    %dot_general3A_58 = arith.constant dense<0.000000e+00> : vector<1000x64xf32>
    %dot_general3A_59 = tpu.matmul %max3A_54, %get3A_57, %dot_general3A_58 {dimension_numbers = #tpu.dot_dimension_numbers<[1], [0], [0], [1], [0, 0, 1, 1], [], []>, transpose_lhs_hint = false} : vector<1000x64xf32>, vector<64x64xf32>, vector<1000x64xf32> -> vector<1000x64xf32>
    %convert_element_type3A_60 = arith.truncf %dot_general3A_59 : vector<1000x64xf32> to vector<1000x64xbf16>
    %swap3A = arith.constant 0 : index
    %swap3A_61 = arith.constant 0 : index
    %swap3A_62 = vector.load %arg10[%swap3A, %swap3A_61] : memref<1000x64xbf16, #tpu.memory_space<vmem>>, vector<1000x64xbf16>
    tpu.vector_store %arg10[%swap3A, %swap3A_61], %convert_element_type3A_60 {strides = array<i32>} : memref<1000x64xbf16, #tpu.memory_space<vmem>>, vector<1000x64xbf16>,
    %get3A_63 = arith.constant 0 : index
    %get3A_64 = arith.constant 0 : index
    %get3A_65 = vector.load %arg8[%get3A_63, %get3A_64] : memref<64x64xf32, #tpu.memory_space<vmem>>, vector<64x64xf32>
    %dot_general3A_66 = arith.constant dense<0.000000e+00> : vector<1000x64xf32>
    %dot_general3A_67 = tpu.matmul %max3A_54, %get3A_65, %dot_general3A_66 {dimension_numbers = #tpu.dot_dimension_numbers<[1], [0], [0], [1], [0, 0, 1, 1], [], []>, transpose_lhs_hint = false} : vector<1000x64xf32>, vector<64x64xf32>, vector<1000x64xf32> -> vector<1000x64xf32>
    %get3A_68 = arith.constant 0 : index
    %get3A_69 = arith.constant 0 : index
    %get3A_70 = vector.load %arg9[%get3A_68, %get3A_69] : memref<1x64xf32, #tpu.memory_space<vmem>>, vector<1x64xf32>
    %add3A_71 = vector.broadcast %get3A_70 : vector<1x64xf32> to vector<1000x64xf32>
    %add3A_72 = arith.addf %dot_general3A_67, %add3A_71 : vector<1000x64xf32>
    %swap3A_73 = arith.constant 0 : index
    %swap3A_74 = arith.constant 0 : index
    %swap3A_75 = vector.load %arg11[%swap3A_73, %swap3A_74] : memref<1000x64xf32, #tpu.memory_space<vmem>>, vector<1000x64xf32>
    tpu.vector_store %arg11[%swap3A_73, %swap3A_74], %add3A_72 {strides = array<i32>} : memref<1000x64xf32, #tpu.memory_space<vmem>>, vector<1000x64xf32>,
    return
  }
  func.func @transform_0(%arg0: i32) -> (i32, i32) {
    %c0_i32 = arith.constant 0 : i32
    %c0_i32_0 = arith.constant 0 : i32
    return %arg0, %c0_i32 : i32, i32
  }
  func.func @transform_1(%arg0: i32) -> (i32, i32, i32) {
    %c0_i32 = arith.constant 0 : i32
    %c0_i32_0 = arith.constant 0 : i32
    %c0_i32_1 = arith.constant 0 : i32
    return %c0_i32, %arg0, %c0_i32_0 : i32, i32, i32
  }
  func.func @transform_2(%arg0: i32) -> (i32, i32, i32) {
    %c0_i32 = arith.constant 0 : i32
    %c0_i32_0 = arith.constant 0 : i32
    %c0_i32_1 = arith.constant 0 : i32
    return %c0_i32, %arg0, %c0_i32_0 : i32, i32, i32
  }
  func.func @transform_3(%arg0: i32) -> (i32, i32, i32) {
    %c0_i32 = arith.constant 0 : i32
    %c0_i32_0 = arith.constant 0 : i32
    %c0_i32_1 = arith.constant 0 : i32
    return %c0_i32, %arg0, %c0_i32_0 : i32, i32, i32
  }
  func.func @transform_4(%arg0: i32) -> (i32, i32) {
    %c0_i32 = arith.constant 0 : i32
    %c0_i32_0 = arith.constant 0 : i32
    %c0_i32_1 = arith.constant 0 : i32
    return %c0_i32, %c0_i32_0 : i32, i32
  }
  func.func @transform_5(%arg0: i32) -> (i32, i32) {
    %c0_i32 = arith.constant 0 : i32
    %c0_i32_0 = arith.constant 0 : i32
    %c0_i32_1 = arith.constant 0 : i32
    return %c0_i32, %c0_i32_0 : i32, i32
  }
  func.func @transform_6(%arg0: i32) -> (i32, i32) {
    %c0_i32 = arith.constant 0 : i32
    %c0_i32_0 = arith.constant 0 : i32
    %c0_i32_1 = arith.constant 0 : i32
    return %c0_i32, %c0_i32_0 : i32, i32
  }
  func.func @transform_7(%arg0: i32) -> (i32, i32) {
    %c0_i32 = arith.constant 0 : i32
    %c0_i32_0 = arith.constant 0 : i32
    %c0_i32_1 = arith.constant 0 : i32
    return %c0_i32, %c0_i32_0 : i32, i32
  }
  func.func @transform_8(%arg0: i32) -> (i32, i32) {
    %c0_i32 = arith.constant 0 : i32
    %c0_i32_0 = arith.constant 0 : i32
    %c0_i32_1 = arith.constant 0 : i32
    return %c0_i32, %c0_i32_0 : i32, i32
  }
  func.func @transform_9(%arg0: i32) -> (i32, i32) {
    %c0_i32 = arith.constant 0 : i32
    %c0_i32_0 = arith.constant 0 : i32
    return %arg0, %c0_i32 : i32, i32
  }
  func.func @transform_10(%arg0: i32) -> (i32, i32) {
    %c0_i32 = arith.constant 0 : i32
    %c0_i32_0 = arith.constant 0 : i32
    return %arg0, %c0_i32 : i32, i32
  }
}

module attributes {stable_mosaic.version = 14 : i64} {
  func.func @_tc_final_body(%arg0: i32, %arg1: memref<1000x64xf32, #tpu.memory_space<vmem>>, %arg2: memref<2x1000x64xbf16, #tpu.memory_space<vmem>>, %arg3: memref<2x1000x16xf32, #tpu.memory_space<vmem>>, %arg4: memref<2x1000x16xf32, #tpu.memory_space<vmem>>, %arg5: memref<1000x1xi32, #tpu.memory_space<vmem>>, %arg6: memref<16x64xf32, #tpu.memory_space<vmem>>, %arg7: memref<1x64xf32, #tpu.memory_space<vmem>>, %arg8: memref<64x3xf32, #tpu.memory_space<vmem>>, %arg9: memref<1x3xf32, #tpu.memory_space<vmem>>, %arg10: memref<64x3xf32, #tpu.memory_space<vmem>>, %arg11: memref<64x64xf32, #tpu.memory_space<vmem>>, %arg12: memref<64x1xf32, #tpu.memory_space<vmem>>) attributes {dimension_semantics = [#tpu.dimension_semantics<arbitrary>], iteration_bounds = array<i64: 10>, scalar_prefetch = 0 : i64, scratch_operands = 2 : i64, tpu.core_type = #tpu.core_type<tc>, window_params = [{transform_indices = @transform_0, window_bounds = array<i64: 1000, 64>}, {transform_indices = @transform_1, window_bounds = array<i64: 2, 1000, 64>}, {transform_indices = @transform_2, window_bounds = array<i64: 2, 1000, 16>}, {transform_indices = @transform_3, window_bounds = array<i64: 2, 1000, 16>}, {transform_indices = @transform_4, window_bounds = array<i64: 1000, 1>}, {pipeline_mode = #tpu.pipeline_mode<synchronous>, transform_indices = @transform_5, window_bounds = array<i64: 16, 64>}, {pipeline_mode = #tpu.pipeline_mode<synchronous>, transform_indices = @transform_6, window_bounds = array<i64: 1, 64>}, {pipeline_mode = #tpu.pipeline_mode<synchronous>, transform_indices = @transform_7, window_bounds = array<i64: 64, 3>}, {pipeline_mode = #tpu.pipeline_mode<synchronous>, transform_indices = @transform_8, window_bounds = array<i64: 1, 3>}, {pipeline_mode = #tpu.pipeline_mode<synchronous>, transform_indices = @transform_9, window_bounds = array<i64: 64, 3>}]} {
    %get3A = arith.constant 0 : index
    %get3A_0 = arith.constant 0 : index
    %get3A_1 = arith.constant 0 : index
    %get3A_2 = vector.load %arg2[%get3A, %get3A_0, %get3A_1] : memref<2x1000x64xbf16, #tpu.memory_space<vmem>>, vector<1x1000x64xbf16>
    %get3A_3 = vector.shape_cast %get3A_2 : vector<1x1000x64xbf16> to vector<1000x64xbf16>
    %convert_element_type3A = arith.extf %get3A_3 : vector<1000x64xbf16> to vector<1000x64xf32>
    %get3A_4 = arith.constant 1 : index
    %get3A_5 = arith.constant 0 : index
    %get3A_6 = arith.constant 0 : index
    %get3A_7 = vector.load %arg2[%get3A_4, %get3A_5, %get3A_6] : memref<2x1000x64xbf16, #tpu.memory_space<vmem>>, vector<1x1000x64xbf16>
    %get3A_8 = vector.shape_cast %get3A_7 : vector<1x1000x64xbf16> to vector<1000x64xbf16>
    %convert_element_type3A_9 = arith.extf %get3A_8 : vector<1000x64xbf16> to vector<1000x64xf32>
    %add3A = arith.addf %convert_element_type3A, %convert_element_type3A_9 : vector<1000x64xf32>
    %get3A_10 = arith.constant 0 : index
    %get3A_11 = arith.constant 0 : index
    %get3A_12 = arith.constant 0 : index
    %get3A_13 = vector.load %arg3[%get3A_10, %get3A_11, %get3A_12] : memref<2x1000x16xf32, #tpu.memory_space<vmem>>, vector<1x1000x16xf32>
    %get3A_14 = vector.shape_cast %get3A_13 : vector<1x1000x16xf32> to vector<1000x16xf32>
    %get3A_15 = arith.constant 1 : index
    %get3A_16 = arith.constant 0 : index
    %get3A_17 = arith.constant 0 : index
    %get3A_18 = vector.load %arg3[%get3A_15, %get3A_16, %get3A_17] : memref<2x1000x16xf32, #tpu.memory_space<vmem>>, vector<1x1000x16xf32>
    %get3A_19 = vector.shape_cast %get3A_18 : vector<1x1000x16xf32> to vector<1000x16xf32>
    %add3A_20 = arith.addf %get3A_14, %get3A_19 : vector<1000x16xf32>
    %get3A_21 = arith.constant 0 : index
    %get3A_22 = arith.constant 0 : index
    %get3A_23 = arith.constant 0 : index
    %get3A_24 = vector.load %arg4[%get3A_21, %get3A_22, %get3A_23] : memref<2x1000x16xf32, #tpu.memory_space<vmem>>, vector<1x1000x1xf32>
    %get3A_25 = vector.shape_cast %get3A_24 : vector<1x1000x1xf32> to vector<1000x1xf32>
    %get3A_26 = arith.constant 1 : index
    %get3A_27 = arith.constant 0 : index
    %get3A_28 = arith.constant 0 : index
    %get3A_29 = vector.load %arg4[%get3A_26, %get3A_27, %get3A_28] : memref<2x1000x16xf32, #tpu.memory_space<vmem>>, vector<1x1000x1xf32>
    %get3A_30 = vector.shape_cast %get3A_29 : vector<1x1000x1xf32> to vector<1000x1xf32>
    %add3A_31 = arith.addf %get3A_25, %get3A_30 : vector<1000x1xf32>
    %max3A = arith.constant 1.000000e+00 : f32
    %max3A_32 = vector.broadcast %max3A : f32 to vector<1000x1xf32>
    %max3A_33 = arith.maximumf %add3A_31, %max3A_32 : vector<1000x1xf32>
    %min3A = arith.constant 1.000000e+00 : f32
    %min3A_34 = vector.broadcast %min3A : f32 to vector<1000x1xf32>
    %min3A_35 = arith.minimumf %add3A_31, %min3A_34 : vector<1000x1xf32>
    %get3A_36 = arith.constant 0 : index
    %get3A_37 = arith.constant 0 : index
    %get3A_38 = vector.load %arg6[%get3A_36, %get3A_37] : memref<16x64xf32, #tpu.memory_space<vmem>>, vector<16x64xf32>
    %dot_general3A = arith.constant dense<0.000000e+00> : vector<1000x64xf32>
    %dot_general3A_39 = tpu.matmul %add3A_20, %get3A_38, %dot_general3A {dimension_numbers = #tpu.dot_dimension_numbers<[1], [0], [0], [1], [0, 0, 1, 1], [], []>, transpose_lhs_hint = false} : vector<1000x16xf32>, vector<16x64xf32>, vector<1000x64xf32> -> vector<1000x64xf32>
    %add3A_40 = arith.addf %add3A, %dot_general3A_39 : vector<1000x64xf32>
    %div3A = vector.broadcast %max3A_33 : vector<1000x1xf32> to vector<1000x64xf32>
    %div3A_41 = arith.divf %add3A_40, %div3A : vector<1000x64xf32>
    %get3A_42 = arith.constant 0 : index
    %get3A_43 = arith.constant 0 : index
    %get3A_44 = vector.load %arg1[%get3A_42, %get3A_43] : memref<1000x64xf32, #tpu.memory_space<vmem>>, vector<1000x64xf32>
    %add3A_45 = arith.addf %get3A_44, %div3A_41 : vector<1000x64xf32>
    %get3A_46 = arith.constant 0 : index
    %get3A_47 = arith.constant 0 : index
    %get3A_48 = vector.load %arg7[%get3A_46, %get3A_47] : memref<1x64xf32, #tpu.memory_space<vmem>>, vector<1x64xf32>
    %mul3A = vector.broadcast %min3A_35 : vector<1000x1xf32> to vector<1000x64xf32>
    %mul3A_49 = vector.broadcast %get3A_48 : vector<1x64xf32> to vector<1000x64xf32>
    %mul3A_50 = arith.mulf %mul3A, %mul3A_49 : vector<1000x64xf32>
    %add3A_51 = arith.addf %add3A_45, %mul3A_50 : vector<1000x64xf32>
    %max3A_52 = arith.constant 0.000000e+00 : f32
    %max3A_53 = vector.broadcast %max3A_52 : f32 to vector<1000x64xf32>
    %max3A_54 = arith.maximumf %add3A_51, %max3A_53 : vector<1000x64xf32>
    %iota3A = tpu.iota {dimensions = array<i32: 1>} : vector<1000x64xi32>
    %get3A_55 = arith.constant 0 : index
    %get3A_56 = arith.constant 0 : index
    %get3A_57 = vector.load %arg5[%get3A_55, %get3A_56] : memref<1000x1xi32, #tpu.memory_space<vmem>>, vector<1000x1xi32>
    %eq3A = vector.broadcast %get3A_57 : vector<1000x1xi32> to vector<1000x64xi32>
    %eq3A_58 = arith.cmpi eq, %eq3A, %iota3A : vector<1000x64xi32>
    %convert_element_type3A_59 = arith.extui %eq3A_58 : vector<1000x64xi1> to vector<1000x64xi32>
    %convert_element_type3A_60 = arith.sitofp %convert_element_type3A_59 : vector<1000x64xi32> to vector<1000x64xf32>
    %dot_general3A_61 = arith.constant dense<0.000000e+00> : vector<64x64xf32>
    %dot_general3A_62 = tpu.matmul %convert_element_type3A_60, %max3A_54, %dot_general3A_61 {dimension_numbers = #tpu.dot_dimension_numbers<[0], [0], [1], [1], [0, 1, 1, 1], [], []>, transpose_lhs_hint = false} : vector<1000x64xf32>, vector<1000x64xf32>, vector<64x64xf32> -> vector<64x64xf32>
    %broadcast_in_dim3A = arith.constant 1.000000e+00 : f32
    %broadcast_in_dim3A_63 = vector.broadcast %broadcast_in_dim3A : f32 to vector<1000x1xf32>
    %dot_general3A_64 = arith.constant dense<0.000000e+00> : vector<64x1xf32>
    %dot_general3A_65 = tpu.matmul %convert_element_type3A_60, %broadcast_in_dim3A_63, %dot_general3A_64 {dimension_numbers = #tpu.dot_dimension_numbers<[0], [0], [1], [1], [0, 1, 1, 1], [], []>, transpose_lhs_hint = false} : vector<1000x64xf32>, vector<1000x1xf32>, vector<64x1xf32> -> vector<64x1xf32>
    %eq3A_66 = arith.constant 0 : i32
    %eq3A_67 = arith.cmpi eq, %arg0, %eq3A_66 : i32
    %convert_element_type3A_68 = arith.extui %eq3A_67 : i1 to i32
    %cond3A = arith.constant 0 : i32
    %cond3A_69 = arith.cmpi ne, %convert_element_type3A_68, %cond3A : i32
    scf.if %cond3A_69 {
      %broadcast_in_dim3A_88 = arith.constant 0.000000e+00 : f32
      %broadcast_in_dim3A_89 = vector.broadcast %broadcast_in_dim3A_88 : f32 to vector<64x64xf32>
      %swap3A_90 = arith.constant 0 : index
      %swap3A_91 = arith.constant 0 : index
      %swap3A_92 = vector.load %arg11[%swap3A_90, %swap3A_91] : memref<64x64xf32, #tpu.memory_space<vmem>>, vector<64x64xf32>
      tpu.vector_store %arg11[%swap3A_90, %swap3A_91], %broadcast_in_dim3A_89 {strides = array<i32>} : memref<64x64xf32, #tpu.memory_space<vmem>>, vector<64x64xf32>,
      %broadcast_in_dim3A_93 = arith.constant 0.000000e+00 : f32
      %broadcast_in_dim3A_94 = vector.broadcast %broadcast_in_dim3A_93 : f32 to vector<64x1xf32>
      %swap3A_95 = arith.constant 0 : index
      %swap3A_96 = arith.constant 0 : index
      %swap3A_97 = vector.load %arg12[%swap3A_95, %swap3A_96] : memref<64x1xf32, #tpu.memory_space<vmem>>, vector<64x1xf32>
      tpu.vector_store %arg12[%swap3A_95, %swap3A_96], %broadcast_in_dim3A_94 {strides = array<i32>} : memref<64x1xf32, #tpu.memory_space<vmem>>, vector<64x1xf32>,
    } else {
    }
    %get3A_70 = arith.constant 0 : index
    %get3A_71 = arith.constant 0 : index
    %get3A_72 = vector.load %arg11[%get3A_70, %get3A_71] : memref<64x64xf32, #tpu.memory_space<vmem>>, vector<64x64xf32>
    %add3A_73 = arith.addf %get3A_72, %dot_general3A_62 : vector<64x64xf32>
    %swap3A = arith.constant 0 : index
    %swap3A_74 = arith.constant 0 : index
    %swap3A_75 = vector.load %arg11[%swap3A, %swap3A_74] : memref<64x64xf32, #tpu.memory_space<vmem>>, vector<64x64xf32>
    tpu.vector_store %arg11[%swap3A, %swap3A_74], %add3A_73 {strides = array<i32>} : memref<64x64xf32, #tpu.memory_space<vmem>>, vector<64x64xf32>,
    %get3A_76 = arith.constant 0 : index
    %get3A_77 = arith.constant 0 : index
    %get3A_78 = vector.load %arg12[%get3A_76, %get3A_77] : memref<64x1xf32, #tpu.memory_space<vmem>>, vector<64x1xf32>
    %add3A_79 = arith.addf %get3A_78, %dot_general3A_65 : vector<64x1xf32>
    %swap3A_80 = arith.constant 0 : index
    %swap3A_81 = arith.constant 0 : index
    %swap3A_82 = vector.load %arg12[%swap3A_80, %swap3A_81] : memref<64x1xf32, #tpu.memory_space<vmem>>, vector<64x1xf32>
    tpu.vector_store %arg12[%swap3A_80, %swap3A_81], %add3A_79 {strides = array<i32>} : memref<64x1xf32, #tpu.memory_space<vmem>>, vector<64x1xf32>,
    %eq3A_83 = arith.constant 9 : i32
    %eq3A_84 = arith.cmpi eq, %arg0, %eq3A_83 : i32
    %convert_element_type3A_85 = arith.extui %eq3A_84 : i1 to i32
    %cond3A_86 = arith.constant 0 : i32
    %cond3A_87 = arith.cmpi ne, %convert_element_type3A_85, %cond3A_86 : i32
    scf.if %cond3A_87 {
      %get3A_88 = arith.constant 0 : index
      %get3A_89 = arith.constant 0 : index
      %get3A_90 = vector.load %arg11[%get3A_88, %get3A_89] : memref<64x64xf32, #tpu.memory_space<vmem>>, vector<64x64xf32>
      %get3A_91 = arith.constant 0 : index
      %get3A_92 = arith.constant 0 : index
      %get3A_93 = vector.load %arg12[%get3A_91, %get3A_92] : memref<64x1xf32, #tpu.memory_space<vmem>>, vector<64x1xf32>
      %max3A_94 = arith.constant 1.000000e+00 : f32
      %max3A_95 = vector.broadcast %max3A_94 : f32 to vector<64x1xf32>
      %max3A_96 = arith.maximumf %get3A_93, %max3A_95 : vector<64x1xf32>
      %div3A_97 = vector.broadcast %max3A_96 : vector<64x1xf32> to vector<64x64xf32>
      %div3A_98 = arith.divf %get3A_90, %div3A_97 : vector<64x64xf32>
      %get3A_99 = arith.constant 0 : index
      %get3A_100 = arith.constant 0 : index
      %get3A_101 = vector.load %arg8[%get3A_99, %get3A_100] : memref<64x3xf32, #tpu.memory_space<vmem>>, vector<64x3xf32>
      %dot_general3A_102 = arith.constant dense<0.000000e+00> : vector<64x3xf32>
      %dot_general3A_103 = tpu.matmul %div3A_98, %get3A_101, %dot_general3A_102 {dimension_numbers = #tpu.dot_dimension_numbers<[1], [0], [0], [1], [0, 0, 1, 1], [], []>, transpose_lhs_hint = false} : vector<64x64xf32>, vector<64x3xf32>, vector<64x3xf32> -> vector<64x3xf32>
      %get3A_104 = arith.constant 0 : index
      %get3A_105 = arith.constant 0 : index
      %get3A_106 = vector.load %arg9[%get3A_104, %get3A_105] : memref<1x3xf32, #tpu.memory_space<vmem>>, vector<1x3xf32>
      %add3A_107 = vector.broadcast %get3A_106 : vector<1x3xf32> to vector<64x3xf32>
      %add3A_108 = arith.addf %dot_general3A_103, %add3A_107 : vector<64x3xf32>
      %swap3A_109 = arith.constant 0 : index
      %swap3A_110 = arith.constant 0 : index
      %swap3A_111 = vector.load %arg10[%swap3A_109, %swap3A_110] : memref<64x3xf32, #tpu.memory_space<vmem>>, vector<64x3xf32>
      tpu.vector_store %arg10[%swap3A_109, %swap3A_110], %add3A_108 {strides = array<i32>} : memref<64x3xf32, #tpu.memory_space<vmem>>, vector<64x3xf32>,
    } else {
    }
    return
  }
  func.func @transform_0(%arg0: i32) -> (i32, i32) {
    %c0_i32 = arith.constant 0 : i32
    %c0_i32_0 = arith.constant 0 : i32
    return %arg0, %c0_i32 : i32, i32
  }
  func.func @transform_1(%arg0: i32) -> (i32, i32, i32) {
    %c0_i32 = arith.constant 0 : i32
    %c0_i32_0 = arith.constant 0 : i32
    %c0_i32_1 = arith.constant 0 : i32
    return %c0_i32, %arg0, %c0_i32_0 : i32, i32, i32
  }
  func.func @transform_2(%arg0: i32) -> (i32, i32, i32) {
    %c0_i32 = arith.constant 0 : i32
    %c0_i32_0 = arith.constant 0 : i32
    %c0_i32_1 = arith.constant 0 : i32
    return %c0_i32, %arg0, %c0_i32_0 : i32, i32, i32
  }
  func.func @transform_3(%arg0: i32) -> (i32, i32, i32) {
    %c0_i32 = arith.constant 0 : i32
    %c0_i32_0 = arith.constant 0 : i32
    %c0_i32_1 = arith.constant 0 : i32
    return %c0_i32, %arg0, %c0_i32_0 : i32, i32, i32
  }
  func.func @transform_4(%arg0: i32) -> (i32, i32) {
    %c0_i32 = arith.constant 0 : i32
    %c0_i32_0 = arith.constant 0 : i32
    return %arg0, %c0_i32 : i32, i32
  }
  func.func @transform_5(%arg0: i32) -> (i32, i32) {
    %c0_i32 = arith.constant 0 : i32
    %c0_i32_0 = arith.constant 0 : i32
    %c0_i32_1 = arith.constant 0 : i32
    return %c0_i32, %c0_i32_0 : i32, i32
  }
  func.func @transform_6(%arg0: i32) -> (i32, i32) {
    %c0_i32 = arith.constant 0 : i32
    %c0_i32_0 = arith.constant 0 : i32
    %c0_i32_1 = arith.constant 0 : i32
    return %c0_i32, %c0_i32_0 : i32, i32
  }
  func.func @transform_7(%arg0: i32) -> (i32, i32) {
    %c0_i32 = arith.constant 0 : i32
    %c0_i32_0 = arith.constant 0 : i32
    %c0_i32_1 = arith.constant 0 : i32
    return %c0_i32, %c0_i32_0 : i32, i32
  }
  func.func @transform_8(%arg0: i32) -> (i32, i32) {
    %c0_i32 = arith.constant 0 : i32
    %c0_i32_0 = arith.constant 0 : i32
    %c0_i32_1 = arith.constant 0 : i32
    return %c0_i32, %c0_i32_0 : i32, i32
  }
  func.func @transform_9(%arg0: i32) -> (i32, i32) {
    %c0_i32 = arith.constant 0 : i32
    %c0_i32_0 = arith.constant 0 : i32
    %c0_i32_1 = arith.constant 0 : i32
    return %c0_i32, %c0_i32_0 : i32, i32
  }
}

</mosaic_0001>

<sc_bundles>
// kernel: kernel.11.cloned.1.call-start
scs
__scs_entry_jumppad:
0x0: {  	(pc) =	sbr.rel $0x88, $3  }
0x1: {  	(tag) =	ssettag $0x0;
	lr =	simm.s32 $0x1  }
0x2: {  	[smem:$0x3F93] =	sst lr;
	_ =	strace $0xD0000000  }
0x3: {  	_ = 	snop  }
0x4: {  	_ = 	snop  }
0x5: {  	_ = 	snop  }
0x6: {  	_ = 	snop  }
0x7: {  	_ = 	snop  }
__scs_overlays_trampoline_lowered:
0x8: {  	[smem:$0x3FA2] =	sst s0  }
0x9: {  	[smem:$0x3FA3] =	sst s1  }
0xa: {  	[smem:$0x3FA4] =	sst s2  }
0xb: {  	[smem:$0x3FA5] =	sst s3  }
0xc: {  	[smem:$0x3FA6] =	sst s4  }
0xd: {  	[smem:$0x3FA7] =	sst s5  }
0xe: {  	[smem:$0x3FA8] =	sst s6  }
0xf: {  	[smem:$0x3FA9] =	sst s7  }
0x10: {  	[smem:$0x3FAA] =	sst s8  }
0x11: {  	[smem:$0x3FAB] =	sst s9;
	s0 =	simm.s32 @!p0 $0x0  }
0x12: {  	s1 =	sld [smem:$0x3F91];
	s0 =	simm.s32 @p0 $0x1  }
0x13: {  	[smem:$0x3FAC] =	sst s0;
	s0 =	simm.s32 @!p1 $0x0  }
0x14: {  	s2 =	sld [smem:$0x3F90];
	s0 =	simm.s32 @p1 $0x1  }
0x15: {  	[smem:$0x3FAD] =	sst s0;
	s0 =	simm.s32 @!p2 $0x0  }
0x16: {  	s3 =	sld [smem:$0x3FDB];
	s0 =	simm.s32 @p2 $0x1  }
0x17: {  	s4 =	simm.s32 $0x1BF5;
	[smem:$0x3FAF] =	sst s0  }
0x18: {  	s0 =	sld [smem:$0x3F92];
	_ =	swait.ge [sflag:s4], $0x0  }
0x19: {  	s7 =	sld [smem:$0x3F93]  }
0x1a: {  	s8 =	sadd.s32 $0xFFFFE003, lr  }
0x1b: {  	s9 =	sadd.s32 $0xFFFFFEF7, lr;
	s5 =	simm.s32 $0xFFFFFFFF;
	p2 =	slt.u32 s8, $0xFFFFF086  }
0x1c: {  	p1 =	slt.u32 s9, $0xF7A;
	s5 =	simm.s32 @!p2 $0x0  }
0x1d: {  	s5 =	simm.s32 @p1 $0x1;
	p0 =	seq.s32 s7, s2  }
0x1e: {  	s7 =	smul.u32 @!p0 $0xF7A, s2;
	p2 =	seq.s32 @!p0 s5, $0x0  }
0x1f: {  	s9 =	smul.u32 $0xF7A, s1;
	s8 =	simm.s32 @!p0 $0x1BF5;
	p2 =	por !p2, p0  }
0x20: {  	[sflag:s8] =	ssyncset.s32 @!p0 $0xFFFFF086;
	s6 =	sadd.s32 @!p0 s3, s7;
	s7 =	simm.s32 @!p0 $0x108  }
0x21: {  	s3 =	sadd.s32 s3, s9;
	s6 =	sadd.s32 @!p0 $0x88, s6;
	s7 =	simm.s32 @p2 $0x1082  }
0x22: {  	[simem:s7], [sflag:s8] =	dma.local @!p0 [hbm:s6], $0xF7A  }
0x23: {  	s9 =	sor.u32 $0xD0000000, s2;
	s6 =	simm.s32 $0x108;
	_ =	swait.ge @!p0 [sflag:s8], $0x0  }
0x24: {  	s3 =	sadd.s32 $0x88, s3;
	s6 =	simm.s32 @!p1 $0x1082;
	[sflag:s4] =	ssyncset.s32 $0xFFFFF086  }
0x25: {  	[simem:s6], [sflag:s4] =	dma.local [hbm:s3], $0xF7A  }
0x26: {  	[smem:$0x3F93] =	sst s1;
	(tag) =	ssettag s2;
	_ =	strace s9  }
0x27: {  	s1 =	sld [smem:$0x3FA3]  }
0x28: {  	s2 =	sld [smem:$0x3FA4]  }
0x29: {  	s4 =	sld [smem:$0x3FA6]  }
0x2a: {  	p0 =	seq.s32 s5, $0x0;
	s5 =	sld [smem:$0x3FA7]  }
0x2b: {  	s6 =	sld [smem:$0x3FA8]  }
0x2c: {  	s7 =	sld [smem:$0x3FA9]  }
0x2d: {  	s3 =	simm.s32 $0x108;
	s8 =	sld [smem:$0x3FAA]  }
0x2e: {  	s3 =	simm.s32 @!p0 $0x1082;
	s9 =	sld [smem:$0x3FAB]  }
0x2f: {  	lr =	sadd.s32 s0, s3;
	s0 =	sld [smem:$0x3FA2]  }
0x30: {  	s3 =	sld [smem:$0x3FA5]  }
0x31: {  	[smem:$0x3FAE] =	sst s10  }
0x32: {  	s10 =	sld [smem:$0x3FAC];
	_ =	sdelay $0x3  }
0x33: {  	p0 =	seq.s32 s10, $0x1;
	s10 =	sld [smem:$0x3FAE];
	_ =	sdelay $0x3  }
0x34: {  	[smem:$0x3FAE] =	sst s10  }
0x35: {  	s10 =	sld [smem:$0x3FAD];
	_ =	sdelay $0x3  }
0x36: {  	p1 =	seq.s32 s10, $0x1;
	s10 =	sld [smem:$0x3FAE];
	_ =	sdelay $0x3  }
0x37: {  	[smem:$0x3FAE] =	sst s10  }
0x38: {  	s10 =	sld [smem:$0x3FAF]  }
0x39: {  	_ = 	snop;
	(pc) =	sbr.ind lr, $3  }
0x3a: {  	_ = 	snop  }
0x3b: {  	_ = 	snop  }
0x3c: {  	p2 =	seq.s32 s10, $0x1;
	s10 =	sld [smem:$0x3FAE]  }
0x3d: {  	_ =	shalt  }
0x3e: {  	_ =	shalt  }
0x3f: {  	_ =	shalt  }
0x40: {  	_ =	shalt  }
0x41: {  	_ =	shalt  }
0x42: {  	_ =	shalt  }
0x43: {  	_ =	shalt  }
0x44: {  	_ =	shalt  }
0x45: {  	_ =	shalt  }
0x46: {  	_ =	shalt  }
0x47: {  	_ =	shalt  }
0x48: {  	_ =	shalt  }
0x49: {  	_ =	shalt  }
0x4a: {  	_ =	shalt  }
0x4b: {  	_ =	shalt  }
0x4c: {  	_ =	shalt  }
0x4d: {  	_ =	shalt  }
0x4e: {  	_ =	shalt  }
0x4f: {  	_ =	shalt  }
0x50: {  	_ =	shalt  }
0x51: {  	_ =	shalt  }
0x52: {  	_ =	shalt  }
0x53: {  	_ =	shalt  }
0x54: {  	_ =	shalt  }
0x55: {  	_ =	shalt  }
0x56: {  	_ =	shalt  }
0x57: {  	_ =	shalt  }
0x58: {  	_ =	shalt  }
0x59: {  	_ =	shalt  }
0x5a: {  	_ =	shalt  }
0x5b: {  	_ =	shalt  }
0x5c: {  	_ =	shalt  }
0x5d: {  	_ =	shalt  }
0x5e: {  	_ =	shalt  }
0x5f: {  	_ =	shalt  }
0x60: {  	_ =	shalt  }
0x61: {  	_ =	shalt  }
0x62: {  	_ =	shalt  }
0x63: {  	_ =	shalt  }
0x64: {  	_ =	shalt  }
0x65: {  	_ =	shalt  }
0x66: {  	_ =	shalt  }
0x67: {  	_ =	shalt  }
0x68: {  	_ =	shalt  }
0x69: {  	_ =	shalt  }
0x6a: {  	_ =	shalt  }
0x6b: {  	_ =	shalt  }
0x6c: {  	_ =	shalt  }
0x6d: {  	_ =	shalt  }
0x6e: {  	_ =	shalt  }
0x6f: {  	_ =	shalt  }
0x70: {  	_ =	shalt  }
0x71: {  	_ =	shalt  }
0x72: {  	_ =	shalt  }
0x73: {  	_ =	shalt  }
0x74: {  	_ =	shalt  }
0x75: {  	_ =	shalt  }
0x76: {  	_ =	shalt  }
0x77: {  	_ =	shalt  }
0x78: {  	_ =	shalt  }
0x79: {  	_ =	shalt  }
0x7a: {  	_ =	shalt  }
0x7b: {  	_ =	shalt  }
0x7c: {  	_ =	shalt  }
0x7d: {  	_ =	shalt  }
0x7e: {  	_ =	shalt  }
0x7f: {  	_ =	shalt  }
0x80: {  	_ =	shalt  }
0x81: {  	_ =	shalt  }
0x82: {  	_ =	shalt  }
0x83: {  	_ =	shalt  }
0x84: {  	_ =	shalt  }
0x85: {  	_ =	shalt  }
0x86: {  	_ =	shalt  }
0x87: {  	_ =	shalt  }
.Lfunc_end0:
.L_simem_size_0:
called_computation.1_lowered:
.L_overlay_start_0:
0x88: {  	s2 =	sld [smem:$0x3FD9]  }
0x89: {  	s3 =	sld [smem:$0x3FFE];
	_ =	sdelay $0x1  }
0x8a: {  	s1 =	srdreg.scid  }
0x8b: {  	s0 =	sand.u32 $0x1, s1  }
0x8c: {  	s17 =	sshll.u32 s0, $0xA;
	s2 =	sadd.s32 s3, s2  }
0x8d: {  	s2 =	sadd.s32 s2, s17  }
0x8e: {  	[smem:$0x3FBA] =	sst s2  }
0x8f: {  	_ = 	snop  }
0x90: {  	(tm) =	ssettm $0x1  }
0x91: {  	s18 =	sld [smem:$0x3FFB];
	_ =	sdelay $0x3  }
0x92: {  	_ =	strace s18  }
0x93: {  	s2 =	sld [smem:$0x3FFC];
	_ =	sdelay $0x3  }
0x94: {  	_ =	strace s2  }
0x95: {  	s2 =	sld [smem:$0x3FFD];
	_ =	sdelay $0x3  }
0x96: {  	_ =	strace s2  }
0x97: {  	_ =	strace $0x8FFFFFFF  }
0x98: {  	s19 =	sld [smem:$0x3FDB];
	_ =	sdelay $0x1  }
0x99: {  	s20 =	simm.s32 $_scs_section_size  }
0x9a: {  	s4 =	simm.s32 $_size__tile_overlayer_lowered;
	s5 =	simm.s32 $_tile_overlayer_lowered  }
0x9b: {  	s6 =	simm.s32 $0x1BFF;
	s21 =	sshll.u32 s5, $0x1;
	s3 =	sadd.s32 s20, s19  }
0x9c: {  	s22 =	simm.s32 $0x0;
	s4 =	sshll.u32 s4, $0x1;
	s5 =	sadd.s32 s21, s3  }
0x9d: {  	[timem:s22], [sflag:s6] =	dma.local [hbm:s5], s4  }
0x9e: {  	_ =	swait.ge [sflag:s6], s4  }
0x9f: {  	s4 =	ssub.s32 $0x0, s4;
	[sflag:s6] =	ssyncset.done $0x0  }
0xa0: {  	[sflag:s6] =	ssyncadd.s32 s4;
	_ =	sdelay $0x1  }
0xa1: {  	s23 =	simm.s32 $0x1B8B  }
0xa2: {  	_ =	swait.ge [sflag:s23], $0x1  }
0xa3: {  	[sflag:s23] =	ssyncset.done $0x0  }
0xa4: {  	[sflag:s23] =	ssyncadd.s32 $0xFFFFFFFF  }
0xa5: {  	s4 =	sld [smem:$0x0]  }
0xa6: {  	s5 =	sand.u32 $0xFFFFFFFE, s1  }
0xa7: {  	p0 =	sne.s32 s1, s5  }
0xa8: {  	s5 =	sshll.u32 @p0 s5, $0xE  }
0xa9: {  	s5 =	sadd.s32 @p0 $0x11B8D, s5;
	s6 =	sshll.u32 @p0 s4, $0x11  }
0xaa: {  	s5 =	sor.u32 @p0 s6, s5  }
0xab: {  	[sflag:s5] =	ssyncadd.remote.s32 @p0 $0x1;
	_ =	sdelay $0x1  }
0xac: {  	s5 =	simm.s32 @p0 $0x1B8D  }
0xad: {  	_ =	swait.eq @p0 [sflag:s5], $0x1  }
0xae: {  	[sflag:s5] =	ssyncadd.s32 @p0 $0xFFFFFFFF  }
0xaf: {  	s6 =	sshll.u32 @!p0 s1, $0xE  }
0xb0: {  	s6 =	sor.u32 @!p0 $0x4000, s6;
	s5 =	simm.s32 @!p0 $0x1B8D  }
0xb1: {  	s4 =	sshll.u32 @!p0 s4, $0x11;
	s6 =	sadd.s32 @!p0 $0x11B8D, s6;
	_ =	swait.eq @!p0 [sflag:s5], $0x1  }
0xb2: {  	s4 =	sor.u32 @!p0 s4, s6;
	[sflag:s5] =	ssyncadd.s32 @!p0 $0xFFFFFFFF  }
0xb3: {  	s25 =	simm.s32 $0x1B8E;
	s24 =	sld [smem:$0x3FFE];
	[sflag:s4] =	ssyncadd.remote.s32 @!p0 $0x1  }
0xb4: {  	s26 =	simm.s32 $execute0_lowered;
	[smem:$0x3FD2] =	sst s25  }
0xb5: {  	s5 =	sshll.u32 s26, $0x1;
	_ =	strace $0x80000049;
	[dreg:$0x1] =	wrdreg $0xFFFFFFFF  }
0xb6: {  	s28 =	simm.s32 $_size_execute0_lowered;
	s3 =	sadd.s32 s3, s5;
	[dreg:$0x0] =	wrdreg $0x0  }
0xb7: {  	s5 =	sshll.u32 s28, $0x1;
	[dreg:$0x2] =	wrdreg s3  }
0xb8: {  	[dreg:$0x3] =	wrdreg s5  }
0xb9: {  	[dreg:$0x4] =	wrdreg $0xC0  }
0xba: {  	_ =	task [dreg:s22], $0x5FFFF  }
0xbb: {  	[dreg:$0x1] =	wrdreg $0xFFFFFFFF  }
0xbc: {  	[dreg:$0x0] =	wrdreg $0x60  }
0xbd: {  	[dreg:$0x2] =	wrdreg s24  }
0xbe: {  	[dreg:$0x3] =	wrdreg $0x45100  }
0xbf: {  	[dreg:$0x4] =	wrdreg $0x6D100  }
0xc0: {  	[dreg:$0x5] =	wrdreg $0xA  }
0xc1: {  	_ =	task.clear_ibuf [dreg:s22], $0x6FFFF;
	_ =	strace $0x90000049  }
0xc2: {  	s29 =	simm.s32 $0xA;
	_ =	strace $0x8000004B  }
0xc3: {  	_ =	swait.ge [sflag:s29], $0x1  }
0xc4: {  	[sflag:s29] =	ssyncadd.s32 $0xFFFFFFFF  }
0xc5: {  	_ =	strace $0x9000004B  }
0xc6: {  	_ =	sfence  }
0xc7: {  	s30 =	sld [smem:$0x0];
	_ =	sdelay $0x2  }
0xc8: {  	s31 =	sshll.u32 s1, $0xD;
	s1 =	sshrl.u32 s1, $0x2  }
0xc9: {  	s4 =	sand.u32 $0x4000, s31;
	s1 =	sadd.s32 s1, s30  }
0xca: {  	s0 =	sor.u32 s4, s0;
	s1 =	sshll.u32 s1, $0x11  }
0xcb: {  	s0 =	sor.u32 s1, s0  }
0xcc: {  	s0 =	sadd.s32 $0x8F2B, s0  }
0xcd: {  	[sflag:s0] =	ssyncadd.remote.s32 $0x1  }
0xce: {  	_ =	sfence.sel $0xFFFF  }
0xcf: {  	[dreg:$0x0] =	wrdreg $0xFFFFFFFF;
	(pc) =	sbr.abs _section_cstart, $3  }
0xd0: {  	[dreg:$0x1] =	wrdreg $0xFFFFFFFF  }
0xd1: {  	_ =	task.clear_ibuf [dreg:s22], $0x2FFFF;
	_ =	strace $0x9FFFFFFF  }
0xd2: {  	(tm) =	ssettm $0x7FFFFFFF  }
0xd3: {  	_ =	shalt  }
tec
execute0_lowered:
.L_overlay_start_1:
0x0: {  	(tag) =	ssettag $0x1  }
0x1: {  	s0 =	srdreg.scid  }
0x2: {  	s1 =	rddreg [dreg:$0x0];
	s13 =	stileid.u32  }
0x3: {  	s2 =	rddreg [dreg:$0x1];
	s4 =	simm.s32 $0x0;
	s0 =	sand.u32 $0x1, s0  }
0x4: {  	s7 =	smul.u32 $0x2800, s13;
	[smem:$0x7FF] =	sst s4;
	s9 =	sadd.s32 $0x521000, s1  }
0x5: {  	s12 =	sadd.s32 $0x3F000, s1;
	s29 =	sshll.u32 s13, $0x6;
	s15 =	smul.u32 $0x2710, s13  }
0x6: {  	s3 =	sshll.u32 s0, $0x4;
	s8 =	smul.u32 $0x28000, s0;
	s11 =	ssub.s32 $0x2, s0  }
0x7: {  	s25 =	sor.u32 $0x1C10, s29;
	s0 =	smul.u32 $0x27100, s0;
	s5 =	sor.u32 s13, s3  }
0x8: {  	s3 =	rddreg [dreg:$0x2];
	_ =	strace $0x8000004A;
	s10 =	sshrl.u32 s7, $0x3  }
0x9: {  	[dreg:$0x4] =	wrdreg s12;
	s28 =	sshrl.u32 s11, $0x1;
	s14 =	sadd.s32 s7, s2  }
0xa: {  	[dreg:$0x7] =	wrdreg s25;
	s6 =	smul.u32 $0x2710, s5;
	s8 =	sadd.s32 s7, s8  }
0xb: {  	s10 =	sadd.s32 s10, s1;
	s30 =	smul.u32 $0x27100, s5;
	[dreg:$0x5] =	wrdreg s14  }
0xc: {  	s7 =	sadd.s32 s7, s3;
	s5 =	smul.u32 $0x4E20, s5;
	s0 =	sadd.s32 s15, s0  }
0xd: {  	s8 =	sshrl.u32 s8, $0x3;
	s10 =	sadd.s32 $0x3F200, s10;
	[dreg:$0x8] =	wrdreg s7  }
0xe: {  	s0 =	sshll.u32 s0, $0x1;
	s6 =	sshrl.u32 s6, $0x3;
	[dreg:$0x6] =	wrdreg s10  }
0xf: {  	s5 =	sadd.s32 s9, s5;
	s0 =	sadd.s32 s9, s0;
	s6 =	sadd.s32 s6, s1  }
0x10: {  	s1 =	sadd.s32 s8, s1;
	[dreg:$0xa] =	wrdreg s5;
	s26 =	sadd.s32 $0x6E0, s0  }
0x11: {  	s8 =	ssub.s32 s11, s28;
	s28 =	sadd.s32 $0x640, s0;
	[dreg:$0x17] =	wrdreg s26  }
0x12: {  	s29 =	sadd.s32 $0x5A0, s0;
	[dreg:$0x18] =	wrdreg s28  }
0x13: {  	s11 =	sshrl.u32 s30, $0x3;
	s30 =	sadd.s32 $0x500, s0;
	[dreg:$0x19] =	wrdreg s29  }
0x14: {  	s0 =	sadd.s32 $0x460, s0;
	[dreg:$0x1a] =	wrdreg s30  }
0x15: {  	s6 =	sadd.s32 $0xD400, s6;
	[dreg:$0x1b] =	wrdreg s0  }
0x16: {  	s23 =	sadd.s32 $0x44200, s1;
	[dreg:$0x9] =	wrdreg s6  }
0x17: {  	s1 =	sadd.s32 $0x4E200, s1;
	[dreg:$0x14] =	wrdreg s23  }
0x18: {  	s12 =	sadd.s32 s9, s11;
	s24 =	smax.u32 s8, $0x1;
	[dreg:$0x15] =	wrdreg s1  }
0x19: {  	s14 =	sadd.s32 $0xA0, s12;
	[dreg:$0x16] =	wrdreg s24  }
0x1a: {  	s7 =	sadd.s32 $0x140, s12;
	[dreg:$0xb] =	wrdreg s14  }
0x1b: {  	s31 =	simm.s32 $0x4010;
	s16 =	sadd.s32 $0x1E0, s12;
	[dreg:$0xc] =	wrdreg s7  }
0x1c: {  	s15 =	simm.s32 $0x4;
	s17 =	sadd.s32 $0x280, s12;
	[dreg:$0xd] =	wrdreg s16  }
0x1d: {  	s10 =	simm.s32 $0x3B10;
	s18 =	sadd.s32 $0x320, s12;
	[dreg:$0xe] =	wrdreg s17  }
0x1e: {  	s8 =	simm.s32 $0x10;
	s19 =	sadd.s32 $0x3C0, s12;
	[dreg:$0xf] =	wrdreg s18  }
0x1f: {  	s9 =	simm.s32 $0x50;
	s20 =	sadd.s32 $0x4C40, s12;
	[dreg:$0x10] =	wrdreg s19  }
0x20: {  	s21 =	sadd.s32 $0x4CE0, s12;
	s22 =	sadd.s32 $0x4D80, s12;
	[dreg:$0x11] =	wrdreg s20  }
0x21: {  	s12 =	simm.s32 $0x3;
	s23 =	simm.s32 $0x8;
	[dreg:$0x12] =	wrdreg s21  }
0x22: {  	s24 =	simm.s32 $0xF;
	s1 =	simm.s32 $0x0;
	[dreg:$0x13] =	wrdreg s22  }
0x23: {  	s16 =	simm.s32 $0x6;
	s17 =	simm.s32 $0xB;
	s19 =	simm.s32 $0x5  }
0x24: {  	s20 =	simm.s32 $0x7;
	s21 =	simm.s32 $0xC;
	s14 =	simm.s32 $0xD  }
0x25: {  	s18 =	simm.s32 $0x9;
	s22 =	simm.s32 $0xE;
	s7 =	simm.s32 $0xA  }
.LBB2_1:
0x26: {  	[dreg:$0x1c] =	wrdreg s1  }
0x27: {  	s0 =	rddreg [dreg:$0x5]  }
0x28: {  	s13 =	rddreg [dreg:$0x6];
	s11 =	sshrl.u32 s0, $0x3  }
0x29: {  	[dreg:$0x1d] =	wrdreg s11  }
0x2a: {  	[spmem:s11], [sflag:s25] =	dma.local [hbm:s13], $0x500  }
0x2b: {  	_ =	swait.ge [sflag:s8], $0x500  }
0x2c: {  	s26 =	rddreg [dreg:$0x8]  }
0x2d: {  	[sflag:s8] =	ssyncset.done $0x0;
	s1 =	sshrl.u32 s26, $0x3  }
0x2e: {  	[sflag:s8] =	ssyncadd.s32 $0xFFFFFB00;
	[dreg:$0x1e] =	wrdreg s1  }
0x2f: {  	[spmem:s1], [sflag:s25] =	dma.local [hbm:s13], $0x500  }
0x30: {  	_ =	swait.ge [sflag:s8], $0x500  }
0x31: {  	[sflag:s8] =	ssyncset.done $0x0  }
0x32: {  	s5 =	rddreg [dreg:$0x4];
	[sflag:s8] =	ssyncadd.s32 $0xFFFFFB00  }
0x33: {  	[tilespmem:s31], [sflag:$0x10] =	stream.linear.gather [hbm4b:s5+s4], $0x500, $0x38;
	[tilespmem:$0x9510] =	vst v63  }
0x34: {  	_ =	swait.ge [sflag:s8], $0x500  }
0x35: {  	[sflag:s8] =	ssyncset.done $0x0  }
0x36: {  	s6 =	rddreg [dreg:$0x9];
	[sflag:s8] =	ssyncadd.s32 $0xFFFFFB00  }
0x37: {  	[tilespmem:s4], [sflag:$0x10] =	stream.linear.gather [hbm4b:s6+s4], $0x2710, $0x38;
	[tilespmem:$0x9510] =	vst v63  }
0x38: {  	_ =	swait.ge [sflag:s8], $0x2710  }
0x39: {  	[sflag:s8] =	ssyncset.done $0x0  }
0x3a: {  	[sflag:s8] =	ssyncadd.s32 $0xFFFFD8F0  }
0x3b: {  	[bflag:$0x0] =	sbarrier.arrive $0xFFFF  }
0x3c: {  	s26 =	simm.s32 $0x2710;
	s11 =	rddreg [dreg:$0xa]  }
0x3d: {  	[tilespmem:s26], [sflag:$0x1] =	stream.linear.gather [hbm4b:s11+s4], $0x500, $0x38;
	[tilespmem:$0x9510] =	vst v63  }
0x3e: {  	s1 =	simm.s32 $0x1;
	s6 =	simm.s32 $0x2C10;
	s13 =	rddreg [dreg:$0xb]  }
0x3f: {  	[tilespmem:s6], [sflag:$0x2] =	stream.linear.gather [hbm4b:s13+s4], $0x500, $0x38;
	[tilespmem:$0x9510] =	vst v63  }
0x40: {  	_ =	swait.ge [sflag:s1], $0x500  }
0x41: {  	[sflag:s1] =	ssyncset.done $0x0  }
0x42: {  	s11 =	simm.s32 $0x3110;
	s25 =	rddreg [dreg:$0xc];
	[sflag:s1] =	ssyncadd.s32 $0xFFFFFB00  }
0x43: {  	[tilespmem:s11], [sflag:$0x3] =	stream.linear.gather [hbm4b:s25+s4], $0x500, $0x38;
	[tilespmem:$0x9510] =	vst v63  }
0x44: {  	_ = 	snop  }
0x45: {  	[spmem:s2] =	stream.indirect.scatter.add.f32 [tilespmem:s26], [sflag:$0x6], $0x10, s4, s9, $0xb8;
	[tilespmem:$0x9510] =	vst v63  }
0x46: {  	s8 =	simm.s32 $0x2  }
0x47: {  	[spmem:s3] =	stream.indirect.scatter.add.f32 [tilespmem:s31], [sflag:$0xB], $0x10, s4, s9, $0xb8;
	[tilespmem:$0x9510] =	vst v63  }
0x48: {  	_ =	swait.ge [sflag:s8], $0x500  }
0x49: {  	[sflag:s8] =	ssyncset.done $0x0  }
0x4a: {  	s13 =	simm.s32 $0x3610;
	s5 =	rddreg [dreg:$0xd];
	[sflag:s8] =	ssyncadd.s32 $0xFFFFFB00  }
0x4b: {  	[tilespmem:s13], [sflag:$0x4] =	stream.linear.gather [hbm4b:s5+s4], $0x500, $0x38;
	[tilespmem:$0x9510] =	vst v63  }
0x4c: {  	_ = 	snop  }
0x4d: {  	[spmem:s2] =	stream.indirect.scatter.add.f32 [tilespmem:s6], [sflag:$0x7], $0x10, s9, s9, $0xb8;
	[tilespmem:$0x9510] =	vst v63  }
0x4e: {  	_ = 	snop  }
0x4f: {  	[spmem:s3] =	stream.indirect.scatter.add.f32 [tilespmem:s31], [sflag:$0xC], $0x10, s9, s9, $0xb8;
	[tilespmem:$0x9510] =	vst v63  }
0x50: {  	_ =	swait.ge [sflag:s12], $0x500  }
0x51: {  	[sflag:s12] =	ssyncset.done $0x0  }
0x52: {  	s5 =	simm.s32 $0x3B10;
	s25 =	rddreg [dreg:$0xe];
	[sflag:s12] =	ssyncadd.s32 $0xFFFFFB00  }
0x53: {  	[tilespmem:s5], [sflag:$0x5] =	stream.linear.gather [hbm4b:s25+s4], $0x500, $0x38;
	[tilespmem:$0x9510] =	vst v63  }
0x54: {  	s25 =	simm.s32 $0xA0  }
0x55: {  	[spmem:s2] =	stream.indirect.scatter.add.f32 [tilespmem:s11], [sflag:$0x8], $0x10, s25, s9, $0xb8;
	[tilespmem:$0x9510] =	vst v63  }
0x56: {  	_ = 	snop  }
0x57: {  	[spmem:s3] =	stream.indirect.scatter.add.f32 [tilespmem:s31], [sflag:$0xD], $0x10, s25, s9, $0xb8;
	[tilespmem:$0x9510] =	vst v63  }
0x58: {  	_ =	swait.ge [sflag:s15], $0x500  }
0x59: {  	[sflag:s15] =	ssyncset.done $0x0  }
0x5a: {  	[sflag:s15] =	ssyncadd.s32 $0xFFFFFB00  }
0x5b: {  	_ =	swait.ge [sflag:s16], $0x500  }
0x5c: {  	[sflag:s16] =	ssyncset.done $0x0  }
0x5d: {  	[sflag:s16] =	ssyncadd.s32 $0xFFFFFB00  }
0x5e: {  	_ =	swait.ge [sflag:s17], $0x500  }
0x5f: {  	[sflag:s17] =	ssyncset.done $0x0  }
0x60: {  	s25 =	rddreg [dreg:$0xf];
	[sflag:s17] =	ssyncadd.s32 $0xFFFFFB00  }
0x61: {  	[tilespmem:s26], [sflag:$0x1] =	stream.linear.gather [hbm4b:s25+s4], $0x500, $0x38;
	[tilespmem:$0x9510] =	vst v63  }
0x62: {  	s25 =	simm.s32 $0xF0  }
0x63: {  	[spmem:s2] =	stream.indirect.scatter.add.f32 [tilespmem:s13], [sflag:$0x9], $0x10, s25, s9, $0xb8;
	[tilespmem:$0x9510] =	vst v63  }
0x64: {  	_ = 	snop  }
0x65: {  	[spmem:s3] =	stream.indirect.scatter.add.f32 [tilespmem:s31], [sflag:$0xE], $0x10, s25, s9, $0xb8;
	[tilespmem:$0x9510] =	vst v63  }
0x66: {  	_ =	swait.ge [sflag:s19], $0x500  }
0x67: {  	[sflag:s19] =	ssyncset.done $0x0  }
0x68: {  	[sflag:s19] =	ssyncadd.s32 $0xFFFFFB00  }
0x69: {  	_ =	swait.ge [sflag:s20], $0x500  }
0x6a: {  	[sflag:s20] =	ssyncset.done $0x0  }
0x6b: {  	[sflag:s20] =	ssyncadd.s32 $0xFFFFFB00  }
0x6c: {  	_ =	swait.ge [sflag:s21], $0x500  }
0x6d: {  	[sflag:s21] =	ssyncset.done $0x0  }
0x6e: {  	s25 =	rddreg [dreg:$0x10];
	[sflag:s21] =	ssyncadd.s32 $0xFFFFFB00  }
0x6f: {  	[tilespmem:s6], [sflag:$0x2] =	stream.linear.gather [hbm4b:s25+s4], $0x500, $0x38;
	[tilespmem:$0x9510] =	vst v63  }
0x70: {  	s25 =	simm.s32 $0x140  }
0x71: {  	[spmem:s2] =	stream.indirect.scatter.add.f32 [tilespmem:s5], [sflag:$0xA], $0x10, s25, s9, $0xb8;
	[tilespmem:$0x9510] =	vst v63  }
0x72: {  	_ = 	snop  }
0x73: {  	[spmem:s3] =	stream.indirect.scatter.add.f32 [tilespmem:s31], [sflag:$0xF], $0x10, s25, s9, $0xb8;
	[tilespmem:$0x9510] =	vst v63  }
0x74: {  	_ =	swait.ge [sflag:s1], $0x500  }
0x75: {  	[sflag:s1] =	ssyncset.done $0x0  }
0x76: {  	[sflag:s1] =	ssyncadd.s32 $0xFFFFFB00  }
0x77: {  	_ =	swait.ge [sflag:s23], $0x500  }
0x78: {  	[sflag:s23] =	ssyncset.done $0x0  }
0x79: {  	[sflag:s23] =	ssyncadd.s32 $0xFFFFFB00  }
0x7a: {  	_ =	swait.ge [sflag:s14], $0x500  }
0x7b: {  	[sflag:s14] =	ssyncset.done $0x0  }
0x7c: {  	s28 =	rddreg [dreg:$0x1b];
	[sflag:s14] =	ssyncadd.s32 $0xFFFFFB00  }
0x7d: {  	[tilespmem:s11], [sflag:$0x3] =	stream.linear.gather [hbm4b:s28+s4], $0x500, $0x38;
	[tilespmem:$0x9510] =	vst v63  }
0x7e: {  	s0 =	simm.s32 $0x190  }
0x7f: {  	[spmem:s2] =	stream.indirect.scatter.add.f32 [tilespmem:s26], [sflag:$0x6], $0x10, s0, s9, $0xb8;
	[tilespmem:$0x9510] =	vst v63  }
0x80: {  	_ = 	snop  }
0x81: {  	[spmem:s3] =	stream.indirect.scatter.add.f32 [tilespmem:s31], [sflag:$0xB], $0x10, s0, s9, $0xb8;
	[tilespmem:$0x9510] =	vst v63  }
0x82: {  	_ =	swait.ge [sflag:s8], $0x500  }
0x83: {  	[sflag:s8] =	ssyncset.done $0x0  }
0x84: {  	[sflag:s8] =	ssyncadd.s32 $0xFFFFFB00  }
0x85: {  	_ =	swait.ge [sflag:s18], $0x500  }
0x86: {  	[sflag:s18] =	ssyncset.done $0x0  }
0x87: {  	[sflag:s18] =	ssyncadd.s32 $0xFFFFFB00  }
0x88: {  	_ =	swait.ge [sflag:s22], $0x500  }
0x89: {  	[sflag:s22] =	ssyncset.done $0x0  }
0x8a: {  	s8 =	rddreg [dreg:$0x1a];
	[sflag:s22] =	ssyncadd.s32 $0xFFFFFB00  }
0x8b: {  	[tilespmem:s13], [sflag:$0x4] =	stream.linear.gather [hbm4b:s8+s4], $0x500, $0x38;
	[tilespmem:$0x9510] =	vst v63  }
0x8c: {  	s25 =	simm.s32 $0x1E0  }
0x8d: {  	[spmem:s2] =	stream.indirect.scatter.add.f32 [tilespmem:s6], [sflag:$0x7], $0x10, s25, s9, $0xb8;
	[tilespmem:$0x9510] =	vst v63  }
0x8e: {  	_ = 	snop  }
0x8f: {  	[spmem:s3] =	stream.indirect.scatter.add.f32 [tilespmem:s31], [sflag:$0xC], $0x10, s25, s9, $0xb8;
	[tilespmem:$0x9510] =	vst v63  }
0x90: {  	_ =	swait.ge [sflag:s12], $0x500  }
0x91: {  	[sflag:s12] =	ssyncset.done $0x0  }
0x92: {  	[sflag:s12] =	ssyncadd.s32 $0xFFFFFB00  }
0x93: {  	_ =	swait.ge [sflag:s7], $0x500  }
0x94: {  	[sflag:s7] =	ssyncset.done $0x0  }
0x95: {  	[sflag:s7] =	ssyncadd.s32 $0xFFFFFB00  }
0x96: {  	_ =	swait.ge [sflag:s24], $0x500  }
0x97: {  	[sflag:s24] =	ssyncset.done $0x0  }
0x98: {  	s30 =	rddreg [dreg:$0x19];
	[sflag:s24] =	ssyncadd.s32 $0xFFFFFB00  }
0x99: {  	[tilespmem:s5], [sflag:$0x5] =	stream.linear.gather [hbm4b:s30+s4], $0x500, $0x38;
	[tilespmem:$0x9510] =	vst v63  }
0x9a: {  	s0 =	simm.s32 $0x230  }
0x9b: {  	[spmem:s2] =	stream.indirect.scatter.add.f32 [tilespmem:s11], [sflag:$0x8], $0x10, s0, s9, $0xb8;
	[tilespmem:$0x9510] =	vst v63  }
0x9c: {  	_ = 	snop  }
0x9d: {  	[spmem:s3] =	stream.indirect.scatter.add.f32 [tilespmem:s31], [sflag:$0xD], $0x10, s0, s9, $0xb8;
	[tilespmem:$0x9510] =	vst v63  }
0x9e: {  	_ =	swait.ge [sflag:s15], $0x500  }
0x9f: {  	[sflag:s15] =	ssyncset.done $0x0  }
0xa0: {  	[sflag:s15] =	ssyncadd.s32 $0xFFFFFB00  }
0xa1: {  	_ =	swait.ge [sflag:s16], $0x500  }
0xa2: {  	[sflag:s16] =	ssyncset.done $0x0  }
0xa3: {  	[sflag:s16] =	ssyncadd.s32 $0xFFFFFB00  }
0xa4: {  	_ =	swait.ge [sflag:s17], $0x500  }
0xa5: {  	[sflag:s17] =	ssyncset.done $0x0  }
0xa6: {  	s25 =	rddreg [dreg:$0x18];
	[sflag:s17] =	ssyncadd.s32 $0xFFFFFB00  }
0xa7: {  	[tilespmem:s26], [sflag:$0x1] =	stream.linear.gather [hbm4b:s25+s4], $0x500, $0x38;
	[tilespmem:$0x9510] =	vst v63  }
0xa8: {  	s11 =	simm.s32 $0x280  }
0xa9: {  	[spmem:s2] =	stream.indirect.scatter.add.f32 [tilespmem:s13], [sflag:$0x9], $0x10, s11, s9, $0xb8;
	[tilespmem:$0x9510] =	vst v63  }
0xaa: {  	_ = 	snop  }
0xab: {  	[spmem:s3] =	stream.indirect.scatter.add.f32 [tilespmem:s31], [sflag:$0xE], $0x10, s11, s9, $0xb8;
	[tilespmem:$0x9510] =	vst v63  }
0xac: {  	_ =	swait.ge [sflag:s19], $0x500  }
0xad: {  	[sflag:s19] =	ssyncset.done $0x0  }
0xae: {  	[sflag:s19] =	ssyncadd.s32 $0xFFFFFB00  }
0xaf: {  	_ =	swait.ge [sflag:s20], $0x500  }
0xb0: {  	[sflag:s20] =	ssyncset.done $0x0  }
0xb1: {  	[sflag:s20] =	ssyncadd.s32 $0xFFFFFB00  }
0xb2: {  	s29 =	simm.s32 $0x640;
	_ =	swait.ge [sflag:s21], $0x500  }
0xb3: {  	s1 =	simm.s32 $0x2D0;
	s28 =	sadd.s32 $0x320, s28;
	[sflag:s21] =	ssyncset.done $0x0  }
0xb4: {  	s30 =	sadd.s32 $0x320, s30;
	s13 =	rddreg [dreg:$0x17];
	[sflag:s21] =	ssyncadd.s32 $0xFFFFFB00  }
0xb5: {  	[tilespmem:s6], [sflag:$0x2] =	stream.linear.gather [hbm4b:s13+s4], $0x500, $0x38;
	[tilespmem:$0x9510] =	vst v63  }
0xb6: {  	s26 =	sadd.s32 $0x320, s8;
	s25 =	sadd.s32 $0x320, s25;
	s8 =	sadd.s32 $0x320, s13  }
0xb7: {  	[spmem:s2] =	stream.indirect.scatter.add.f32 [tilespmem:s5], [sflag:$0xA], $0x10, s1, s9, $0xb8;
	[tilespmem:$0x9510] =	vst v63  }
.LBB2_2:
0xb8: {  	[spmem:s3] =	stream.indirect.scatter.add.f32 [tilespmem:s31], [sflag:$0xF], $0x10, s1, s9, $0xb8;
	[tilespmem:$0x9510] =	vst v63  }
0xb9: {  	s1 =	smov.u32 s29;
	s0 =	simm.s32 $0x1  }
0xba: {  	p0 =	sne.s32 s29, $0x8980;
	s29 =	sadd.s32 $0x640, s29;
	_ =	swait.ge [sflag:s0], $0x500  }
0xbb: {  	[sflag:s0] =	ssyncset.done $0x0  }
0xbc: {  	[sflag:s0] =	ssyncadd.s32 $0xFFFFFB00  }
0xbd: {  	_ =	swait.ge [sflag:s23], $0x500  }
0xbe: {  	[sflag:s23] =	ssyncset.done $0x0  }
0xbf: {  	[sflag:s23] =	ssyncadd.s32 $0xFFFFFB00  }
0xc0: {  	_ =	swait.ge [sflag:s14], $0x500  }
0xc1: {  	[sflag:s14] =	ssyncset.done $0x0  }
0xc2: {  	s11 =	simm.s32 $0x3110;
	s1 =	sshra.s32 s1, $0x2;
	[sflag:s14] =	ssyncadd.s32 $0xFFFFFB00  }
0xc3: {  	[tilespmem:s11], [sflag:$0x3] =	stream.linear.gather [hbm4b:s28+s4], $0x500, $0x38;
	[tilespmem:$0x9510] =	vst v63  }
0xc4: {  	s6 =	simm.s32 $0x2710;
	s0 =	sadd.s32 $0x190, s1  }
0xc5: {  	[spmem:s2] =	stream.indirect.scatter.add.f32 [tilespmem:s6], [sflag:$0x6], $0x10, s0, s9, $0xb8;
	[tilespmem:$0x9510] =	vst v63  }
0xc6: {  	_ = 	snop  }
0xc7: {  	[spmem:s3] =	stream.indirect.scatter.add.f32 [tilespmem:s31], [sflag:$0xB], $0x10, s0, s9, $0xb8;
	[tilespmem:$0x9510] =	vst v63  }
0xc8: {  	s0 =	simm.s32 $0x2  }
0xc9: {  	_ =	swait.ge [sflag:s0], $0x500  }
0xca: {  	[sflag:s0] =	ssyncset.done $0x0  }
0xcb: {  	[sflag:s0] =	ssyncadd.s32 $0xFFFFFB00  }
0xcc: {  	_ =	swait.ge [sflag:s18], $0x500  }
0xcd: {  	[sflag:s18] =	ssyncset.done $0x0  }
0xce: {  	[sflag:s18] =	ssyncadd.s32 $0xFFFFFB00  }
0xcf: {  	_ =	swait.ge [sflag:s22], $0x500  }
0xd0: {  	[sflag:s22] =	ssyncset.done $0x0  }
0xd1: {  	s5 =	simm.s32 $0x3610;
	[sflag:s22] =	ssyncadd.s32 $0xFFFFFB00  }
0xd2: {  	[tilespmem:s5], [sflag:$0x4] =	stream.linear.gather [hbm4b:s26+s4], $0x500, $0x38;
	[tilespmem:$0x9510] =	vst v63  }
0xd3: {  	s13 =	simm.s32 $0x2C10;
	s0 =	sadd.s32 $0x1E0, s1  }
0xd4: {  	[spmem:s2] =	stream.indirect.scatter.add.f32 [tilespmem:s13], [sflag:$0x7], $0x10, s0, s9, $0xb8;
	[tilespmem:$0x9510] =	vst v63  }
0xd5: {  	_ = 	snop  }
0xd6: {  	[spmem:s3] =	stream.indirect.scatter.add.f32 [tilespmem:s31], [sflag:$0xC], $0x10, s0, s9, $0xb8;
	[tilespmem:$0x9510] =	vst v63  }
0xd7: {  	_ =	swait.ge [sflag:s12], $0x500  }
0xd8: {  	[sflag:s12] =	ssyncset.done $0x0  }
0xd9: {  	[sflag:s12] =	ssyncadd.s32 $0xFFFFFB00  }
0xda: {  	_ =	swait.ge [sflag:s7], $0x500  }
0xdb: {  	[sflag:s7] =	ssyncset.done $0x0  }
0xdc: {  	[sflag:s7] =	ssyncadd.s32 $0xFFFFFB00  }
0xdd: {  	_ =	swait.ge [sflag:s24], $0x500  }
0xde: {  	[sflag:s24] =	ssyncset.done $0x0  }
0xdf: {  	[sflag:s24] =	ssyncadd.s32 $0xFFFFFB00  }
0xe0: {  	[tilespmem:s10], [sflag:$0x5] =	stream.linear.gather [hbm4b:s30+s4], $0x500, $0x38;
	[tilespmem:$0x9510] =	vst v63  }
0xe1: {  	s0 =	sadd.s32 $0x230, s1  }
0xe2: {  	[spmem:s2] =	stream.indirect.scatter.add.f32 [tilespmem:s11], [sflag:$0x8], $0x10, s0, s9, $0xb8;
	[tilespmem:$0x9510] =	vst v63  }
0xe3: {  	_ = 	snop  }
0xe4: {  	[spmem:s3] =	stream.indirect.scatter.add.f32 [tilespmem:s31], [sflag:$0xD], $0x10, s0, s9, $0xb8;
	[tilespmem:$0x9510] =	vst v63  }
0xe5: {  	_ =	swait.ge [sflag:s15], $0x500  }
0xe6: {  	[sflag:s15] =	ssyncset.done $0x0  }
0xe7: {  	[sflag:s15] =	ssyncadd.s32 $0xFFFFFB00  }
0xe8: {  	_ =	swait.ge [sflag:s16], $0x500  }
0xe9: {  	[sflag:s16] =	ssyncset.done $0x0  }
0xea: {  	[sflag:s16] =	ssyncadd.s32 $0xFFFFFB00  }
0xeb: {  	_ =	swait.ge [sflag:s17], $0x500  }
0xec: {  	[sflag:s17] =	ssyncset.done $0x0  }
0xed: {  	s11 =	simm.s32 $0x2710;
	[sflag:s17] =	ssyncadd.s32 $0xFFFFFB00  }
0xee: {  	[tilespmem:s6], [sflag:$0x1] =	stream.linear.gather [hbm4b:s25+s4], $0x500, $0x38;
	[tilespmem:$0x9510] =	vst v63  }
0xef: {  	s0 =	sadd.s32 $0x280, s1  }
0xf0: {  	[spmem:s2] =	stream.indirect.scatter.add.f32 [tilespmem:s5], [sflag:$0x9], $0x10, s0, s9, $0xb8;
	[tilespmem:$0x9510] =	vst v63  }
0xf1: {  	_ = 	snop  }
0xf2: {  	[spmem:s3] =	stream.indirect.scatter.add.f32 [tilespmem:s31], [sflag:$0xE], $0x10, s0, s9, $0xb8;
	[tilespmem:$0x9510] =	vst v63  }
0xf3: {  	_ =	swait.ge [sflag:s19], $0x500  }
0xf4: {  	[sflag:s19] =	ssyncset.done $0x0  }
0xf5: {  	[sflag:s19] =	ssyncadd.s32 $0xFFFFFB00  }
0xf6: {  	_ =	swait.ge [sflag:s20], $0x500  }
0xf7: {  	[sflag:s20] =	ssyncset.done $0x0  }
0xf8: {  	[sflag:s20] =	ssyncadd.s32 $0xFFFFFB00  }
0xf9: {  	_ =	swait.ge [sflag:s21], $0x500  }
0xfa: {  	[sflag:s21] =	ssyncset.done $0x0  }
.Ltmp0:
0xfb: {  	s6 =	simm.s32 $0x2C10;
	[sflag:s21] =	ssyncadd.s32 $0xFFFFFB00;
	(pc) =	sbr.rel @p0 .LBB2_2-.Ltmp0, $4  }
0xfc: {  	[tilespmem:s13], [sflag:$0x2] =	stream.linear.gather [hbm4b:s8+s4], $0x500, $0x38;
	[tilespmem:$0x9510] =	vst v63  }
0xfd: {  	s28 =	sadd.s32 $0x320, s28;
	s26 =	sadd.s32 $0x320, s26;
	s1 =	sadd.s32 $0x2D0, s1  }
0xfe: {  	[spmem:s2] =	stream.indirect.scatter.add.f32 [tilespmem:s10], [sflag:$0xA], $0x10, s1, s9, $0xb8;
	[tilespmem:$0x9510] =	vst v63  }
0xff: {  	s30 =	sadd.s32 $0x320, s30;
	s25 =	sadd.s32 $0x320, s25;
	s8 =	sadd.s32 $0x320, s8  }
0x100: {  	[spmem:s3] =	stream.indirect.scatter.add.f32 [tilespmem:s31], [sflag:$0xF], $0x10, s1, s9, $0xb8;
	[tilespmem:$0x9510] =	vst v63  }
0x101: {  	s0 =	simm.s32 $0x1  }
0x102: {  	_ =	swait.ge [sflag:s0], $0x500  }
0x103: {  	[sflag:s0] =	ssyncset.done $0x0  }
0x104: {  	[sflag:s0] =	ssyncadd.s32 $0xFFFFFB00  }
0x105: {  	_ =	swait.ge [sflag:s23], $0x500  }
0x106: {  	[sflag:s23] =	ssyncset.done $0x0  }
0x107: {  	[sflag:s23] =	ssyncadd.s32 $0xFFFFFB00  }
0x108: {  	_ =	swait.ge [sflag:s14], $0x500  }
0x109: {  	[sflag:s14] =	ssyncset.done $0x0  }
0x10a: {  	s1 =	simm.s32 $0x3110;
	s5 =	rddreg [dreg:$0x11];
	[sflag:s14] =	ssyncadd.s32 $0xFFFFFB00  }
0x10b: {  	[tilespmem:s1], [sflag:$0x3] =	stream.linear.gather [hbm4b:s5+s4], $0x500, $0x38;
	[tilespmem:$0x9510] =	vst v63  }
0x10c: {  	s8 =	simm.s32 $0x2580  }
0x10d: {  	[spmem:s2] =	stream.indirect.scatter.add.f32 [tilespmem:s11], [sflag:$0x6], $0x10, s8, s9, $0xb8;
	[tilespmem:$0x9510] =	vst v63  }
0x10e: {  	s13 =	simm.s32 $0x2  }
0x10f: {  	[spmem:s3] =	stream.indirect.scatter.add.f32 [tilespmem:s31], [sflag:$0xB], $0x10, s8, s9, $0xb8;
	[tilespmem:$0x9510] =	vst v63  }
0x110: {  	_ =	swait.ge [sflag:s13], $0x500  }
0x111: {  	[sflag:s13] =	ssyncset.done $0x0  }
0x112: {  	[sflag:s13] =	ssyncadd.s32 $0xFFFFFB00  }
0x113: {  	_ =	swait.ge [sflag:s18], $0x500  }
0x114: {  	[sflag:s18] =	ssyncset.done $0x0  }
0x115: {  	[sflag:s18] =	ssyncadd.s32 $0xFFFFFB00  }
0x116: {  	_ =	swait.ge [sflag:s22], $0x500  }
0x117: {  	[sflag:s22] =	ssyncset.done $0x0  }
0x118: {  	s5 =	simm.s32 $0x3610;
	s25 =	rddreg [dreg:$0x12];
	[sflag:s22] =	ssyncadd.s32 $0xFFFFFB00  }
0x119: {  	[tilespmem:s5], [sflag:$0x4] =	stream.linear.gather [hbm4b:s25+s4], $0x500, $0x38;
	[tilespmem:$0x9510] =	vst v63  }
0x11a: {  	s26 =	simm.s32 $0x25D0  }
0x11b: {  	[spmem:s2] =	stream.indirect.scatter.add.f32 [tilespmem:s6], [sflag:$0x7], $0x10, s26, s9, $0xb8;
	[tilespmem:$0x9510] =	vst v63  }
0x11c: {  	_ = 	snop  }
0x11d: {  	[spmem:s3] =	stream.indirect.scatter.add.f32 [tilespmem:s31], [sflag:$0xC], $0x10, s26, s9, $0xb8;
	[tilespmem:$0x9510] =	vst v63  }
0x11e: {  	_ =	swait.ge [sflag:s12], $0x500  }
0x11f: {  	[sflag:s12] =	ssyncset.done $0x0  }
0x120: {  	[sflag:s12] =	ssyncadd.s32 $0xFFFFFB00  }
0x121: {  	_ =	swait.ge [sflag:s7], $0x500  }
0x122: {  	[sflag:s7] =	ssyncset.done $0x0  }
0x123: {  	[sflag:s7] =	ssyncadd.s32 $0xFFFFFB00  }
0x124: {  	_ =	swait.ge [sflag:s24], $0x500  }
0x125: {  	[sflag:s24] =	ssyncset.done $0x0  }
0x126: {  	s29 =	simm.s32 $0x3B10;
	s28 =	rddreg [dreg:$0x13];
	[sflag:s24] =	ssyncadd.s32 $0xFFFFFB00  }
0x127: {  	[tilespmem:s29], [sflag:$0x5] =	stream.linear.gather [hbm4b:s28+s4], $0x500, $0x38;
	[tilespmem:$0x9510] =	vst v63  }
0x128: {  	s30 =	simm.s32 $0x2620  }
0x129: {  	[spmem:s2] =	stream.indirect.scatter.add.f32 [tilespmem:s1], [sflag:$0x8], $0x10, s30, s9, $0xb8;
	[tilespmem:$0x9510] =	vst v63  }
0x12a: {  	_ = 	snop  }
0x12b: {  	[spmem:s3] =	stream.indirect.scatter.add.f32 [tilespmem:s31], [sflag:$0xD], $0x10, s30, s9, $0xb8;
	[tilespmem:$0x9510] =	vst v63  }
0x12c: {  	_ =	swait.ge [sflag:s15], $0x500  }
0x12d: {  	[sflag:s15] =	ssyncset.done $0x0  }
0x12e: {  	[sflag:s15] =	ssyncadd.s32 $0xFFFFFB00  }
0x12f: {  	_ =	swait.ge [sflag:s16], $0x500  }
0x130: {  	[sflag:s16] =	ssyncset.done $0x0  }
0x131: {  	[sflag:s16] =	ssyncadd.s32 $0xFFFFFB00  }
0x132: {  	_ =	swait.ge [sflag:s17], $0x500  }
0x133: {  	[sflag:s17] =	ssyncset.done $0x0  }
0x134: {  	s1 =	simm.s32 $0x2670;
	[sflag:s17] =	ssyncadd.s32 $0xFFFFFB00  }
0x135: {  	[spmem:s2] =	stream.indirect.scatter.add.f32 [tilespmem:s5], [sflag:$0x9], $0x10, s1, s9, $0xb8;
	[tilespmem:$0x9510] =	vst v63  }
0x136: {  	_ = 	snop  }
0x137: {  	[spmem:s3] =	stream.indirect.scatter.add.f32 [tilespmem:s31], [sflag:$0xE], $0x10, s1, s9, $0xb8;
	[tilespmem:$0x9510] =	vst v63  }
0x138: {  	_ =	swait.ge [sflag:s19], $0x500  }
0x139: {  	[sflag:s19] =	ssyncset.done $0x0  }
0x13a: {  	[sflag:s19] =	ssyncadd.s32 $0xFFFFFB00  }
0x13b: {  	_ =	swait.ge [sflag:s20], $0x500  }
0x13c: {  	[sflag:s20] =	ssyncset.done $0x0  }
0x13d: {  	[sflag:s20] =	ssyncadd.s32 $0xFFFFFB00  }
0x13e: {  	_ =	swait.ge [sflag:s21], $0x500  }
0x13f: {  	[sflag:s21] =	ssyncset.done $0x0  }
0x140: {  	s8 =	simm.s32 $0x26C0;
	[sflag:s21] =	ssyncadd.s32 $0xFFFFFB00  }
0x141: {  	[spmem:s2] =	stream.indirect.scatter.add.f32 [tilespmem:s29], [sflag:$0xA], $0x10, s8, s9, $0xb8;
	[tilespmem:$0x9510] =	vst v63  }
0x142: {  	_ = 	snop  }
0x143: {  	[spmem:s3] =	stream.indirect.scatter.add.f32 [tilespmem:s31], [sflag:$0xF], $0x10, s8, s9, $0xb8;
	[tilespmem:$0x9510] =	vst v63  }
0x144: {  	_ =	swait.ge [sflag:s23], $0x500  }
0x145: {  	[sflag:s23] =	ssyncset.done $0x0  }
0x146: {  	[sflag:s23] =	ssyncadd.s32 $0xFFFFFB00  }
0x147: {  	_ =	swait.ge [sflag:s14], $0x500  }
0x148: {  	[sflag:s14] =	ssyncset.done $0x0  }
0x149: {  	[sflag:s14] =	ssyncadd.s32 $0xFFFFFB00  }
0x14a: {  	_ =	swait.ge [sflag:s18], $0x500  }
0x14b: {  	[sflag:s18] =	ssyncset.done $0x0  }
0x14c: {  	[sflag:s18] =	ssyncadd.s32 $0xFFFFFB00  }
0x14d: {  	_ =	swait.ge [sflag:s22], $0x500  }
0x14e: {  	[sflag:s22] =	ssyncset.done $0x0  }
0x14f: {  	[sflag:s22] =	ssyncadd.s32 $0xFFFFFB00  }
0x150: {  	_ =	swait.ge [sflag:s7], $0x500  }
0x151: {  	[sflag:s7] =	ssyncset.done $0x0  }
0x152: {  	[sflag:s7] =	ssyncadd.s32 $0xFFFFFB00  }
0x153: {  	_ =	swait.ge [sflag:s24], $0x500  }
0x154: {  	[sflag:s24] =	ssyncset.done $0x0  }
0x155: {  	[sflag:s24] =	ssyncadd.s32 $0xFFFFFB00  }
0x156: {  	[bflag:$0x0] =	sbarrier.arrive $0xFFFF  }
0x157: {  	s25 =	rddreg [dreg:$0x7]  }
0x158: {  	s11 =	rddreg [dreg:$0x14]  }
0x159: {  	s8 =	simm.s32 $0x10;
	s13 =	rddreg [dreg:$0x1d]  }
0x15a: {  	[hbm:s11], [sflag:s25] =	dma.local [spmem:s13], $0x500  }
0x15b: {  	_ =	swait.ge [sflag:s8], $0x500  }
0x15c: {  	[sflag:s8] =	ssyncset.done $0x0;
	s26 =	rddreg [dreg:$0x15]  }
0x15d: {  	s28 =	rddreg [dreg:$0x1e];
	[sflag:s8] =	ssyncadd.s32 $0xFFFFFB00  }
0x15e: {  	[hbm:s26], [sflag:s25] =	dma.local [spmem:s28], $0x500  }
0x15f: {  	_ =	swait.ge [sflag:s8], $0x500  }
0x160: {  	s29 =	rddreg [dreg:$0x1c]  }
0x161: {  	s30 =	rddreg [dreg:$0x16];
	s1 =	sadd.s32 $0x1, s29  }
0x162: {  	p0 =	sne.s32 s1, s30  }
.Ltmp1:
0x163: {  	_ = 	snop;
	(pc) =	sbr.rel @p0 .LBB2_1-.Ltmp1, $3  }
0x164: {  	_ =	sdelay $0x1  }
0x165: {  	[sflag:s8] =	ssyncset.done $0x0  }
0x166: {  	[sflag:s8] =	ssyncadd.s32 $0xFFFFFB00  }
0x167: {  	_ =	sfence.sel $0x180000  }
0x168: {  	[bflag:$0x0] =	sbarrier.arrive $0xFFFF  }
0x169: {  	_ =	strace $0x9000004A  }
0x16a: {  	s0 =	stileid.u32;
	[bflag:$0x2] =	sbarrier.arrive $0xFFFF  }
0x16b: {  	p0 =	sne.s32 s0, $0x0;
	s0 =	rddreg [dreg:$0x3]  }
0x16c: {  	s0 =	sadd.s32 @!p0 $0x100000, s0  }
0x16d: {  	[sflag:s0] =	ssyncadd.tile.s32 @!p0 $0x1;
	_ =	shalt  }
.Lfunc_end2:
_tile_overlayer_lowered:
.L_overlay_start_2:
0x16e: {  	(tag) =	ssettag $0x2  }
0x16f: {  	s0 =	rddreg [dreg:$0x0];
	s2 =	stileid.u32  }
0x170: {  	s1 =	rddreg [dreg:$0x1];
	p0 =	sne.s32 s2, $0x0  }
0x171: {  	s3 =	rddreg [dreg:$0x2];
	[bflag:$0x3] =	sbarrier.arrive $0xFFFF;
	s2 =	simm.s32 @!p0 $0x1C10  }
0x172: {  	[timem:s3], [sflag:s2] =	dma.local @!p0 [hbm:s0], s1  }
0x173: {  	s0 =	simm.s32 @!p0 $0x10  }
0x174: {  	_ =	swait.ge @!p0 [sflag:s0], s1  }
0x175: {  	s1 =	ssub.s32 @!p0 $0x0, s1;
	[sflag:s0] =	ssyncset.done @!p0 $0x0  }
0x176: {  	[sflag:s0] =	ssyncadd.s32 @!p0 s1  }
0x177: {  	[bflag:$0x3] =	sbarrier.arrive $0xFFFF  }
0x178: {  	_ =	shalt  }

// kernel: kernel.14.cloned.1.call-start
scs
__scs_entry_jumppad:
0x0: {  	(pc) =	sbr.rel $0x88, $3  }
0x1: {  	(tag) =	ssettag $0x0;
	lr =	simm.s32 $0x1  }
0x2: {  	[smem:$0x3F93] =	sst lr;
	_ =	strace $0xD0000000  }
0x3: {  	_ = 	snop  }
0x4: {  	_ = 	snop  }
0x5: {  	_ = 	snop  }
0x6: {  	_ = 	snop  }
0x7: {  	_ = 	snop  }
__scs_overlays_trampoline_lowered:
0x8: {  	[smem:$0x3FA2] =	sst s0  }
0x9: {  	[smem:$0x3FA3] =	sst s1  }
0xa: {  	[smem:$0x3FA4] =	sst s2  }
0xb: {  	[smem:$0x3FA5] =	sst s3  }
0xc: {  	[smem:$0x3FA6] =	sst s4  }
0xd: {  	[smem:$0x3FA7] =	sst s5  }
0xe: {  	[smem:$0x3FA8] =	sst s6  }
0xf: {  	[smem:$0x3FA9] =	sst s7  }
0x10: {  	[smem:$0x3FAA] =	sst s8  }
0x11: {  	[smem:$0x3FAB] =	sst s9;
	s0 =	simm.s32 @!p0 $0x0  }
0x12: {  	s1 =	sld [smem:$0x3F91];
	s0 =	simm.s32 @p0 $0x1  }
0x13: {  	[smem:$0x3FAC] =	sst s0;
	s0 =	simm.s32 @!p1 $0x0  }
0x14: {  	s2 =	sld [smem:$0x3F90];
	s0 =	simm.s32 @p1 $0x1  }
0x15: {  	[smem:$0x3FAD] =	sst s0;
	s0 =	simm.s32 @!p2 $0x0  }
0x16: {  	s3 =	sld [smem:$0x3FDB];
	s0 =	simm.s32 @p2 $0x1  }
0x17: {  	s4 =	simm.s32 $0x1BF5;
	[smem:$0x3FAF] =	sst s0  }
0x18: {  	s0 =	sld [smem:$0x3F92];
	_ =	swait.ge [sflag:s4], $0x0  }
0x19: {  	s7 =	sld [smem:$0x3F93]  }
0x1a: {  	s8 =	sadd.s32 $0xFFFFE003, lr  }
0x1b: {  	s9 =	sadd.s32 $0xFFFFFEF7, lr;
	s5 =	simm.s32 $0xFFFFFFFF;
	p2 =	slt.u32 s8, $0xFFFFF086  }
0x1c: {  	p1 =	slt.u32 s9, $0xF7A;
	s5 =	simm.s32 @!p2 $0x0  }
0x1d: {  	s5 =	simm.s32 @p1 $0x1;
	p0 =	seq.s32 s7, s2  }
0x1e: {  	s7 =	smul.u32 @!p0 $0xF7A, s2;
	p2 =	seq.s32 @!p0 s5, $0x0  }
0x1f: {  	s9 =	smul.u32 $0xF7A, s1;
	s8 =	simm.s32 @!p0 $0x1BF5;
	p2 =	por !p2, p0  }
0x20: {  	[sflag:s8] =	ssyncset.s32 @!p0 $0xFFFFF086;
	s6 =	sadd.s32 @!p0 s3, s7;
	s7 =	simm.s32 @!p0 $0x108  }
0x21: {  	s3 =	sadd.s32 s3, s9;
	s6 =	sadd.s32 @!p0 $0x88, s6;
	s7 =	simm.s32 @p2 $0x1082  }
0x22: {  	[simem:s7], [sflag:s8] =	dma.local @!p0 [hbm:s6], $0xF7A  }
0x23: {  	s9 =	sor.u32 $0xD0000000, s2;
	s6 =	simm.s32 $0x108;
	_ =	swait.ge @!p0 [sflag:s8], $0x0  }
0x24: {  	s3 =	sadd.s32 $0x88, s3;
	s6 =	simm.s32 @!p1 $0x1082;
	[sflag:s4] =	ssyncset.s32 $0xFFFFF086  }
0x25: {  	[simem:s6], [sflag:s4] =	dma.local [hbm:s3], $0xF7A  }
0x26: {  	[smem:$0x3F93] =	sst s1;
	(tag) =	ssettag s2;
	_ =	strace s9  }
0x27: {  	s1 =	sld [smem:$0x3FA3]  }
0x28: {  	s2 =	sld [smem:$0x3FA4]  }
0x29: {  	s4 =	sld [smem:$0x3FA6]  }
0x2a: {  	p0 =	seq.s32 s5, $0x0;
	s5 =	sld [smem:$0x3FA7]  }
0x2b: {  	s6 =	sld [smem:$0x3FA8]  }
0x2c: {  	s7 =	sld [smem:$0x3FA9]  }
0x2d: {  	s3 =	simm.s32 $0x108;
	s8 =	sld [smem:$0x3FAA]  }
0x2e: {  	s3 =	simm.s32 @!p0 $0x1082;
	s9 =	sld [smem:$0x3FAB]  }
0x2f: {  	lr =	sadd.s32 s0, s3;
	s0 =	sld [smem:$0x3FA2]  }
0x30: {  	s3 =	sld [smem:$0x3FA5]  }
0x31: {  	[smem:$0x3FAE] =	sst s10  }
0x32: {  	s10 =	sld [smem:$0x3FAC];
	_ =	sdelay $0x3  }
0x33: {  	p0 =	seq.s32 s10, $0x1;
	s10 =	sld [smem:$0x3FAE];
	_ =	sdelay $0x3  }
0x34: {  	[smem:$0x3FAE] =	sst s10  }
0x35: {  	s10 =	sld [smem:$0x3FAD];
	_ =	sdelay $0x3  }
0x36: {  	p1 =	seq.s32 s10, $0x1;
	s10 =	sld [smem:$0x3FAE];
	_ =	sdelay $0x3  }
0x37: {  	[smem:$0x3FAE] =	sst s10  }
0x38: {  	s10 =	sld [smem:$0x3FAF]  }
0x39: {  	_ = 	snop;
	(pc) =	sbr.ind lr, $3  }
0x3a: {  	_ = 	snop  }
0x3b: {  	_ = 	snop  }
0x3c: {  	p2 =	seq.s32 s10, $0x1;
	s10 =	sld [smem:$0x3FAE]  }
0x3d: {  	_ =	shalt  }
0x3e: {  	_ =	shalt  }
0x3f: {  	_ =	shalt  }
0x40: {  	_ =	shalt  }
0x41: {  	_ =	shalt  }
0x42: {  	_ =	shalt  }
0x43: {  	_ =	shalt  }
0x44: {  	_ =	shalt  }
0x45: {  	_ =	shalt  }
0x46: {  	_ =	shalt  }
0x47: {  	_ =	shalt  }
0x48: {  	_ =	shalt  }
0x49: {  	_ =	shalt  }
0x4a: {  	_ =	shalt  }
0x4b: {  	_ =	shalt  }
0x4c: {  	_ =	shalt  }
0x4d: {  	_ =	shalt  }
0x4e: {  	_ =	shalt  }
0x4f: {  	_ =	shalt  }
0x50: {  	_ =	shalt  }
0x51: {  	_ =	shalt  }
0x52: {  	_ =	shalt  }
0x53: {  	_ =	shalt  }
0x54: {  	_ =	shalt  }
0x55: {  	_ =	shalt  }
0x56: {  	_ =	shalt  }
0x57: {  	_ =	shalt  }
0x58: {  	_ =	shalt  }
0x59: {  	_ =	shalt  }
0x5a: {  	_ =	shalt  }
0x5b: {  	_ =	shalt  }
0x5c: {  	_ =	shalt  }
0x5d: {  	_ =	shalt  }
0x5e: {  	_ =	shalt  }
0x5f: {  	_ =	shalt  }
0x60: {  	_ =	shalt  }
0x61: {  	_ =	shalt  }
0x62: {  	_ =	shalt  }
0x63: {  	_ =	shalt  }
0x64: {  	_ =	shalt  }
0x65: {  	_ =	shalt  }
0x66: {  	_ =	shalt  }
0x67: {  	_ =	shalt  }
0x68: {  	_ =	shalt  }
0x69: {  	_ =	shalt  }
0x6a: {  	_ =	shalt  }
0x6b: {  	_ =	shalt  }
0x6c: {  	_ =	shalt  }
0x6d: {  	_ =	shalt  }
0x6e: {  	_ =	shalt  }
0x6f: {  	_ =	shalt  }
0x70: {  	_ =	shalt  }
0x71: {  	_ =	shalt  }
0x72: {  	_ =	shalt  }
0x73: {  	_ =	shalt  }
0x74: {  	_ =	shalt  }
0x75: {  	_ =	shalt  }
0x76: {  	_ =	shalt  }
0x77: {  	_ =	shalt  }
0x78: {  	_ =	shalt  }
0x79: {  	_ =	shalt  }
0x7a: {  	_ =	shalt  }
0x7b: {  	_ =	shalt  }
0x7c: {  	_ =	shalt  }
0x7d: {  	_ =	shalt  }
0x7e: {  	_ =	shalt  }
0x7f: {  	_ =	shalt  }
0x80: {  	_ =	shalt  }
0x81: {  	_ =	shalt  }
0x82: {  	_ =	shalt  }
0x83: {  	_ =	shalt  }
0x84: {  	_ =	shalt  }
0x85: {  	_ =	shalt  }
0x86: {  	_ =	shalt  }
0x87: {  	_ =	shalt  }
.Lfunc_end0:
.L_simem_size_0:
called_computation.2_lowered:
.L_overlay_start_0:
0x88: {  	s2 =	sld [smem:$0x3FD9]  }
0x89: {  	s3 =	sld [smem:$0x3FFE];
	_ =	sdelay $0x1  }
0x8a: {  	s1 =	srdreg.scid  }
0x8b: {  	s0 =	sand.u32 $0x1, s1  }
0x8c: {  	s16 =	sshll.u32 s0, $0xA;
	s2 =	sadd.s32 s3, s2  }
0x8d: {  	s2 =	sadd.s32 s2, s16  }
0x8e: {  	[smem:$0x3FBA] =	sst s2  }
0x8f: {  	_ = 	snop  }
0x90: {  	(tm) =	ssettm $0x1  }
0x91: {  	s17 =	sld [smem:$0x3FFB];
	_ =	sdelay $0x3  }
0x92: {  	_ =	strace s17  }
0x93: {  	s2 =	sld [smem:$0x3FFC];
	_ =	sdelay $0x3  }
0x94: {  	_ =	strace s2  }
0x95: {  	s2 =	sld [smem:$0x3FFD];
	_ =	sdelay $0x3  }
0x96: {  	_ =	strace s2  }
0x97: {  	_ =	strace $0x8FFFFFFF  }
0x98: {  	s18 =	sld [smem:$0x3FDB];
	_ =	sdelay $0x1  }
0x99: {  	s19 =	simm.s32 $_scs_section_size  }
0x9a: {  	s4 =	simm.s32 $_size__tile_overlayer_lowered;
	s5 =	simm.s32 $_tile_overlayer_lowered  }
0x9b: {  	s22 =	simm.s32 $0x1BFF;
	s21 =	sshll.u32 s5, $0x1;
	s2 =	sadd.s32 s19, s18  }
0x9c: {  	s6 =	simm.s32 $0x0;
	s20 =	sshll.u32 s4, $0x1;
	s4 =	sadd.s32 s21, s2  }
0x9d: {  	[timem:s6], [sflag:s22] =	dma.local [hbm:s4], s20  }
0x9e: {  	_ =	swait.ge [sflag:s22], s20  }
0x9f: {  	s3 =	ssub.s32 $0x0, s20;
	[sflag:s22] =	ssyncset.done $0x0  }
0xa0: {  	[sflag:s22] =	ssyncadd.s32 s3;
	_ =	sdelay $0x1  }
0xa1: {  	s23 =	simm.s32 $0x1B8B  }
0xa2: {  	_ =	swait.ge [sflag:s23], $0x1  }
0xa3: {  	[sflag:s23] =	ssyncset.done $0x0  }
0xa4: {  	s25 =	simm.s32 $0x1B8E;
	s24 =	sld [smem:$0x3FFE];
	[sflag:s23] =	ssyncadd.s32 $0xFFFFFFFF  }
0xa5: {  	s26 =	simm.s32 $execute0_lowered;
	[smem:$0x3FD2] =	sst s25  }
0xa6: {  	s4 =	sshll.u32 s26, $0x1;
	_ =	strace $0x8000004C;
	[dreg:$0x1] =	wrdreg $0xFFFFFFFF  }
0xa7: {  	s28 =	simm.s32 $_size_execute0_lowered;
	s2 =	sadd.s32 s2, s4;
	[dreg:$0x0] =	wrdreg $0x0  }
0xa8: {  	s4 =	sshll.u32 s28, $0x1;
	[dreg:$0x2] =	wrdreg s2  }
0xa9: {  	[dreg:$0x3] =	wrdreg s4  }
0xaa: {  	[dreg:$0x4] =	wrdreg $0xC0  }
0xab: {  	_ =	task [dreg:s6], $0x5FFFF  }
0xac: {  	[dreg:$0x1] =	wrdreg $0xFFFFFFFF  }
0xad: {  	[dreg:$0x0] =	wrdreg $0x60  }
0xae: {  	[dreg:$0x2] =	wrdreg s24  }
0xaf: {  	[dreg:$0x3] =	wrdreg $0x4E200  }
0xb0: {  	[dreg:$0x4] =	wrdreg $0x9  }
0xb1: {  	_ =	task.clear_ibuf [dreg:s6], $0x5FFFF;
	_ =	strace $0x9000004C  }
0xb2: {  	s29 =	simm.s32 $0x9;
	_ =	strace $0x8000004E  }
0xb3: {  	_ =	swait.ge [sflag:s29], $0x1  }
0xb4: {  	[sflag:s29] =	ssyncadd.s32 $0xFFFFFFFF  }
0xb5: {  	_ =	strace $0x9000004E  }
0xb6: {  	_ =	sfence  }
0xb7: {  	s30 =	sld [smem:$0x0];
	_ =	sdelay $0x2  }
0xb8: {  	s31 =	sshll.u32 s1, $0xD;
	s1 =	sshrl.u32 s1, $0x2  }
0xb9: {  	s3 =	sand.u32 $0x4000, s31;
	s1 =	sadd.s32 s1, s30  }
0xba: {  	s0 =	sor.u32 s3, s0;
	s1 =	sshll.u32 s1, $0x11  }
0xbb: {  	s0 =	sor.u32 s1, s0  }
0xbc: {  	s0 =	sadd.s32 $0x8F2B, s0  }
0xbd: {  	[sflag:s0] =	ssyncadd.remote.s32 $0x1  }
0xbe: {  	_ =	sfence.sel $0xFFFF  }
0xbf: {  	[dreg:$0x0] =	wrdreg $0xFFFFFFFF;
	(pc) =	sbr.abs _section_cstart, $3  }
0xc0: {  	[dreg:$0x1] =	wrdreg $0xFFFFFFFF  }
0xc1: {  	_ =	task.clear_ibuf [dreg:s6], $0x2FFFF;
	_ =	strace $0x9FFFFFFF  }
0xc2: {  	(tm) =	ssettm $0x7FFFFFFF  }
0xc3: {  	_ =	shalt  }
tec
execute0_lowered:
.L_overlay_start_1:
0x0: {  	(tag) =	ssettag $0x1  }
0x1: {  	s0 =	srdreg.scid;
	s5 =	rddreg [dreg:$0x0]  }
0x2: {  	s12 =	stileid.u32;
	s2 =	rddreg [dreg:$0x1];
	s3 =	simm.s32 $0x0  }
0x3: {  	s13 =	simm.s32 $0x2710;
	s14 =	simm.s32 $0x50;
	s15 =	simm.s32 $0x9E20  }
0x4: {  	s16 =	simm.s32 $0xA820;
	s17 =	simm.s32 $0x1;
	s19 =	simm.s32 $0xB220  }
0x5: {  	s20 =	simm.s32 $0x2;
	s22 =	simm.s32 $0xBC20;
	s29 =	simm.s32 $0x4  }
0x6: {  	s30 =	simm.s32 $0x6;
	s18 =	simm.s32 $0x7;
	s28 =	simm.s32 $0x9  }
0x7: {  	s31 =	simm.s32 $0xA;
	s23 =	simm.s32 $0x0;
	s0 =	sand.u32 $0x1, s0  }
0x8: {  	s6 =	smul.u32 $0xA000, s12;
	[smem:$0x7FF] =	sst s3;
	s4 =	sadd.s32 $0x3600, s5  }
0x9: {  	s26 =	sshll.u32 s12, $0x6;
	s1 =	sshll.u32 s0, $0x4;
	s7 =	smul.u32 $0xA0000, s0  }
0xa: {  	_ =	strace $0x8000004D;
	s0 =	ssub.s32 $0x2, s0;
	s1 =	sor.u32 s12, s1  }
0xb: {  	s8 =	sshrl.u32 s6, $0x4;
	s9 =	sshrl.u32 s0, $0x1;
	s24 =	sshrl.u32 s6, $0x1  }
0xc: {  	s12 =	simm.s32 $0xB;
	s1 =	smul.u32 $0x4E2, s1;
	s7 =	sadd.s32 s6, s7  }
0xd: {  	s8 =	sadd.s32 s8, s5;
	s0 =	ssub.s32 s0, s9;
	s11 =	sadd.s32 s24, s2  }
0xe: {  	s6 =	sor.u32 $0x1C0B, s26;
	s24 =	simm.s32 $0x3;
	s26 =	simm.s32 $0xC620  }
0xf: {  	s7 =	sshrl.u32 s7, $0x4;
	s25 =	sadd.s32 $0x21000, s8;
	s11 =	sshrl.u32 s11, $0x3  }
0x10: {  	s1 =	sadd.s32 s1, s5;
	s10 =	sadd.s32 s7, s5;
	[dreg:$0x3] =	wrdreg s25  }
0x11: {  	s25 =	simm.s32 $0x8;
	s7 =	sadd.s32 $0x17200, s1;
	s8 =	sadd.s32 $0xD400, s1  }
0x12: {  	s9 =	sadd.s32 $0x2B000, s10;
	s10 =	smax.u32 s0, $0x1;
	s0 =	simm.s32 $0x5  }
.LBB2_1:
0x13: {  	s1 =	rddreg [dreg:$0x3]  }
0x14: {  	[spmem:s11], [sflag:s6] =	dma.local [hbm:s1], $0xA00  }
0x15: {  	_ =	swait.ge [sflag:s12], $0xA00  }
0x16: {  	[sflag:s12] =	ssyncset.done $0x0  }
0x17: {  	[sflag:s12] =	ssyncadd.s32 $0xFFFFF600  }
0x18: {  	[tilespmem:s3], [sflag:$0xB] =	stream.linear.gather [hbm4b:s7+s3], $0x2710, $0x38;
	[tilespmem:$0xD020] =	vst v63  }
0x19: {  	_ =	swait.ge [sflag:s12], $0x2710  }
0x1a: {  	[sflag:s12] =	ssyncset.done $0x0  }
0x1b: {  	[sflag:s12] =	ssyncadd.s32 $0xFFFFD8F0  }
0x1c: {  	[tilespmem:s13], [sflag:$0xB] =	stream.linear.gather [hbm4b:s8+s3], $0x2710, $0x38;
	[tilespmem:$0xD020] =	vst v63  }
0x1d: {  	_ =	swait.ge [sflag:s12], $0x2710  }
0x1e: {  	[sflag:s12] =	ssyncset.done $0x0  }
0x1f: {  	[sflag:s12] =	ssyncadd.s32 $0xFFFFD8F0  }
0x20: {  	[bflag:$0x0] =	sbarrier.arrive $0xFFFF  }
0x21: {  	[tilespmem:s15], [sflag:$0x1] =	stream.indirect.gather [hbm4b:s4+s14], $0x20, s3, s14, $0xb8;
	[tilespmem:$0xD020] =	vst v63  }
0x22: {  	_ = 	snop  }
0x23: {  	[tilespmem:s16], [sflag:$0x2] =	stream.indirect.gather [hbm4b:s4+s14], $0x20, s14, s14, $0xb8;
	[tilespmem:$0xD020] =	vst v63  }
0x24: {  	_ =	swait.ge [sflag:s17], $0xA00  }
0x25: {  	[sflag:s17] =	ssyncset.done $0x0  }
0x26: {  	s5 =	simm.s32 $0xA0;
	[sflag:s17] =	ssyncadd.s32 $0xFFFFF600  }
0x27: {  	[tilespmem:s19], [sflag:$0x3] =	stream.indirect.gather [hbm4b:s4+s14], $0x20, s5, s14, $0xb8;
	[tilespmem:$0xD020] =	vst v63  }
0x28: {  	_ = 	snop  }
0x29: {  	[spmem:s2] =	stream.indirect.scatter.add.bf16 [tilespmem:s15], [sflag:$0x6], $0x20, s13, s14, $0xb8;
	[tilespmem:$0xD020] =	vst v63  }
0x2a: {  	_ =	swait.ge [sflag:s20], $0xA00  }
0x2b: {  	[sflag:s20] =	ssyncset.done $0x0  }
0x2c: {  	s21 =	simm.s32 $0xF0;
	[sflag:s20] =	ssyncadd.s32 $0xFFFFF600  }
0x2d: {  	[tilespmem:s22], [sflag:$0x4] =	stream.indirect.gather [hbm4b:s4+s14], $0x20, s21, s14, $0xb8;
	[tilespmem:$0xD020] =	vst v63  }
0x2e: {  	s5 =	simm.s32 $0x2760  }
0x2f: {  	[spmem:s2] =	stream.indirect.scatter.add.bf16 [tilespmem:s16], [sflag:$0x7], $0x20, s5, s14, $0xb8;
	[tilespmem:$0xD020] =	vst v63  }
0x30: {  	_ =	swait.ge [sflag:s24], $0xA00  }
0x31: {  	[sflag:s24] =	ssyncset.done $0x0  }
0x32: {  	s21 =	simm.s32 $0x140;
	[sflag:s24] =	ssyncadd.s32 $0xFFFFF600  }
0x33: {  	[tilespmem:s26], [sflag:$0x5] =	stream.indirect.gather [hbm4b:s4+s14], $0x20, s21, s14, $0xb8;
	[tilespmem:$0xD020] =	vst v63  }
0x34: {  	s5 =	simm.s32 $0x27B0  }
0x35: {  	[spmem:s2] =	stream.indirect.scatter.add.bf16 [tilespmem:s19], [sflag:$0x8], $0x20, s5, s14, $0xb8;
	[tilespmem:$0xD020] =	vst v63  }
0x36: {  	_ =	swait.ge [sflag:s29], $0xA00  }
0x37: {  	[sflag:s29] =	ssyncset.done $0x0  }
0x38: {  	[sflag:s29] =	ssyncadd.s32 $0xFFFFF600  }
0x39: {  	_ =	swait.ge [sflag:s30], $0xA00  }
0x3a: {  	[sflag:s30] =	ssyncset.done $0x0  }
0x3b: {  	s21 =	simm.s32 $0x190;
	[sflag:s30] =	ssyncadd.s32 $0xFFFFF600  }
0x3c: {  	[tilespmem:s15], [sflag:$0x1] =	stream.indirect.gather [hbm4b:s4+s14], $0x20, s21, s14, $0xb8;
	[tilespmem:$0xD020] =	vst v63  }
0x3d: {  	s5 =	simm.s32 $0x2800  }
0x3e: {  	[spmem:s2] =	stream.indirect.scatter.add.bf16 [tilespmem:s22], [sflag:$0x9], $0x20, s5, s14, $0xb8;
	[tilespmem:$0xD020] =	vst v63  }
0x3f: {  	_ =	swait.ge [sflag:s0], $0xA00  }
0x40: {  	[sflag:s0] =	ssyncset.done $0x0  }
0x41: {  	[sflag:s0] =	ssyncadd.s32 $0xFFFFF600  }
0x42: {  	_ =	swait.ge [sflag:s18], $0xA00  }
0x43: {  	[sflag:s18] =	ssyncset.done $0x0  }
0x44: {  	s21 =	simm.s32 $0x1E0;
	[sflag:s18] =	ssyncadd.s32 $0xFFFFF600  }
0x45: {  	[tilespmem:s16], [sflag:$0x2] =	stream.indirect.gather [hbm4b:s4+s14], $0x20, s21, s14, $0xb8;
	[tilespmem:$0xD020] =	vst v63  }
0x46: {  	s5 =	simm.s32 $0x2850  }
0x47: {  	[spmem:s2] =	stream.indirect.scatter.add.bf16 [tilespmem:s26], [sflag:$0xA], $0x20, s5, s14, $0xb8;
	[tilespmem:$0xD020] =	vst v63  }
0x48: {  	_ =	swait.ge [sflag:s17], $0xA00  }
0x49: {  	[sflag:s17] =	ssyncset.done $0x0  }
0x4a: {  	[sflag:s17] =	ssyncadd.s32 $0xFFFFF600  }
0x4b: {  	_ =	swait.ge [sflag:s25], $0xA00  }
0x4c: {  	[sflag:s25] =	ssyncset.done $0x0  }
0x4d: {  	s21 =	simm.s32 $0x230;
	[sflag:s25] =	ssyncadd.s32 $0xFFFFF600  }
0x4e: {  	[tilespmem:s19], [sflag:$0x3] =	stream.indirect.gather [hbm4b:s4+s14], $0x20, s21, s14, $0xb8;
	[tilespmem:$0xD020] =	vst v63  }
0x4f: {  	s5 =	simm.s32 $0x28A0  }
0x50: {  	[spmem:s2] =	stream.indirect.scatter.add.bf16 [tilespmem:s15], [sflag:$0x6], $0x20, s5, s14, $0xb8;
	[tilespmem:$0xD020] =	vst v63  }
0x51: {  	_ =	swait.ge [sflag:s20], $0xA00  }
0x52: {  	[sflag:s20] =	ssyncset.done $0x0  }
0x53: {  	[sflag:s20] =	ssyncadd.s32 $0xFFFFF600  }
0x54: {  	_ =	swait.ge [sflag:s28], $0xA00  }
0x55: {  	[sflag:s28] =	ssyncset.done $0x0  }
0x56: {  	s21 =	simm.s32 $0x280;
	[sflag:s28] =	ssyncadd.s32 $0xFFFFF600  }
0x57: {  	[tilespmem:s22], [sflag:$0x4] =	stream.indirect.gather [hbm4b:s4+s14], $0x20, s21, s14, $0xb8;
	[tilespmem:$0xD020] =	vst v63  }
0x58: {  	s5 =	simm.s32 $0x28F0  }
0x59: {  	[spmem:s2] =	stream.indirect.scatter.add.bf16 [tilespmem:s16], [sflag:$0x7], $0x20, s5, s14, $0xb8;
	[tilespmem:$0xD020] =	vst v63  }
0x5a: {  	_ =	swait.ge [sflag:s24], $0xA00  }
0x5b: {  	[sflag:s24] =	ssyncset.done $0x0  }
0x5c: {  	[sflag:s24] =	ssyncadd.s32 $0xFFFFF600  }
0x5d: {  	_ =	swait.ge [sflag:s31], $0xA00  }
0x5e: {  	[sflag:s31] =	ssyncset.done $0x0  }
0x5f: {  	s21 =	simm.s32 $0x2D0;
	[sflag:s31] =	ssyncadd.s32 $0xFFFFF600  }
0x60: {  	[tilespmem:s26], [sflag:$0x5] =	stream.indirect.gather [hbm4b:s4+s14], $0x20, s21, s14, $0xb8;
	[tilespmem:$0xD020] =	vst v63  }
0x61: {  	s5 =	simm.s32 $0x2940  }
0x62: {  	[spmem:s2] =	stream.indirect.scatter.add.bf16 [tilespmem:s19], [sflag:$0x8], $0x20, s5, s14, $0xb8;
	[tilespmem:$0xD020] =	vst v63  }
0x63: {  	_ =	swait.ge [sflag:s29], $0xA00  }
0x64: {  	[sflag:s29] =	ssyncset.done $0x0  }
0x65: {  	[sflag:s29] =	ssyncadd.s32 $0xFFFFF600  }
0x66: {  	_ =	swait.ge [sflag:s30], $0xA00  }
0x67: {  	[sflag:s30] =	ssyncset.done $0x0  }
0x68: {  	s21 =	simm.s32 $0x320;
	[sflag:s30] =	ssyncadd.s32 $0xFFFFF600  }
0x69: {  	[tilespmem:s15], [sflag:$0x1] =	stream.indirect.gather [hbm4b:s4+s14], $0x20, s21, s14, $0xb8;
	[tilespmem:$0xD020] =	vst v63  }
0x6a: {  	s5 =	simm.s32 $0x2990  }
0x6b: {  	[spmem:s2] =	stream.indirect.scatter.add.bf16 [tilespmem:s22], [sflag:$0x9], $0x20, s5, s14, $0xb8;
	[tilespmem:$0xD020] =	vst v63  }
0x6c: {  	_ =	swait.ge [sflag:s0], $0xA00  }
0x6d: {  	[sflag:s0] =	ssyncset.done $0x0  }
0x6e: {  	[sflag:s0] =	ssyncadd.s32 $0xFFFFF600  }
0x6f: {  	_ =	swait.ge [sflag:s18], $0xA00  }
0x70: {  	[sflag:s18] =	ssyncset.done $0x0  }
0x71: {  	s21 =	simm.s32 $0x370;
	[sflag:s18] =	ssyncadd.s32 $0xFFFFF600  }
0x72: {  	[tilespmem:s16], [sflag:$0x2] =	stream.indirect.gather [hbm4b:s4+s14], $0x20, s21, s14, $0xb8;
	[tilespmem:$0xD020] =	vst v63  }
0x73: {  	s1 =	simm.s32 $0x640;
	s21 =	simm.s32 $0x29E0  }
.LBB2_2:
0x74: {  	[spmem:s2] =	stream.indirect.scatter.add.bf16 [tilespmem:s26], [sflag:$0xA], $0x20, s21, s14, $0xb8;
	[tilespmem:$0xD020] =	vst v63  }
0x75: {  	s21 =	smov.u32 s1  }
0x76: {  	p0 =	sne.s32 s1, $0x8980;
	s1 =	sadd.s32 $0x640, s1;
	_ =	swait.ge [sflag:s17], $0xA00  }
0x77: {  	[sflag:s17] =	ssyncset.done $0x0  }
0x78: {  	[sflag:s17] =	ssyncadd.s32 $0xFFFFF600  }
0x79: {  	_ =	swait.ge [sflag:s25], $0xA00  }
0x7a: {  	s21 =	sshra.s32 s21, $0x2;
	[sflag:s25] =	ssyncset.done $0x0  }
0x7b: {  	s5 =	sadd.s32 $0x230, s21;
	[sflag:s25] =	ssyncadd.s32 $0xFFFFF600  }
0x7c: {  	[tilespmem:s19], [sflag:$0x3] =	stream.indirect.gather [hbm4b:s4+s14], $0x20, s5, s14, $0xb8;
	[tilespmem:$0xD020] =	vst v63  }
0x7d: {  	s5 =	sadd.s32 $0x28A0, s21  }
0x7e: {  	[spmem:s2] =	stream.indirect.scatter.add.bf16 [tilespmem:s15], [sflag:$0x6], $0x20, s5, s14, $0xb8;
	[tilespmem:$0xD020] =	vst v63  }
0x7f: {  	_ =	swait.ge [sflag:s20], $0xA00  }
0x80: {  	[sflag:s20] =	ssyncset.done $0x0  }
0x81: {  	[sflag:s20] =	ssyncadd.s32 $0xFFFFF600  }
0x82: {  	_ =	swait.ge [sflag:s28], $0xA00  }
0x83: {  	[sflag:s28] =	ssyncset.done $0x0  }
0x84: {  	s5 =	sadd.s32 $0x280, s21;
	[sflag:s28] =	ssyncadd.s32 $0xFFFFF600  }
0x85: {  	[tilespmem:s22], [sflag:$0x4] =	stream.indirect.gather [hbm4b:s4+s14], $0x20, s5, s14, $0xb8;
	[tilespmem:$0xD020] =	vst v63  }
0x86: {  	s5 =	sadd.s32 $0x28F0, s21  }
0x87: {  	[spmem:s2] =	stream.indirect.scatter.add.bf16 [tilespmem:s16], [sflag:$0x7], $0x20, s5, s14, $0xb8;
	[tilespmem:$0xD020] =	vst v63  }
0x88: {  	_ =	swait.ge [sflag:s24], $0xA00  }
0x89: {  	[sflag:s24] =	ssyncset.done $0x0  }
0x8a: {  	[sflag:s24] =	ssyncadd.s32 $0xFFFFF600  }
0x8b: {  	_ =	swait.ge [sflag:s31], $0xA00  }
0x8c: {  	[sflag:s31] =	ssyncset.done $0x0  }
0x8d: {  	s5 =	sadd.s32 $0x2D0, s21;
	[sflag:s31] =	ssyncadd.s32 $0xFFFFF600  }
0x8e: {  	[tilespmem:s26], [sflag:$0x5] =	stream.indirect.gather [hbm4b:s4+s14], $0x20, s5, s14, $0xb8;
	[tilespmem:$0xD020] =	vst v63  }
0x8f: {  	s5 =	sadd.s32 $0x2940, s21  }
0x90: {  	[spmem:s2] =	stream.indirect.scatter.add.bf16 [tilespmem:s19], [sflag:$0x8], $0x20, s5, s14, $0xb8;
	[tilespmem:$0xD020] =	vst v63  }
0x91: {  	_ =	swait.ge [sflag:s29], $0xA00  }
0x92: {  	[sflag:s29] =	ssyncset.done $0x0  }
0x93: {  	[sflag:s29] =	ssyncadd.s32 $0xFFFFF600  }
0x94: {  	_ =	swait.ge [sflag:s30], $0xA00  }
0x95: {  	[sflag:s30] =	ssyncset.done $0x0  }
0x96: {  	s5 =	sadd.s32 $0x320, s21;
	[sflag:s30] =	ssyncadd.s32 $0xFFFFF600  }
0x97: {  	[tilespmem:s15], [sflag:$0x1] =	stream.indirect.gather [hbm4b:s4+s14], $0x20, s5, s14, $0xb8;
	[tilespmem:$0xD020] =	vst v63  }
0x98: {  	s5 =	sadd.s32 $0x2990, s21  }
0x99: {  	[spmem:s2] =	stream.indirect.scatter.add.bf16 [tilespmem:s22], [sflag:$0x9], $0x20, s5, s14, $0xb8;
	[tilespmem:$0xD020] =	vst v63  }
0x9a: {  	_ =	swait.ge [sflag:s0], $0xA00  }
0x9b: {  	[sflag:s0] =	ssyncset.done $0x0  }
0x9c: {  	[sflag:s0] =	ssyncadd.s32 $0xFFFFF600  }
.Ltmp0:
0x9d: {  	_ =	swait.ge [sflag:s18], $0xA00;
	(pc) =	sbr.rel @p0 .LBB2_2-.Ltmp0, $4  }
0x9e: {  	[sflag:s18] =	ssyncset.done $0x0  }
0x9f: {  	s5 =	sadd.s32 $0x370, s21;
	[sflag:s18] =	ssyncadd.s32 $0xFFFFF600  }
0xa0: {  	[tilespmem:s16], [sflag:$0x2] =	stream.indirect.gather [hbm4b:s4+s14], $0x20, s5, s14, $0xb8;
	[tilespmem:$0xD020] =	vst v63  }
0xa1: {  	s21 =	sadd.s32 $0x29E0, s21  }
0xa2: {  	[spmem:s2] =	stream.indirect.scatter.add.bf16 [tilespmem:s26], [sflag:$0xA], $0x20, s21, s14, $0xb8;
	[tilespmem:$0xD020] =	vst v63  }
0xa3: {  	_ =	swait.ge [sflag:s17], $0xA00  }
0xa4: {  	[sflag:s17] =	ssyncset.done $0x0  }
0xa5: {  	[sflag:s17] =	ssyncadd.s32 $0xFFFFF600  }
0xa6: {  	_ =	swait.ge [sflag:s25], $0xA00  }
0xa7: {  	[sflag:s25] =	ssyncset.done $0x0  }
0xa8: {  	s1 =	simm.s32 $0x2620;
	[sflag:s25] =	ssyncadd.s32 $0xFFFFF600  }
0xa9: {  	[tilespmem:s19], [sflag:$0x3] =	stream.indirect.gather [hbm4b:s4+s14], $0x20, s1, s14, $0xb8;
	[tilespmem:$0xD020] =	vst v63  }
0xaa: {  	s21 =	simm.s32 $0x4C90  }
0xab: {  	[spmem:s2] =	stream.indirect.scatter.add.bf16 [tilespmem:s15], [sflag:$0x6], $0x20, s21, s14, $0xb8;
	[tilespmem:$0xD020] =	vst v63  }
0xac: {  	_ =	swait.ge [sflag:s20], $0xA00  }
0xad: {  	[sflag:s20] =	ssyncset.done $0x0  }
0xae: {  	[sflag:s20] =	ssyncadd.s32 $0xFFFFF600  }
0xaf: {  	_ =	swait.ge [sflag:s28], $0xA00  }
0xb0: {  	[sflag:s28] =	ssyncset.done $0x0  }
0xb1: {  	s5 =	simm.s32 $0x2670;
	[sflag:s28] =	ssyncadd.s32 $0xFFFFF600  }
0xb2: {  	[tilespmem:s22], [sflag:$0x4] =	stream.indirect.gather [hbm4b:s4+s14], $0x20, s5, s14, $0xb8;
	[tilespmem:$0xD020] =	vst v63  }
0xb3: {  	s21 =	simm.s32 $0x4CE0  }
0xb4: {  	[spmem:s2] =	stream.indirect.scatter.add.bf16 [tilespmem:s16], [sflag:$0x7], $0x20, s21, s14, $0xb8;
	[tilespmem:$0xD020] =	vst v63  }
0xb5: {  	_ =	swait.ge [sflag:s24], $0xA00  }
0xb6: {  	[sflag:s24] =	ssyncset.done $0x0  }
0xb7: {  	[sflag:s24] =	ssyncadd.s32 $0xFFFFF600  }
0xb8: {  	_ =	swait.ge [sflag:s31], $0xA00  }
0xb9: {  	[sflag:s31] =	ssyncset.done $0x0  }
0xba: {  	s5 =	simm.s32 $0x26C0;
	[sflag:s31] =	ssyncadd.s32 $0xFFFFF600  }
0xbb: {  	[tilespmem:s26], [sflag:$0x5] =	stream.indirect.gather [hbm4b:s4+s14], $0x20, s5, s14, $0xb8;
	[tilespmem:$0xD020] =	vst v63  }
0xbc: {  	s21 =	simm.s32 $0x4D30  }
0xbd: {  	[spmem:s2] =	stream.indirect.scatter.add.bf16 [tilespmem:s19], [sflag:$0x8], $0x20, s21, s14, $0xb8;
	[tilespmem:$0xD020] =	vst v63  }
0xbe: {  	_ =	swait.ge [sflag:s29], $0xA00  }
0xbf: {  	[sflag:s29] =	ssyncset.done $0x0  }
0xc0: {  	[sflag:s29] =	ssyncadd.s32 $0xFFFFF600  }
0xc1: {  	_ =	swait.ge [sflag:s30], $0xA00  }
0xc2: {  	[sflag:s30] =	ssyncset.done $0x0  }
0xc3: {  	s5 =	simm.s32 $0x4D80;
	[sflag:s30] =	ssyncadd.s32 $0xFFFFF600  }
0xc4: {  	[spmem:s2] =	stream.indirect.scatter.add.bf16 [tilespmem:s22], [sflag:$0x9], $0x20, s5, s14, $0xb8;
	[tilespmem:$0xD020] =	vst v63  }
0xc5: {  	_ =	swait.ge [sflag:s0], $0xA00  }
0xc6: {  	[sflag:s0] =	ssyncset.done $0x0  }
0xc7: {  	[sflag:s0] =	ssyncadd.s32 $0xFFFFF600  }
0xc8: {  	_ =	swait.ge [sflag:s18], $0xA00  }
0xc9: {  	[sflag:s18] =	ssyncset.done $0x0  }
0xca: {  	s21 =	simm.s32 $0x4DD0;
	[sflag:s18] =	ssyncadd.s32 $0xFFFFF600  }
0xcb: {  	[spmem:s2] =	stream.indirect.scatter.add.bf16 [tilespmem:s26], [sflag:$0xA], $0x20, s21, s14, $0xb8;
	[tilespmem:$0xD020] =	vst v63  }
0xcc: {  	_ =	swait.ge [sflag:s25], $0xA00  }
0xcd: {  	[sflag:s25] =	ssyncset.done $0x0  }
0xce: {  	[sflag:s25] =	ssyncadd.s32 $0xFFFFF600  }
0xcf: {  	_ =	swait.ge [sflag:s28], $0xA00  }
0xd0: {  	[sflag:s28] =	ssyncset.done $0x0  }
0xd1: {  	[sflag:s28] =	ssyncadd.s32 $0xFFFFF600  }
0xd2: {  	_ =	swait.ge [sflag:s31], $0xA00  }
0xd3: {  	s23 =	sadd.s32 $0x1, s23;
	[sflag:s31] =	ssyncset.done $0x0  }
0xd4: {  	p0 =	sne.s32 s23, s10;
	[sflag:s31] =	ssyncadd.s32 $0xFFFFF600  }
.Ltmp1:
0xd5: {  	[bflag:$0x0] =	sbarrier.arrive $0xFFFF;
	(pc) =	sbr.rel @p0 .LBB2_1-.Ltmp1, $4  }
0xd6: {  	[hbm:s9], [sflag:s6] =	dma.local [spmem:s11], $0xA00  }
0xd7: {  	_ =	swait.ge [sflag:s12], $0xA00  }
0xd8: {  	[sflag:s12] =	ssyncset.done $0x0  }
0xd9: {  	[sflag:s12] =	ssyncadd.s32 $0xFFFFF600  }
0xda: {  	_ =	sfence.sel $0x180000  }
0xdb: {  	[bflag:$0x0] =	sbarrier.arrive $0xFFFF  }
0xdc: {  	_ =	strace $0x9000004D  }
0xdd: {  	s0 =	stileid.u32;
	[bflag:$0x2] =	sbarrier.arrive $0xFFFF  }
0xde: {  	p0 =	sne.s32 s0, $0x0;
	s0 =	rddreg [dreg:$0x2]  }
0xdf: {  	s0 =	sadd.s32 @!p0 $0x100000, s0  }
0xe0: {  	[sflag:s0] =	ssyncadd.tile.s32 @!p0 $0x1;
	_ =	shalt  }
.Lfunc_end2:
_tile_overlayer_lowered:
.L_overlay_start_2:
0xe1: {  	(tag) =	ssettag $0x2  }
0xe2: {  	s0 =	rddreg [dreg:$0x0];
	s2 =	stileid.u32  }
0xe3: {  	s1 =	rddreg [dreg:$0x1];
	p0 =	sne.s32 s2, $0x0  }
0xe4: {  	s3 =	rddreg [dreg:$0x2];
	[bflag:$0x3] =	sbarrier.arrive $0xFFFF;
	s2 =	simm.s32 @!p0 $0x1C0B  }
0xe5: {  	[timem:s3], [sflag:s2] =	dma.local @!p0 [hbm:s0], s1  }
0xe6: {  	s0 =	simm.s32 @!p0 $0xB  }
0xe7: {  	_ =	swait.ge @!p0 [sflag:s0], s1  }
0xe8: {  	s1 =	ssub.s32 @!p0 $0x0, s1;
	[sflag:s0] =	ssyncset.done @!p0 $0x0  }
0xe9: {  	[sflag:s0] =	ssyncadd.s32 @!p0 s1  }
0xea: {  	[bflag:$0x3] =	sbarrier.arrive $0xFFFF  }
0xeb: {  	_ =	shalt  }

// kernel: kernel.8.cloned.1.call-start
scs
__scs_entry_jumppad:
0x0: {  	(pc) =	sbr.rel $0x88, $3  }
0x1: {  	(tag) =	ssettag $0x0;
	lr =	simm.s32 $0x1  }
0x2: {  	[smem:$0x3F93] =	sst lr;
	_ =	strace $0xD0000000  }
0x3: {  	_ = 	snop  }
0x4: {  	_ = 	snop  }
0x5: {  	_ = 	snop  }
0x6: {  	_ = 	snop  }
0x7: {  	_ = 	snop  }
__scs_overlays_trampoline_lowered:
0x8: {  	[smem:$0x3FA2] =	sst s0  }
0x9: {  	[smem:$0x3FA3] =	sst s1  }
0xa: {  	[smem:$0x3FA4] =	sst s2  }
0xb: {  	[smem:$0x3FA5] =	sst s3  }
0xc: {  	[smem:$0x3FA6] =	sst s4  }
0xd: {  	[smem:$0x3FA7] =	sst s5  }
0xe: {  	[smem:$0x3FA8] =	sst s6  }
0xf: {  	[smem:$0x3FA9] =	sst s7  }
0x10: {  	[smem:$0x3FAA] =	sst s8  }
0x11: {  	[smem:$0x3FAB] =	sst s9;
	s0 =	simm.s32 @!p0 $0x0  }
0x12: {  	s1 =	sld [smem:$0x3F91];
	s0 =	simm.s32 @p0 $0x1  }
0x13: {  	[smem:$0x3FAC] =	sst s0;
	s0 =	simm.s32 @!p1 $0x0  }
0x14: {  	s2 =	sld [smem:$0x3F90];
	s0 =	simm.s32 @p1 $0x1  }
0x15: {  	[smem:$0x3FAD] =	sst s0;
	s0 =	simm.s32 @!p2 $0x0  }
0x16: {  	s3 =	sld [smem:$0x3FDB];
	s0 =	simm.s32 @p2 $0x1  }
0x17: {  	s4 =	simm.s32 $0x1BF5;
	[smem:$0x3FAF] =	sst s0  }
0x18: {  	s0 =	sld [smem:$0x3F92];
	_ =	swait.ge [sflag:s4], $0x0  }
0x19: {  	s7 =	sld [smem:$0x3F93]  }
0x1a: {  	s8 =	sadd.s32 $0xFFFFE003, lr  }
0x1b: {  	s9 =	sadd.s32 $0xFFFFFEF7, lr;
	s5 =	simm.s32 $0xFFFFFFFF;
	p2 =	slt.u32 s8, $0xFFFFF086  }
0x1c: {  	p1 =	slt.u32 s9, $0xF7A;
	s5 =	simm.s32 @!p2 $0x0  }
0x1d: {  	s5 =	simm.s32 @p1 $0x1;
	p0 =	seq.s32 s7, s2  }
0x1e: {  	s7 =	smul.u32 @!p0 $0xF7A, s2;
	p2 =	seq.s32 @!p0 s5, $0x0  }
0x1f: {  	s9 =	smul.u32 $0xF7A, s1;
	s8 =	simm.s32 @!p0 $0x1BF5;
	p2 =	por !p2, p0  }
0x20: {  	[sflag:s8] =	ssyncset.s32 @!p0 $0xFFFFF086;
	s6 =	sadd.s32 @!p0 s3, s7;
	s7 =	simm.s32 @!p0 $0x108  }
0x21: {  	s3 =	sadd.s32 s3, s9;
	s6 =	sadd.s32 @!p0 $0x88, s6;
	s7 =	simm.s32 @p2 $0x1082  }
0x22: {  	[simem:s7], [sflag:s8] =	dma.local @!p0 [hbm:s6], $0xF7A  }
0x23: {  	s9 =	sor.u32 $0xD0000000, s2;
	s6 =	simm.s32 $0x108;
	_ =	swait.ge @!p0 [sflag:s8], $0x0  }
0x24: {  	s3 =	sadd.s32 $0x88, s3;
	s6 =	simm.s32 @!p1 $0x1082;
	[sflag:s4] =	ssyncset.s32 $0xFFFFF086  }
0x25: {  	[simem:s6], [sflag:s4] =	dma.local [hbm:s3], $0xF7A  }
0x26: {  	[smem:$0x3F93] =	sst s1;
	(tag) =	ssettag s2;
	_ =	strace s9  }
0x27: {  	s1 =	sld [smem:$0x3FA3]  }
0x28: {  	s2 =	sld [smem:$0x3FA4]  }
0x29: {  	s4 =	sld [smem:$0x3FA6]  }
0x2a: {  	p0 =	seq.s32 s5, $0x0;
	s5 =	sld [smem:$0x3FA7]  }
0x2b: {  	s6 =	sld [smem:$0x3FA8]  }
0x2c: {  	s7 =	sld [smem:$0x3FA9]  }
0x2d: {  	s3 =	simm.s32 $0x108;
	s8 =	sld [smem:$0x3FAA]  }
0x2e: {  	s3 =	simm.s32 @!p0 $0x1082;
	s9 =	sld [smem:$0x3FAB]  }
0x2f: {  	lr =	sadd.s32 s0, s3;
	s0 =	sld [smem:$0x3FA2]  }
0x30: {  	s3 =	sld [smem:$0x3FA5]  }
0x31: {  	[smem:$0x3FAE] =	sst s10  }
0x32: {  	s10 =	sld [smem:$0x3FAC];
	_ =	sdelay $0x3  }
0x33: {  	p0 =	seq.s32 s10, $0x1;
	s10 =	sld [smem:$0x3FAE];
	_ =	sdelay $0x3  }
0x34: {  	[smem:$0x3FAE] =	sst s10  }
0x35: {  	s10 =	sld [smem:$0x3FAD];
	_ =	sdelay $0x3  }
0x36: {  	p1 =	seq.s32 s10, $0x1;
	s10 =	sld [smem:$0x3FAE];
	_ =	sdelay $0x3  }
0x37: {  	[smem:$0x3FAE] =	sst s10  }
0x38: {  	s10 =	sld [smem:$0x3FAF]  }
0x39: {  	_ = 	snop;
	(pc) =	sbr.ind lr, $3  }
0x3a: {  	_ = 	snop  }
0x3b: {  	_ = 	snop  }
0x3c: {  	p2 =	seq.s32 s10, $0x1;
	s10 =	sld [smem:$0x3FAE]  }
0x3d: {  	_ =	shalt  }
0x3e: {  	_ =	shalt  }
0x3f: {  	_ =	shalt  }
0x40: {  	_ =	shalt  }
0x41: {  	_ =	shalt  }
0x42: {  	_ =	shalt  }
0x43: {  	_ =	shalt  }
0x44: {  	_ =	shalt  }
0x45: {  	_ =	shalt  }
0x46: {  	_ =	shalt  }
0x47: {  	_ =	shalt  }
0x48: {  	_ =	shalt  }
0x49: {  	_ =	shalt  }
0x4a: {  	_ =	shalt  }
0x4b: {  	_ =	shalt  }
0x4c: {  	_ =	shalt  }
0x4d: {  	_ =	shalt  }
0x4e: {  	_ =	shalt  }
0x4f: {  	_ =	shalt  }
0x50: {  	_ =	shalt  }
0x51: {  	_ =	shalt  }
0x52: {  	_ =	shalt  }
0x53: {  	_ =	shalt  }
0x54: {  	_ =	shalt  }
0x55: {  	_ =	shalt  }
0x56: {  	_ =	shalt  }
0x57: {  	_ =	shalt  }
0x58: {  	_ =	shalt  }
0x59: {  	_ =	shalt  }
0x5a: {  	_ =	shalt  }
0x5b: {  	_ =	shalt  }
0x5c: {  	_ =	shalt  }
0x5d: {  	_ =	shalt  }
0x5e: {  	_ =	shalt  }
0x5f: {  	_ =	shalt  }
0x60: {  	_ =	shalt  }
0x61: {  	_ =	shalt  }
0x62: {  	_ =	shalt  }
0x63: {  	_ =	shalt  }
0x64: {  	_ =	shalt  }
0x65: {  	_ =	shalt  }
0x66: {  	_ =	shalt  }
0x67: {  	_ =	shalt  }
0x68: {  	_ =	shalt  }
0x69: {  	_ =	shalt  }
0x6a: {  	_ =	shalt  }
0x6b: {  	_ =	shalt  }
0x6c: {  	_ =	shalt  }
0x6d: {  	_ =	shalt  }
0x6e: {  	_ =	shalt  }
0x6f: {  	_ =	shalt  }
0x70: {  	_ =	shalt  }
0x71: {  	_ =	shalt  }
0x72: {  	_ =	shalt  }
0x73: {  	_ =	shalt  }
0x74: {  	_ =	shalt  }
0x75: {  	_ =	shalt  }
0x76: {  	_ =	shalt  }
0x77: {  	_ =	shalt  }
0x78: {  	_ =	shalt  }
0x79: {  	_ =	shalt  }
0x7a: {  	_ =	shalt  }
0x7b: {  	_ =	shalt  }
0x7c: {  	_ =	shalt  }
0x7d: {  	_ =	shalt  }
0x7e: {  	_ =	shalt  }
0x7f: {  	_ =	shalt  }
0x80: {  	_ =	shalt  }
0x81: {  	_ =	shalt  }
0x82: {  	_ =	shalt  }
0x83: {  	_ =	shalt  }
0x84: {  	_ =	shalt  }
0x85: {  	_ =	shalt  }
0x86: {  	_ =	shalt  }
0x87: {  	_ =	shalt  }
.Lfunc_end0:
.L_simem_size_0:
called_computation_lowered:
.L_overlay_start_0:
0x88: {  	s2 =	sld [smem:$0x3FD9]  }
0x89: {  	s3 =	sld [smem:$0x3FFE];
	_ =	sdelay $0x1  }
0x8a: {  	s1 =	srdreg.scid  }
0x8b: {  	s0 =	sand.u32 $0x1, s1  }
0x8c: {  	s16 =	sshll.u32 s0, $0xA;
	s2 =	sadd.s32 s3, s2  }
0x8d: {  	s2 =	sadd.s32 s2, s16  }
0x8e: {  	[smem:$0x3FBA] =	sst s2  }
0x8f: {  	_ = 	snop  }
0x90: {  	(tm) =	ssettm $0x1  }
0x91: {  	s17 =	sld [smem:$0x3FFB];
	_ =	sdelay $0x3  }
0x92: {  	_ =	strace s17  }
0x93: {  	s2 =	sld [smem:$0x3FFC];
	_ =	sdelay $0x3  }
0x94: {  	_ =	strace s2  }
0x95: {  	s2 =	sld [smem:$0x3FFD];
	_ =	sdelay $0x3  }
0x96: {  	_ =	strace s2  }
0x97: {  	_ =	strace $0x8FFFFFFF  }
0x98: {  	s18 =	sld [smem:$0x3FDB];
	_ =	sdelay $0x1  }
0x99: {  	s19 =	simm.s32 $_scs_section_size  }
0x9a: {  	s4 =	simm.s32 $_size__tile_overlayer_lowered;
	s5 =	simm.s32 $_tile_overlayer_lowered  }
0x9b: {  	s22 =	simm.s32 $0x1BFF;
	s21 =	sshll.u32 s5, $0x1;
	s2 =	sadd.s32 s19, s18  }
0x9c: {  	s6 =	simm.s32 $0x0;
	s20 =	sshll.u32 s4, $0x1;
	s4 =	sadd.s32 s21, s2  }
0x9d: {  	[timem:s6], [sflag:s22] =	dma.local [hbm:s4], s20  }
0x9e: {  	_ =	swait.ge [sflag:s22], s20  }
0x9f: {  	s3 =	ssub.s32 $0x0, s20;
	[sflag:s22] =	ssyncset.done $0x0  }
0xa0: {  	[sflag:s22] =	ssyncadd.s32 s3;
	_ =	sdelay $0x1  }
0xa1: {  	s23 =	simm.s32 $0x1B8B  }
0xa2: {  	_ =	swait.ge [sflag:s23], $0x1  }
0xa3: {  	[sflag:s23] =	ssyncset.done $0x0  }
0xa4: {  	s25 =	simm.s32 $0x1B8E;
	s24 =	sld [smem:$0x3FFE];
	[sflag:s23] =	ssyncadd.s32 $0xFFFFFFFF  }
0xa5: {  	s26 =	simm.s32 $execute0_lowered;
	[smem:$0x3FD2] =	sst s25  }
0xa6: {  	s4 =	sshll.u32 s26, $0x1;
	_ =	strace $0x80000046;
	[dreg:$0x1] =	wrdreg $0xFFFFFFFF  }
0xa7: {  	s28 =	simm.s32 $_size_execute0_lowered;
	s2 =	sadd.s32 s2, s4;
	[dreg:$0x0] =	wrdreg $0x0  }
0xa8: {  	s4 =	sshll.u32 s28, $0x1;
	[dreg:$0x2] =	wrdreg s2  }
0xa9: {  	[dreg:$0x3] =	wrdreg s4  }
0xaa: {  	[dreg:$0x4] =	wrdreg $0xC0  }
0xab: {  	_ =	task [dreg:s6], $0x5FFFF  }
0xac: {  	[dreg:$0x1] =	wrdreg $0xFFFFFFFF  }
0xad: {  	[dreg:$0x0] =	wrdreg $0x60  }
0xae: {  	[dreg:$0x2] =	wrdreg s24  }
0xaf: {  	[dreg:$0x3] =	wrdreg $0x4E200  }
0xb0: {  	[dreg:$0x4] =	wrdreg $0x9  }
0xb1: {  	_ =	task.clear_ibuf [dreg:s6], $0x5FFFF;
	_ =	strace $0x90000046  }
0xb2: {  	s29 =	simm.s32 $0x9;
	_ =	strace $0x80000048  }
0xb3: {  	_ =	swait.ge [sflag:s29], $0x1  }
0xb4: {  	[sflag:s29] =	ssyncadd.s32 $0xFFFFFFFF  }
0xb5: {  	_ =	strace $0x90000048  }
0xb6: {  	_ =	sfence  }
0xb7: {  	s30 =	sld [smem:$0x0];
	_ =	sdelay $0x2  }
0xb8: {  	s31 =	sshll.u32 s1, $0xD;
	s1 =	sshrl.u32 s1, $0x2  }
0xb9: {  	s3 =	sand.u32 $0x4000, s31;
	s1 =	sadd.s32 s1, s30  }
0xba: {  	s0 =	sor.u32 s3, s0;
	s1 =	sshll.u32 s1, $0x11  }
0xbb: {  	s0 =	sor.u32 s1, s0  }
0xbc: {  	s0 =	sadd.s32 $0x8F2B, s0  }
0xbd: {  	[sflag:s0] =	ssyncadd.remote.s32 $0x1  }
0xbe: {  	_ =	sfence.sel $0xFFFF  }
0xbf: {  	[dreg:$0x0] =	wrdreg $0xFFFFFFFF;
	(pc) =	sbr.abs _section_cstart, $3  }
0xc0: {  	[dreg:$0x1] =	wrdreg $0xFFFFFFFF  }
0xc1: {  	_ =	task.clear_ibuf [dreg:s6], $0x2FFFF;
	_ =	strace $0x9FFFFFFF  }
0xc2: {  	(tm) =	ssettm $0x7FFFFFFF  }
0xc3: {  	_ =	shalt  }
tec
execute0_lowered:
.L_overlay_start_1:
0x0: {  	(tag) =	ssettag $0x1  }
0x1: {  	s0 =	srdreg.scid;
	s5 =	rddreg [dreg:$0x0]  }
0x2: {  	s12 =	stileid.u32;
	s2 =	rddreg [dreg:$0x1];
	s3 =	simm.s32 $0x0  }
0x3: {  	s13 =	simm.s32 $0x2710;
	s14 =	simm.s32 $0x50;
	s15 =	simm.s32 $0x9E20  }
0x4: {  	s16 =	simm.s32 $0xA820;
	s17 =	simm.s32 $0x1;
	s19 =	simm.s32 $0xB220  }
0x5: {  	s20 =	simm.s32 $0x2;
	s22 =	simm.s32 $0xBC20;
	s29 =	simm.s32 $0x4  }
0x6: {  	s30 =	simm.s32 $0x6;
	s18 =	simm.s32 $0x7;
	s28 =	simm.s32 $0x9  }
0x7: {  	s31 =	simm.s32 $0xA;
	s23 =	simm.s32 $0x0;
	s0 =	sand.u32 $0x1, s0  }
0x8: {  	s6 =	smul.u32 $0xA000, s12;
	[smem:$0x7FF] =	sst s3;
	s4 =	sadd.s32 $0x3600, s5  }
0x9: {  	s26 =	sshll.u32 s12, $0x6;
	s1 =	sshll.u32 s0, $0x4;
	s7 =	smul.u32 $0xA0000, s0  }
0xa: {  	_ =	strace $0x80000047;
	s0 =	ssub.s32 $0x2, s0;
	s1 =	sor.u32 s12, s1  }
0xb: {  	s8 =	sshrl.u32 s6, $0x4;
	s9 =	sshrl.u32 s0, $0x1;
	s24 =	sshrl.u32 s6, $0x1  }
0xc: {  	s12 =	simm.s32 $0xB;
	s1 =	smul.u32 $0x4E2, s1;
	s7 =	sadd.s32 s6, s7  }
0xd: {  	s8 =	sadd.s32 s8, s5;
	s0 =	ssub.s32 s0, s9;
	s11 =	sadd.s32 s24, s2  }
0xe: {  	s6 =	sor.u32 $0x1C0B, s26;
	s24 =	simm.s32 $0x3;
	s26 =	simm.s32 $0xC620  }
0xf: {  	s7 =	sshrl.u32 s7, $0x4;
	s25 =	sadd.s32 $0x21000, s8;
	s11 =	sshrl.u32 s11, $0x3  }
0x10: {  	s1 =	sadd.s32 s1, s5;
	s10 =	sadd.s32 s7, s5;
	[dreg:$0x3] =	wrdreg s25  }
0x11: {  	s25 =	simm.s32 $0x8;
	s7 =	sadd.s32 $0x17200, s1;
	s8 =	sadd.s32 $0xD400, s1  }
0x12: {  	s9 =	sadd.s32 $0x2B000, s10;
	s10 =	smax.u32 s0, $0x1;
	s0 =	simm.s32 $0x5  }
.LBB2_1:
0x13: {  	s1 =	rddreg [dreg:$0x3]  }
0x14: {  	[spmem:s11], [sflag:s6] =	dma.local [hbm:s1], $0xA00  }
0x15: {  	_ =	swait.ge [sflag:s12], $0xA00  }
0x16: {  	[sflag:s12] =	ssyncset.done $0x0  }
0x17: {  	[sflag:s12] =	ssyncadd.s32 $0xFFFFF600  }
0x18: {  	[tilespmem:s3], [sflag:$0xB] =	stream.linear.gather [hbm4b:s7+s3], $0x2710, $0x38;
	[tilespmem:$0xD020] =	vst v63  }
0x19: {  	_ =	swait.ge [sflag:s12], $0x2710  }
0x1a: {  	[sflag:s12] =	ssyncset.done $0x0  }
0x1b: {  	[sflag:s12] =	ssyncadd.s32 $0xFFFFD8F0  }
0x1c: {  	[tilespmem:s13], [sflag:$0xB] =	stream.linear.gather [hbm4b:s8+s3], $0x2710, $0x38;
	[tilespmem:$0xD020] =	vst v63  }
0x1d: {  	_ =	swait.ge [sflag:s12], $0x2710  }
0x1e: {  	[sflag:s12] =	ssyncset.done $0x0  }
0x1f: {  	[sflag:s12] =	ssyncadd.s32 $0xFFFFD8F0  }
0x20: {  	[bflag:$0x0] =	sbarrier.arrive $0xFFFF  }
0x21: {  	[tilespmem:s15], [sflag:$0x1] =	stream.indirect.gather [hbm4b:s4+s14], $0x20, s3, s14, $0xb8;
	[tilespmem:$0xD020] =	vst v63  }
0x22: {  	_ = 	snop  }
0x23: {  	[tilespmem:s16], [sflag:$0x2] =	stream.indirect.gather [hbm4b:s4+s14], $0x20, s14, s14, $0xb8;
	[tilespmem:$0xD020] =	vst v63  }
0x24: {  	_ =	swait.ge [sflag:s17], $0xA00  }
0x25: {  	[sflag:s17] =	ssyncset.done $0x0  }
0x26: {  	s5 =	simm.s32 $0xA0;
	[sflag:s17] =	ssyncadd.s32 $0xFFFFF600  }
0x27: {  	[tilespmem:s19], [sflag:$0x3] =	stream.indirect.gather [hbm4b:s4+s14], $0x20, s5, s14, $0xb8;
	[tilespmem:$0xD020] =	vst v63  }
0x28: {  	_ = 	snop  }
0x29: {  	[spmem:s2] =	stream.indirect.scatter.add.bf16 [tilespmem:s15], [sflag:$0x6], $0x20, s13, s14, $0xb8;
	[tilespmem:$0xD020] =	vst v63  }
0x2a: {  	_ =	swait.ge [sflag:s20], $0xA00  }
0x2b: {  	[sflag:s20] =	ssyncset.done $0x0  }
0x2c: {  	s21 =	simm.s32 $0xF0;
	[sflag:s20] =	ssyncadd.s32 $0xFFFFF600  }
0x2d: {  	[tilespmem:s22], [sflag:$0x4] =	stream.indirect.gather [hbm4b:s4+s14], $0x20, s21, s14, $0xb8;
	[tilespmem:$0xD020] =	vst v63  }
0x2e: {  	s5 =	simm.s32 $0x2760  }
0x2f: {  	[spmem:s2] =	stream.indirect.scatter.add.bf16 [tilespmem:s16], [sflag:$0x7], $0x20, s5, s14, $0xb8;
	[tilespmem:$0xD020] =	vst v63  }
0x30: {  	_ =	swait.ge [sflag:s24], $0xA00  }
0x31: {  	[sflag:s24] =	ssyncset.done $0x0  }
0x32: {  	s21 =	simm.s32 $0x140;
	[sflag:s24] =	ssyncadd.s32 $0xFFFFF600  }
0x33: {  	[tilespmem:s26], [sflag:$0x5] =	stream.indirect.gather [hbm4b:s4+s14], $0x20, s21, s14, $0xb8;
	[tilespmem:$0xD020] =	vst v63  }
0x34: {  	s5 =	simm.s32 $0x27B0  }
0x35: {  	[spmem:s2] =	stream.indirect.scatter.add.bf16 [tilespmem:s19], [sflag:$0x8], $0x20, s5, s14, $0xb8;
	[tilespmem:$0xD020] =	vst v63  }
0x36: {  	_ =	swait.ge [sflag:s29], $0xA00  }
0x37: {  	[sflag:s29] =	ssyncset.done $0x0  }
0x38: {  	[sflag:s29] =	ssyncadd.s32 $0xFFFFF600  }
0x39: {  	_ =	swait.ge [sflag:s30], $0xA00  }
0x3a: {  	[sflag:s30] =	ssyncset.done $0x0  }
0x3b: {  	s21 =	simm.s32 $0x190;
	[sflag:s30] =	ssyncadd.s32 $0xFFFFF600  }
0x3c: {  	[tilespmem:s15], [sflag:$0x1] =	stream.indirect.gather [hbm4b:s4+s14], $0x20, s21, s14, $0xb8;
	[tilespmem:$0xD020] =	vst v63  }
0x3d: {  	s5 =	simm.s32 $0x2800  }
0x3e: {  	[spmem:s2] =	stream.indirect.scatter.add.bf16 [tilespmem:s22], [sflag:$0x9], $0x20, s5, s14, $0xb8;
	[tilespmem:$0xD020] =	vst v63  }
0x3f: {  	_ =	swait.ge [sflag:s0], $0xA00  }
0x40: {  	[sflag:s0] =	ssyncset.done $0x0  }
0x41: {  	[sflag:s0] =	ssyncadd.s32 $0xFFFFF600  }
0x42: {  	_ =	swait.ge [sflag:s18], $0xA00  }
0x43: {  	[sflag:s18] =	ssyncset.done $0x0  }
0x44: {  	s21 =	simm.s32 $0x1E0;
	[sflag:s18] =	ssyncadd.s32 $0xFFFFF600  }
0x45: {  	[tilespmem:s16], [sflag:$0x2] =	stream.indirect.gather [hbm4b:s4+s14], $0x20, s21, s14, $0xb8;
	[tilespmem:$0xD020] =	vst v63  }
0x46: {  	s5 =	simm.s32 $0x2850  }
0x47: {  	[spmem:s2] =	stream.indirect.scatter.add.bf16 [tilespmem:s26], [sflag:$0xA], $0x20, s5, s14, $0xb8;
	[tilespmem:$0xD020] =	vst v63  }
0x48: {  	_ =	swait.ge [sflag:s17], $0xA00  }
0x49: {  	[sflag:s17] =	ssyncset.done $0x0  }
0x4a: {  	[sflag:s17] =	ssyncadd.s32 $0xFFFFF600  }
0x4b: {  	_ =	swait.ge [sflag:s25], $0xA00  }
0x4c: {  	[sflag:s25] =	ssyncset.done $0x0  }
0x4d: {  	s21 =	simm.s32 $0x230;
	[sflag:s25] =	ssyncadd.s32 $0xFFFFF600  }
0x4e: {  	[tilespmem:s19], [sflag:$0x3] =	stream.indirect.gather [hbm4b:s4+s14], $0x20, s21, s14, $0xb8;
	[tilespmem:$0xD020] =	vst v63  }
0x4f: {  	s5 =	simm.s32 $0x28A0  }
0x50: {  	[spmem:s2] =	stream.indirect.scatter.add.bf16 [tilespmem:s15], [sflag:$0x6], $0x20, s5, s14, $0xb8;
	[tilespmem:$0xD020] =	vst v63  }
0x51: {  	_ =	swait.ge [sflag:s20], $0xA00  }
0x52: {  	[sflag:s20] =	ssyncset.done $0x0  }
0x53: {  	[sflag:s20] =	ssyncadd.s32 $0xFFFFF600  }
0x54: {  	_ =	swait.ge [sflag:s28], $0xA00  }
0x55: {  	[sflag:s28] =	ssyncset.done $0x0  }
0x56: {  	s21 =	simm.s32 $0x280;
	[sflag:s28] =	ssyncadd.s32 $0xFFFFF600  }
0x57: {  	[tilespmem:s22], [sflag:$0x4] =	stream.indirect.gather [hbm4b:s4+s14], $0x20, s21, s14, $0xb8;
	[tilespmem:$0xD020] =	vst v63  }
0x58: {  	s5 =	simm.s32 $0x28F0  }
0x59: {  	[spmem:s2] =	stream.indirect.scatter.add.bf16 [tilespmem:s16], [sflag:$0x7], $0x20, s5, s14, $0xb8;
	[tilespmem:$0xD020] =	vst v63  }
0x5a: {  	_ =	swait.ge [sflag:s24], $0xA00  }
0x5b: {  	[sflag:s24] =	ssyncset.done $0x0  }
0x5c: {  	[sflag:s24] =	ssyncadd.s32 $0xFFFFF600  }
0x5d: {  	_ =	swait.ge [sflag:s31], $0xA00  }
0x5e: {  	[sflag:s31] =	ssyncset.done $0x0  }
0x5f: {  	s21 =	simm.s32 $0x2D0;
	[sflag:s31] =	ssyncadd.s32 $0xFFFFF600  }
0x60: {  	[tilespmem:s26], [sflag:$0x5] =	stream.indirect.gather [hbm4b:s4+s14], $0x20, s21, s14, $0xb8;
	[tilespmem:$0xD020] =	vst v63  }
0x61: {  	s5 =	simm.s32 $0x2940  }
0x62: {  	[spmem:s2] =	stream.indirect.scatter.add.bf16 [tilespmem:s19], [sflag:$0x8], $0x20, s5, s14, $0xb8;
	[tilespmem:$0xD020] =	vst v63  }
0x63: {  	_ =	swait.ge [sflag:s29], $0xA00  }
0x64: {  	[sflag:s29] =	ssyncset.done $0x0  }
0x65: {  	[sflag:s29] =	ssyncadd.s32 $0xFFFFF600  }
0x66: {  	_ =	swait.ge [sflag:s30], $0xA00  }
0x67: {  	[sflag:s30] =	ssyncset.done $0x0  }
0x68: {  	s21 =	simm.s32 $0x320;
	[sflag:s30] =	ssyncadd.s32 $0xFFFFF600  }
0x69: {  	[tilespmem:s15], [sflag:$0x1] =	stream.indirect.gather [hbm4b:s4+s14], $0x20, s21, s14, $0xb8;
	[tilespmem:$0xD020] =	vst v63  }
0x6a: {  	s5 =	simm.s32 $0x2990  }
0x6b: {  	[spmem:s2] =	stream.indirect.scatter.add.bf16 [tilespmem:s22], [sflag:$0x9], $0x20, s5, s14, $0xb8;
	[tilespmem:$0xD020] =	vst v63  }
0x6c: {  	_ =	swait.ge [sflag:s0], $0xA00  }
0x6d: {  	[sflag:s0] =	ssyncset.done $0x0  }
0x6e: {  	[sflag:s0] =	ssyncadd.s32 $0xFFFFF600  }
0x6f: {  	_ =	swait.ge [sflag:s18], $0xA00  }
0x70: {  	[sflag:s18] =	ssyncset.done $0x0  }
0x71: {  	s21 =	simm.s32 $0x370;
	[sflag:s18] =	ssyncadd.s32 $0xFFFFF600  }
0x72: {  	[tilespmem:s16], [sflag:$0x2] =	stream.indirect.gather [hbm4b:s4+s14], $0x20, s21, s14, $0xb8;
	[tilespmem:$0xD020] =	vst v63  }
0x73: {  	s1 =	simm.s32 $0x640;
	s21 =	simm.s32 $0x29E0  }
.LBB2_2:
0x74: {  	[spmem:s2] =	stream.indirect.scatter.add.bf16 [tilespmem:s26], [sflag:$0xA], $0x20, s21, s14, $0xb8;
	[tilespmem:$0xD020] =	vst v63  }
0x75: {  	s21 =	smov.u32 s1  }
0x76: {  	p0 =	sne.s32 s1, $0x8980;
	s1 =	sadd.s32 $0x640, s1;
	_ =	swait.ge [sflag:s17], $0xA00  }
0x77: {  	[sflag:s17] =	ssyncset.done $0x0  }
0x78: {  	[sflag:s17] =	ssyncadd.s32 $0xFFFFF600  }
0x79: {  	_ =	swait.ge [sflag:s25], $0xA00  }
0x7a: {  	s21 =	sshra.s32 s21, $0x2;
	[sflag:s25] =	ssyncset.done $0x0  }
0x7b: {  	s5 =	sadd.s32 $0x230, s21;
	[sflag:s25] =	ssyncadd.s32 $0xFFFFF600  }
0x7c: {  	[tilespmem:s19], [sflag:$0x3] =	stream.indirect.gather [hbm4b:s4+s14], $0x20, s5, s14, $0xb8;
	[tilespmem:$0xD020] =	vst v63  }
0x7d: {  	s5 =	sadd.s32 $0x28A0, s21  }
0x7e: {  	[spmem:s2] =	stream.indirect.scatter.add.bf16 [tilespmem:s15], [sflag:$0x6], $0x20, s5, s14, $0xb8;
	[tilespmem:$0xD020] =	vst v63  }
0x7f: {  	_ =	swait.ge [sflag:s20], $0xA00  }
0x80: {  	[sflag:s20] =	ssyncset.done $0x0  }
0x81: {  	[sflag:s20] =	ssyncadd.s32 $0xFFFFF600  }
0x82: {  	_ =	swait.ge [sflag:s28], $0xA00  }
0x83: {  	[sflag:s28] =	ssyncset.done $0x0  }
0x84: {  	s5 =	sadd.s32 $0x280, s21;
	[sflag:s28] =	ssyncadd.s32 $0xFFFFF600  }
0x85: {  	[tilespmem:s22], [sflag:$0x4] =	stream.indirect.gather [hbm4b:s4+s14], $0x20, s5, s14, $0xb8;
	[tilespmem:$0xD020] =	vst v63  }
0x86: {  	s5 =	sadd.s32 $0x28F0, s21  }
0x87: {  	[spmem:s2] =	stream.indirect.scatter.add.bf16 [tilespmem:s16], [sflag:$0x7], $0x20, s5, s14, $0xb8;
	[tilespmem:$0xD020] =	vst v63  }
0x88: {  	_ =	swait.ge [sflag:s24], $0xA00  }
0x89: {  	[sflag:s24] =	ssyncset.done $0x0  }
0x8a: {  	[sflag:s24] =	ssyncadd.s32 $0xFFFFF600  }
0x8b: {  	_ =	swait.ge [sflag:s31], $0xA00  }
0x8c: {  	[sflag:s31] =	ssyncset.done $0x0  }
0x8d: {  	s5 =	sadd.s32 $0x2D0, s21;
	[sflag:s31] =	ssyncadd.s32 $0xFFFFF600  }
0x8e: {  	[tilespmem:s26], [sflag:$0x5] =	stream.indirect.gather [hbm4b:s4+s14], $0x20, s5, s14, $0xb8;
	[tilespmem:$0xD020] =	vst v63  }
0x8f: {  	s5 =	sadd.s32 $0x2940, s21  }
0x90: {  	[spmem:s2] =	stream.indirect.scatter.add.bf16 [tilespmem:s19], [sflag:$0x8], $0x20, s5, s14, $0xb8;
	[tilespmem:$0xD020] =	vst v63  }
0x91: {  	_ =	swait.ge [sflag:s29], $0xA00  }
0x92: {  	[sflag:s29] =	ssyncset.done $0x0  }
0x93: {  	[sflag:s29] =	ssyncadd.s32 $0xFFFFF600  }
0x94: {  	_ =	swait.ge [sflag:s30], $0xA00  }
0x95: {  	[sflag:s30] =	ssyncset.done $0x0  }
0x96: {  	s5 =	sadd.s32 $0x320, s21;
	[sflag:s30] =	ssyncadd.s32 $0xFFFFF600  }
0x97: {  	[tilespmem:s15], [sflag:$0x1] =	stream.indirect.gather [hbm4b:s4+s14], $0x20, s5, s14, $0xb8;
	[tilespmem:$0xD020] =	vst v63  }
0x98: {  	s5 =	sadd.s32 $0x2990, s21  }
0x99: {  	[spmem:s2] =	stream.indirect.scatter.add.bf16 [tilespmem:s22], [sflag:$0x9], $0x20, s5, s14, $0xb8;
	[tilespmem:$0xD020] =	vst v63  }
0x9a: {  	_ =	swait.ge [sflag:s0], $0xA00  }
0x9b: {  	[sflag:s0] =	ssyncset.done $0x0  }
0x9c: {  	[sflag:s0] =	ssyncadd.s32 $0xFFFFF600  }
.Ltmp0:
0x9d: {  	_ =	swait.ge [sflag:s18], $0xA00;
	(pc) =	sbr.rel @p0 .LBB2_2-.Ltmp0, $4  }
0x9e: {  	[sflag:s18] =	ssyncset.done $0x0  }
0x9f: {  	s5 =	sadd.s32 $0x370, s21;
	[sflag:s18] =	ssyncadd.s32 $0xFFFFF600  }
0xa0: {  	[tilespmem:s16], [sflag:$0x2] =	stream.indirect.gather [hbm4b:s4+s14], $0x20, s5, s14, $0xb8;
	[tilespmem:$0xD020] =	vst v63  }
0xa1: {  	s21 =	sadd.s32 $0x29E0, s21  }
0xa2: {  	[spmem:s2] =	stream.indirect.scatter.add.bf16 [tilespmem:s26], [sflag:$0xA], $0x20, s21, s14, $0xb8;
	[tilespmem:$0xD020] =	vst v63  }
0xa3: {  	_ =	swait.ge [sflag:s17], $0xA00  }
0xa4: {  	[sflag:s17] =	ssyncset.done $0x0  }
0xa5: {  	[sflag:s17] =	ssyncadd.s32 $0xFFFFF600  }
0xa6: {  	_ =	swait.ge [sflag:s25], $0xA00  }
0xa7: {  	[sflag:s25] =	ssyncset.done $0x0  }
0xa8: {  	s1 =	simm.s32 $0x2620;
	[sflag:s25] =	ssyncadd.s32 $0xFFFFF600  }
0xa9: {  	[tilespmem:s19], [sflag:$0x3] =	stream.indirect.gather [hbm4b:s4+s14], $0x20, s1, s14, $0xb8;
	[tilespmem:$0xD020] =	vst v63  }
0xaa: {  	s21 =	simm.s32 $0x4C90  }
0xab: {  	[spmem:s2] =	stream.indirect.scatter.add.bf16 [tilespmem:s15], [sflag:$0x6], $0x20, s21, s14, $0xb8;
	[tilespmem:$0xD020] =	vst v63  }
0xac: {  	_ =	swait.ge [sflag:s20], $0xA00  }
0xad: {  	[sflag:s20] =	ssyncset.done $0x0  }
0xae: {  	[sflag:s20] =	ssyncadd.s32 $0xFFFFF600  }
0xaf: {  	_ =	swait.ge [sflag:s28], $0xA00  }
0xb0: {  	[sflag:s28] =	ssyncset.done $0x0  }
0xb1: {  	s5 =	simm.s32 $0x2670;
	[sflag:s28] =	ssyncadd.s32 $0xFFFFF600  }
0xb2: {  	[tilespmem:s22], [sflag:$0x4] =	stream.indirect.gather [hbm4b:s4+s14], $0x20, s5, s14, $0xb8;
	[tilespmem:$0xD020] =	vst v63  }
0xb3: {  	s21 =	simm.s32 $0x4CE0  }
0xb4: {  	[spmem:s2] =	stream.indirect.scatter.add.bf16 [tilespmem:s16], [sflag:$0x7], $0x20, s21, s14, $0xb8;
	[tilespmem:$0xD020] =	vst v63  }
0xb5: {  	_ =	swait.ge [sflag:s24], $0xA00  }
0xb6: {  	[sflag:s24] =	ssyncset.done $0x0  }
0xb7: {  	[sflag:s24] =	ssyncadd.s32 $0xFFFFF600  }
0xb8: {  	_ =	swait.ge [sflag:s31], $0xA00  }
0xb9: {  	[sflag:s31] =	ssyncset.done $0x0  }
0xba: {  	s5 =	simm.s32 $0x26C0;
	[sflag:s31] =	ssyncadd.s32 $0xFFFFF600  }
0xbb: {  	[tilespmem:s26], [sflag:$0x5] =	stream.indirect.gather [hbm4b:s4+s14], $0x20, s5, s14, $0xb8;
	[tilespmem:$0xD020] =	vst v63  }
0xbc: {  	s21 =	simm.s32 $0x4D30  }
0xbd: {  	[spmem:s2] =	stream.indirect.scatter.add.bf16 [tilespmem:s19], [sflag:$0x8], $0x20, s21, s14, $0xb8;
	[tilespmem:$0xD020] =	vst v63  }
0xbe: {  	_ =	swait.ge [sflag:s29], $0xA00  }
0xbf: {  	[sflag:s29] =	ssyncset.done $0x0  }
0xc0: {  	[sflag:s29] =	ssyncadd.s32 $0xFFFFF600  }
0xc1: {  	_ =	swait.ge [sflag:s30], $0xA00  }
0xc2: {  	[sflag:s30] =	ssyncset.done $0x0  }
0xc3: {  	s5 =	simm.s32 $0x4D80;
	[sflag:s30] =	ssyncadd.s32 $0xFFFFF600  }
0xc4: {  	[spmem:s2] =	stream.indirect.scatter.add.bf16 [tilespmem:s22], [sflag:$0x9], $0x20, s5, s14, $0xb8;
	[tilespmem:$0xD020] =	vst v63  }
0xc5: {  	_ =	swait.ge [sflag:s0], $0xA00  }
0xc6: {  	[sflag:s0] =	ssyncset.done $0x0  }
0xc7: {  	[sflag:s0] =	ssyncadd.s32 $0xFFFFF600  }
0xc8: {  	_ =	swait.ge [sflag:s18], $0xA00  }
0xc9: {  	[sflag:s18] =	ssyncset.done $0x0  }
0xca: {  	s21 =	simm.s32 $0x4DD0;
	[sflag:s18] =	ssyncadd.s32 $0xFFFFF600  }
0xcb: {  	[spmem:s2] =	stream.indirect.scatter.add.bf16 [tilespmem:s26], [sflag:$0xA], $0x20, s21, s14, $0xb8;
	[tilespmem:$0xD020] =	vst v63  }
0xcc: {  	_ =	swait.ge [sflag:s25], $0xA00  }
0xcd: {  	[sflag:s25] =	ssyncset.done $0x0  }
0xce: {  	[sflag:s25] =	ssyncadd.s32 $0xFFFFF600  }
0xcf: {  	_ =	swait.ge [sflag:s28], $0xA00  }
0xd0: {  	[sflag:s28] =	ssyncset.done $0x0  }
0xd1: {  	[sflag:s28] =	ssyncadd.s32 $0xFFFFF600  }
0xd2: {  	_ =	swait.ge [sflag:s31], $0xA00  }
0xd3: {  	s23 =	sadd.s32 $0x1, s23;
	[sflag:s31] =	ssyncset.done $0x0  }
0xd4: {  	p0 =	sne.s32 s23, s10;
	[sflag:s31] =	ssyncadd.s32 $0xFFFFF600  }
.Ltmp1:
0xd5: {  	[bflag:$0x0] =	sbarrier.arrive $0xFFFF;
	(pc) =	sbr.rel @p0 .LBB2_1-.Ltmp1, $4  }
0xd6: {  	[hbm:s9], [sflag:s6] =	dma.local [spmem:s11], $0xA00  }
0xd7: {  	_ =	swait.ge [sflag:s12], $0xA00  }
0xd8: {  	[sflag:s12] =	ssyncset.done $0x0  }
0xd9: {  	[sflag:s12] =	ssyncadd.s32 $0xFFFFF600  }
0xda: {  	_ =	sfence.sel $0x180000  }
0xdb: {  	[bflag:$0x0] =	sbarrier.arrive $0xFFFF  }
0xdc: {  	_ =	strace $0x90000047  }
0xdd: {  	s0 =	stileid.u32;
	[bflag:$0x2] =	sbarrier.arrive $0xFFFF  }
0xde: {  	p0 =	sne.s32 s0, $0x0;
	s0 =	rddreg [dreg:$0x2]  }
0xdf: {  	s0 =	sadd.s32 @!p0 $0x100000, s0  }
0xe0: {  	[sflag:s0] =	ssyncadd.tile.s32 @!p0 $0x1;
	_ =	shalt  }
.Lfunc_end2:
_tile_overlayer_lowered:
.L_overlay_start_2:
0xe1: {  	(tag) =	ssettag $0x2  }
0xe2: {  	s0 =	rddreg [dreg:$0x0];
	s2 =	stileid.u32  }
0xe3: {  	s1 =	rddreg [dreg:$0x1];
	p0 =	sne.s32 s2, $0x0  }
0xe4: {  	s3 =	rddreg [dreg:$0x2];
	[bflag:$0x3] =	sbarrier.arrive $0xFFFF;
	s2 =	simm.s32 @!p0 $0x1C0B  }
0xe5: {  	[timem:s3], [sflag:s2] =	dma.local @!p0 [hbm:s0], s1  }
0xe6: {  	s0 =	simm.s32 @!p0 $0xB  }
0xe7: {  	_ =	swait.ge @!p0 [sflag:s0], s1  }
0xe8: {  	s1 =	ssub.s32 @!p0 $0x0, s1;
	[sflag:s0] =	ssyncset.done @!p0 $0x0  }
0xe9: {  	[sflag:s0] =	ssyncadd.s32 @!p0 s1  }
0xea: {  	[bflag:$0x3] =	sbarrier.arrive $0xFFFF  }
0xeb: {  	_ =	shalt  }

</sc_bundles>
